<compile_context>
chip_gen: v7x
topology: tpu7x:2x2x1
jax: 0.10.2.dev20260603
libtpu: 0.0.44.dev20260713+nightly
codegen_flags: <defaults>
</compile_context>

<pallas_src>
import functools

import jax
import jax.numpy as jnp
from jax import lax
from jax.experimental import pallas as pl
from jax.experimental.pallas import tpu as pltpu
from jax.experimental.pallas import tpu_sc as plsc

N = 10000
D = 128
H = 128
C = 40
E = 320000
EPS = 1e-5

NC = 2
NS = 16
NW = NC * NS
EPW = E // NW
K = 80
CHUNKS = 250
EPT = CHUNKS * K
EPAD = NS * EPT
DK = 80
DCHUNKS = EPW // DK
SROWS = 632
NP = SROWS * NS
DEGW = 16
HALF = N // 2
NLOC = 5120
LROWS = NLOC // NS
TRASH = 5112


def _make_agg(width, interpret=False):
  mesh = plsc.VectorSubcoreMesh(core_axis_name="c", subcore_axis_name="s")

  @functools.partial(
      pl.kernel,
      out_type=jax.ShapeDtypeStruct((NC, NLOC, width), jnp.float32),
      mesh=mesh,
      interpret=interpret,
      scratch_types=[
          pltpu.VMEM((CHUNKS, K), jnp.int32),
          pltpu.VMEM((CHUNKS, K), jnp.int32),
          pltpu.VMEM((2, K, width), jnp.float32),
          pltpu.VMEM_SHARED((NLOC, width), jnp.float32),
          pltpu.SemaphoreType.DMA,
      ],
  )
  def agg(y_hbm, src_hbm, dst_hbm, zeros_hbm, out_hbm, sidx, didx, rows, acc,
          sem):
    cid = lax.axis_index("c")
    sid = lax.axis_index("s")
    pltpu.sync_copy(zeros_hbm.at[pl.ds(sid * LROWS, LROWS)],
                    acc.at[pl.ds(sid * LROWS, LROWS)])
    pltpu.sync_copy(src_hbm.at[sid], sidx)
    pltpu.sync_copy(dst_hbm.at[sid], didx)

    base = cid * HALF

    def xform(g, carry):
      for j in range(K // 16):
        v = didx[g, pl.ds(j * 16, 16)]
        loc = v - base
        ok = (loc >= 0) & (loc < HALF)
        trash = HALF + jnp.bitwise_and(v, 63)
        didx[g, pl.ds(j * 16, 16)] = jnp.where(ok, loc, trash)
      return carry

    lax.fori_loop(0, CHUNKS, xform, 0)
    plsc.subcore_barrier()

    pltpu.async_copy(y_hbm.at[sidx.at[0]], rows.at[0], sem)

    def step(g, b):
      pltpu.make_async_copy(y_hbm.at[sidx.at[g]], rows.at[b], sem).wait()

      @pl.when(g + 1 < CHUNKS)
      def _():
        pltpu.async_copy(y_hbm.at[sidx.at[g + 1]], rows.at[1 - b], sem)

      pltpu.sync_copy(rows.at[b], acc.at[didx.at[g]], add=True)

    def outer(go, carry):
      step(go * 2, 0)
      step(go * 2 + 1, 1)
      return carry

    lax.fori_loop(0, CHUNKS // 2, outer, 0)
    plsc.subcore_barrier()
    pltpu.sync_copy(acc.at[pl.ds(sid * LROWS, LROWS)],
                    out_hbm.at[cid, pl.ds(sid * LROWS, LROWS)])

  return agg


_agg_h = _make_agg(H)


def _make_deg(interpret=False):
  mesh = plsc.VectorSubcoreMesh(core_axis_name="c", subcore_axis_name="s")

  @functools.partial(
      pl.kernel,
      out_type=jax.ShapeDtypeStruct((NW, NP), jnp.float32),
      mesh=mesh,
      interpret=interpret,
      scratch_types=[
          pltpu.VMEM((DCHUNKS, DK), jnp.int32),
          pltpu.VMEM((NP,), jnp.float32),
      ],
  )
  def deg_kernel(dst_hbm, zeros_hbm, out_hbm, didx, hist):
    cid = lax.axis_index("c")
    sid = lax.axis_index("s")
    wid = cid * NS + sid
    pltpu.sync_copy(zeros_hbm, hist)
    pltpu.sync_copy(dst_hbm.at[wid], didx)
    lane = lax.iota(jnp.int32, 16)

    def chunk(g, carry):
      for j in range(DK // 16):
        dv = didx[g, pl.ds(j * 16, 16)]
        for jj in range(16):
          d = dv[jj]
          b = jnp.bitwise_and(d, jnp.int32(-8))
          off = d - b
          v = hist[pl.ds(b, 16)]
          hist[pl.ds(b, 16)] = v + jnp.where(lane == off, 1.0, 0.0)
      return carry

    lax.fori_loop(0, DCHUNKS, chunk, 0)
    pltpu.sync_copy(hist, out_hbm.at[wid])

  return deg_kernel


_deg_kernel = _make_deg()


BLK = 1000


def _tc_degcol_fn(dh_ref, ones_ref, o_ref):
  o_ref[...] = lax.dot_general(dh_ref[...], ones_ref[...],
                               (((0,), (0,)), ((), ())),
                               preferred_element_type=jnp.float32)


def _dinv(d_ref):
  deg = d_ref[:, 0:1] + 1.0
  return lax.rsqrt(deg)


def _tc_scale_mm_fn(x_ref, w_ref, d_ref, o_ref):
  o_ref[...] = jnp.dot(x_ref[...], w_ref[...],
                       preferred_element_type=jnp.float32) * _dinv(d_ref)


def _tc_stats_fn(p_ref, y_ref, b_ref, d_ref, t_ref, s_ref, q_ref):
  t = _dinv(d_ref) * (p_ref[0] + y_ref[...]) + b_ref[...]
  t_ref[...] = t

  @pl.when(pl.program_id(0) == 0)
  def _():
    s_ref[...] = jnp.zeros_like(s_ref)
    q_ref[...] = jnp.zeros_like(q_ref)

  s_ref[...] += jnp.sum(t, axis=0, keepdims=True)
  q_ref[...] += jnp.sum(t * t, axis=0, keepdims=True)


def _tc_norm_mm_fn(t_ref, s_ref, q_ref, g_ref, be_ref, w_ref, d_ref, o_ref):
  mean = s_ref[...] * (1.0 / N)
  var = q_ref[...] * (1.0 / N) - mean * mean
  rstd = lax.rsqrt(var + EPS)
  h = jnp.maximum((t_ref[...] - mean) * rstd * g_ref[...] + be_ref[...], 0.0)
  o_ref[...] = jnp.dot(h, w_ref[...],
                       preferred_element_type=jnp.float32) * _dinv(d_ref)


def _tc_final_fn(p_ref, y_ref, b_ref, d_ref, o_ref):
  t = _dinv(d_ref) * (p_ref[0] + y_ref[...]) + b_ref[...]
  col = lax.broadcasted_iota(jnp.int32, t.shape, 1)
  t = jnp.where(col < C, t, -1e30)
  m = jnp.max(t, axis=1, keepdims=True)
  lse = jnp.log(jnp.sum(jnp.exp(t - m), axis=1, keepdims=True)) + m
  o_ref[...] = (t - lse)[:, :C]


def _row_spec(w):
  return pl.BlockSpec((BLK, w), lambda i: (i, 0))


def _p_spec(w):
  return pl.BlockSpec((1, BLK, w), lambda i: (i // 5, i % 5, 0))


def _full_spec(r, c):
  return pl.BlockSpec((r, c), lambda i: (0, 0))


def kernel(x, edge_index, W1, b1, g1, be1, W2, b2, g2, be2, W3, b3):
  f32 = jnp.float32
  npad = EPAD - E
  src3 = jnp.concatenate(
      [edge_index[0], jnp.zeros((npad,), edge_index.dtype)]).reshape(
          NS, CHUNKS, K)
  dpad = N + jnp.arange(npad, dtype=edge_index.dtype) % 64
  dst3 = jnp.concatenate([edge_index[1], dpad]).reshape(NS, CHUNKS, K)
  dst3w = edge_index[1].reshape(NW, DCHUNKS, DK)
  zeros_h = jnp.zeros((NLOC, H), f32)
  zeros_n = jnp.zeros((NP,), f32)
  ones_w = jnp.ones((NW, H), f32)
  W3p = jnp.pad(W3, ((0, 0), (0, H - C)))
  b3p = jnp.pad(b3, (0, H - C)).reshape(1, H)
  b1r = b1.reshape(1, H)
  b2r = b2.reshape(1, H)
  g1r, be1r = g1.reshape(1, H), be1.reshape(1, H)
  g2r, be2r = g2.reshape(1, H), be2.reshape(1, H)

  degh = _deg_kernel(dst3w, zeros_n)

  dcol = pl.pallas_call(
      _tc_degcol_fn,
      grid=(1,),
      in_specs=[pl.BlockSpec((NW, NP), lambda i: (0, 0)),
                pl.BlockSpec((NW, H), lambda i: (0, 0))],
      out_specs=pl.BlockSpec((NP, H), lambda i: (0, 0)),
      out_shape=jax.ShapeDtypeStruct((NP, H), f32),
  )(degh, ones_w)

  grid = (N // BLK,)
  degs = [_row_spec(H)]

  y1 = pl.pallas_call(
      _tc_scale_mm_fn,
      grid=grid,
      in_specs=[_row_spec(D), _full_spec(D, H)] + degs,
      out_specs=_row_spec(H),
      out_shape=jax.ShapeDtypeStruct((N, H), f32),
  )(x, W1, dcol)

  def stats(p, y, br):
    return pl.pallas_call(
        _tc_stats_fn,
        grid=grid,
        in_specs=[_p_spec(H), _row_spec(H), _full_spec(1, H)] + degs,
        out_specs=[_row_spec(H), _full_spec(1, H), _full_spec(1, H)],
        out_shape=[jax.ShapeDtypeStruct((N, H), f32),
                   jax.ShapeDtypeStruct((1, H), f32),
                   jax.ShapeDtypeStruct((1, H), f32)],
    )(p, y, br, dcol)

  def norm_mm(t, s, q, gr, ber, w):
    return pl.pallas_call(
        _tc_norm_mm_fn,
        grid=grid,
        in_specs=[_row_spec(H), _full_spec(1, H), _full_spec(1, H),
                  _full_spec(1, H), _full_spec(1, H), _full_spec(H, H)]
        + degs,
        out_specs=_row_spec(H),
        out_shape=jax.ShapeDtypeStruct((N, H), f32),
    )(t, s, q, gr, ber, w, dcol)

  p1 = _agg_h(y1, src3, dst3, zeros_h)
  t1, s1, q1 = stats(p1, y1, b1r)
  y2 = norm_mm(t1, s1, q1, g1r, be1r, W2)

  p2 = _agg_h(y2, src3, dst3, zeros_h)
  t2, s2, q2 = stats(p2, y2, b2r)
  y3 = norm_mm(t2, s2, q2, g2r, be2r, W3p)

  p3 = _agg_h(y3, src3, dst3, zeros_h)

  out = pl.pallas_call(
      _tc_final_fn,
      grid=grid,
      in_specs=[_p_spec(H), _row_spec(H), _full_spec(1, H)] + degs,
      out_specs=_row_spec(C),
      out_shape=jax.ShapeDtypeStruct((N, C), f32),
  )(p3, y3, b3p, dcol)
  return out

# --- scband reference (transcript-rebuilt; emitter-appended) ---
"""Pipeline reference for scband-gcn-7078106104031 (READ-ONLY COPY).

The authoritative reference and input builder live on the scoring server;
editing this copy changes nothing except your own understanding.
"""

import jax, jax.numpy as jnp
import numpy as np

N = 10000
D = 128
H = 128
C = 40
E = 320000
EPS = 1e-5


def setup_inputs(seed: int = 0) -> dict:
    key = jax.random.key(seed)
    ks = jax.random.split(key, 12)
    x = jax.random.normal(ks[0], (N, D), dtype=jnp.float32)
    edge_index = jax.random.randint(ks[1], (2, E), 0, N, dtype=jnp.int32)
    W1 = jax.random.normal(ks[2], (D, H), dtype=jnp.float32) * (1.0 / np.sqrt(D))
    b1 = jnp.zeros((H,), dtype=jnp.float32)
    g1 = jnp.ones((H,), dtype=jnp.float32)
    be1 = jnp.zeros((H,), dtype=jnp.float32)
    W2 = jax.random.normal(ks[3], (H, H), dtype=jnp.float32) * (1.0 / np.sqrt(H))
    b2 = jnp.zeros((H,), dtype=jnp.float32)
    g2 = jnp.ones((H,), dtype=jnp.float32)
    be2 = jnp.zeros((H,), dtype=jnp.float32)
    W3 = jax.random.normal(ks[4], (H, C), dtype=jnp.float32) * (1.0 / np.sqrt(H))
    b3 = jnp.zeros((C,), dtype=jnp.float32)
    return {"x": x, "edge_index": edge_index, "W1": W1, "b1": b1, "g1": g1, "be1": be1,
            "W2": W2, "b2": b2, "g2": g2, "be2": be2, "W3": W3, "b3": b3}


def gcn_conv(x, edge_index, W, b):
    # GCNConv: add self-loops, symmetric normalization D^-1/2 (A+I) D^-1/2 X W + b
    num_nodes = x.shape[0]
    loop = jnp.arange(num_nodes, dtype=edge_index.dtype)
    src = jnp.concatenate([edge_index[0], loop])
    dst = jnp.concatenate([edge_index[1], loop])
    deg = jnp.zeros((num_nodes,), dtype=x.dtype).at[dst].add(1.0)
    dinv = jnp.where(deg > 0, deg ** -0.5, 0.0)
    norm = dinv[src] * dinv[dst]
    xw = x @ W
    msgs = jnp.take(xw, src, axis=0) * norm[:, None]
    out = jax.ops.segment_sum(msgs, dst, num_segments=num_nodes)
    return out + b


def batchnorm(h, gamma, beta):
    mean = jnp.mean(h, axis=0, keepdims=True)
    var = jnp.var(h, axis=0, keepdims=True)
    return (h - mean) / jnp.sqrt(var + EPS) * gamma + beta


def reference(x, edge_index, W1, b1, g1, be1, W2, b2, g2, be2, W3, b3):
    h = gcn_conv(x, edge_index, W1, b1)
    h = batchnorm(h, g1, be1)
    h = jax.nn.relu(h)
    # dropout omitted (eval-mode determinism)
    h = gcn_conv(h, edge_index, W2, b2)
    h = batchnorm(h, g2, be2)
    h = jax.nn.relu(h)
    h = gcn_conv(h, edge_index, W3, b3)
    return jax.nn.log_softmax(h, axis=1)

if __name__ == "__main__":
    import jax
    _d = setup_inputs()
    print(jax.jit(kernel)(*tuple(_d.values())))

</pallas_src>

<mosaic_0001>
#map = affine_map<(d0, d1) -> (0, 0)>
#map1 = affine_map<(d0, d1) -> (0, 0, 0)>
module attributes {stable_mosaic.version = 14 : i64} {
  func.func @agg(%arg0: i32, %arg1: i32, %arg2: memref<10000x128xf32, #tpu.memory_space<hbm>>, %arg3: memref<16x250x80xi32, #tpu.memory_space<hbm>>, %arg4: memref<16x250x80xi32, #tpu.memory_space<hbm>>, %arg5: memref<5120x128xf32, #tpu.memory_space<hbm>>, %arg6: memref<2x5120x128xf32, #tpu.memory_space<hbm>>, %arg7: memref<250x80xi32, #tpu.memory_space<vmem>>, %arg8: memref<250x80xi32, #tpu.memory_space<vmem>>, %arg9: memref<2x80x128xf32, #tpu.memory_space<vmem>>, %arg10: memref<5120x128xf32, #tpu.memory_space<vmem_shared>>, %arg11: memref<!tpu.dma_semaphore, #tpu.memory_space<semaphore_mem>>) attributes {dimension_semantics = [#tpu.dimension_semantics<core_parallel>, #tpu.dimension_semantics<subcore_parallel>], iteration_bounds = array<i64: 2, 16>, scalar_prefetch = 0 : i64, scratch_operands = 5 : i64, tpu.core_type = #tpu.core_type<sc_vector_subcore>, window_params = [{transform_indices = #map}, {transform_indices = #map1}, {transform_indices = #map1}, {transform_indices = #map}, {transform_indices = #map1}]} {
    %mul3A = arith.constant 320 : i32
    %mul3A_0 = arith.muli %arg1, %mul3A : i32
    %mul3A_1 = arith.constant 320 : i32
    %mul3A_2 = arith.muli %arg1, %mul3A_1 : i32
    "tpu.region"() ({
      %run_scoped3A = tpu.sem_alloc : memref<!tpu.dma_semaphore, #tpu.memory_space<semaphore_mem>>
      %dma_start3A_32 = arith.constant 0 : i32
      %dma_start3A_33 = tpu.memref_slice %arg10[%mul3A_2, %dma_start3A_32] : memref<5120x128xf32, #tpu.memory_space<vmem_shared>> -> memref<320x128xf32, #tpu.memory_space<vmem_shared>>
      %dma_start3A_34 = arith.constant 0 : i32
      %dma_start3A_35 = tpu.memref_slice %arg5[%mul3A_0, %dma_start3A_34] : memref<5120x128xf32, #tpu.memory_space<hbm>> -> memref<320x128xf32, #tpu.memory_space<hbm>>
      tpu.enqueue_dma source(%dma_start3A_35 : memref<320x128xf32, #tpu.memory_space<hbm>>) target(%dma_start3A_33 : memref<320x128xf32, #tpu.memory_space<vmem_shared>>) target_semaphore(%run_scoped3A : memref<!tpu.dma_semaphore, #tpu.memory_space<semaphore_mem>>)
      %dma_wait3A = arith.constant 0 : i32
      %dma_wait3A_36 = tpu.memref_slice %arg10[%mul3A_2, %dma_wait3A] : memref<5120x128xf32, #tpu.memory_space<vmem_shared>> -> memref<320x128xf32, #tpu.memory_space<vmem_shared>>
      %dma_wait3A_37 = arith.constant 0 : i32
      %dma_wait3A_38 = tpu.memref_slice %arg5[%mul3A_0, %dma_wait3A_37] : memref<5120x128xf32, #tpu.memory_space<hbm>> -> memref<320x128xf32, #tpu.memory_space<hbm>>
      tpu.wait_dma2 semaphore(%run_scoped3A : memref<!tpu.dma_semaphore, #tpu.memory_space<semaphore_mem>>) src(%dma_wait3A_38 : memref<320x128xf32, #tpu.memory_space<hbm>>) dst(%dma_wait3A_36 : memref<320x128xf32, #tpu.memory_space<vmem_shared>>)
      tpu.yield
    }) : () -> ()
    "tpu.region"() ({
      %run_scoped3A = tpu.sem_alloc : memref<!tpu.dma_semaphore, #tpu.memory_space<semaphore_mem>>
      %dma_start3A_32 = arith.constant 0 : i32
      %dma_start3A_33 = arith.constant 0 : i32
      %dma_start3A_34 = tpu.memref_slice %arg3[%arg1, %dma_start3A_32, %dma_start3A_33] : memref<16x250x80xi32, #tpu.memory_space<hbm>> -> memref<1x250x80xi32, #tpu.memory_space<hbm>>
      %dma_start3A_35 = tpu.memref_squeeze %dma_start3A_34 : memref<1x250x80xi32, #tpu.memory_space<hbm>> -> memref<250x80xi32, #tpu.memory_space<hbm>>
      %dma_start3A_36 = arith.constant 0 : i32
      %dma_start3A_37 = arith.constant 0 : i32
      %dma_start3A_38 = tpu.memref_slice %arg3[%arg1, %dma_start3A_36, %dma_start3A_37] : memref<16x250x80xi32, #tpu.memory_space<hbm>> -> memref<1x250x80xi32, #tpu.memory_space<hbm>>
      %dma_start3A_39 = tpu.memref_squeeze %dma_start3A_38 : memref<1x250x80xi32, #tpu.memory_space<hbm>> -> memref<250x80xi32, #tpu.memory_space<hbm>>
      tpu.enqueue_dma source(%dma_start3A_39 : memref<250x80xi32, #tpu.memory_space<hbm>>) target(%arg7 : memref<250x80xi32, #tpu.memory_space<vmem>>) target_semaphore(%run_scoped3A : memref<!tpu.dma_semaphore, #tpu.memory_space<semaphore_mem>>)
      %dma_wait3A = arith.constant 0 : i32
      %dma_wait3A_40 = arith.constant 0 : i32
      %dma_wait3A_41 = tpu.memref_slice %arg3[%arg1, %dma_wait3A, %dma_wait3A_40] : memref<16x250x80xi32, #tpu.memory_space<hbm>> -> memref<1x250x80xi32, #tpu.memory_space<hbm>>
      %dma_wait3A_42 = tpu.memref_squeeze %dma_wait3A_41 : memref<1x250x80xi32, #tpu.memory_space<hbm>> -> memref<250x80xi32, #tpu.memory_space<hbm>>
      %dma_wait3A_43 = arith.constant 0 : i32
      %dma_wait3A_44 = arith.constant 0 : i32
      %dma_wait3A_45 = tpu.memref_slice %arg3[%arg1, %dma_wait3A_43, %dma_wait3A_44] : memref<16x250x80xi32, #tpu.memory_space<hbm>> -> memref<1x250x80xi32, #tpu.memory_space<hbm>>
      %dma_wait3A_46 = tpu.memref_squeeze %dma_wait3A_45 : memref<1x250x80xi32, #tpu.memory_space<hbm>> -> memref<250x80xi32, #tpu.memory_space<hbm>>
      tpu.wait_dma2 semaphore(%run_scoped3A : memref<!tpu.dma_semaphore, #tpu.memory_space<semaphore_mem>>) src(%dma_wait3A_46 : memref<250x80xi32, #tpu.memory_space<hbm>>) dst(%arg7 : memref<250x80xi32, #tpu.memory_space<vmem>>)
      tpu.yield
    }) : () -> ()
    "tpu.region"() ({
      %run_scoped3A = tpu.sem_alloc : memref<!tpu.dma_semaphore, #tpu.memory_space<semaphore_mem>>
      %dma_start3A_32 = arith.constant 0 : i32
      %dma_start3A_33 = arith.constant 0 : i32
      %dma_start3A_34 = tpu.memref_slice %arg4[%arg1, %dma_start3A_32, %dma_start3A_33] : memref<16x250x80xi32, #tpu.memory_space<hbm>> -> memref<1x250x80xi32, #tpu.memory_space<hbm>>
      %dma_start3A_35 = tpu.memref_squeeze %dma_start3A_34 : memref<1x250x80xi32, #tpu.memory_space<hbm>> -> memref<250x80xi32, #tpu.memory_space<hbm>>
      %dma_start3A_36 = arith.constant 0 : i32
      %dma_start3A_37 = arith.constant 0 : i32
      %dma_start3A_38 = tpu.memref_slice %arg4[%arg1, %dma_start3A_36, %dma_start3A_37] : memref<16x250x80xi32, #tpu.memory_space<hbm>> -> memref<1x250x80xi32, #tpu.memory_space<hbm>>
      %dma_start3A_39 = tpu.memref_squeeze %dma_start3A_38 : memref<1x250x80xi32, #tpu.memory_space<hbm>> -> memref<250x80xi32, #tpu.memory_space<hbm>>
      tpu.enqueue_dma source(%dma_start3A_39 : memref<250x80xi32, #tpu.memory_space<hbm>>) target(%arg8 : memref<250x80xi32, #tpu.memory_space<vmem>>) target_semaphore(%run_scoped3A : memref<!tpu.dma_semaphore, #tpu.memory_space<semaphore_mem>>)
      %dma_wait3A = arith.constant 0 : i32
      %dma_wait3A_40 = arith.constant 0 : i32
      %dma_wait3A_41 = tpu.memref_slice %arg4[%arg1, %dma_wait3A, %dma_wait3A_40] : memref<16x250x80xi32, #tpu.memory_space<hbm>> -> memref<1x250x80xi32, #tpu.memory_space<hbm>>
      %dma_wait3A_42 = tpu.memref_squeeze %dma_wait3A_41 : memref<1x250x80xi32, #tpu.memory_space<hbm>> -> memref<250x80xi32, #tpu.memory_space<hbm>>
      %dma_wait3A_43 = arith.constant 0 : i32
      %dma_wait3A_44 = arith.constant 0 : i32
      %dma_wait3A_45 = tpu.memref_slice %arg4[%arg1, %dma_wait3A_43, %dma_wait3A_44] : memref<16x250x80xi32, #tpu.memory_space<hbm>> -> memref<1x250x80xi32, #tpu.memory_space<hbm>>
      %dma_wait3A_46 = tpu.memref_squeeze %dma_wait3A_45 : memref<1x250x80xi32, #tpu.memory_space<hbm>> -> memref<250x80xi32, #tpu.memory_space<hbm>>
      tpu.wait_dma2 semaphore(%run_scoped3A : memref<!tpu.dma_semaphore, #tpu.memory_space<semaphore_mem>>) src(%dma_wait3A_46 : memref<250x80xi32, #tpu.memory_space<hbm>>) dst(%arg8 : memref<250x80xi32, #tpu.memory_space<vmem>>)
      tpu.yield
    }) : () -> ()
    %mul3A_3 = arith.constant 5000 : i32
    %mul3A_4 = arith.muli %arg0, %mul3A_3 : i32
    %scan3A = arith.constant 0 : i32
    %scan3A_5 = arith.constant 0 : i32
    %scan3A_6 = arith.constant 250 : i32
    %scan3A_7 = arith.addi %scan3A_5, %scan3A_6 : i32
    %scan3A_8 = arith.constant 1 : i32
    scf.for %scan3A_32 = %scan3A_5 to %scan3A_7 step %scan3A_8  : i32 {
      %get3A = arith.index_cast %scan3A_32 : i32 to index
      %get3A_33 = arith.constant 0 : index
      %get3A_34 = tpu.vector_load %arg8[%get3A, %get3A_33] {strides = array<i32>} : memref<250x80xi32, #tpu.memory_space<vmem>>, vector<1x16xi32>,
      %get3A_35 = vector.shape_cast %get3A_34 : vector<1x16xi32> to vector<16xi32>
      %sub3A = vector.broadcast %mul3A_4 : i32 to vector<16xi32>
      %sub3A_36 = arith.subi %get3A_35, %sub3A : vector<16xi32>
      %ge3A = arith.constant 0 : i32
      %ge3A_37 = vector.broadcast %ge3A : i32 to vector<16xi32>
      %ge3A_38 = arith.cmpi sge, %sub3A_36, %ge3A_37 : vector<16xi32>
      %lt3A = arith.constant 5000 : i32
      %lt3A_39 = vector.broadcast %lt3A : i32 to vector<16xi32>
      %lt3A_40 = arith.cmpi slt, %sub3A_36, %lt3A_39 : vector<16xi32>
      %and3A = arith.andi %ge3A_38, %lt3A_40 : vector<16xi1>
      %and3A_41 = arith.constant 63 : i32
      %and3A_42 = vector.broadcast %and3A_41 : i32 to vector<16xi32>
      %and3A_43 = arith.andi %get3A_35, %and3A_42 : vector<16xi32>
      %add3A = arith.constant 5000 : i32
      %add3A_44 = vector.broadcast %add3A : i32 to vector<16xi32>
      %add3A_45 = arith.addi %add3A_44, %and3A_43 : vector<16xi32>
      %select_n3A = arith.select %and3A, %sub3A_36, %add3A_45 : vector<16xi1>, vector<16xi32>
      %swap3A = arith.index_cast %scan3A_32 : i32 to index
      %swap3A_46 = arith.constant 0 : index
      %swap3A_47 = tpu.vector_load %arg8[%swap3A, %swap3A_46] {strides = array<i32>} : memref<250x80xi32, #tpu.memory_space<vmem>>, vector<1x16xi32>,
      %swap3A_48 = vector.shape_cast %swap3A_47 : vector<1x16xi32> to vector<16xi32>
      %swap3A_49 = vector.shape_cast %select_n3A : vector<16xi32> to vector<1x16xi32>
      tpu.vector_store %arg8[%swap3A, %swap3A_46], %swap3A_49 {strides = array<i32>} : memref<250x80xi32, #tpu.memory_space<vmem>>, vector<1x16xi32>,
      %get3A_50 = arith.index_cast %scan3A_32 : i32 to index
      %get3A_51 = arith.constant 16 : index
      %get3A_52 = tpu.vector_load %arg8[%get3A_50, %get3A_51] {strides = array<i32>} : memref<250x80xi32, #tpu.memory_space<vmem>>, vector<1x16xi32>,
      %get3A_53 = vector.shape_cast %get3A_52 : vector<1x16xi32> to vector<16xi32>
      %sub3A_54 = vector.broadcast %mul3A_4 : i32 to vector<16xi32>
      %sub3A_55 = arith.subi %get3A_53, %sub3A_54 : vector<16xi32>
      %ge3A_56 = arith.constant 0 : i32
      %ge3A_57 = vector.broadcast %ge3A_56 : i32 to vector<16xi32>
      %ge3A_58 = arith.cmpi sge, %sub3A_55, %ge3A_57 : vector<16xi32>
      %lt3A_59 = arith.constant 5000 : i32
      %lt3A_60 = vector.broadcast %lt3A_59 : i32 to vector<16xi32>
      %lt3A_61 = arith.cmpi slt, %sub3A_55, %lt3A_60 : vector<16xi32>
      %and3A_62 = arith.andi %ge3A_58, %lt3A_61 : vector<16xi1>
      %and3A_63 = arith.constant 63 : i32
      %and3A_64 = vector.broadcast %and3A_63 : i32 to vector<16xi32>
      %and3A_65 = arith.andi %get3A_53, %and3A_64 : vector<16xi32>
      %add3A_66 = arith.constant 5000 : i32
      %add3A_67 = vector.broadcast %add3A_66 : i32 to vector<16xi32>
      %add3A_68 = arith.addi %add3A_67, %and3A_65 : vector<16xi32>
      %select_n3A_69 = arith.select %and3A_62, %sub3A_55, %add3A_68 : vector<16xi1>, vector<16xi32>
      %swap3A_70 = arith.index_cast %scan3A_32 : i32 to index
      %swap3A_71 = arith.constant 16 : index
      %swap3A_72 = tpu.vector_load %arg8[%swap3A_70, %swap3A_71] {strides = array<i32>} : memref<250x80xi32, #tpu.memory_space<vmem>>, vector<1x16xi32>,
      %swap3A_73 = vector.shape_cast %swap3A_72 : vector<1x16xi32> to vector<16xi32>
      %swap3A_74 = vector.shape_cast %select_n3A_69 : vector<16xi32> to vector<1x16xi32>
      tpu.vector_store %arg8[%swap3A_70, %swap3A_71], %swap3A_74 {strides = array<i32>} : memref<250x80xi32, #tpu.memory_space<vmem>>, vector<1x16xi32>,
      %get3A_75 = arith.index_cast %scan3A_32 : i32 to index
      %get3A_76 = arith.constant 32 : index
      %get3A_77 = tpu.vector_load %arg8[%get3A_75, %get3A_76] {strides = array<i32>} : memref<250x80xi32, #tpu.memory_space<vmem>>, vector<1x16xi32>,
      %get3A_78 = vector.shape_cast %get3A_77 : vector<1x16xi32> to vector<16xi32>
      %sub3A_79 = vector.broadcast %mul3A_4 : i32 to vector<16xi32>
      %sub3A_80 = arith.subi %get3A_78, %sub3A_79 : vector<16xi32>
      %ge3A_81 = arith.constant 0 : i32
      %ge3A_82 = vector.broadcast %ge3A_81 : i32 to vector<16xi32>
      %ge3A_83 = arith.cmpi sge, %sub3A_80, %ge3A_82 : vector<16xi32>
      %lt3A_84 = arith.constant 5000 : i32
      %lt3A_85 = vector.broadcast %lt3A_84 : i32 to vector<16xi32>
      %lt3A_86 = arith.cmpi slt, %sub3A_80, %lt3A_85 : vector<16xi32>
      %and3A_87 = arith.andi %ge3A_83, %lt3A_86 : vector<16xi1>
      %and3A_88 = arith.constant 63 : i32
      %and3A_89 = vector.broadcast %and3A_88 : i32 to vector<16xi32>
      %and3A_90 = arith.andi %get3A_78, %and3A_89 : vector<16xi32>
      %add3A_91 = arith.constant 5000 : i32
      %add3A_92 = vector.broadcast %add3A_91 : i32 to vector<16xi32>
      %add3A_93 = arith.addi %add3A_92, %and3A_90 : vector<16xi32>
      %select_n3A_94 = arith.select %and3A_87, %sub3A_80, %add3A_93 : vector<16xi1>, vector<16xi32>
      %swap3A_95 = arith.index_cast %scan3A_32 : i32 to index
      %swap3A_96 = arith.constant 32 : index
      %swap3A_97 = tpu.vector_load %arg8[%swap3A_95, %swap3A_96] {strides = array<i32>} : memref<250x80xi32, #tpu.memory_space<vmem>>, vector<1x16xi32>,
      %swap3A_98 = vector.shape_cast %swap3A_97 : vector<1x16xi32> to vector<16xi32>
      %swap3A_99 = vector.shape_cast %select_n3A_94 : vector<16xi32> to vector<1x16xi32>
      tpu.vector_store %arg8[%swap3A_95, %swap3A_96], %swap3A_99 {strides = array<i32>} : memref<250x80xi32, #tpu.memory_space<vmem>>, vector<1x16xi32>,
      %get3A_100 = arith.index_cast %scan3A_32 : i32 to index
      %get3A_101 = arith.constant 48 : index
      %get3A_102 = tpu.vector_load %arg8[%get3A_100, %get3A_101] {strides = array<i32>} : memref<250x80xi32, #tpu.memory_space<vmem>>, vector<1x16xi32>,
      %get3A_103 = vector.shape_cast %get3A_102 : vector<1x16xi32> to vector<16xi32>
      %sub3A_104 = vector.broadcast %mul3A_4 : i32 to vector<16xi32>
      %sub3A_105 = arith.subi %get3A_103, %sub3A_104 : vector<16xi32>
      %ge3A_106 = arith.constant 0 : i32
      %ge3A_107 = vector.broadcast %ge3A_106 : i32 to vector<16xi32>
      %ge3A_108 = arith.cmpi sge, %sub3A_105, %ge3A_107 : vector<16xi32>
      %lt3A_109 = arith.constant 5000 : i32
      %lt3A_110 = vector.broadcast %lt3A_109 : i32 to vector<16xi32>
      %lt3A_111 = arith.cmpi slt, %sub3A_105, %lt3A_110 : vector<16xi32>
      %and3A_112 = arith.andi %ge3A_108, %lt3A_111 : vector<16xi1>
      %and3A_113 = arith.constant 63 : i32
      %and3A_114 = vector.broadcast %and3A_113 : i32 to vector<16xi32>
      %and3A_115 = arith.andi %get3A_103, %and3A_114 : vector<16xi32>
      %add3A_116 = arith.constant 5000 : i32
      %add3A_117 = vector.broadcast %add3A_116 : i32 to vector<16xi32>
      %add3A_118 = arith.addi %add3A_117, %and3A_115 : vector<16xi32>
      %select_n3A_119 = arith.select %and3A_112, %sub3A_105, %add3A_118 : vector<16xi1>, vector<16xi32>
      %swap3A_120 = arith.index_cast %scan3A_32 : i32 to index
      %swap3A_121 = arith.constant 48 : index
      %swap3A_122 = tpu.vector_load %arg8[%swap3A_120, %swap3A_121] {strides = array<i32>} : memref<250x80xi32, #tpu.memory_space<vmem>>, vector<1x16xi32>,
      %swap3A_123 = vector.shape_cast %swap3A_122 : vector<1x16xi32> to vector<16xi32>
      %swap3A_124 = vector.shape_cast %select_n3A_119 : vector<16xi32> to vector<1x16xi32>
      tpu.vector_store %arg8[%swap3A_120, %swap3A_121], %swap3A_124 {strides = array<i32>} : memref<250x80xi32, #tpu.memory_space<vmem>>, vector<1x16xi32>,
      %get3A_125 = arith.index_cast %scan3A_32 : i32 to index
      %get3A_126 = arith.constant 64 : index
      %get3A_127 = tpu.vector_load %arg8[%get3A_125, %get3A_126] {strides = array<i32>} : memref<250x80xi32, #tpu.memory_space<vmem>>, vector<1x16xi32>,
      %get3A_128 = vector.shape_cast %get3A_127 : vector<1x16xi32> to vector<16xi32>
      %sub3A_129 = vector.broadcast %mul3A_4 : i32 to vector<16xi32>
      %sub3A_130 = arith.subi %get3A_128, %sub3A_129 : vector<16xi32>
      %ge3A_131 = arith.constant 0 : i32
      %ge3A_132 = vector.broadcast %ge3A_131 : i32 to vector<16xi32>
      %ge3A_133 = arith.cmpi sge, %sub3A_130, %ge3A_132 : vector<16xi32>
      %lt3A_134 = arith.constant 5000 : i32
      %lt3A_135 = vector.broadcast %lt3A_134 : i32 to vector<16xi32>
      %lt3A_136 = arith.cmpi slt, %sub3A_130, %lt3A_135 : vector<16xi32>
      %and3A_137 = arith.andi %ge3A_133, %lt3A_136 : vector<16xi1>
      %and3A_138 = arith.constant 63 : i32
      %and3A_139 = vector.broadcast %and3A_138 : i32 to vector<16xi32>
      %and3A_140 = arith.andi %get3A_128, %and3A_139 : vector<16xi32>
      %add3A_141 = arith.constant 5000 : i32
      %add3A_142 = vector.broadcast %add3A_141 : i32 to vector<16xi32>
      %add3A_143 = arith.addi %add3A_142, %and3A_140 : vector<16xi32>
      %select_n3A_144 = arith.select %and3A_137, %sub3A_130, %add3A_143 : vector<16xi1>, vector<16xi32>
      %swap3A_145 = arith.index_cast %scan3A_32 : i32 to index
      %swap3A_146 = arith.constant 64 : index
      %swap3A_147 = tpu.vector_load %arg8[%swap3A_145, %swap3A_146] {strides = array<i32>} : memref<250x80xi32, #tpu.memory_space<vmem>>, vector<1x16xi32>,
      %swap3A_148 = vector.shape_cast %swap3A_147 : vector<1x16xi32> to vector<16xi32>
      %swap3A_149 = vector.shape_cast %select_n3A_144 : vector<16xi32> to vector<1x16xi32>
      tpu.vector_store %arg8[%swap3A_145, %swap3A_146], %swap3A_149 {strides = array<i32>} : memref<250x80xi32, #tpu.memory_space<vmem>>, vector<1x16xi32>,
    }
    %scan3A_9 = arith.constant 250 : i32
    %barrier3A = arith.constant 0 : index
    tpu.barrier barrier_id(%barrier3A)
    %dma_start3A = arith.constant 0 : i32
    %dma_start3A_10 = arith.constant 0 : i32
    %dma_start3A_11 = arith.constant 0 : i32
    %dma_start3A_12 = arith.constant 0 : i32
    %dma_start3A_13 = tpu.memref_slice %arg9[%dma_start3A_10, %dma_start3A_11, %dma_start3A_12] : memref<2x80x128xf32, #tpu.memory_space<vmem>> -> memref<1x80x128xf32, #tpu.memory_space<vmem>>
    %dma_start3A_14 = tpu.memref_squeeze %dma_start3A_13 : memref<1x80x128xf32, #tpu.memory_space<vmem>> -> memref<80x128xf32, #tpu.memory_space<vmem>>
    %dma_start3A_15 = arith.constant 0 : i32
    %dma_start3A_16 = tpu.memref_slice %arg7[%dma_start3A, %dma_start3A_15] : memref<250x80xi32, #tpu.memory_space<vmem>> -> memref<1x80xi32, #tpu.memory_space<vmem>>
    %dma_start3A_17 = tpu.memref_squeeze %dma_start3A_16 : memref<1x80xi32, #tpu.memory_space<vmem>> -> memref<80xi32, #tpu.memory_space<vmem>>
    %dma_start3A_18 = arith.constant 0 : i32
    %dma_start3A_19 = arith.constant 0 : i32
    %dma_start3A_20 = tpu.memref_slice %arg2[%dma_start3A_18, %dma_start3A_19] : memref<10000x128xf32, #tpu.memory_space<hbm>> -> memref<10000x128xf32, #tpu.memory_space<hbm>>
    tpu.enqueue_indirect_dma source(%dma_start3A_20 : memref<10000x128xf32, #tpu.memory_space<hbm>>) target(%dma_start3A_14 : memref<80x128xf32, #tpu.memory_space<vmem>>) offsets(%dma_start3A_17 : memref<80xi32, #tpu.memory_space<vmem>>) semaphore(%arg11 : memref<!tpu.dma_semaphore, #tpu.memory_space<semaphore_mem>>)
    %scan3A_21 = arith.constant 0 : i32
    %scan3A_22 = arith.constant 0 : i32
    %scan3A_23 = arith.constant 125 : i32
    %scan3A_24 = arith.addi %scan3A_22, %scan3A_23 : i32
    %scan3A_25 = arith.constant 1 : i32
    scf.for %scan3A_32 = %scan3A_22 to %scan3A_24 step %scan3A_25  : i32 {
      %mul3A_33 = arith.constant 2 : i32
      %mul3A_34 = arith.muli %scan3A_32, %mul3A_33 : i32
      %dma_wait3A = arith.constant 0 : i32
      %dma_wait3A_35 = arith.constant 0 : i32
      %dma_wait3A_36 = arith.constant 0 : i32
      %dma_wait3A_37 = tpu.memref_slice %arg9[%dma_wait3A, %dma_wait3A_35, %dma_wait3A_36] : memref<2x80x128xf32, #tpu.memory_space<vmem>> -> memref<1x80x128xf32, #tpu.memory_space<vmem>>
      %dma_wait3A_38 = tpu.memref_squeeze %dma_wait3A_37 : memref<1x80x128xf32, #tpu.memory_space<vmem>> -> memref<80x128xf32, #tpu.memory_space<vmem>>
      %dma_wait3A_39 = arith.constant 0 : i32
      %dma_wait3A_40 = tpu.memref_slice %arg7[%mul3A_34, %dma_wait3A_39] : memref<250x80xi32, #tpu.memory_space<vmem>> -> memref<1x80xi32, #tpu.memory_space<vmem>>
      %dma_wait3A_41 = tpu.memref_squeeze %dma_wait3A_40 : memref<1x80xi32, #tpu.memory_space<vmem>> -> memref<80xi32, #tpu.memory_space<vmem>>
      %dma_wait3A_42 = arith.constant 0 : i32
      %dma_wait3A_43 = arith.constant 0 : i32
      %dma_wait3A_44 = tpu.memref_slice %arg2[%dma_wait3A_42, %dma_wait3A_43] : memref<10000x128xf32, #tpu.memory_space<hbm>> -> memref<10000x128xf32, #tpu.memory_space<hbm>>
      tpu.wait_indirect_dma semaphore(%arg11 : memref<!tpu.dma_semaphore, #tpu.memory_space<semaphore_mem>>) src(%dma_wait3A_44 : memref<10000x128xf32, #tpu.memory_space<hbm>>) dst(%dma_wait3A_38 : memref<80x128xf32, #tpu.memory_space<vmem>>)
      %add3A = arith.constant 1 : i32
      %add3A_45 = arith.addi %mul3A_34, %add3A : i32
      %lt3A = arith.constant 250 : i32
      %lt3A_46 = arith.cmpi slt, %add3A_45, %lt3A : i32
      %convert_element_type3A = arith.extui %lt3A_46 : i1 to i32
      %cond3A = arith.constant 0 : i32
      %cond3A_47 = arith.cmpi ne, %convert_element_type3A, %cond3A : i32
      scf.if %cond3A_47 {
        %add3A_71 = arith.constant 1 : i32
        %add3A_72 = arith.addi %mul3A_34, %add3A_71 : i32
        %dma_start3A_73 = arith.constant 1 : i32
        %dma_start3A_74 = arith.constant 0 : i32
        %dma_start3A_75 = arith.constant 0 : i32
        %dma_start3A_76 = tpu.memref_slice %arg9[%dma_start3A_73, %dma_start3A_74, %dma_start3A_75] : memref<2x80x128xf32, #tpu.memory_space<vmem>> -> memref<1x80x128xf32, #tpu.memory_space<vmem>>
        %dma_start3A_77 = tpu.memref_squeeze %dma_start3A_76 : memref<1x80x128xf32, #tpu.memory_space<vmem>> -> memref<80x128xf32, #tpu.memory_space<vmem>>
        %dma_start3A_78 = arith.constant 0 : i32
        %dma_start3A_79 = tpu.memref_slice %arg7[%add3A_72, %dma_start3A_78] : memref<250x80xi32, #tpu.memory_space<vmem>> -> memref<1x80xi32, #tpu.memory_space<vmem>>
        %dma_start3A_80 = tpu.memref_squeeze %dma_start3A_79 : memref<1x80xi32, #tpu.memory_space<vmem>> -> memref<80xi32, #tpu.memory_space<vmem>>
        %dma_start3A_81 = arith.constant 0 : i32
        %dma_start3A_82 = arith.constant 0 : i32
        %dma_start3A_83 = tpu.memref_slice %arg2[%dma_start3A_81, %dma_start3A_82] : memref<10000x128xf32, #tpu.memory_space<hbm>> -> memref<10000x128xf32, #tpu.memory_space<hbm>>
        tpu.enqueue_indirect_dma source(%dma_start3A_83 : memref<10000x128xf32, #tpu.memory_space<hbm>>) target(%dma_start3A_77 : memref<80x128xf32, #tpu.memory_space<vmem>>) offsets(%dma_start3A_80 : memref<80xi32, #tpu.memory_space<vmem>>) semaphore(%arg11 : memref<!tpu.dma_semaphore, #tpu.memory_space<semaphore_mem>>)
      } else {
      }
      %run_scoped3A = arith.constant 0 : i32
      "tpu.region"() ({
        %run_scoped3A_71 = tpu.sem_alloc : memref<!tpu.dma_semaphore, #tpu.memory_space<semaphore_mem>>
        %dma_start3A_72 = arith.constant 0 : i32
        %dma_start3A_73 = arith.constant 0 : i32
        %dma_start3A_74 = tpu.memref_slice %arg9[%run_scoped3A, %dma_start3A_72, %dma_start3A_73] : memref<2x80x128xf32, #tpu.memory_space<vmem>> -> memref<1x80x128xf32, #tpu.memory_space<vmem>>
        %dma_start3A_75 = tpu.memref_squeeze %dma_start3A_74 : memref<1x80x128xf32, #tpu.memory_space<vmem>> -> memref<80x128xf32, #tpu.memory_space<vmem>>
        %dma_start3A_76 = arith.constant 0 : i32
        %dma_start3A_77 = tpu.memref_slice %arg8[%mul3A_34, %dma_start3A_76] : memref<250x80xi32, #tpu.memory_space<vmem>> -> memref<1x80xi32, #tpu.memory_space<vmem>>
        %dma_start3A_78 = tpu.memref_squeeze %dma_start3A_77 : memref<1x80xi32, #tpu.memory_space<vmem>> -> memref<80xi32, #tpu.memory_space<vmem>>
        %dma_start3A_79 = arith.constant 0 : i32
        %dma_start3A_80 = arith.constant 0 : i32
        %dma_start3A_81 = tpu.memref_slice %arg10[%dma_start3A_79, %dma_start3A_80] : memref<5120x128xf32, #tpu.memory_space<vmem_shared>> -> memref<5120x128xf32, #tpu.memory_space<vmem_shared>>
        tpu.enqueue_indirect_dma source(%dma_start3A_75 : memref<80x128xf32, #tpu.memory_space<vmem>>) target(%dma_start3A_81 : memref<5120x128xf32, #tpu.memory_space<vmem_shared>>) offsets(%dma_start3A_78 : memref<80xi32, #tpu.memory_space<vmem>>) semaphore(%run_scoped3A_71 : memref<!tpu.dma_semaphore, #tpu.memory_space<semaphore_mem>>) {add = true}
        %dma_wait3A_82 = arith.constant 0 : i32
        %dma_wait3A_83 = arith.constant 0 : i32
        %dma_wait3A_84 = tpu.memref_slice %arg9[%run_scoped3A, %dma_wait3A_82, %dma_wait3A_83] : memref<2x80x128xf32, #tpu.memory_space<vmem>> -> memref<1x80x128xf32, #tpu.memory_space<vmem>>
        %dma_wait3A_85 = tpu.memref_squeeze %dma_wait3A_84 : memref<1x80x128xf32, #tpu.memory_space<vmem>> -> memref<80x128xf32, #tpu.memory_space<vmem>>
        %dma_wait3A_86 = arith.constant 0 : i32
        %dma_wait3A_87 = tpu.memref_slice %arg8[%mul3A_34, %dma_wait3A_86] : memref<250x80xi32, #tpu.memory_space<vmem>> -> memref<1x80xi32, #tpu.memory_space<vmem>>
        %dma_wait3A_88 = tpu.memref_squeeze %dma_wait3A_87 : memref<1x80xi32, #tpu.memory_space<vmem>> -> memref<80xi32, #tpu.memory_space<vmem>>
        %dma_wait3A_89 = arith.constant 0 : i32
        %dma_wait3A_90 = arith.constant 0 : i32
        %dma_wait3A_91 = tpu.memref_slice %arg10[%dma_wait3A_89, %dma_wait3A_90] : memref<5120x128xf32, #tpu.memory_space<vmem_shared>> -> memref<5120x128xf32, #tpu.memory_space<vmem_shared>>
        tpu.wait_indirect_dma semaphore(%run_scoped3A_71 : memref<!tpu.dma_semaphore, #tpu.memory_space<semaphore_mem>>) src(%dma_wait3A_85 : memref<80x128xf32, #tpu.memory_space<vmem>>) dst(%dma_wait3A_91 : memref<5120x128xf32, #tpu.memory_space<vmem_shared>>)
        tpu.yield
      }) : () -> ()
      %mul3A_48 = arith.constant 2 : i32
      %mul3A_49 = arith.muli %scan3A_32, %mul3A_48 : i32
      %add3A_50 = arith.constant 1 : i32
      %add3A_51 = arith.addi %mul3A_49, %add3A_50 : i32
      %dma_wait3A_52 = arith.constant 1 : i32
      %dma_wait3A_53 = arith.constant 0 : i32
      %dma_wait3A_54 = arith.constant 0 : i32
      %dma_wait3A_55 = tpu.memref_slice %arg9[%dma_wait3A_52, %dma_wait3A_53, %dma_wait3A_54] : memref<2x80x128xf32, #tpu.memory_space<vmem>> -> memref<1x80x128xf32, #tpu.memory_space<vmem>>
      %dma_wait3A_56 = tpu.memref_squeeze %dma_wait3A_55 : memref<1x80x128xf32, #tpu.memory_space<vmem>> -> memref<80x128xf32, #tpu.memory_space<vmem>>
      %dma_wait3A_57 = arith.constant 0 : i32
      %dma_wait3A_58 = tpu.memref_slice %arg7[%add3A_51, %dma_wait3A_57] : memref<250x80xi32, #tpu.memory_space<vmem>> -> memref<1x80xi32, #tpu.memory_space<vmem>>
      %dma_wait3A_59 = tpu.memref_squeeze %dma_wait3A_58 : memref<1x80xi32, #tpu.memory_space<vmem>> -> memref<80xi32, #tpu.memory_space<vmem>>
      %dma_wait3A_60 = arith.constant 0 : i32
      %dma_wait3A_61 = arith.constant 0 : i32
      %dma_wait3A_62 = tpu.memref_slice %arg2[%dma_wait3A_60, %dma_wait3A_61] : memref<10000x128xf32, #tpu.memory_space<hbm>> -> memref<10000x128xf32, #tpu.memory_space<hbm>>
      tpu.wait_indirect_dma semaphore(%arg11 : memref<!tpu.dma_semaphore, #tpu.memory_space<semaphore_mem>>) src(%dma_wait3A_62 : memref<10000x128xf32, #tpu.memory_space<hbm>>) dst(%dma_wait3A_56 : memref<80x128xf32, #tpu.memory_space<vmem>>)
      %add3A_63 = arith.constant 1 : i32
      %add3A_64 = arith.addi %add3A_51, %add3A_63 : i32
      %lt3A_65 = arith.constant 250 : i32
      %lt3A_66 = arith.cmpi slt, %add3A_64, %lt3A_65 : i32
      %convert_element_type3A_67 = arith.extui %lt3A_66 : i1 to i32
      %cond3A_68 = arith.constant 0 : i32
      %cond3A_69 = arith.cmpi ne, %convert_element_type3A_67, %cond3A_68 : i32
      scf.if %cond3A_69 {
        %add3A_71 = arith.constant 1 : i32
        %add3A_72 = arith.addi %add3A_51, %add3A_71 : i32
        %dma_start3A_73 = arith.constant 0 : i32
        %dma_start3A_74 = arith.constant 0 : i32
        %dma_start3A_75 = arith.constant 0 : i32
        %dma_start3A_76 = tpu.memref_slice %arg9[%dma_start3A_73, %dma_start3A_74, %dma_start3A_75] : memref<2x80x128xf32, #tpu.memory_space<vmem>> -> memref<1x80x128xf32, #tpu.memory_space<vmem>>
        %dma_start3A_77 = tpu.memref_squeeze %dma_start3A_76 : memref<1x80x128xf32, #tpu.memory_space<vmem>> -> memref<80x128xf32, #tpu.memory_space<vmem>>
        %dma_start3A_78 = arith.constant 0 : i32
        %dma_start3A_79 = tpu.memref_slice %arg7[%add3A_72, %dma_start3A_78] : memref<250x80xi32, #tpu.memory_space<vmem>> -> memref<1x80xi32, #tpu.memory_space<vmem>>
        %dma_start3A_80 = tpu.memref_squeeze %dma_start3A_79 : memref<1x80xi32, #tpu.memory_space<vmem>> -> memref<80xi32, #tpu.memory_space<vmem>>
        %dma_start3A_81 = arith.constant 0 : i32
        %dma_start3A_82 = arith.constant 0 : i32
        %dma_start3A_83 = tpu.memref_slice %arg2[%dma_start3A_81, %dma_start3A_82] : memref<10000x128xf32, #tpu.memory_space<hbm>> -> memref<10000x128xf32, #tpu.memory_space<hbm>>
        tpu.enqueue_indirect_dma source(%dma_start3A_83 : memref<10000x128xf32, #tpu.memory_space<hbm>>) target(%dma_start3A_77 : memref<80x128xf32, #tpu.memory_space<vmem>>) offsets(%dma_start3A_80 : memref<80xi32, #tpu.memory_space<vmem>>) semaphore(%arg11 : memref<!tpu.dma_semaphore, #tpu.memory_space<semaphore_mem>>)
      } else {
      }
      %run_scoped3A_70 = arith.constant 1 : i32
      "tpu.region"() ({
        %run_scoped3A_71 = tpu.sem_alloc : memref<!tpu.dma_semaphore, #tpu.memory_space<semaphore_mem>>
        %dma_start3A_72 = arith.constant 0 : i32
        %dma_start3A_73 = arith.constant 0 : i32
        %dma_start3A_74 = tpu.memref_slice %arg9[%run_scoped3A_70, %dma_start3A_72, %dma_start3A_73] : memref<2x80x128xf32, #tpu.memory_space<vmem>> -> memref<1x80x128xf32, #tpu.memory_space<vmem>>
        %dma_start3A_75 = tpu.memref_squeeze %dma_start3A_74 : memref<1x80x128xf32, #tpu.memory_space<vmem>> -> memref<80x128xf32, #tpu.memory_space<vmem>>
        %dma_start3A_76 = arith.constant 0 : i32
        %dma_start3A_77 = tpu.memref_slice %arg8[%add3A_51, %dma_start3A_76] : memref<250x80xi32, #tpu.memory_space<vmem>> -> memref<1x80xi32, #tpu.memory_space<vmem>>
        %dma_start3A_78 = tpu.memref_squeeze %dma_start3A_77 : memref<1x80xi32, #tpu.memory_space<vmem>> -> memref<80xi32, #tpu.memory_space<vmem>>
        %dma_start3A_79 = arith.constant 0 : i32
        %dma_start3A_80 = arith.constant 0 : i32
        %dma_start3A_81 = tpu.memref_slice %arg10[%dma_start3A_79, %dma_start3A_80] : memref<5120x128xf32, #tpu.memory_space<vmem_shared>> -> memref<5120x128xf32, #tpu.memory_space<vmem_shared>>
        tpu.enqueue_indirect_dma source(%dma_start3A_75 : memref<80x128xf32, #tpu.memory_space<vmem>>) target(%dma_start3A_81 : memref<5120x128xf32, #tpu.memory_space<vmem_shared>>) offsets(%dma_start3A_78 : memref<80xi32, #tpu.memory_space<vmem>>) semaphore(%run_scoped3A_71 : memref<!tpu.dma_semaphore, #tpu.memory_space<semaphore_mem>>) {add = true}
        %dma_wait3A_82 = arith.constant 0 : i32
        %dma_wait3A_83 = arith.constant 0 : i32
        %dma_wait3A_84 = tpu.memref_slice %arg9[%run_scoped3A_70, %dma_wait3A_82, %dma_wait3A_83] : memref<2x80x128xf32, #tpu.memory_space<vmem>> -> memref<1x80x128xf32, #tpu.memory_space<vmem>>
        %dma_wait3A_85 = tpu.memref_squeeze %dma_wait3A_84 : memref<1x80x128xf32, #tpu.memory_space<vmem>> -> memref<80x128xf32, #tpu.memory_space<vmem>>
        %dma_wait3A_86 = arith.constant 0 : i32
        %dma_wait3A_87 = tpu.memref_slice %arg8[%add3A_51, %dma_wait3A_86] : memref<250x80xi32, #tpu.memory_space<vmem>> -> memref<1x80xi32, #tpu.memory_space<vmem>>
        %dma_wait3A_88 = tpu.memref_squeeze %dma_wait3A_87 : memref<1x80xi32, #tpu.memory_space<vmem>> -> memref<80xi32, #tpu.memory_space<vmem>>
        %dma_wait3A_89 = arith.constant 0 : i32
        %dma_wait3A_90 = arith.constant 0 : i32
        %dma_wait3A_91 = tpu.memref_slice %arg10[%dma_wait3A_89, %dma_wait3A_90] : memref<5120x128xf32, #tpu.memory_space<vmem_shared>> -> memref<5120x128xf32, #tpu.memory_space<vmem_shared>>
        tpu.wait_indirect_dma semaphore(%run_scoped3A_71 : memref<!tpu.dma_semaphore, #tpu.memory_space<semaphore_mem>>) src(%dma_wait3A_85 : memref<80x128xf32, #tpu.memory_space<vmem>>) dst(%dma_wait3A_91 : memref<5120x128xf32, #tpu.memory_space<vmem_shared>>)
        tpu.yield
      }) : () -> ()
    }
    %scan3A_26 = arith.constant 125 : i32
    %barrier3A_27 = arith.constant 0 : index
    tpu.barrier barrier_id(%barrier3A_27)
    %mul3A_28 = arith.constant 320 : i32
    %mul3A_29 = arith.muli %arg1, %mul3A_28 : i32
    %mul3A_30 = arith.constant 320 : i32
    %mul3A_31 = arith.muli %arg1, %mul3A_30 : i32
    "tpu.region"() ({
      %run_scoped3A = tpu.sem_alloc : memref<!tpu.dma_semaphore, #tpu.memory_space<semaphore_mem>>
      %dma_start3A_32 = arith.constant 0 : i32
      %dma_start3A_33 = tpu.memref_slice %arg6[%arg0, %mul3A_31, %dma_start3A_32] : memref<2x5120x128xf32, #tpu.memory_space<hbm>> -> memref<1x320x128xf32, #tpu.memory_space<hbm>>
      %dma_start3A_34 = tpu.memref_squeeze %dma_start3A_33 : memref<1x320x128xf32, #tpu.memory_space<hbm>> -> memref<320x128xf32, #tpu.memory_space<hbm>>
      %dma_start3A_35 = arith.constant 0 : i32
      %dma_start3A_36 = tpu.memref_slice %arg10[%mul3A_29, %dma_start3A_35] : memref<5120x128xf32, #tpu.memory_space<vmem_shared>> -> memref<320x128xf32, #tpu.memory_space<vmem_shared>>
      tpu.enqueue_dma source(%dma_start3A_36 : memref<320x128xf32, #tpu.memory_space<vmem_shared>>) target(%dma_start3A_34 : memref<320x128xf32, #tpu.memory_space<hbm>>) target_semaphore(%run_scoped3A : memref<!tpu.dma_semaphore, #tpu.memory_space<semaphore_mem>>)
      %dma_wait3A = arith.constant 0 : i32
      %dma_wait3A_37 = tpu.memref_slice %arg6[%arg0, %mul3A_31, %dma_wait3A] : memref<2x5120x128xf32, #tpu.memory_space<hbm>> -> memref<1x320x128xf32, #tpu.memory_space<hbm>>
      %dma_wait3A_38 = tpu.memref_squeeze %dma_wait3A_37 : memref<1x320x128xf32, #tpu.memory_space<hbm>> -> memref<320x128xf32, #tpu.memory_space<hbm>>
      %dma_wait3A_39 = arith.constant 0 : i32
      %dma_wait3A_40 = tpu.memref_slice %arg10[%mul3A_29, %dma_wait3A_39] : memref<5120x128xf32, #tpu.memory_space<vmem_shared>> -> memref<320x128xf32, #tpu.memory_space<vmem_shared>>
      tpu.wait_dma2 semaphore(%run_scoped3A : memref<!tpu.dma_semaphore, #tpu.memory_space<semaphore_mem>>) src(%dma_wait3A_40 : memref<320x128xf32, #tpu.memory_space<vmem_shared>>) dst(%dma_wait3A_38 : memref<320x128xf32, #tpu.memory_space<hbm>>)
      tpu.yield
    }) : () -> ()
    return
  }
}

#map = affine_map<(d0, d1) -> (0, 0)>
#map1 = affine_map<(d0, d1) -> (0, 0, 0)>
module attributes {stable_mosaic.version = 14 : i64} {
  func.func @agg(%arg0: i32, %arg1: i32, %arg2: memref<10000x128xf32, #tpu.memory_space<hbm>>, %arg3: memref<16x250x80xi32, #tpu.memory_space<hbm>>, %arg4: memref<16x250x80xi32, #tpu.memory_space<hbm>>, %arg5: memref<5120x128xf32, #tpu.memory_space<hbm>>, %arg6: memref<2x5120x128xf32, #tpu.memory_space<hbm>>, %arg7: memref<250x80xi32, #tpu.memory_space<vmem>>, %arg8: memref<250x80xi32, #tpu.memory_space<vmem>>, %arg9: memref<2x80x128xf32, #tpu.memory_space<vmem>>, %arg10: memref<5120x128xf32, #tpu.memory_space<vmem_shared>>, %arg11: memref<!tpu.dma_semaphore, #tpu.memory_space<semaphore_mem>>) attributes {dimension_semantics = [#tpu.dimension_semantics<core_parallel>, #tpu.dimension_semantics<subcore_parallel>], iteration_bounds = array<i64: 2, 16>, scalar_prefetch = 0 : i64, scratch_operands = 5 : i64, tpu.core_type = #tpu.core_type<sc_vector_subcore>, window_params = [{transform_indices = #map}, {transform_indices = #map1}, {transform_indices = #map1}, {transform_indices = #map}, {transform_indices = #map1}]} {
    %mul3A = arith.constant 320 : i32
    %mul3A_0 = arith.muli %arg1, %mul3A : i32
    %mul3A_1 = arith.constant 320 : i32
    %mul3A_2 = arith.muli %arg1, %mul3A_1 : i32
    "tpu.region"() ({
      %run_scoped3A = tpu.sem_alloc : memref<!tpu.dma_semaphore, #tpu.memory_space<semaphore_mem>>
      %dma_start3A_32 = arith.constant 0 : i32
      %dma_start3A_33 = tpu.memref_slice %arg10[%mul3A_2, %dma_start3A_32] : memref<5120x128xf32, #tpu.memory_space<vmem_shared>> -> memref<320x128xf32, #tpu.memory_space<vmem_shared>>
      %dma_start3A_34 = arith.constant 0 : i32
      %dma_start3A_35 = tpu.memref_slice %arg5[%mul3A_0, %dma_start3A_34] : memref<5120x128xf32, #tpu.memory_space<hbm>> -> memref<320x128xf32, #tpu.memory_space<hbm>>
      tpu.enqueue_dma source(%dma_start3A_35 : memref<320x128xf32, #tpu.memory_space<hbm>>) target(%dma_start3A_33 : memref<320x128xf32, #tpu.memory_space<vmem_shared>>) target_semaphore(%run_scoped3A : memref<!tpu.dma_semaphore, #tpu.memory_space<semaphore_mem>>)
      %dma_wait3A = arith.constant 0 : i32
      %dma_wait3A_36 = tpu.memref_slice %arg10[%mul3A_2, %dma_wait3A] : memref<5120x128xf32, #tpu.memory_space<vmem_shared>> -> memref<320x128xf32, #tpu.memory_space<vmem_shared>>
      %dma_wait3A_37 = arith.constant 0 : i32
      %dma_wait3A_38 = tpu.memref_slice %arg5[%mul3A_0, %dma_wait3A_37] : memref<5120x128xf32, #tpu.memory_space<hbm>> -> memref<320x128xf32, #tpu.memory_space<hbm>>
      tpu.wait_dma2 semaphore(%run_scoped3A : memref<!tpu.dma_semaphore, #tpu.memory_space<semaphore_mem>>) src(%dma_wait3A_38 : memref<320x128xf32, #tpu.memory_space<hbm>>) dst(%dma_wait3A_36 : memref<320x128xf32, #tpu.memory_space<vmem_shared>>)
      tpu.yield
    }) : () -> ()
    "tpu.region"() ({
      %run_scoped3A = tpu.sem_alloc : memref<!tpu.dma_semaphore, #tpu.memory_space<semaphore_mem>>
      %dma_start3A_32 = arith.constant 0 : i32
      %dma_start3A_33 = arith.constant 0 : i32
      %dma_start3A_34 = tpu.memref_slice %arg3[%arg1, %dma_start3A_32, %dma_start3A_33] : memref<16x250x80xi32, #tpu.memory_space<hbm>> -> memref<1x250x80xi32, #tpu.memory_space<hbm>>
      %dma_start3A_35 = tpu.memref_squeeze %dma_start3A_34 : memref<1x250x80xi32, #tpu.memory_space<hbm>> -> memref<250x80xi32, #tpu.memory_space<hbm>>
      %dma_start3A_36 = arith.constant 0 : i32
      %dma_start3A_37 = arith.constant 0 : i32
      %dma_start3A_38 = tpu.memref_slice %arg3[%arg1, %dma_start3A_36, %dma_start3A_37] : memref<16x250x80xi32, #tpu.memory_space<hbm>> -> memref<1x250x80xi32, #tpu.memory_space<hbm>>
      %dma_start3A_39 = tpu.memref_squeeze %dma_start3A_38 : memref<1x250x80xi32, #tpu.memory_space<hbm>> -> memref<250x80xi32, #tpu.memory_space<hbm>>
      tpu.enqueue_dma source(%dma_start3A_39 : memref<250x80xi32, #tpu.memory_space<hbm>>) target(%arg7 : memref<250x80xi32, #tpu.memory_space<vmem>>) target_semaphore(%run_scoped3A : memref<!tpu.dma_semaphore, #tpu.memory_space<semaphore_mem>>)
      %dma_wait3A = arith.constant 0 : i32
      %dma_wait3A_40 = arith.constant 0 : i32
      %dma_wait3A_41 = tpu.memref_slice %arg3[%arg1, %dma_wait3A, %dma_wait3A_40] : memref<16x250x80xi32, #tpu.memory_space<hbm>> -> memref<1x250x80xi32, #tpu.memory_space<hbm>>
      %dma_wait3A_42 = tpu.memref_squeeze %dma_wait3A_41 : memref<1x250x80xi32, #tpu.memory_space<hbm>> -> memref<250x80xi32, #tpu.memory_space<hbm>>
      %dma_wait3A_43 = arith.constant 0 : i32
      %dma_wait3A_44 = arith.constant 0 : i32
      %dma_wait3A_45 = tpu.memref_slice %arg3[%arg1, %dma_wait3A_43, %dma_wait3A_44] : memref<16x250x80xi32, #tpu.memory_space<hbm>> -> memref<1x250x80xi32, #tpu.memory_space<hbm>>
      %dma_wait3A_46 = tpu.memref_squeeze %dma_wait3A_45 : memref<1x250x80xi32, #tpu.memory_space<hbm>> -> memref<250x80xi32, #tpu.memory_space<hbm>>
      tpu.wait_dma2 semaphore(%run_scoped3A : memref<!tpu.dma_semaphore, #tpu.memory_space<semaphore_mem>>) src(%dma_wait3A_46 : memref<250x80xi32, #tpu.memory_space<hbm>>) dst(%arg7 : memref<250x80xi32, #tpu.memory_space<vmem>>)
      tpu.yield
    }) : () -> ()
    "tpu.region"() ({
      %run_scoped3A = tpu.sem_alloc : memref<!tpu.dma_semaphore, #tpu.memory_space<semaphore_mem>>
      %dma_start3A_32 = arith.constant 0 : i32
      %dma_start3A_33 = arith.constant 0 : i32
      %dma_start3A_34 = tpu.memref_slice %arg4[%arg1, %dma_start3A_32, %dma_start3A_33] : memref<16x250x80xi32, #tpu.memory_space<hbm>> -> memref<1x250x80xi32, #tpu.memory_space<hbm>>
      %dma_start3A_35 = tpu.memref_squeeze %dma_start3A_34 : memref<1x250x80xi32, #tpu.memory_space<hbm>> -> memref<250x80xi32, #tpu.memory_space<hbm>>
      %dma_start3A_36 = arith.constant 0 : i32
      %dma_start3A_37 = arith.constant 0 : i32
      %dma_start3A_38 = tpu.memref_slice %arg4[%arg1, %dma_start3A_36, %dma_start3A_37] : memref<16x250x80xi32, #tpu.memory_space<hbm>> -> memref<1x250x80xi32, #tpu.memory_space<hbm>>
      %dma_start3A_39 = tpu.memref_squeeze %dma_start3A_38 : memref<1x250x80xi32, #tpu.memory_space<hbm>> -> memref<250x80xi32, #tpu.memory_space<hbm>>
      tpu.enqueue_dma source(%dma_start3A_39 : memref<250x80xi32, #tpu.memory_space<hbm>>) target(%arg8 : memref<250x80xi32, #tpu.memory_space<vmem>>) target_semaphore(%run_scoped3A : memref<!tpu.dma_semaphore, #tpu.memory_space<semaphore_mem>>)
      %dma_wait3A = arith.constant 0 : i32
      %dma_wait3A_40 = arith.constant 0 : i32
      %dma_wait3A_41 = tpu.memref_slice %arg4[%arg1, %dma_wait3A, %dma_wait3A_40] : memref<16x250x80xi32, #tpu.memory_space<hbm>> -> memref<1x250x80xi32, #tpu.memory_space<hbm>>
      %dma_wait3A_42 = tpu.memref_squeeze %dma_wait3A_41 : memref<1x250x80xi32, #tpu.memory_space<hbm>> -> memref<250x80xi32, #tpu.memory_space<hbm>>
      %dma_wait3A_43 = arith.constant 0 : i32
      %dma_wait3A_44 = arith.constant 0 : i32
      %dma_wait3A_45 = tpu.memref_slice %arg4[%arg1, %dma_wait3A_43, %dma_wait3A_44] : memref<16x250x80xi32, #tpu.memory_space<hbm>> -> memref<1x250x80xi32, #tpu.memory_space<hbm>>
      %dma_wait3A_46 = tpu.memref_squeeze %dma_wait3A_45 : memref<1x250x80xi32, #tpu.memory_space<hbm>> -> memref<250x80xi32, #tpu.memory_space<hbm>>
      tpu.wait_dma2 semaphore(%run_scoped3A : memref<!tpu.dma_semaphore, #tpu.memory_space<semaphore_mem>>) src(%dma_wait3A_46 : memref<250x80xi32, #tpu.memory_space<hbm>>) dst(%arg8 : memref<250x80xi32, #tpu.memory_space<vmem>>)
      tpu.yield
    }) : () -> ()
    %mul3A_3 = arith.constant 5000 : i32
    %mul3A_4 = arith.muli %arg0, %mul3A_3 : i32
    %scan3A = arith.constant 0 : i32
    %scan3A_5 = arith.constant 0 : i32
    %scan3A_6 = arith.constant 250 : i32
    %scan3A_7 = arith.addi %scan3A_5, %scan3A_6 : i32
    %scan3A_8 = arith.constant 1 : i32
    scf.for %scan3A_32 = %scan3A_5 to %scan3A_7 step %scan3A_8  : i32 {
      %get3A = arith.index_cast %scan3A_32 : i32 to index
      %get3A_33 = arith.constant 0 : index
      %get3A_34 = tpu.vector_load %arg8[%get3A, %get3A_33] {strides = array<i32>} : memref<250x80xi32, #tpu.memory_space<vmem>>, vector<1x16xi32>,
      %get3A_35 = vector.shape_cast %get3A_34 : vector<1x16xi32> to vector<16xi32>
      %sub3A = vector.broadcast %mul3A_4 : i32 to vector<16xi32>
      %sub3A_36 = arith.subi %get3A_35, %sub3A : vector<16xi32>
      %ge3A = arith.constant 0 : i32
      %ge3A_37 = vector.broadcast %ge3A : i32 to vector<16xi32>
      %ge3A_38 = arith.cmpi sge, %sub3A_36, %ge3A_37 : vector<16xi32>
      %lt3A = arith.constant 5000 : i32
      %lt3A_39 = vector.broadcast %lt3A : i32 to vector<16xi32>
      %lt3A_40 = arith.cmpi slt, %sub3A_36, %lt3A_39 : vector<16xi32>
      %and3A = arith.andi %ge3A_38, %lt3A_40 : vector<16xi1>
      %and3A_41 = arith.constant 63 : i32
      %and3A_42 = vector.broadcast %and3A_41 : i32 to vector<16xi32>
      %and3A_43 = arith.andi %get3A_35, %and3A_42 : vector<16xi32>
      %add3A = arith.constant 5000 : i32
      %add3A_44 = vector.broadcast %add3A : i32 to vector<16xi32>
      %add3A_45 = arith.addi %add3A_44, %and3A_43 : vector<16xi32>
      %select_n3A = arith.select %and3A, %sub3A_36, %add3A_45 : vector<16xi1>, vector<16xi32>
      %swap3A = arith.index_cast %scan3A_32 : i32 to index
      %swap3A_46 = arith.constant 0 : index
      %swap3A_47 = tpu.vector_load %arg8[%swap3A, %swap3A_46] {strides = array<i32>} : memref<250x80xi32, #tpu.memory_space<vmem>>, vector<1x16xi32>,
      %swap3A_48 = vector.shape_cast %swap3A_47 : vector<1x16xi32> to vector<16xi32>
      %swap3A_49 = vector.shape_cast %select_n3A : vector<16xi32> to vector<1x16xi32>
      tpu.vector_store %arg8[%swap3A, %swap3A_46], %swap3A_49 {strides = array<i32>} : memref<250x80xi32, #tpu.memory_space<vmem>>, vector<1x16xi32>,
      %get3A_50 = arith.index_cast %scan3A_32 : i32 to index
      %get3A_51 = arith.constant 16 : index
      %get3A_52 = tpu.vector_load %arg8[%get3A_50, %get3A_51] {strides = array<i32>} : memref<250x80xi32, #tpu.memory_space<vmem>>, vector<1x16xi32>,
      %get3A_53 = vector.shape_cast %get3A_52 : vector<1x16xi32> to vector<16xi32>
      %sub3A_54 = vector.broadcast %mul3A_4 : i32 to vector<16xi32>
      %sub3A_55 = arith.subi %get3A_53, %sub3A_54 : vector<16xi32>
      %ge3A_56 = arith.constant 0 : i32
      %ge3A_57 = vector.broadcast %ge3A_56 : i32 to vector<16xi32>
      %ge3A_58 = arith.cmpi sge, %sub3A_55, %ge3A_57 : vector<16xi32>
      %lt3A_59 = arith.constant 5000 : i32
      %lt3A_60 = vector.broadcast %lt3A_59 : i32 to vector<16xi32>
      %lt3A_61 = arith.cmpi slt, %sub3A_55, %lt3A_60 : vector<16xi32>
      %and3A_62 = arith.andi %ge3A_58, %lt3A_61 : vector<16xi1>
      %and3A_63 = arith.constant 63 : i32
      %and3A_64 = vector.broadcast %and3A_63 : i32 to vector<16xi32>
      %and3A_65 = arith.andi %get3A_53, %and3A_64 : vector<16xi32>
      %add3A_66 = arith.constant 5000 : i32
      %add3A_67 = vector.broadcast %add3A_66 : i32 to vector<16xi32>
      %add3A_68 = arith.addi %add3A_67, %and3A_65 : vector<16xi32>
      %select_n3A_69 = arith.select %and3A_62, %sub3A_55, %add3A_68 : vector<16xi1>, vector<16xi32>
      %swap3A_70 = arith.index_cast %scan3A_32 : i32 to index
      %swap3A_71 = arith.constant 16 : index
      %swap3A_72 = tpu.vector_load %arg8[%swap3A_70, %swap3A_71] {strides = array<i32>} : memref<250x80xi32, #tpu.memory_space<vmem>>, vector<1x16xi32>,
      %swap3A_73 = vector.shape_cast %swap3A_72 : vector<1x16xi32> to vector<16xi32>
      %swap3A_74 = vector.shape_cast %select_n3A_69 : vector<16xi32> to vector<1x16xi32>
      tpu.vector_store %arg8[%swap3A_70, %swap3A_71], %swap3A_74 {strides = array<i32>} : memref<250x80xi32, #tpu.memory_space<vmem>>, vector<1x16xi32>,
      %get3A_75 = arith.index_cast %scan3A_32 : i32 to index
      %get3A_76 = arith.constant 32 : index
      %get3A_77 = tpu.vector_load %arg8[%get3A_75, %get3A_76] {strides = array<i32>} : memref<250x80xi32, #tpu.memory_space<vmem>>, vector<1x16xi32>,
      %get3A_78 = vector.shape_cast %get3A_77 : vector<1x16xi32> to vector<16xi32>
      %sub3A_79 = vector.broadcast %mul3A_4 : i32 to vector<16xi32>
      %sub3A_80 = arith.subi %get3A_78, %sub3A_79 : vector<16xi32>
      %ge3A_81 = arith.constant 0 : i32
      %ge3A_82 = vector.broadcast %ge3A_81 : i32 to vector<16xi32>
      %ge3A_83 = arith.cmpi sge, %sub3A_80, %ge3A_82 : vector<16xi32>
      %lt3A_84 = arith.constant 5000 : i32
      %lt3A_85 = vector.broadcast %lt3A_84 : i32 to vector<16xi32>
      %lt3A_86 = arith.cmpi slt, %sub3A_80, %lt3A_85 : vector<16xi32>
      %and3A_87 = arith.andi %ge3A_83, %lt3A_86 : vector<16xi1>
      %and3A_88 = arith.constant 63 : i32
      %and3A_89 = vector.broadcast %and3A_88 : i32 to vector<16xi32>
      %and3A_90 = arith.andi %get3A_78, %and3A_89 : vector<16xi32>
      %add3A_91 = arith.constant 5000 : i32
      %add3A_92 = vector.broadcast %add3A_91 : i32 to vector<16xi32>
      %add3A_93 = arith.addi %add3A_92, %and3A_90 : vector<16xi32>
      %select_n3A_94 = arith.select %and3A_87, %sub3A_80, %add3A_93 : vector<16xi1>, vector<16xi32>
      %swap3A_95 = arith.index_cast %scan3A_32 : i32 to index
      %swap3A_96 = arith.constant 32 : index
      %swap3A_97 = tpu.vector_load %arg8[%swap3A_95, %swap3A_96] {strides = array<i32>} : memref<250x80xi32, #tpu.memory_space<vmem>>, vector<1x16xi32>,
      %swap3A_98 = vector.shape_cast %swap3A_97 : vector<1x16xi32> to vector<16xi32>
      %swap3A_99 = vector.shape_cast %select_n3A_94 : vector<16xi32> to vector<1x16xi32>
      tpu.vector_store %arg8[%swap3A_95, %swap3A_96], %swap3A_99 {strides = array<i32>} : memref<250x80xi32, #tpu.memory_space<vmem>>, vector<1x16xi32>,
      %get3A_100 = arith.index_cast %scan3A_32 : i32 to index
      %get3A_101 = arith.constant 48 : index
      %get3A_102 = tpu.vector_load %arg8[%get3A_100, %get3A_101] {strides = array<i32>} : memref<250x80xi32, #tpu.memory_space<vmem>>, vector<1x16xi32>,
      %get3A_103 = vector.shape_cast %get3A_102 : vector<1x16xi32> to vector<16xi32>
      %sub3A_104 = vector.broadcast %mul3A_4 : i32 to vector<16xi32>
      %sub3A_105 = arith.subi %get3A_103, %sub3A_104 : vector<16xi32>
      %ge3A_106 = arith.constant 0 : i32
      %ge3A_107 = vector.broadcast %ge3A_106 : i32 to vector<16xi32>
      %ge3A_108 = arith.cmpi sge, %sub3A_105, %ge3A_107 : vector<16xi32>
      %lt3A_109 = arith.constant 5000 : i32
      %lt3A_110 = vector.broadcast %lt3A_109 : i32 to vector<16xi32>
      %lt3A_111 = arith.cmpi slt, %sub3A_105, %lt3A_110 : vector<16xi32>
      %and3A_112 = arith.andi %ge3A_108, %lt3A_111 : vector<16xi1>
      %and3A_113 = arith.constant 63 : i32
      %and3A_114 = vector.broadcast %and3A_113 : i32 to vector<16xi32>
      %and3A_115 = arith.andi %get3A_103, %and3A_114 : vector<16xi32>
      %add3A_116 = arith.constant 5000 : i32
      %add3A_117 = vector.broadcast %add3A_116 : i32 to vector<16xi32>
      %add3A_118 = arith.addi %add3A_117, %and3A_115 : vector<16xi32>
      %select_n3A_119 = arith.select %and3A_112, %sub3A_105, %add3A_118 : vector<16xi1>, vector<16xi32>
      %swap3A_120 = arith.index_cast %scan3A_32 : i32 to index
      %swap3A_121 = arith.constant 48 : index
      %swap3A_122 = tpu.vector_load %arg8[%swap3A_120, %swap3A_121] {strides = array<i32>} : memref<250x80xi32, #tpu.memory_space<vmem>>, vector<1x16xi32>,
      %swap3A_123 = vector.shape_cast %swap3A_122 : vector<1x16xi32> to vector<16xi32>
      %swap3A_124 = vector.shape_cast %select_n3A_119 : vector<16xi32> to vector<1x16xi32>
      tpu.vector_store %arg8[%swap3A_120, %swap3A_121], %swap3A_124 {strides = array<i32>} : memref<250x80xi32, #tpu.memory_space<vmem>>, vector<1x16xi32>,
      %get3A_125 = arith.index_cast %scan3A_32 : i32 to index
      %get3A_126 = arith.constant 64 : index
      %get3A_127 = tpu.vector_load %arg8[%get3A_125, %get3A_126] {strides = array<i32>} : memref<250x80xi32, #tpu.memory_space<vmem>>, vector<1x16xi32>,
      %get3A_128 = vector.shape_cast %get3A_127 : vector<1x16xi32> to vector<16xi32>
      %sub3A_129 = vector.broadcast %mul3A_4 : i32 to vector<16xi32>
      %sub3A_130 = arith.subi %get3A_128, %sub3A_129 : vector<16xi32>
      %ge3A_131 = arith.constant 0 : i32
      %ge3A_132 = vector.broadcast %ge3A_131 : i32 to vector<16xi32>
      %ge3A_133 = arith.cmpi sge, %sub3A_130, %ge3A_132 : vector<16xi32>
      %lt3A_134 = arith.constant 5000 : i32
      %lt3A_135 = vector.broadcast %lt3A_134 : i32 to vector<16xi32>
      %lt3A_136 = arith.cmpi slt, %sub3A_130, %lt3A_135 : vector<16xi32>
      %and3A_137 = arith.andi %ge3A_133, %lt3A_136 : vector<16xi1>
      %and3A_138 = arith.constant 63 : i32
      %and3A_139 = vector.broadcast %and3A_138 : i32 to vector<16xi32>
      %and3A_140 = arith.andi %get3A_128, %and3A_139 : vector<16xi32>
      %add3A_141 = arith.constant 5000 : i32
      %add3A_142 = vector.broadcast %add3A_141 : i32 to vector<16xi32>
      %add3A_143 = arith.addi %add3A_142, %and3A_140 : vector<16xi32>
      %select_n3A_144 = arith.select %and3A_137, %sub3A_130, %add3A_143 : vector<16xi1>, vector<16xi32>
      %swap3A_145 = arith.index_cast %scan3A_32 : i32 to index
      %swap3A_146 = arith.constant 64 : index
      %swap3A_147 = tpu.vector_load %arg8[%swap3A_145, %swap3A_146] {strides = array<i32>} : memref<250x80xi32, #tpu.memory_space<vmem>>, vector<1x16xi32>,
      %swap3A_148 = vector.shape_cast %swap3A_147 : vector<1x16xi32> to vector<16xi32>
      %swap3A_149 = vector.shape_cast %select_n3A_144 : vector<16xi32> to vector<1x16xi32>
      tpu.vector_store %arg8[%swap3A_145, %swap3A_146], %swap3A_149 {strides = array<i32>} : memref<250x80xi32, #tpu.memory_space<vmem>>, vector<1x16xi32>,
    }
    %scan3A_9 = arith.constant 250 : i32
    %barrier3A = arith.constant 0 : index
    tpu.barrier barrier_id(%barrier3A)
    %dma_start3A = arith.constant 0 : i32
    %dma_start3A_10 = arith.constant 0 : i32
    %dma_start3A_11 = arith.constant 0 : i32
    %dma_start3A_12 = arith.constant 0 : i32
    %dma_start3A_13 = tpu.memref_slice %arg9[%dma_start3A_10, %dma_start3A_11, %dma_start3A_12] : memref<2x80x128xf32, #tpu.memory_space<vmem>> -> memref<1x80x128xf32, #tpu.memory_space<vmem>>
    %dma_start3A_14 = tpu.memref_squeeze %dma_start3A_13 : memref<1x80x128xf32, #tpu.memory_space<vmem>> -> memref<80x128xf32, #tpu.memory_space<vmem>>
    %dma_start3A_15 = arith.constant 0 : i32
    %dma_start3A_16 = tpu.memref_slice %arg7[%dma_start3A, %dma_start3A_15] : memref<250x80xi32, #tpu.memory_space<vmem>> -> memref<1x80xi32, #tpu.memory_space<vmem>>
    %dma_start3A_17 = tpu.memref_squeeze %dma_start3A_16 : memref<1x80xi32, #tpu.memory_space<vmem>> -> memref<80xi32, #tpu.memory_space<vmem>>
    %dma_start3A_18 = arith.constant 0 : i32
    %dma_start3A_19 = arith.constant 0 : i32
    %dma_start3A_20 = tpu.memref_slice %arg2[%dma_start3A_18, %dma_start3A_19] : memref<10000x128xf32, #tpu.memory_space<hbm>> -> memref<10000x128xf32, #tpu.memory_space<hbm>>
    tpu.enqueue_indirect_dma source(%dma_start3A_20 : memref<10000x128xf32, #tpu.memory_space<hbm>>) target(%dma_start3A_14 : memref<80x128xf32, #tpu.memory_space<vmem>>) offsets(%dma_start3A_17 : memref<80xi32, #tpu.memory_space<vmem>>) semaphore(%arg11 : memref<!tpu.dma_semaphore, #tpu.memory_space<semaphore_mem>>)
    %scan3A_21 = arith.constant 0 : i32
    %scan3A_22 = arith.constant 0 : i32
    %scan3A_23 = arith.constant 125 : i32
    %scan3A_24 = arith.addi %scan3A_22, %scan3A_23 : i32
    %scan3A_25 = arith.constant 1 : i32
    scf.for %scan3A_32 = %scan3A_22 to %scan3A_24 step %scan3A_25  : i32 {
      %mul3A_33 = arith.constant 2 : i32
      %mul3A_34 = arith.muli %scan3A_32, %mul3A_33 : i32
      %dma_wait3A = arith.constant 0 : i32
      %dma_wait3A_35 = arith.constant 0 : i32
      %dma_wait3A_36 = arith.constant 0 : i32
      %dma_wait3A_37 = tpu.memref_slice %arg9[%dma_wait3A, %dma_wait3A_35, %dma_wait3A_36] : memref<2x80x128xf32, #tpu.memory_space<vmem>> -> memref<1x80x128xf32, #tpu.memory_space<vmem>>
      %dma_wait3A_38 = tpu.memref_squeeze %dma_wait3A_37 : memref<1x80x128xf32, #tpu.memory_space<vmem>> -> memref<80x128xf32, #tpu.memory_space<vmem>>
      %dma_wait3A_39 = arith.constant 0 : i32
      %dma_wait3A_40 = tpu.memref_slice %arg7[%mul3A_34, %dma_wait3A_39] : memref<250x80xi32, #tpu.memory_space<vmem>> -> memref<1x80xi32, #tpu.memory_space<vmem>>
      %dma_wait3A_41 = tpu.memref_squeeze %dma_wait3A_40 : memref<1x80xi32, #tpu.memory_space<vmem>> -> memref<80xi32, #tpu.memory_space<vmem>>
      %dma_wait3A_42 = arith.constant 0 : i32
      %dma_wait3A_43 = arith.constant 0 : i32
      %dma_wait3A_44 = tpu.memref_slice %arg2[%dma_wait3A_42, %dma_wait3A_43] : memref<10000x128xf32, #tpu.memory_space<hbm>> -> memref<10000x128xf32, #tpu.memory_space<hbm>>
      tpu.wait_indirect_dma semaphore(%arg11 : memref<!tpu.dma_semaphore, #tpu.memory_space<semaphore_mem>>) src(%dma_wait3A_44 : memref<10000x128xf32, #tpu.memory_space<hbm>>) dst(%dma_wait3A_38 : memref<80x128xf32, #tpu.memory_space<vmem>>)
      %add3A = arith.constant 1 : i32
      %add3A_45 = arith.addi %mul3A_34, %add3A : i32
      %lt3A = arith.constant 250 : i32
      %lt3A_46 = arith.cmpi slt, %add3A_45, %lt3A : i32
      %convert_element_type3A = arith.extui %lt3A_46 : i1 to i32
      %cond3A = arith.constant 0 : i32
      %cond3A_47 = arith.cmpi ne, %convert_element_type3A, %cond3A : i32
      scf.if %cond3A_47 {
        %add3A_71 = arith.constant 1 : i32
        %add3A_72 = arith.addi %mul3A_34, %add3A_71 : i32
        %dma_start3A_73 = arith.constant 1 : i32
        %dma_start3A_74 = arith.constant 0 : i32
        %dma_start3A_75 = arith.constant 0 : i32
        %dma_start3A_76 = tpu.memref_slice %arg9[%dma_start3A_73, %dma_start3A_74, %dma_start3A_75] : memref<2x80x128xf32, #tpu.memory_space<vmem>> -> memref<1x80x128xf32, #tpu.memory_space<vmem>>
        %dma_start3A_77 = tpu.memref_squeeze %dma_start3A_76 : memref<1x80x128xf32, #tpu.memory_space<vmem>> -> memref<80x128xf32, #tpu.memory_space<vmem>>
        %dma_start3A_78 = arith.constant 0 : i32
        %dma_start3A_79 = tpu.memref_slice %arg7[%add3A_72, %dma_start3A_78] : memref<250x80xi32, #tpu.memory_space<vmem>> -> memref<1x80xi32, #tpu.memory_space<vmem>>
        %dma_start3A_80 = tpu.memref_squeeze %dma_start3A_79 : memref<1x80xi32, #tpu.memory_space<vmem>> -> memref<80xi32, #tpu.memory_space<vmem>>
        %dma_start3A_81 = arith.constant 0 : i32
        %dma_start3A_82 = arith.constant 0 : i32
        %dma_start3A_83 = tpu.memref_slice %arg2[%dma_start3A_81, %dma_start3A_82] : memref<10000x128xf32, #tpu.memory_space<hbm>> -> memref<10000x128xf32, #tpu.memory_space<hbm>>
        tpu.enqueue_indirect_dma source(%dma_start3A_83 : memref<10000x128xf32, #tpu.memory_space<hbm>>) target(%dma_start3A_77 : memref<80x128xf32, #tpu.memory_space<vmem>>) offsets(%dma_start3A_80 : memref<80xi32, #tpu.memory_space<vmem>>) semaphore(%arg11 : memref<!tpu.dma_semaphore, #tpu.memory_space<semaphore_mem>>)
      } else {
      }
      %run_scoped3A = arith.constant 0 : i32
      "tpu.region"() ({
        %run_scoped3A_71 = tpu.sem_alloc : memref<!tpu.dma_semaphore, #tpu.memory_space<semaphore_mem>>
        %dma_start3A_72 = arith.constant 0 : i32
        %dma_start3A_73 = arith.constant 0 : i32
        %dma_start3A_74 = tpu.memref_slice %arg9[%run_scoped3A, %dma_start3A_72, %dma_start3A_73] : memref<2x80x128xf32, #tpu.memory_space<vmem>> -> memref<1x80x128xf32, #tpu.memory_space<vmem>>
        %dma_start3A_75 = tpu.memref_squeeze %dma_start3A_74 : memref<1x80x128xf32, #tpu.memory_space<vmem>> -> memref<80x128xf32, #tpu.memory_space<vmem>>
        %dma_start3A_76 = arith.constant 0 : i32
        %dma_start3A_77 = tpu.memref_slice %arg8[%mul3A_34, %dma_start3A_76] : memref<250x80xi32, #tpu.memory_space<vmem>> -> memref<1x80xi32, #tpu.memory_space<vmem>>
        %dma_start3A_78 = tpu.memref_squeeze %dma_start3A_77 : memref<1x80xi32, #tpu.memory_space<vmem>> -> memref<80xi32, #tpu.memory_space<vmem>>
        %dma_start3A_79 = arith.constant 0 : i32
        %dma_start3A_80 = arith.constant 0 : i32
        %dma_start3A_81 = tpu.memref_slice %arg10[%dma_start3A_79, %dma_start3A_80] : memref<5120x128xf32, #tpu.memory_space<vmem_shared>> -> memref<5120x128xf32, #tpu.memory_space<vmem_shared>>
        tpu.enqueue_indirect_dma source(%dma_start3A_75 : memref<80x128xf32, #tpu.memory_space<vmem>>) target(%dma_start3A_81 : memref<5120x128xf32, #tpu.memory_space<vmem_shared>>) offsets(%dma_start3A_78 : memref<80xi32, #tpu.memory_space<vmem>>) semaphore(%run_scoped3A_71 : memref<!tpu.dma_semaphore, #tpu.memory_space<semaphore_mem>>) {add = true}
        %dma_wait3A_82 = arith.constant 0 : i32
        %dma_wait3A_83 = arith.constant 0 : i32
        %dma_wait3A_84 = tpu.memref_slice %arg9[%run_scoped3A, %dma_wait3A_82, %dma_wait3A_83] : memref<2x80x128xf32, #tpu.memory_space<vmem>> -> memref<1x80x128xf32, #tpu.memory_space<vmem>>
        %dma_wait3A_85 = tpu.memref_squeeze %dma_wait3A_84 : memref<1x80x128xf32, #tpu.memory_space<vmem>> -> memref<80x128xf32, #tpu.memory_space<vmem>>
        %dma_wait3A_86 = arith.constant 0 : i32
        %dma_wait3A_87 = tpu.memref_slice %arg8[%mul3A_34, %dma_wait3A_86] : memref<250x80xi32, #tpu.memory_space<vmem>> -> memref<1x80xi32, #tpu.memory_space<vmem>>
        %dma_wait3A_88 = tpu.memref_squeeze %dma_wait3A_87 : memref<1x80xi32, #tpu.memory_space<vmem>> -> memref<80xi32, #tpu.memory_space<vmem>>
        %dma_wait3A_89 = arith.constant 0 : i32
        %dma_wait3A_90 = arith.constant 0 : i32
        %dma_wait3A_91 = tpu.memref_slice %arg10[%dma_wait3A_89, %dma_wait3A_90] : memref<5120x128xf32, #tpu.memory_space<vmem_shared>> -> memref<5120x128xf32, #tpu.memory_space<vmem_shared>>
        tpu.wait_indirect_dma semaphore(%run_scoped3A_71 : memref<!tpu.dma_semaphore, #tpu.memory_space<semaphore_mem>>) src(%dma_wait3A_85 : memref<80x128xf32, #tpu.memory_space<vmem>>) dst(%dma_wait3A_91 : memref<5120x128xf32, #tpu.memory_space<vmem_shared>>)
        tpu.yield
      }) : () -> ()
      %mul3A_48 = arith.constant 2 : i32
      %mul3A_49 = arith.muli %scan3A_32, %mul3A_48 : i32
      %add3A_50 = arith.constant 1 : i32
      %add3A_51 = arith.addi %mul3A_49, %add3A_50 : i32
      %dma_wait3A_52 = arith.constant 1 : i32
      %dma_wait3A_53 = arith.constant 0 : i32
      %dma_wait3A_54 = arith.constant 0 : i32
      %dma_wait3A_55 = tpu.memref_slice %arg9[%dma_wait3A_52, %dma_wait3A_53, %dma_wait3A_54] : memref<2x80x128xf32, #tpu.memory_space<vmem>> -> memref<1x80x128xf32, #tpu.memory_space<vmem>>
      %dma_wait3A_56 = tpu.memref_squeeze %dma_wait3A_55 : memref<1x80x128xf32, #tpu.memory_space<vmem>> -> memref<80x128xf32, #tpu.memory_space<vmem>>
      %dma_wait3A_57 = arith.constant 0 : i32
      %dma_wait3A_58 = tpu.memref_slice %arg7[%add3A_51, %dma_wait3A_57] : memref<250x80xi32, #tpu.memory_space<vmem>> -> memref<1x80xi32, #tpu.memory_space<vmem>>
      %dma_wait3A_59 = tpu.memref_squeeze %dma_wait3A_58 : memref<1x80xi32, #tpu.memory_space<vmem>> -> memref<80xi32, #tpu.memory_space<vmem>>
      %dma_wait3A_60 = arith.constant 0 : i32
      %dma_wait3A_61 = arith.constant 0 : i32
      %dma_wait3A_62 = tpu.memref_slice %arg2[%dma_wait3A_60, %dma_wait3A_61] : memref<10000x128xf32, #tpu.memory_space<hbm>> -> memref<10000x128xf32, #tpu.memory_space<hbm>>
      tpu.wait_indirect_dma semaphore(%arg11 : memref<!tpu.dma_semaphore, #tpu.memory_space<semaphore_mem>>) src(%dma_wait3A_62 : memref<10000x128xf32, #tpu.memory_space<hbm>>) dst(%dma_wait3A_56 : memref<80x128xf32, #tpu.memory_space<vmem>>)
      %add3A_63 = arith.constant 1 : i32
      %add3A_64 = arith.addi %add3A_51, %add3A_63 : i32
      %lt3A_65 = arith.constant 250 : i32
      %lt3A_66 = arith.cmpi slt, %add3A_64, %lt3A_65 : i32
      %convert_element_type3A_67 = arith.extui %lt3A_66 : i1 to i32
      %cond3A_68 = arith.constant 0 : i32
      %cond3A_69 = arith.cmpi ne, %convert_element_type3A_67, %cond3A_68 : i32
      scf.if %cond3A_69 {
        %add3A_71 = arith.constant 1 : i32
        %add3A_72 = arith.addi %add3A_51, %add3A_71 : i32
        %dma_start3A_73 = arith.constant 0 : i32
        %dma_start3A_74 = arith.constant 0 : i32
        %dma_start3A_75 = arith.constant 0 : i32
        %dma_start3A_76 = tpu.memref_slice %arg9[%dma_start3A_73, %dma_start3A_74, %dma_start3A_75] : memref<2x80x128xf32, #tpu.memory_space<vmem>> -> memref<1x80x128xf32, #tpu.memory_space<vmem>>
        %dma_start3A_77 = tpu.memref_squeeze %dma_start3A_76 : memref<1x80x128xf32, #tpu.memory_space<vmem>> -> memref<80x128xf32, #tpu.memory_space<vmem>>
        %dma_start3A_78 = arith.constant 0 : i32
        %dma_start3A_79 = tpu.memref_slice %arg7[%add3A_72, %dma_start3A_78] : memref<250x80xi32, #tpu.memory_space<vmem>> -> memref<1x80xi32, #tpu.memory_space<vmem>>
        %dma_start3A_80 = tpu.memref_squeeze %dma_start3A_79 : memref<1x80xi32, #tpu.memory_space<vmem>> -> memref<80xi32, #tpu.memory_space<vmem>>
        %dma_start3A_81 = arith.constant 0 : i32
        %dma_start3A_82 = arith.constant 0 : i32
        %dma_start3A_83 = tpu.memref_slice %arg2[%dma_start3A_81, %dma_start3A_82] : memref<10000x128xf32, #tpu.memory_space<hbm>> -> memref<10000x128xf32, #tpu.memory_space<hbm>>
        tpu.enqueue_indirect_dma source(%dma_start3A_83 : memref<10000x128xf32, #tpu.memory_space<hbm>>) target(%dma_start3A_77 : memref<80x128xf32, #tpu.memory_space<vmem>>) offsets(%dma_start3A_80 : memref<80xi32, #tpu.memory_space<vmem>>) semaphore(%arg11 : memref<!tpu.dma_semaphore, #tpu.memory_space<semaphore_mem>>)
      } else {
      }
      %run_scoped3A_70 = arith.constant 1 : i32
      "tpu.region"() ({
        %run_scoped3A_71 = tpu.sem_alloc : memref<!tpu.dma_semaphore, #tpu.memory_space<semaphore_mem>>
        %dma_start3A_72 = arith.constant 0 : i32
        %dma_start3A_73 = arith.constant 0 : i32
        %dma_start3A_74 = tpu.memref_slice %arg9[%run_scoped3A_70, %dma_start3A_72, %dma_start3A_73] : memref<2x80x128xf32, #tpu.memory_space<vmem>> -> memref<1x80x128xf32, #tpu.memory_space<vmem>>
        %dma_start3A_75 = tpu.memref_squeeze %dma_start3A_74 : memref<1x80x128xf32, #tpu.memory_space<vmem>> -> memref<80x128xf32, #tpu.memory_space<vmem>>
        %dma_start3A_76 = arith.constant 0 : i32
        %dma_start3A_77 = tpu.memref_slice %arg8[%add3A_51, %dma_start3A_76] : memref<250x80xi32, #tpu.memory_space<vmem>> -> memref<1x80xi32, #tpu.memory_space<vmem>>
        %dma_start3A_78 = tpu.memref_squeeze %dma_start3A_77 : memref<1x80xi32, #tpu.memory_space<vmem>> -> memref<80xi32, #tpu.memory_space<vmem>>
        %dma_start3A_79 = arith.constant 0 : i32
        %dma_start3A_80 = arith.constant 0 : i32
        %dma_start3A_81 = tpu.memref_slice %arg10[%dma_start3A_79, %dma_start3A_80] : memref<5120x128xf32, #tpu.memory_space<vmem_shared>> -> memref<5120x128xf32, #tpu.memory_space<vmem_shared>>
        tpu.enqueue_indirect_dma source(%dma_start3A_75 : memref<80x128xf32, #tpu.memory_space<vmem>>) target(%dma_start3A_81 : memref<5120x128xf32, #tpu.memory_space<vmem_shared>>) offsets(%dma_start3A_78 : memref<80xi32, #tpu.memory_space<vmem>>) semaphore(%run_scoped3A_71 : memref<!tpu.dma_semaphore, #tpu.memory_space<semaphore_mem>>) {add = true}
        %dma_wait3A_82 = arith.constant 0 : i32
        %dma_wait3A_83 = arith.constant 0 : i32
        %dma_wait3A_84 = tpu.memref_slice %arg9[%run_scoped3A_70, %dma_wait3A_82, %dma_wait3A_83] : memref<2x80x128xf32, #tpu.memory_space<vmem>> -> memref<1x80x128xf32, #tpu.memory_space<vmem>>
        %dma_wait3A_85 = tpu.memref_squeeze %dma_wait3A_84 : memref<1x80x128xf32, #tpu.memory_space<vmem>> -> memref<80x128xf32, #tpu.memory_space<vmem>>
        %dma_wait3A_86 = arith.constant 0 : i32
        %dma_wait3A_87 = tpu.memref_slice %arg8[%add3A_51, %dma_wait3A_86] : memref<250x80xi32, #tpu.memory_space<vmem>> -> memref<1x80xi32, #tpu.memory_space<vmem>>
        %dma_wait3A_88 = tpu.memref_squeeze %dma_wait3A_87 : memref<1x80xi32, #tpu.memory_space<vmem>> -> memref<80xi32, #tpu.memory_space<vmem>>
        %dma_wait3A_89 = arith.constant 0 : i32
        %dma_wait3A_90 = arith.constant 0 : i32
        %dma_wait3A_91 = tpu.memref_slice %arg10[%dma_wait3A_89, %dma_wait3A_90] : memref<5120x128xf32, #tpu.memory_space<vmem_shared>> -> memref<5120x128xf32, #tpu.memory_space<vmem_shared>>
        tpu.wait_indirect_dma semaphore(%run_scoped3A_71 : memref<!tpu.dma_semaphore, #tpu.memory_space<semaphore_mem>>) src(%dma_wait3A_85 : memref<80x128xf32, #tpu.memory_space<vmem>>) dst(%dma_wait3A_91 : memref<5120x128xf32, #tpu.memory_space<vmem_shared>>)
        tpu.yield
      }) : () -> ()
    }
    %scan3A_26 = arith.constant 125 : i32
    %barrier3A_27 = arith.constant 0 : index
    tpu.barrier barrier_id(%barrier3A_27)
    %mul3A_28 = arith.constant 320 : i32
    %mul3A_29 = arith.muli %arg1, %mul3A_28 : i32
    %mul3A_30 = arith.constant 320 : i32
    %mul3A_31 = arith.muli %arg1, %mul3A_30 : i32
    "tpu.region"() ({
      %run_scoped3A = tpu.sem_alloc : memref<!tpu.dma_semaphore, #tpu.memory_space<semaphore_mem>>
      %dma_start3A_32 = arith.constant 0 : i32
      %dma_start3A_33 = tpu.memref_slice %arg6[%arg0, %mul3A_31, %dma_start3A_32] : memref<2x5120x128xf32, #tpu.memory_space<hbm>> -> memref<1x320x128xf32, #tpu.memory_space<hbm>>
      %dma_start3A_34 = tpu.memref_squeeze %dma_start3A_33 : memref<1x320x128xf32, #tpu.memory_space<hbm>> -> memref<320x128xf32, #tpu.memory_space<hbm>>
      %dma_start3A_35 = arith.constant 0 : i32
      %dma_start3A_36 = tpu.memref_slice %arg10[%mul3A_29, %dma_start3A_35] : memref<5120x128xf32, #tpu.memory_space<vmem_shared>> -> memref<320x128xf32, #tpu.memory_space<vmem_shared>>
      tpu.enqueue_dma source(%dma_start3A_36 : memref<320x128xf32, #tpu.memory_space<vmem_shared>>) target(%dma_start3A_34 : memref<320x128xf32, #tpu.memory_space<hbm>>) target_semaphore(%run_scoped3A : memref<!tpu.dma_semaphore, #tpu.memory_space<semaphore_mem>>)
      %dma_wait3A = arith.constant 0 : i32
      %dma_wait3A_37 = tpu.memref_slice %arg6[%arg0, %mul3A_31, %dma_wait3A] : memref<2x5120x128xf32, #tpu.memory_space<hbm>> -> memref<1x320x128xf32, #tpu.memory_space<hbm>>
      %dma_wait3A_38 = tpu.memref_squeeze %dma_wait3A_37 : memref<1x320x128xf32, #tpu.memory_space<hbm>> -> memref<320x128xf32, #tpu.memory_space<hbm>>
      %dma_wait3A_39 = arith.constant 0 : i32
      %dma_wait3A_40 = tpu.memref_slice %arg10[%mul3A_29, %dma_wait3A_39] : memref<5120x128xf32, #tpu.memory_space<vmem_shared>> -> memref<320x128xf32, #tpu.memory_space<vmem_shared>>
      tpu.wait_dma2 semaphore(%run_scoped3A : memref<!tpu.dma_semaphore, #tpu.memory_space<semaphore_mem>>) src(%dma_wait3A_40 : memref<320x128xf32, #tpu.memory_space<vmem_shared>>) dst(%dma_wait3A_38 : memref<320x128xf32, #tpu.memory_space<hbm>>)
      tpu.yield
    }) : () -> ()
    return
  }
}

#map = affine_map<(d0, d1) -> (0, 0, 0)>
#map1 = affine_map<(d0, d1) -> (0)>
#map2 = affine_map<(d0, d1) -> (0, 0)>
module attributes {stable_mosaic.version = 14 : i64} {
  func.func @deg_kernel(%arg0: i32, %arg1: i32, %arg2: memref<32x125x80xi32, #tpu.memory_space<hbm>>, %arg3: memref<10112xf32, #tpu.memory_space<hbm>>, %arg4: memref<32x10112xf32, #tpu.memory_space<hbm>>, %arg5: memref<125x80xi32, #tpu.memory_space<vmem>>, %arg6: memref<10112xf32, #tpu.memory_space<vmem>>) attributes {dimension_semantics = [#tpu.dimension_semantics<core_parallel>, #tpu.dimension_semantics<subcore_parallel>], iteration_bounds = array<i64: 2, 16>, scalar_prefetch = 0 : i64, scratch_operands = 2 : i64, tpu.core_type = #tpu.core_type<sc_vector_subcore>, window_params = [{transform_indices = #map}, {transform_indices = #map1}, {transform_indices = #map2}]} {
    %mul3A = arith.constant 16 : i32
    %mul3A_0 = arith.muli %arg0, %mul3A : i32
    %add3A = arith.addi %mul3A_0, %arg1 : i32
    "tpu.region"() ({
      %run_scoped3A = tpu.sem_alloc : memref<!tpu.dma_semaphore, #tpu.memory_space<semaphore_mem>>
      tpu.enqueue_dma source(%arg3 : memref<10112xf32, #tpu.memory_space<hbm>>) target(%arg6 : memref<10112xf32, #tpu.memory_space<vmem>>) target_semaphore(%run_scoped3A : memref<!tpu.dma_semaphore, #tpu.memory_space<semaphore_mem>>)
      tpu.wait_dma2 semaphore(%run_scoped3A : memref<!tpu.dma_semaphore, #tpu.memory_space<semaphore_mem>>) src(%arg3 : memref<10112xf32, #tpu.memory_space<hbm>>) dst(%arg6 : memref<10112xf32, #tpu.memory_space<vmem>>)
      tpu.yield
    }) : () -> ()
    "tpu.region"() ({
      %run_scoped3A = tpu.sem_alloc : memref<!tpu.dma_semaphore, #tpu.memory_space<semaphore_mem>>
      %dma_start3A = arith.constant 0 : i32
      %dma_start3A_6 = arith.constant 0 : i32
      %dma_start3A_7 = tpu.memref_slice %arg2[%add3A, %dma_start3A, %dma_start3A_6] : memref<32x125x80xi32, #tpu.memory_space<hbm>> -> memref<1x125x80xi32, #tpu.memory_space<hbm>>
      %dma_start3A_8 = tpu.memref_squeeze %dma_start3A_7 : memref<1x125x80xi32, #tpu.memory_space<hbm>> -> memref<125x80xi32, #tpu.memory_space<hbm>>
      %dma_start3A_9 = arith.constant 0 : i32
      %dma_start3A_10 = arith.constant 0 : i32
      %dma_start3A_11 = tpu.memref_slice %arg2[%add3A, %dma_start3A_9, %dma_start3A_10] : memref<32x125x80xi32, #tpu.memory_space<hbm>> -> memref<1x125x80xi32, #tpu.memory_space<hbm>>
      %dma_start3A_12 = tpu.memref_squeeze %dma_start3A_11 : memref<1x125x80xi32, #tpu.memory_space<hbm>> -> memref<125x80xi32, #tpu.memory_space<hbm>>
      tpu.enqueue_dma source(%dma_start3A_12 : memref<125x80xi32, #tpu.memory_space<hbm>>) target(%arg5 : memref<125x80xi32, #tpu.memory_space<vmem>>) target_semaphore(%run_scoped3A : memref<!tpu.dma_semaphore, #tpu.memory_space<semaphore_mem>>)
      %dma_wait3A = arith.constant 0 : i32
      %dma_wait3A_13 = arith.constant 0 : i32
      %dma_wait3A_14 = tpu.memref_slice %arg2[%add3A, %dma_wait3A, %dma_wait3A_13] : memref<32x125x80xi32, #tpu.memory_space<hbm>> -> memref<1x125x80xi32, #tpu.memory_space<hbm>>
      %dma_wait3A_15 = tpu.memref_squeeze %dma_wait3A_14 : memref<1x125x80xi32, #tpu.memory_space<hbm>> -> memref<125x80xi32, #tpu.memory_space<hbm>>
      %dma_wait3A_16 = arith.constant 0 : i32
      %dma_wait3A_17 = arith.constant 0 : i32
      %dma_wait3A_18 = tpu.memref_slice %arg2[%add3A, %dma_wait3A_16, %dma_wait3A_17] : memref<32x125x80xi32, #tpu.memory_space<hbm>> -> memref<1x125x80xi32, #tpu.memory_space<hbm>>
      %dma_wait3A_19 = tpu.memref_squeeze %dma_wait3A_18 : memref<1x125x80xi32, #tpu.memory_space<hbm>> -> memref<125x80xi32, #tpu.memory_space<hbm>>
      tpu.wait_dma2 semaphore(%run_scoped3A : memref<!tpu.dma_semaphore, #tpu.memory_space<semaphore_mem>>) src(%dma_wait3A_19 : memref<125x80xi32, #tpu.memory_space<hbm>>) dst(%arg5 : memref<125x80xi32, #tpu.memory_space<vmem>>)
      tpu.yield
    }) : () -> ()
    %iota3A = tpu.iota {dimensions = array<i32: 0>} : vector<16xi32>
    %scan3A = arith.constant 0 : i32
    %scan3A_1 = arith.constant 0 : i32
    %scan3A_2 = arith.constant 125 : i32
    %scan3A_3 = arith.addi %scan3A_1, %scan3A_2 : i32
    %scan3A_4 = arith.constant 1 : i32
    scf.for %scan3A_6 = %scan3A_1 to %scan3A_3 step %scan3A_4  : i32 {
      %get3A = arith.index_cast %scan3A_6 : i32 to index
      %get3A_7 = arith.constant 0 : index
      %get3A_8 = tpu.vector_load %arg5[%get3A, %get3A_7] {strides = array<i32>} : memref<125x80xi32, #tpu.memory_space<vmem>>, vector<1x16xi32>,
      %get3A_9 = vector.shape_cast %get3A_8 : vector<1x16xi32> to vector<16xi32>
      %slice3A = vector.extract_strided_slice %get3A_9 {offsets = [0], sizes = [1], strides = [1]} : vector<16xi32> to vector<1xi32>
      %squeeze3A = vector.extract %slice3A[0] : i32 from vector<1xi32>
      %and3A = arith.constant -8 : i32
      %and3A_10 = arith.andi %squeeze3A, %and3A : i32
      %sub3A = arith.subi %squeeze3A, %and3A_10 : i32
      %get3A_11 = arith.index_cast %and3A_10 : i32 to index
      %get3A_12 = tpu.vector_load %arg6[%get3A_11] {strides = array<i32>} : memref<10112xf32, #tpu.memory_space<vmem>>, vector<16xf32>,
      %get3A_13 = vector.shape_cast %get3A_12 : vector<16xf32> to vector<16xf32>
      %eq3A = vector.broadcast %sub3A : i32 to vector<16xi32>
      %eq3A_14 = arith.cmpi eq, %iota3A, %eq3A : vector<16xi32>
      %jit3A = arith.constant 1.000000e+00 : f32
      %jit3A_15 = arith.constant 0.000000e+00 : f32
      %broadcast_in_dim3A = vector.broadcast %jit3A : f32 to vector<16xf32>
      %broadcast_in_dim3A_16 = vector.broadcast %jit3A_15 : f32 to vector<16xf32>
      %select_n3A = arith.select %eq3A_14, %broadcast_in_dim3A, %broadcast_in_dim3A_16 : vector<16xi1>, vector<16xf32>
      %add3A_17 = arith.addf %get3A_13, %select_n3A : vector<16xf32>
      %swap3A = arith.index_cast %and3A_10 : i32 to index
      %swap3A_18 = tpu.vector_load %arg6[%swap3A] {strides = array<i32>} : memref<10112xf32, #tpu.memory_space<vmem>>, vector<16xf32>,
      %swap3A_19 = vector.shape_cast %swap3A_18 : vector<16xf32> to vector<16xf32>
      %swap3A_20 = vector.shape_cast %add3A_17 : vector<16xf32> to vector<16xf32>
      tpu.vector_store %arg6[%swap3A], %swap3A_20 {strides = array<i32>} : memref<10112xf32, #tpu.memory_space<vmem>>, vector<16xf32>,
      %slice3A_21 = vector.extract_strided_slice %get3A_9 {offsets = [1], sizes = [1], strides = [1]} : vector<16xi32> to vector<1xi32>
      %squeeze3A_22 = vector.extract %slice3A_21[0] : i32 from vector<1xi32>
      %and3A_23 = arith.constant -8 : i32
      %and3A_24 = arith.andi %squeeze3A_22, %and3A_23 : i32
      %sub3A_25 = arith.subi %squeeze3A_22, %and3A_24 : i32
      %get3A_26 = arith.index_cast %and3A_24 : i32 to index
      %get3A_27 = tpu.vector_load %arg6[%get3A_26] {strides = array<i32>} : memref<10112xf32, #tpu.memory_space<vmem>>, vector<16xf32>,
      %get3A_28 = vector.shape_cast %get3A_27 : vector<16xf32> to vector<16xf32>
      %eq3A_29 = vector.broadcast %sub3A_25 : i32 to vector<16xi32>
      %eq3A_30 = arith.cmpi eq, %iota3A, %eq3A_29 : vector<16xi32>
      %jit3A_31 = arith.constant 1.000000e+00 : f32
      %jit3A_32 = arith.constant 0.000000e+00 : f32
      %broadcast_in_dim3A_33 = vector.broadcast %jit3A_31 : f32 to vector<16xf32>
      %broadcast_in_dim3A_34 = vector.broadcast %jit3A_32 : f32 to vector<16xf32>
      %select_n3A_35 = arith.select %eq3A_30, %broadcast_in_dim3A_33, %broadcast_in_dim3A_34 : vector<16xi1>, vector<16xf32>
      %add3A_36 = arith.addf %get3A_28, %select_n3A_35 : vector<16xf32>
      %swap3A_37 = arith.index_cast %and3A_24 : i32 to index
      %swap3A_38 = tpu.vector_load %arg6[%swap3A_37] {strides = array<i32>} : memref<10112xf32, #tpu.memory_space<vmem>>, vector<16xf32>,
      %swap3A_39 = vector.shape_cast %swap3A_38 : vector<16xf32> to vector<16xf32>
      %swap3A_40 = vector.shape_cast %add3A_36 : vector<16xf32> to vector<16xf32>
      tpu.vector_store %arg6[%swap3A_37], %swap3A_40 {strides = array<i32>} : memref<10112xf32, #tpu.memory_space<vmem>>, vector<16xf32>,
      %slice3A_41 = vector.extract_strided_slice %get3A_9 {offsets = [2], sizes = [1], strides = [1]} : vector<16xi32> to vector<1xi32>
      %squeeze3A_42 = vector.extract %slice3A_41[0] : i32 from vector<1xi32>
      %and3A_43 = arith.constant -8 : i32
      %and3A_44 = arith.andi %squeeze3A_42, %and3A_43 : i32
      %sub3A_45 = arith.subi %squeeze3A_42, %and3A_44 : i32
      %get3A_46 = arith.index_cast %and3A_44 : i32 to index
      %get3A_47 = tpu.vector_load %arg6[%get3A_46] {strides = array<i32>} : memref<10112xf32, #tpu.memory_space<vmem>>, vector<16xf32>,
      %get3A_48 = vector.shape_cast %get3A_47 : vector<16xf32> to vector<16xf32>
      %eq3A_49 = vector.broadcast %sub3A_45 : i32 to vector<16xi32>
      %eq3A_50 = arith.cmpi eq, %iota3A, %eq3A_49 : vector<16xi32>
      %jit3A_51 = arith.constant 1.000000e+00 : f32
      %jit3A_52 = arith.constant 0.000000e+00 : f32
      %broadcast_in_dim3A_53 = vector.broadcast %jit3A_51 : f32 to vector<16xf32>
      %broadcast_in_dim3A_54 = vector.broadcast %jit3A_52 : f32 to vector<16xf32>
      %select_n3A_55 = arith.select %eq3A_50, %broadcast_in_dim3A_53, %broadcast_in_dim3A_54 : vector<16xi1>, vector<16xf32>
      %add3A_56 = arith.addf %get3A_48, %select_n3A_55 : vector<16xf32>
      %swap3A_57 = arith.index_cast %and3A_44 : i32 to index
      %swap3A_58 = tpu.vector_load %arg6[%swap3A_57] {strides = array<i32>} : memref<10112xf32, #tpu.memory_space<vmem>>, vector<16xf32>,
      %swap3A_59 = vector.shape_cast %swap3A_58 : vector<16xf32> to vector<16xf32>
      %swap3A_60 = vector.shape_cast %add3A_56 : vector<16xf32> to vector<16xf32>
      tpu.vector_store %arg6[%swap3A_57], %swap3A_60 {strides = array<i32>} : memref<10112xf32, #tpu.memory_space<vmem>>, vector<16xf32>,
      %slice3A_61 = vector.extract_strided_slice %get3A_9 {offsets = [3], sizes = [1], strides = [1]} : vector<16xi32> to vector<1xi32>
      %squeeze3A_62 = vector.extract %slice3A_61[0] : i32 from vector<1xi32>
      %and3A_63 = arith.constant -8 : i32
      %and3A_64 = arith.andi %squeeze3A_62, %and3A_63 : i32
      %sub3A_65 = arith.subi %squeeze3A_62, %and3A_64 : i32
      %get3A_66 = arith.index_cast %and3A_64 : i32 to index
      %get3A_67 = tpu.vector_load %arg6[%get3A_66] {strides = array<i32>} : memref<10112xf32, #tpu.memory_space<vmem>>, vector<16xf32>,
      %get3A_68 = vector.shape_cast %get3A_67 : vector<16xf32> to vector<16xf32>
      %eq3A_69 = vector.broadcast %sub3A_65 : i32 to vector<16xi32>
      %eq3A_70 = arith.cmpi eq, %iota3A, %eq3A_69 : vector<16xi32>
      %jit3A_71 = arith.constant 1.000000e+00 : f32
      %jit3A_72 = arith.constant 0.000000e+00 : f32
      %broadcast_in_dim3A_73 = vector.broadcast %jit3A_71 : f32 to vector<16xf32>
      %broadcast_in_dim3A_74 = vector.broadcast %jit3A_72 : f32 to vector<16xf32>
      %select_n3A_75 = arith.select %eq3A_70, %broadcast_in_dim3A_73, %broadcast_in_dim3A_74 : vector<16xi1>, vector<16xf32>
      %add3A_76 = arith.addf %get3A_68, %select_n3A_75 : vector<16xf32>
      %swap3A_77 = arith.index_cast %and3A_64 : i32 to index
      %swap3A_78 = tpu.vector_load %arg6[%swap3A_77] {strides = array<i32>} : memref<10112xf32, #tpu.memory_space<vmem>>, vector<16xf32>,
      %swap3A_79 = vector.shape_cast %swap3A_78 : vector<16xf32> to vector<16xf32>
      %swap3A_80 = vector.shape_cast %add3A_76 : vector<16xf32> to vector<16xf32>
      tpu.vector_store %arg6[%swap3A_77], %swap3A_80 {strides = array<i32>} : memref<10112xf32, #tpu.memory_space<vmem>>, vector<16xf32>,
      %slice3A_81 = vector.extract_strided_slice %get3A_9 {offsets = [4], sizes = [1], strides = [1]} : vector<16xi32> to vector<1xi32>
      %squeeze3A_82 = vector.extract %slice3A_81[0] : i32 from vector<1xi32>
      %and3A_83 = arith.constant -8 : i32
      %and3A_84 = arith.andi %squeeze3A_82, %and3A_83 : i32
      %sub3A_85 = arith.subi %squeeze3A_82, %and3A_84 : i32
      %get3A_86 = arith.index_cast %and3A_84 : i32 to index
      %get3A_87 = tpu.vector_load %arg6[%get3A_86] {strides = array<i32>} : memref<10112xf32, #tpu.memory_space<vmem>>, vector<16xf32>,
      %get3A_88 = vector.shape_cast %get3A_87 : vector<16xf32> to vector<16xf32>
      %eq3A_89 = vector.broadcast %sub3A_85 : i32 to vector<16xi32>
      %eq3A_90 = arith.cmpi eq, %iota3A, %eq3A_89 : vector<16xi32>
      %jit3A_91 = arith.constant 1.000000e+00 : f32
      %jit3A_92 = arith.constant 0.000000e+00 : f32
      %broadcast_in_dim3A_93 = vector.broadcast %jit3A_91 : f32 to vector<16xf32>
      %broadcast_in_dim3A_94 = vector.broadcast %jit3A_92 : f32 to vector<16xf32>
      %select_n3A_95 = arith.select %eq3A_90, %broadcast_in_dim3A_93, %broadcast_in_dim3A_94 : vector<16xi1>, vector<16xf32>
      %add3A_96 = arith.addf %get3A_88, %select_n3A_95 : vector<16xf32>
      %swap3A_97 = arith.index_cast %and3A_84 : i32 to index
      %swap3A_98 = tpu.vector_load %arg6[%swap3A_97] {strides = array<i32>} : memref<10112xf32, #tpu.memory_space<vmem>>, vector<16xf32>,
      %swap3A_99 = vector.shape_cast %swap3A_98 : vector<16xf32> to vector<16xf32>
      %swap3A_100 = vector.shape_cast %add3A_96 : vector<16xf32> to vector<16xf32>
      tpu.vector_store %arg6[%swap3A_97], %swap3A_100 {strides = array<i32>} : memref<10112xf32, #tpu.memory_space<vmem>>, vector<16xf32>,
      %slice3A_101 = vector.extract_strided_slice %get3A_9 {offsets = [5], sizes = [1], strides = [1]} : vector<16xi32> to vector<1xi32>
      %squeeze3A_102 = vector.extract %slice3A_101[0] : i32 from vector<1xi32>
      %and3A_103 = arith.constant -8 : i32
      %and3A_104 = arith.andi %squeeze3A_102, %and3A_103 : i32
      %sub3A_105 = arith.subi %squeeze3A_102, %and3A_104 : i32
      %get3A_106 = arith.index_cast %and3A_104 : i32 to index
      %get3A_107 = tpu.vector_load %arg6[%get3A_106] {strides = array<i32>} : memref<10112xf32, #tpu.memory_space<vmem>>, vector<16xf32>,
      %get3A_108 = vector.shape_cast %get3A_107 : vector<16xf32> to vector<16xf32>
      %eq3A_109 = vector.broadcast %sub3A_105 : i32 to vector<16xi32>
      %eq3A_110 = arith.cmpi eq, %iota3A, %eq3A_109 : vector<16xi32>
      %jit3A_111 = arith.constant 1.000000e+00 : f32
      %jit3A_112 = arith.constant 0.000000e+00 : f32
      %broadcast_in_dim3A_113 = vector.broadcast %jit3A_111 : f32 to vector<16xf32>
      %broadcast_in_dim3A_114 = vector.broadcast %jit3A_112 : f32 to vector<16xf32>
      %select_n3A_115 = arith.select %eq3A_110, %broadcast_in_dim3A_113, %broadcast_in_dim3A_114 : vector<16xi1>, vector<16xf32>
      %add3A_116 = arith.addf %get3A_108, %select_n3A_115 : vector<16xf32>
      %swap3A_117 = arith.index_cast %and3A_104 : i32 to index
      %swap3A_118 = tpu.vector_load %arg6[%swap3A_117] {strides = array<i32>} : memref<10112xf32, #tpu.memory_space<vmem>>, vector<16xf32>,
      %swap3A_119 = vector.shape_cast %swap3A_118 : vector<16xf32> to vector<16xf32>
      %swap3A_120 = vector.shape_cast %add3A_116 : vector<16xf32> to vector<16xf32>
      tpu.vector_store %arg6[%swap3A_117], %swap3A_120 {strides = array<i32>} : memref<10112xf32, #tpu.memory_space<vmem>>, vector<16xf32>,
      %slice3A_121 = vector.extract_strided_slice %get3A_9 {offsets = [6], sizes = [1], strides = [1]} : vector<16xi32> to vector<1xi32>
      %squeeze3A_122 = vector.extract %slice3A_121[0] : i32 from vector<1xi32>
      %and3A_123 = arith.constant -8 : i32
      %and3A_124 = arith.andi %squeeze3A_122, %and3A_123 : i32
      %sub3A_125 = arith.subi %squeeze3A_122, %and3A_124 : i32
      %get3A_126 = arith.index_cast %and3A_124 : i32 to index
      %get3A_127 = tpu.vector_load %arg6[%get3A_126] {strides = array<i32>} : memref<10112xf32, #tpu.memory_space<vmem>>, vector<16xf32>,
      %get3A_128 = vector.shape_cast %get3A_127 : vector<16xf32> to vector<16xf32>
      %eq3A_129 = vector.broadcast %sub3A_125 : i32 to vector<16xi32>
      %eq3A_130 = arith.cmpi eq, %iota3A, %eq3A_129 : vector<16xi32>
      %jit3A_131 = arith.constant 1.000000e+00 : f32
      %jit3A_132 = arith.constant 0.000000e+00 : f32
      %broadcast_in_dim3A_133 = vector.broadcast %jit3A_131 : f32 to vector<16xf32>
      %broadcast_in_dim3A_134 = vector.broadcast %jit3A_132 : f32 to vector<16xf32>
      %select_n3A_135 = arith.select %eq3A_130, %broadcast_in_dim3A_133, %broadcast_in_dim3A_134 : vector<16xi1>, vector<16xf32>
      %add3A_136 = arith.addf %get3A_128, %select_n3A_135 : vector<16xf32>
      %swap3A_137 = arith.index_cast %and3A_124 : i32 to index
      %swap3A_138 = tpu.vector_load %arg6[%swap3A_137] {strides = array<i32>} : memref<10112xf32, #tpu.memory_space<vmem>>, vector<16xf32>,
      %swap3A_139 = vector.shape_cast %swap3A_138 : vector<16xf32> to vector<16xf32>
      %swap3A_140 = vector.shape_cast %add3A_136 : vector<16xf32> to vector<16xf32>
      tpu.vector_store %arg6[%swap3A_137], %swap3A_140 {strides = array<i32>} : memref<10112xf32, #tpu.memory_space<vmem>>, vector<16xf32>,
      %slice3A_141 = vector.extract_strided_slice %get3A_9 {offsets = [7], sizes = [1], strides = [1]} : vector<16xi32> to vector<1xi32>
      %squeeze3A_142 = vector.extract %slice3A_141[0] : i32 from vector<1xi32>
      %and3A_143 = arith.constant -8 : i32
      %and3A_144 = arith.andi %squeeze3A_142, %and3A_143 : i32
      %sub3A_145 = arith.subi %squeeze3A_142, %and3A_144 : i32
      %get3A_146 = arith.index_cast %and3A_144 : i32 to index
      %get3A_147 = tpu.vector_load %arg6[%get3A_146] {strides = array<i32>} : memref<10112xf32, #tpu.memory_space<vmem>>, vector<16xf32>,
      %get3A_148 = vector.shape_cast %get3A_147 : vector<16xf32> to vector<16xf32>
      %eq3A_149 = vector.broadcast %sub3A_145 : i32 to vector<16xi32>
      %eq3A_150 = arith.cmpi eq, %iota3A, %eq3A_149 : vector<16xi32>
      %jit3A_151 = arith.constant 1.000000e+00 : f32
      %jit3A_152 = arith.constant 0.000000e+00 : f32
      %broadcast_in_dim3A_153 = vector.broadcast %jit3A_151 : f32 to vector<16xf32>
      %broadcast_in_dim3A_154 = vector.broadcast %jit3A_152 : f32 to vector<16xf32>
      %select_n3A_155 = arith.select %eq3A_150, %broadcast_in_dim3A_153, %broadcast_in_dim3A_154 : vector<16xi1>, vector<16xf32>
      %add3A_156 = arith.addf %get3A_148, %select_n3A_155 : vector<16xf32>
      %swap3A_157 = arith.index_cast %and3A_144 : i32 to index
      %swap3A_158 = tpu.vector_load %arg6[%swap3A_157] {strides = array<i32>} : memref<10112xf32, #tpu.memory_space<vmem>>, vector<16xf32>,
      %swap3A_159 = vector.shape_cast %swap3A_158 : vector<16xf32> to vector<16xf32>
      %swap3A_160 = vector.shape_cast %add3A_156 : vector<16xf32> to vector<16xf32>
      tpu.vector_store %arg6[%swap3A_157], %swap3A_160 {strides = array<i32>} : memref<10112xf32, #tpu.memory_space<vmem>>, vector<16xf32>,
      %slice3A_161 = vector.extract_strided_slice %get3A_9 {offsets = [8], sizes = [1], strides = [1]} : vector<16xi32> to vector<1xi32>
      %squeeze3A_162 = vector.extract %slice3A_161[0] : i32 from vector<1xi32>
      %and3A_163 = arith.constant -8 : i32
      %and3A_164 = arith.andi %squeeze3A_162, %and3A_163 : i32
      %sub3A_165 = arith.subi %squeeze3A_162, %and3A_164 : i32
      %get3A_166 = arith.index_cast %and3A_164 : i32 to index
      %get3A_167 = tpu.vector_load %arg6[%get3A_166] {strides = array<i32>} : memref<10112xf32, #tpu.memory_space<vmem>>, vector<16xf32>,
      %get3A_168 = vector.shape_cast %get3A_167 : vector<16xf32> to vector<16xf32>
      %eq3A_169 = vector.broadcast %sub3A_165 : i32 to vector<16xi32>
      %eq3A_170 = arith.cmpi eq, %iota3A, %eq3A_169 : vector<16xi32>
      %jit3A_171 = arith.constant 1.000000e+00 : f32
      %jit3A_172 = arith.constant 0.000000e+00 : f32
      %broadcast_in_dim3A_173 = vector.broadcast %jit3A_171 : f32 to vector<16xf32>
      %broadcast_in_dim3A_174 = vector.broadcast %jit3A_172 : f32 to vector<16xf32>
      %select_n3A_175 = arith.select %eq3A_170, %broadcast_in_dim3A_173, %broadcast_in_dim3A_174 : vector<16xi1>, vector<16xf32>
      %add3A_176 = arith.addf %get3A_168, %select_n3A_175 : vector<16xf32>
      %swap3A_177 = arith.index_cast %and3A_164 : i32 to index
      %swap3A_178 = tpu.vector_load %arg6[%swap3A_177] {strides = array<i32>} : memref<10112xf32, #tpu.memory_space<vmem>>, vector<16xf32>,
      %swap3A_179 = vector.shape_cast %swap3A_178 : vector<16xf32> to vector<16xf32>
      %swap3A_180 = vector.shape_cast %add3A_176 : vector<16xf32> to vector<16xf32>
      tpu.vector_store %arg6[%swap3A_177], %swap3A_180 {strides = array<i32>} : memref<10112xf32, #tpu.memory_space<vmem>>, vector<16xf32>,
      %slice3A_181 = vector.extract_strided_slice %get3A_9 {offsets = [9], sizes = [1], strides = [1]} : vector<16xi32> to vector<1xi32>
      %squeeze3A_182 = vector.extract %slice3A_181[0] : i32 from vector<1xi32>
      %and3A_183 = arith.constant -8 : i32
      %and3A_184 = arith.andi %squeeze3A_182, %and3A_183 : i32
      %sub3A_185 = arith.subi %squeeze3A_182, %and3A_184 : i32
      %get3A_186 = arith.index_cast %and3A_184 : i32 to index
      %get3A_187 = tpu.vector_load %arg6[%get3A_186] {strides = array<i32>} : memref<10112xf32, #tpu.memory_space<vmem>>, vector<16xf32>,
      %get3A_188 = vector.shape_cast %get3A_187 : vector<16xf32> to vector<16xf32>
      %eq3A_189 = vector.broadcast %sub3A_185 : i32 to vector<16xi32>
      %eq3A_190 = arith.cmpi eq, %iota3A, %eq3A_189 : vector<16xi32>
      %jit3A_191 = arith.constant 1.000000e+00 : f32
      %jit3A_192 = arith.constant 0.000000e+00 : f32
      %broadcast_in_dim3A_193 = vector.broadcast %jit3A_191 : f32 to vector<16xf32>
      %broadcast_in_dim3A_194 = vector.broadcast %jit3A_192 : f32 to vector<16xf32>
      %select_n3A_195 = arith.select %eq3A_190, %broadcast_in_dim3A_193, %broadcast_in_dim3A_194 : vector<16xi1>, vector<16xf32>
      %add3A_196 = arith.addf %get3A_188, %select_n3A_195 : vector<16xf32>
      %swap3A_197 = arith.index_cast %and3A_184 : i32 to index
      %swap3A_198 = tpu.vector_load %arg6[%swap3A_197] {strides = array<i32>} : memref<10112xf32, #tpu.memory_space<vmem>>, vector<16xf32>,
      %swap3A_199 = vector.shape_cast %swap3A_198 : vector<16xf32> to vector<16xf32>
      %swap3A_200 = vector.shape_cast %add3A_196 : vector<16xf32> to vector<16xf32>
      tpu.vector_store %arg6[%swap3A_197], %swap3A_200 {strides = array<i32>} : memref<10112xf32, #tpu.memory_space<vmem>>, vector<16xf32>,
      %slice3A_201 = vector.extract_strided_slice %get3A_9 {offsets = [10], sizes = [1], strides = [1]} : vector<16xi32> to vector<1xi32>
      %squeeze3A_202 = vector.extract %slice3A_201[0] : i32 from vector<1xi32>
      %and3A_203 = arith.constant -8 : i32
      %and3A_204 = arith.andi %squeeze3A_202, %and3A_203 : i32
      %sub3A_205 = arith.subi %squeeze3A_202, %and3A_204 : i32
      %get3A_206 = arith.index_cast %and3A_204 : i32 to index
      %get3A_207 = tpu.vector_load %arg6[%get3A_206] {strides = array<i32>} : memref<10112xf32, #tpu.memory_space<vmem>>, vector<16xf32>,
      %get3A_208 = vector.shape_cast %get3A_207 : vector<16xf32> to vector<16xf32>
      %eq3A_209 = vector.broadcast %sub3A_205 : i32 to vector<16xi32>
      %eq3A_210 = arith.cmpi eq, %iota3A, %eq3A_209 : vector<16xi32>
      %jit3A_211 = arith.constant 1.000000e+00 : f32
      %jit3A_212 = arith.constant 0.000000e+00 : f32
      %broadcast_in_dim3A_213 = vector.broadcast %jit3A_211 : f32 to vector<16xf32>
      %broadcast_in_dim3A_214 = vector.broadcast %jit3A_212 : f32 to vector<16xf32>
      %select_n3A_215 = arith.select %eq3A_210, %broadcast_in_dim3A_213, %broadcast_in_dim3A_214 : vector<16xi1>, vector<16xf32>
      %add3A_216 = arith.addf %get3A_208, %select_n3A_215 : vector<16xf32>
      %swap3A_217 = arith.index_cast %and3A_204 : i32 to index
      %swap3A_218 = tpu.vector_load %arg6[%swap3A_217] {strides = array<i32>} : memref<10112xf32, #tpu.memory_space<vmem>>, vector<16xf32>,
      %swap3A_219 = vector.shape_cast %swap3A_218 : vector<16xf32> to vector<16xf32>
      %swap3A_220 = vector.shape_cast %add3A_216 : vector<16xf32> to vector<16xf32>
      tpu.vector_store %arg6[%swap3A_217], %swap3A_220 {strides = array<i32>} : memref<10112xf32, #tpu.memory_space<vmem>>, vector<16xf32>,
      %slice3A_221 = vector.extract_strided_slice %get3A_9 {offsets = [11], sizes = [1], strides = [1]} : vector<16xi32> to vector<1xi32>
      %squeeze3A_222 = vector.extract %slice3A_221[0] : i32 from vector<1xi32>
      %and3A_223 = arith.constant -8 : i32
      %and3A_224 = arith.andi %squeeze3A_222, %and3A_223 : i32
      %sub3A_225 = arith.subi %squeeze3A_222, %and3A_224 : i32
      %get3A_226 = arith.index_cast %and3A_224 : i32 to index
      %get3A_227 = tpu.vector_load %arg6[%get3A_226] {strides = array<i32>} : memref<10112xf32, #tpu.memory_space<vmem>>, vector<16xf32>,
      %get3A_228 = vector.shape_cast %get3A_227 : vector<16xf32> to vector<16xf32>
      %eq3A_229 = vector.broadcast %sub3A_225 : i32 to vector<16xi32>
      %eq3A_230 = arith.cmpi eq, %iota3A, %eq3A_229 : vector<16xi32>
      %jit3A_231 = arith.constant 1.000000e+00 : f32
      %jit3A_232 = arith.constant 0.000000e+00 : f32
      %broadcast_in_dim3A_233 = vector.broadcast %jit3A_231 : f32 to vector<16xf32>
      %broadcast_in_dim3A_234 = vector.broadcast %jit3A_232 : f32 to vector<16xf32>
      %select_n3A_235 = arith.select %eq3A_230, %broadcast_in_dim3A_233, %broadcast_in_dim3A_234 : vector<16xi1>, vector<16xf32>
      %add3A_236 = arith.addf %get3A_228, %select_n3A_235 : vector<16xf32>
      %swap3A_237 = arith.index_cast %and3A_224 : i32 to index
      %swap3A_238 = tpu.vector_load %arg6[%swap3A_237] {strides = array<i32>} : memref<10112xf32, #tpu.memory_space<vmem>>, vector<16xf32>,
      %swap3A_239 = vector.shape_cast %swap3A_238 : vector<16xf32> to vector<16xf32>
      %swap3A_240 = vector.shape_cast %add3A_236 : vector<16xf32> to vector<16xf32>
      tpu.vector_store %arg6[%swap3A_237], %swap3A_240 {strides = array<i32>} : memref<10112xf32, #tpu.memory_space<vmem>>, vector<16xf32>,
      %slice3A_241 = vector.extract_strided_slice %get3A_9 {offsets = [12], sizes = [1], strides = [1]} : vector<16xi32> to vector<1xi32>
      %squeeze3A_242 = vector.extract %slice3A_241[0] : i32 from vector<1xi32>
      %and3A_243 = arith.constant -8 : i32
      %and3A_244 = arith.andi %squeeze3A_242, %and3A_243 : i32
      %sub3A_245 = arith.subi %squeeze3A_242, %and3A_244 : i32
      %get3A_246 = arith.index_cast %and3A_244 : i32 to index
      %get3A_247 = tpu.vector_load %arg6[%get3A_246] {strides = array<i32>} : memref<10112xf32, #tpu.memory_space<vmem>>, vector<16xf32>,
      %get3A_248 = vector.shape_cast %get3A_247 : vector<16xf32> to vector<16xf32>
      %eq3A_249 = vector.broadcast %sub3A_245 : i32 to vector<16xi32>
      %eq3A_250 = arith.cmpi eq, %iota3A, %eq3A_249 : vector<16xi32>
      %jit3A_251 = arith.constant 1.000000e+00 : f32
      %jit3A_252 = arith.constant 0.000000e+00 : f32
      %broadcast_in_dim3A_253 = vector.broadcast %jit3A_251 : f32 to vector<16xf32>
      %broadcast_in_dim3A_254 = vector.broadcast %jit3A_252 : f32 to vector<16xf32>
      %select_n3A_255 = arith.select %eq3A_250, %broadcast_in_dim3A_253, %broadcast_in_dim3A_254 : vector<16xi1>, vector<16xf32>
      %add3A_256 = arith.addf %get3A_248, %select_n3A_255 : vector<16xf32>
      %swap3A_257 = arith.index_cast %and3A_244 : i32 to index
      %swap3A_258 = tpu.vector_load %arg6[%swap3A_257] {strides = array<i32>} : memref<10112xf32, #tpu.memory_space<vmem>>, vector<16xf32>,
      %swap3A_259 = vector.shape_cast %swap3A_258 : vector<16xf32> to vector<16xf32>
      %swap3A_260 = vector.shape_cast %add3A_256 : vector<16xf32> to vector<16xf32>
      tpu.vector_store %arg6[%swap3A_257], %swap3A_260 {strides = array<i32>} : memref<10112xf32, #tpu.memory_space<vmem>>, vector<16xf32>,
      %slice3A_261 = vector.extract_strided_slice %get3A_9 {offsets = [13], sizes = [1], strides = [1]} : vector<16xi32> to vector<1xi32>
      %squeeze3A_262 = vector.extract %slice3A_261[0] : i32 from vector<1xi32>
      %and3A_263 = arith.constant -8 : i32
      %and3A_264 = arith.andi %squeeze3A_262, %and3A_263 : i32
      %sub3A_265 = arith.subi %squeeze3A_262, %and3A_264 : i32
      %get3A_266 = arith.index_cast %and3A_264 : i32 to index
      %get3A_267 = tpu.vector_load %arg6[%get3A_266] {strides = array<i32>} : memref<10112xf32, #tpu.memory_space<vmem>>, vector<16xf32>,
      %get3A_268 = vector.shape_cast %get3A_267 : vector<16xf32> to vector<16xf32>
      %eq3A_269 = vector.broadcast %sub3A_265 : i32 to vector<16xi32>
      %eq3A_270 = arith.cmpi eq, %iota3A, %eq3A_269 : vector<16xi32>
      %jit3A_271 = arith.constant 1.000000e+00 : f32
      %jit3A_272 = arith.constant 0.000000e+00 : f32
      %broadcast_in_dim3A_273 = vector.broadcast %jit3A_271 : f32 to vector<16xf32>
      %broadcast_in_dim3A_274 = vector.broadcast %jit3A_272 : f32 to vector<16xf32>
      %select_n3A_275 = arith.select %eq3A_270, %broadcast_in_dim3A_273, %broadcast_in_dim3A_274 : vector<16xi1>, vector<16xf32>
      %add3A_276 = arith.addf %get3A_268, %select_n3A_275 : vector<16xf32>
      %swap3A_277 = arith.index_cast %and3A_264 : i32 to index
      %swap3A_278 = tpu.vector_load %arg6[%swap3A_277] {strides = array<i32>} : memref<10112xf32, #tpu.memory_space<vmem>>, vector<16xf32>,
      %swap3A_279 = vector.shape_cast %swap3A_278 : vector<16xf32> to vector<16xf32>
      %swap3A_280 = vector.shape_cast %add3A_276 : vector<16xf32> to vector<16xf32>
      tpu.vector_store %arg6[%swap3A_277], %swap3A_280 {strides = array<i32>} : memref<10112xf32, #tpu.memory_space<vmem>>, vector<16xf32>,
      %slice3A_281 = vector.extract_strided_slice %get3A_9 {offsets = [14], sizes = [1], strides = [1]} : vector<16xi32> to vector<1xi32>
      %squeeze3A_282 = vector.extract %slice3A_281[0] : i32 from vector<1xi32>
      %and3A_283 = arith.constant -8 : i32
      %and3A_284 = arith.andi %squeeze3A_282, %and3A_283 : i32
      %sub3A_285 = arith.subi %squeeze3A_282, %and3A_284 : i32
      %get3A_286 = arith.index_cast %and3A_284 : i32 to index
      %get3A_287 = tpu.vector_load %arg6[%get3A_286] {strides = array<i32>} : memref<10112xf32, #tpu.memory_space<vmem>>, vector<16xf32>,
      %get3A_288 = vector.shape_cast %get3A_287 : vector<16xf32> to vector<16xf32>
      %eq3A_289 = vector.broadcast %sub3A_285 : i32 to vector<16xi32>
      %eq3A_290 = arith.cmpi eq, %iota3A, %eq3A_289 : vector<16xi32>
      %jit3A_291 = arith.constant 1.000000e+00 : f32
      %jit3A_292 = arith.constant 0.000000e+00 : f32
      %broadcast_in_dim3A_293 = vector.broadcast %jit3A_291 : f32 to vector<16xf32>
      %broadcast_in_dim3A_294 = vector.broadcast %jit3A_292 : f32 to vector<16xf32>
      %select_n3A_295 = arith.select %eq3A_290, %broadcast_in_dim3A_293, %broadcast_in_dim3A_294 : vector<16xi1>, vector<16xf32>
      %add3A_296 = arith.addf %get3A_288, %select_n3A_295 : vector<16xf32>
      %swap3A_297 = arith.index_cast %and3A_284 : i32 to index
      %swap3A_298 = tpu.vector_load %arg6[%swap3A_297] {strides = array<i32>} : memref<10112xf32, #tpu.memory_space<vmem>>, vector<16xf32>,
      %swap3A_299 = vector.shape_cast %swap3A_298 : vector<16xf32> to vector<16xf32>
      %swap3A_300 = vector.shape_cast %add3A_296 : vector<16xf32> to vector<16xf32>
      tpu.vector_store %arg6[%swap3A_297], %swap3A_300 {strides = array<i32>} : memref<10112xf32, #tpu.memory_space<vmem>>, vector<16xf32>,
      %slice3A_301 = vector.extract_strided_slice %get3A_9 {offsets = [15], sizes = [1], strides = [1]} : vector<16xi32> to vector<1xi32>
      %squeeze3A_302 = vector.extract %slice3A_301[0] : i32 from vector<1xi32>
      %and3A_303 = arith.constant -8 : i32
      %and3A_304 = arith.andi %squeeze3A_302, %and3A_303 : i32
      %sub3A_305 = arith.subi %squeeze3A_302, %and3A_304 : i32
      %get3A_306 = arith.index_cast %and3A_304 : i32 to index
      %get3A_307 = tpu.vector_load %arg6[%get3A_306] {strides = array<i32>} : memref<10112xf32, #tpu.memory_space<vmem>>, vector<16xf32>,
      %get3A_308 = vector.shape_cast %get3A_307 : vector<16xf32> to vector<16xf32>
      %eq3A_309 = vector.broadcast %sub3A_305 : i32 to vector<16xi32>
      %eq3A_310 = arith.cmpi eq, %iota3A, %eq3A_309 : vector<16xi32>
      %jit3A_311 = arith.constant 1.000000e+00 : f32
      %jit3A_312 = arith.constant 0.000000e+00 : f32
      %broadcast_in_dim3A_313 = vector.broadcast %jit3A_311 : f32 to vector<16xf32>
      %broadcast_in_dim3A_314 = vector.broadcast %jit3A_312 : f32 to vector<16xf32>
      %select_n3A_315 = arith.select %eq3A_310, %broadcast_in_dim3A_313, %broadcast_in_dim3A_314 : vector<16xi1>, vector<16xf32>
      %add3A_316 = arith.addf %get3A_308, %select_n3A_315 : vector<16xf32>
      %swap3A_317 = arith.index_cast %and3A_304 : i32 to index
      %swap3A_318 = tpu.vector_load %arg6[%swap3A_317] {strides = array<i32>} : memref<10112xf32, #tpu.memory_space<vmem>>, vector<16xf32>,
      %swap3A_319 = vector.shape_cast %swap3A_318 : vector<16xf32> to vector<16xf32>
      %swap3A_320 = vector.shape_cast %add3A_316 : vector<16xf32> to vector<16xf32>
      tpu.vector_store %arg6[%swap3A_317], %swap3A_320 {strides = array<i32>} : memref<10112xf32, #tpu.memory_space<vmem>>, vector<16xf32>,
      %get3A_321 = arith.index_cast %scan3A_6 : i32 to index
      %get3A_322 = arith.constant 16 : index
      %get3A_323 = tpu.vector_load %arg5[%get3A_321, %get3A_322] {strides = array<i32>} : memref<125x80xi32, #tpu.memory_space<vmem>>, vector<1x16xi32>,
      %get3A_324 = vector.shape_cast %get3A_323 : vector<1x16xi32> to vector<16xi32>
      %slice3A_325 = vector.extract_strided_slice %get3A_324 {offsets = [0], sizes = [1], strides = [1]} : vector<16xi32> to vector<1xi32>
      %squeeze3A_326 = vector.extract %slice3A_325[0] : i32 from vector<1xi32>
      %and3A_327 = arith.constant -8 : i32
      %and3A_328 = arith.andi %squeeze3A_326, %and3A_327 : i32
      %sub3A_329 = arith.subi %squeeze3A_326, %and3A_328 : i32
      %get3A_330 = arith.index_cast %and3A_328 : i32 to index
      %get3A_331 = tpu.vector_load %arg6[%get3A_330] {strides = array<i32>} : memref<10112xf32, #tpu.memory_space<vmem>>, vector<16xf32>,
      %get3A_332 = vector.shape_cast %get3A_331 : vector<16xf32> to vector<16xf32>
      %eq3A_333 = vector.broadcast %sub3A_329 : i32 to vector<16xi32>
      %eq3A_334 = arith.cmpi eq, %iota3A, %eq3A_333 : vector<16xi32>
      %jit3A_335 = arith.constant 1.000000e+00 : f32
      %jit3A_336 = arith.constant 0.000000e+00 : f32
      %broadcast_in_dim3A_337 = vector.broadcast %jit3A_335 : f32 to vector<16xf32>
      %broadcast_in_dim3A_338 = vector.broadcast %jit3A_336 : f32 to vector<16xf32>
      %select_n3A_339 = arith.select %eq3A_334, %broadcast_in_dim3A_337, %broadcast_in_dim3A_338 : vector<16xi1>, vector<16xf32>
      %add3A_340 = arith.addf %get3A_332, %select_n3A_339 : vector<16xf32>
      %swap3A_341 = arith.index_cast %and3A_328 : i32 to index
      %swap3A_342 = tpu.vector_load %arg6[%swap3A_341] {strides = array<i32>} : memref<10112xf32, #tpu.memory_space<vmem>>, vector<16xf32>,
      %swap3A_343 = vector.shape_cast %swap3A_342 : vector<16xf32> to vector<16xf32>
      %swap3A_344 = vector.shape_cast %add3A_340 : vector<16xf32> to vector<16xf32>
      tpu.vector_store %arg6[%swap3A_341], %swap3A_344 {strides = array<i32>} : memref<10112xf32, #tpu.memory_space<vmem>>, vector<16xf32>,
      %slice3A_345 = vector.extract_strided_slice %get3A_324 {offsets = [1], sizes = [1], strides = [1]} : vector<16xi32> to vector<1xi32>
      %squeeze3A_346 = vector.extract %slice3A_345[0] : i32 from vector<1xi32>
      %and3A_347 = arith.constant -8 : i32
      %and3A_348 = arith.andi %squeeze3A_346, %and3A_347 : i32
      %sub3A_349 = arith.subi %squeeze3A_346, %and3A_348 : i32
      %get3A_350 = arith.index_cast %and3A_348 : i32 to index
      %get3A_351 = tpu.vector_load %arg6[%get3A_350] {strides = array<i32>} : memref<10112xf32, #tpu.memory_space<vmem>>, vector<16xf32>,
      %get3A_352 = vector.shape_cast %get3A_351 : vector<16xf32> to vector<16xf32>
      %eq3A_353 = vector.broadcast %sub3A_349 : i32 to vector<16xi32>
      %eq3A_354 = arith.cmpi eq, %iota3A, %eq3A_353 : vector<16xi32>
      %jit3A_355 = arith.constant 1.000000e+00 : f32
      %jit3A_356 = arith.constant 0.000000e+00 : f32
      %broadcast_in_dim3A_357 = vector.broadcast %jit3A_355 : f32 to vector<16xf32>
      %broadcast_in_dim3A_358 = vector.broadcast %jit3A_356 : f32 to vector<16xf32>
      %select_n3A_359 = arith.select %eq3A_354, %broadcast_in_dim3A_357, %broadcast_in_dim3A_358 : vector<16xi1>, vector<16xf32>
      %add3A_360 = arith.addf %get3A_352, %select_n3A_359 : vector<16xf32>
      %swap3A_361 = arith.index_cast %and3A_348 : i32 to index
      %swap3A_362 = tpu.vector_load %arg6[%swap3A_361] {strides = array<i32>} : memref<10112xf32, #tpu.memory_space<vmem>>, vector<16xf32>,
      %swap3A_363 = vector.shape_cast %swap3A_362 : vector<16xf32> to vector<16xf32>
      %swap3A_364 = vector.shape_cast %add3A_360 : vector<16xf32> to vector<16xf32>
      tpu.vector_store %arg6[%swap3A_361], %swap3A_364 {strides = array<i32>} : memref<10112xf32, #tpu.memory_space<vmem>>, vector<16xf32>,
      %slice3A_365 = vector.extract_strided_slice %get3A_324 {offsets = [2], sizes = [1], strides = [1]} : vector<16xi32> to vector<1xi32>
      %squeeze3A_366 = vector.extract %slice3A_365[0] : i32 from vector<1xi32>
      %and3A_367 = arith.constant -8 : i32
      %and3A_368 = arith.andi %squeeze3A_366, %and3A_367 : i32
      %sub3A_369 = arith.subi %squeeze3A_366, %and3A_368 : i32
      %get3A_370 = arith.index_cast %and3A_368 : i32 to index
      %get3A_371 = tpu.vector_load %arg6[%get3A_370] {strides = array<i32>} : memref<10112xf32, #tpu.memory_space<vmem>>, vector<16xf32>,
      %get3A_372 = vector.shape_cast %get3A_371 : vector<16xf32> to vector<16xf32>
      %eq3A_373 = vector.broadcast %sub3A_369 : i32 to vector<16xi32>
      %eq3A_374 = arith.cmpi eq, %iota3A, %eq3A_373 : vector<16xi32>
      %jit3A_375 = arith.constant 1.000000e+00 : f32
      %jit3A_376 = arith.constant 0.000000e+00 : f32
      %broadcast_in_dim3A_377 = vector.broadcast %jit3A_375 : f32 to vector<16xf32>
      %broadcast_in_dim3A_378 = vector.broadcast %jit3A_376 : f32 to vector<16xf32>
      %select_n3A_379 = arith.select %eq3A_374, %broadcast_in_dim3A_377, %broadcast_in_dim3A_378 : vector<16xi1>, vector<16xf32>
      %add3A_380 = arith.addf %get3A_372, %select_n3A_379 : vector<16xf32>
      %swap3A_381 = arith.index_cast %and3A_368 : i32 to index
      %swap3A_382 = tpu.vector_load %arg6[%swap3A_381] {strides = array<i32>} : memref<10112xf32, #tpu.memory_space<vmem>>, vector<16xf32>,
      %swap3A_383 = vector.shape_cast %swap3A_382 : vector<16xf32> to vector<16xf32>
      %swap3A_384 = vector.shape_cast %add3A_380 : vector<16xf32> to vector<16xf32>
      tpu.vector_store %arg6[%swap3A_381], %swap3A_384 {strides = array<i32>} : memref<10112xf32, #tpu.memory_space<vmem>>, vector<16xf32>,
      %slice3A_385 = vector.extract_strided_slice %get3A_324 {offsets = [3], sizes = [1], strides = [1]} : vector<16xi32> to vector<1xi32>
      %squeeze3A_386 = vector.extract %slice3A_385[0] : i32 from vector<1xi32>
      %and3A_387 = arith.constant -8 : i32
      %and3A_388 = arith.andi %squeeze3A_386, %and3A_387 : i32
      %sub3A_389 = arith.subi %squeeze3A_386, %and3A_388 : i32
      %get3A_390 = arith.index_cast %and3A_388 : i32 to index
      %get3A_391 = tpu.vector_load %arg6[%get3A_390] {strides = array<i32>} : memref<10112xf32, #tpu.memory_space<vmem>>, vector<16xf32>,
      %get3A_392 = vector.shape_cast %get3A_391 : vector<16xf32> to vector<16xf32>
      %eq3A_393 = vector.broadcast %sub3A_389 : i32 to vector<16xi32>
      %eq3A_394 = arith.cmpi eq, %iota3A, %eq3A_393 : vector<16xi32>
      %jit3A_395 = arith.constant 1.000000e+00 : f32
      %jit3A_396 = arith.constant 0.000000e+00 : f32
      %broadcast_in_dim3A_397 = vector.broadcast %jit3A_395 : f32 to vector<16xf32>
      %broadcast_in_dim3A_398 = vector.broadcast %jit3A_396 : f32 to vector<16xf32>
      %select_n3A_399 = arith.select %eq3A_394, %broadcast_in_dim3A_397, %broadcast_in_dim3A_398 : vector<16xi1>, vector<16xf32>
      %add3A_400 = arith.addf %get3A_392, %select_n3A_399 : vector<16xf32>
      %swap3A_401 = arith.index_cast %and3A_388 : i32 to index
      %swap3A_402 = tpu.vector_load %arg6[%swap3A_401] {strides = array<i32>} : memref<10112xf32, #tpu.memory_space<vmem>>, vector<16xf32>,
      %swap3A_403 = vector.shape_cast %swap3A_402 : vector<16xf32> to vector<16xf32>
      %swap3A_404 = vector.shape_cast %add3A_400 : vector<16xf32> to vector<16xf32>
      tpu.vector_store %arg6[%swap3A_401], %swap3A_404 {strides = array<i32>} : memref<10112xf32, #tpu.memory_space<vmem>>, vector<16xf32>,
      %slice3A_405 = vector.extract_strided_slice %get3A_324 {offsets = [4], sizes = [1], strides = [1]} : vector<16xi32> to vector<1xi32>
      %squeeze3A_406 = vector.extract %slice3A_405[0] : i32 from vector<1xi32>
      %and3A_407 = arith.constant -8 : i32
      %and3A_408 = arith.andi %squeeze3A_406, %and3A_407 : i32
      %sub3A_409 = arith.subi %squeeze3A_406, %and3A_408 : i32
      %get3A_410 = arith.index_cast %and3A_408 : i32 to index
      %get3A_411 = tpu.vector_load %arg6[%get3A_410] {strides = array<i32>} : memref<10112xf32, #tpu.memory_space<vmem>>, vector<16xf32>,
      %get3A_412 = vector.shape_cast %get3A_411 : vector<16xf32> to vector<16xf32>
      %eq3A_413 = vector.broadcast %sub3A_409 : i32 to vector<16xi32>
      %eq3A_414 = arith.cmpi eq, %iota3A, %eq3A_413 : vector<16xi32>
      %jit3A_415 = arith.constant 1.000000e+00 : f32
      %jit3A_416 = arith.constant 0.000000e+00 : f32
      %broadcast_in_dim3A_417 = vector.broadcast %jit3A_415 : f32 to vector<16xf32>
      %broadcast_in_dim3A_418 = vector.broadcast %jit3A_416 : f32 to vector<16xf32>
      %select_n3A_419 = arith.select %eq3A_414, %broadcast_in_dim3A_417, %broadcast_in_dim3A_418 : vector<16xi1>, vector<16xf32>
      %add3A_420 = arith.addf %get3A_412, %select_n3A_419 : vector<16xf32>
      %swap3A_421 = arith.index_cast %and3A_408 : i32 to index
      %swap3A_422 = tpu.vector_load %arg6[%swap3A_421] {strides = array<i32>} : memref<10112xf32, #tpu.memory_space<vmem>>, vector<16xf32>,
      %swap3A_423 = vector.shape_cast %swap3A_422 : vector<16xf32> to vector<16xf32>
      %swap3A_424 = vector.shape_cast %add3A_420 : vector<16xf32> to vector<16xf32>
      tpu.vector_store %arg6[%swap3A_421], %swap3A_424 {strides = array<i32>} : memref<10112xf32, #tpu.memory_space<vmem>>, vector<16xf32>,
      %slice3A_425 = vector.extract_strided_slice %get3A_324 {offsets = [5], sizes = [1], strides = [1]} : vector<16xi32> to vector<1xi32>
      %squeeze3A_426 = vector.extract %slice3A_425[0] : i32 from vector<1xi32>
      %and3A_427 = arith.constant -8 : i32
      %and3A_428 = arith.andi %squeeze3A_426, %and3A_427 : i32
      %sub3A_429 = arith.subi %squeeze3A_426, %and3A_428 : i32
      %get3A_430 = arith.index_cast %and3A_428 : i32 to index
      %get3A_431 = tpu.vector_load %arg6[%get3A_430] {strides = array<i32>} : memref<10112xf32, #tpu.memory_space<vmem>>, vector<16xf32>,
      %get3A_432 = vector.shape_cast %get3A_431 : vector<16xf32> to vector<16xf32>
      %eq3A_433 = vector.broadcast %sub3A_429 : i32 to vector<16xi32>
      %eq3A_434 = arith.cmpi eq, %iota3A, %eq3A_433 : vector<16xi32>
      %jit3A_435 = arith.constant 1.000000e+00 : f32
      %jit3A_436 = arith.constant 0.000000e+00 : f32
      %broadcast_in_dim3A_437 = vector.broadcast %jit3A_435 : f32 to vector<16xf32>
      %broadcast_in_dim3A_438 = vector.broadcast %jit3A_436 : f32 to vector<16xf32>
      %select_n3A_439 = arith.select %eq3A_434, %broadcast_in_dim3A_437, %broadcast_in_dim3A_438 : vector<16xi1>, vector<16xf32>
      %add3A_440 = arith.addf %get3A_432, %select_n3A_439 : vector<16xf32>
      %swap3A_441 = arith.index_cast %and3A_428 : i32 to index
      %swap3A_442 = tpu.vector_load %arg6[%swap3A_441] {strides = array<i32>} : memref<10112xf32, #tpu.memory_space<vmem>>, vector<16xf32>,
      %swap3A_443 = vector.shape_cast %swap3A_442 : vector<16xf32> to vector<16xf32>
      %swap3A_444 = vector.shape_cast %add3A_440 : vector<16xf32> to vector<16xf32>
      tpu.vector_store %arg6[%swap3A_441], %swap3A_444 {strides = array<i32>} : memref<10112xf32, #tpu.memory_space<vmem>>, vector<16xf32>,
      %slice3A_445 = vector.extract_strided_slice %get3A_324 {offsets = [6], sizes = [1], strides = [1]} : vector<16xi32> to vector<1xi32>
      %squeeze3A_446 = vector.extract %slice3A_445[0] : i32 from vector<1xi32>
      %and3A_447 = arith.constant -8 : i32
      %and3A_448 = arith.andi %squeeze3A_446, %and3A_447 : i32
      %sub3A_449 = arith.subi %squeeze3A_446, %and3A_448 : i32
      %get3A_450 = arith.index_cast %and3A_448 : i32 to index
      %get3A_451 = tpu.vector_load %arg6[%get3A_450] {strides = array<i32>} : memref<10112xf32, #tpu.memory_space<vmem>>, vector<16xf32>,
      %get3A_452 = vector.shape_cast %get3A_451 : vector<16xf32> to vector<16xf32>
      %eq3A_453 = vector.broadcast %sub3A_449 : i32 to vector<16xi32>
      %eq3A_454 = arith.cmpi eq, %iota3A, %eq3A_453 : vector<16xi32>
      %jit3A_455 = arith.constant 1.000000e+00 : f32
      %jit3A_456 = arith.constant 0.000000e+00 : f32
      %broadcast_in_dim3A_457 = vector.broadcast %jit3A_455 : f32 to vector<16xf32>
      %broadcast_in_dim3A_458 = vector.broadcast %jit3A_456 : f32 to vector<16xf32>
      %select_n3A_459 = arith.select %eq3A_454, %broadcast_in_dim3A_457, %broadcast_in_dim3A_458 : vector<16xi1>, vector<16xf32>
      %add3A_460 = arith.addf %get3A_452, %select_n3A_459 : vector<16xf32>
      %swap3A_461 = arith.index_cast %and3A_448 : i32 to index
      %swap3A_462 = tpu.vector_load %arg6[%swap3A_461] {strides = array<i32>} : memref<10112xf32, #tpu.memory_space<vmem>>, vector<16xf32>,
      %swap3A_463 = vector.shape_cast %swap3A_462 : vector<16xf32> to vector<16xf32>
      %swap3A_464 = vector.shape_cast %add3A_460 : vector<16xf32> to vector<16xf32>
      tpu.vector_store %arg6[%swap3A_461], %swap3A_464 {strides = array<i32>} : memref<10112xf32, #tpu.memory_space<vmem>>, vector<16xf32>,
      %slice3A_465 = vector.extract_strided_slice %get3A_324 {offsets = [7], sizes = [1], strides = [1]} : vector<16xi32> to vector<1xi32>
      %squeeze3A_466 = vector.extract %slice3A_465[0] : i32 from vector<1xi32>
      %and3A_467 = arith.constant -8 : i32
      %and3A_468 = arith.andi %squeeze3A_466, %and3A_467 : i32
      %sub3A_469 = arith.subi %squeeze3A_466, %and3A_468 : i32
      %get3A_470 = arith.index_cast %and3A_468 : i32 to index
      %get3A_471 = tpu.vector_load %arg6[%get3A_470] {strides = array<i32>} : memref<10112xf32, #tpu.memory_space<vmem>>, vector<16xf32>,
      %get3A_472 = vector.shape_cast %get3A_471 : vector<16xf32> to vector<16xf32>
      %eq3A_473 = vector.broadcast %sub3A_469 : i32 to vector<16xi32>
      %eq3A_474 = arith.cmpi eq, %iota3A, %eq3A_473 : vector<16xi32>
      %jit3A_475 = arith.constant 1.000000e+00 : f32
      %jit3A_476 = arith.constant 0.000000e+00 : f32
      %broadcast_in_dim3A_477 = vector.broadcast %jit3A_475 : f32 to vector<16xf32>
      %broadcast_in_dim3A_478 = vector.broadcast %jit3A_476 : f32 to vector<16xf32>
      %select_n3A_479 = arith.select %eq3A_474, %broadcast_in_dim3A_477, %broadcast_in_dim3A_478 : vector<16xi1>, vector<16xf32>
      %add3A_480 = arith.addf %get3A_472, %select_n3A_479 : vector<16xf32>
      %swap3A_481 = arith.index_cast %and3A_468 : i32 to index
      %swap3A_482 = tpu.vector_load %arg6[%swap3A_481] {strides = array<i32>} : memref<10112xf32, #tpu.memory_space<vmem>>, vector<16xf32>,
      %swap3A_483 = vector.shape_cast %swap3A_482 : vector<16xf32> to vector<16xf32>
      %swap3A_484 = vector.shape_cast %add3A_480 : vector<16xf32> to vector<16xf32>
      tpu.vector_store %arg6[%swap3A_481], %swap3A_484 {strides = array<i32>} : memref<10112xf32, #tpu.memory_space<vmem>>, vector<16xf32>,
      %slice3A_485 = vector.extract_strided_slice %get3A_324 {offsets = [8], sizes = [1], strides = [1]} : vector<16xi32> to vector<1xi32>
      %squeeze3A_486 = vector.extract %slice3A_485[0] : i32 from vector<1xi32>
      %and3A_487 = arith.constant -8 : i32
      %and3A_488 = arith.andi %squeeze3A_486, %and3A_487 : i32
      %sub3A_489 = arith.subi %squeeze3A_486, %and3A_488 : i32
      %get3A_490 = arith.index_cast %and3A_488 : i32 to index
      %get3A_491 = tpu.vector_load %arg6[%get3A_490] {strides = array<i32>} : memref<10112xf32, #tpu.memory_space<vmem>>, vector<16xf32>,
      %get3A_492 = vector.shape_cast %get3A_491 : vector<16xf32> to vector<16xf32>
      %eq3A_493 = vector.broadcast %sub3A_489 : i32 to vector<16xi32>
      %eq3A_494 = arith.cmpi eq, %iota3A, %eq3A_493 : vector<16xi32>
      %jit3A_495 = arith.constant 1.000000e+00 : f32
      %jit3A_496 = arith.constant 0.000000e+00 : f32
      %broadcast_in_dim3A_497 = vector.broadcast %jit3A_495 : f32 to vector<16xf32>
      %broadcast_in_dim3A_498 = vector.broadcast %jit3A_496 : f32 to vector<16xf32>
      %select_n3A_499 = arith.select %eq3A_494, %broadcast_in_dim3A_497, %broadcast_in_dim3A_498 : vector<16xi1>, vector<16xf32>
      %add3A_500 = arith.addf %get3A_492, %select_n3A_499 : vector<16xf32>
      %swap3A_501 = arith.index_cast %and3A_488 : i32 to index
      %swap3A_502 = tpu.vector_load %arg6[%swap3A_501] {strides = array<i32>} : memref<10112xf32, #tpu.memory_space<vmem>>, vector<16xf32>,
      %swap3A_503 = vector.shape_cast %swap3A_502 : vector<16xf32> to vector<16xf32>
      %swap3A_504 = vector.shape_cast %add3A_500 : vector<16xf32> to vector<16xf32>
      tpu.vector_store %arg6[%swap3A_501], %swap3A_504 {strides = array<i32>} : memref<10112xf32, #tpu.memory_space<vmem>>, vector<16xf32>,
      %slice3A_505 = vector.extract_strided_slice %get3A_324 {offsets = [9], sizes = [1], strides = [1]} : vector<16xi32> to vector<1xi32>
      %squeeze3A_506 = vector.extract %slice3A_505[0] : i32 from vector<1xi32>
      %and3A_507 = arith.constant -8 : i32
      %and3A_508 = arith.andi %squeeze3A_506, %and3A_507 : i32
      %sub3A_509 = arith.subi %squeeze3A_506, %and3A_508 : i32
      %get3A_510 = arith.index_cast %and3A_508 : i32 to index
      %get3A_511 = tpu.vector_load %arg6[%get3A_510] {strides = array<i32>} : memref<10112xf32, #tpu.memory_space<vmem>>, vector<16xf32>,
      %get3A_512 = vector.shape_cast %get3A_511 : vector<16xf32> to vector<16xf32>
      %eq3A_513 = vector.broadcast %sub3A_509 : i32 to vector<16xi32>
      %eq3A_514 = arith.cmpi eq, %iota3A, %eq3A_513 : vector<16xi32>
      %jit3A_515 = arith.constant 1.000000e+00 : f32
      %jit3A_516 = arith.constant 0.000000e+00 : f32
      %broadcast_in_dim3A_517 = vector.broadcast %jit3A_515 : f32 to vector<16xf32>
      %broadcast_in_dim3A_518 = vector.broadcast %jit3A_516 : f32 to vector<16xf32>
      %select_n3A_519 = arith.select %eq3A_514, %broadcast_in_dim3A_517, %broadcast_in_dim3A_518 : vector<16xi1>, vector<16xf32>
      %add3A_520 = arith.addf %get3A_512, %select_n3A_519 : vector<16xf32>
      %swap3A_521 = arith.index_cast %and3A_508 : i32 to index
      %swap3A_522 = tpu.vector_load %arg6[%swap3A_521] {strides = array<i32>} : memref<10112xf32, #tpu.memory_space<vmem>>, vector<16xf32>,
      %swap3A_523 = vector.shape_cast %swap3A_522 : vector<16xf32> to vector<16xf32>
      %swap3A_524 = vector.shape_cast %add3A_520 : vector<16xf32> to vector<16xf32>
      tpu.vector_store %arg6[%swap3A_521], %swap3A_524 {strides = array<i32>} : memref<10112xf32, #tpu.memory_space<vmem>>, vector<16xf32>,
      %slice3A_525 = vector.extract_strided_slice %get3A_324 {offsets = [10], sizes = [1], strides = [1]} : vector<16xi32> to vector<1xi32>
      %squeeze3A_526 = vector.extract %slice3A_525[0] : i32 from vector<1xi32>
      %and3A_527 = arith.constant -8 : i32
      %and3A_528 = arith.andi %squeeze3A_526, %and3A_527 : i32
      %sub3A_529 = arith.subi %squeeze3A_526, %and3A_528 : i32
      %get3A_530 = arith.index_cast %and3A_528 : i32 to index
      %get3A_531 = tpu.vector_load %arg6[%get3A_530] {strides = array<i32>} : memref<10112xf32, #tpu.memory_space<vmem>>, vector<16xf32>,
      %get3A_532 = vector.shape_cast %get3A_531 : vector<16xf32> to vector<16xf32>
      %eq3A_533 = vector.broadcast %sub3A_529 : i32 to vector<16xi32>
      %eq3A_534 = arith.cmpi eq, %iota3A, %eq3A_533 : vector<16xi32>
      %jit3A_535 = arith.constant 1.000000e+00 : f32
      %jit3A_536 = arith.constant 0.000000e+00 : f32
      %broadcast_in_dim3A_537 = vector.broadcast %jit3A_535 : f32 to vector<16xf32>
      %broadcast_in_dim3A_538 = vector.broadcast %jit3A_536 : f32 to vector<16xf32>
      %select_n3A_539 = arith.select %eq3A_534, %broadcast_in_dim3A_537, %broadcast_in_dim3A_538 : vector<16xi1>, vector<16xf32>
      %add3A_540 = arith.addf %get3A_532, %select_n3A_539 : vector<16xf32>
      %swap3A_541 = arith.index_cast %and3A_528 : i32 to index
      %swap3A_542 = tpu.vector_load %arg6[%swap3A_541] {strides = array<i32>} : memref<10112xf32, #tpu.memory_space<vmem>>, vector<16xf32>,
      %swap3A_543 = vector.shape_cast %swap3A_542 : vector<16xf32> to vector<16xf32>
      %swap3A_544 = vector.shape_cast %add3A_540 : vector<16xf32> to vector<16xf32>
      tpu.vector_store %arg6[%swap3A_541], %swap3A_544 {strides = array<i32>} : memref<10112xf32, #tpu.memory_space<vmem>>, vector<16xf32>,
      %slice3A_545 = vector.extract_strided_slice %get3A_324 {offsets = [11], sizes = [1], strides = [1]} : vector<16xi32> to vector<1xi32>
      %squeeze3A_546 = vector.extract %slice3A_545[0] : i32 from vector<1xi32>
      %and3A_547 = arith.constant -8 : i32
      %and3A_548 = arith.andi %squeeze3A_546, %and3A_547 : i32
      %sub3A_549 = arith.subi %squeeze3A_546, %and3A_548 : i32
      %get3A_550 = arith.index_cast %and3A_548 : i32 to index
      %get3A_551 = tpu.vector_load %arg6[%get3A_550] {strides = array<i32>} : memref<10112xf32, #tpu.memory_space<vmem>>, vector<16xf32>,
      %get3A_552 = vector.shape_cast %get3A_551 : vector<16xf32> to vector<16xf32>
      %eq3A_553 = vector.broadcast %sub3A_549 : i32 to vector<16xi32>
      %eq3A_554 = arith.cmpi eq, %iota3A, %eq3A_553 : vector<16xi32>
      %jit3A_555 = arith.constant 1.000000e+00 : f32
      %jit3A_556 = arith.constant 0.000000e+00 : f32
      %broadcast_in_dim3A_557 = vector.broadcast %jit3A_555 : f32 to vector<16xf32>
      %broadcast_in_dim3A_558 = vector.broadcast %jit3A_556 : f32 to vector<16xf32>
      %select_n3A_559 = arith.select %eq3A_554, %broadcast_in_dim3A_557, %broadcast_in_dim3A_558 : vector<16xi1>, vector<16xf32>
      %add3A_560 = arith.addf %get3A_552, %select_n3A_559 : vector<16xf32>
      %swap3A_561 = arith.index_cast %and3A_548 : i32 to index
      %swap3A_562 = tpu.vector_load %arg6[%swap3A_561] {strides = array<i32>} : memref<10112xf32, #tpu.memory_space<vmem>>, vector<16xf32>,
      %swap3A_563 = vector.shape_cast %swap3A_562 : vector<16xf32> to vector<16xf32>
      %swap3A_564 = vector.shape_cast %add3A_560 : vector<16xf32> to vector<16xf32>
      tpu.vector_store %arg6[%swap3A_561], %swap3A_564 {strides = array<i32>} : memref<10112xf32, #tpu.memory_space<vmem>>, vector<16xf32>,
      %slice3A_565 = vector.extract_strided_slice %get3A_324 {offsets = [12], sizes = [1], strides = [1]} : vector<16xi32> to vector<1xi32>
      %squeeze3A_566 = vector.extract %slice3A_565[0] : i32 from vector<1xi32>
      %and3A_567 = arith.constant -8 : i32
      %and3A_568 = arith.andi %squeeze3A_566, %and3A_567 : i32
      %sub3A_569 = arith.subi %squeeze3A_566, %and3A_568 : i32
      %get3A_570 = arith.index_cast %and3A_568 : i32 to index
      %get3A_571 = tpu.vector_load %arg6[%get3A_570] {strides = array<i32>} : memref<10112xf32, #tpu.memory_space<vmem>>, vector<16xf32>,
      %get3A_572 = vector.shape_cast %get3A_571 : vector<16xf32> to vector<16xf32>
      %eq3A_573 = vector.broadcast %sub3A_569 : i32 to vector<16xi32>
      %eq3A_574 = arith.cmpi eq, %iota3A, %eq3A_573 : vector<16xi32>
      %jit3A_575 = arith.constant 1.000000e+00 : f32
      %jit3A_576 = arith.constant 0.000000e+00 : f32
      %broadcast_in_dim3A_577 = vector.broadcast %jit3A_575 : f32 to vector<16xf32>
      %broadcast_in_dim3A_578 = vector.broadcast %jit3A_576 : f32 to vector<16xf32>
      %select_n3A_579 = arith.select %eq3A_574, %broadcast_in_dim3A_577, %broadcast_in_dim3A_578 : vector<16xi1>, vector<16xf32>
      %add3A_580 = arith.addf %get3A_572, %select_n3A_579 : vector<16xf32>
      %swap3A_581 = arith.index_cast %and3A_568 : i32 to index
      %swap3A_582 = tpu.vector_load %arg6[%swap3A_581] {strides = array<i32>} : memref<10112xf32, #tpu.memory_space<vmem>>, vector<16xf32>,
      %swap3A_583 = vector.shape_cast %swap3A_582 : vector<16xf32> to vector<16xf32>
      %swap3A_584 = vector.shape_cast %add3A_580 : vector<16xf32> to vector<16xf32>
      tpu.vector_store %arg6[%swap3A_581], %swap3A_584 {strides = array<i32>} : memref<10112xf32, #tpu.memory_space<vmem>>, vector<16xf32>,
      %slice3A_585 = vector.extract_strided_slice %get3A_324 {offsets = [13], sizes = [1], strides = [1]} : vector<16xi32> to vector<1xi32>
      %squeeze3A_586 = vector.extract %slice3A_585[0] : i32 from vector<1xi32>
      %and3A_587 = arith.constant -8 : i32
      %and3A_588 = arith.andi %squeeze3A_586, %and3A_587 : i32
      %sub3A_589 = arith.subi %squeeze3A_586, %and3A_588 : i32
      %get3A_590 = arith.index_cast %and3A_588 : i32 to index
      %get3A_591 = tpu.vector_load %arg6[%get3A_590] {strides = array<i32>} : memref<10112xf32, #tpu.memory_space<vmem>>, vector<16xf32>,
      %get3A_592 = vector.shape_cast %get3A_591 : vector<16xf32> to vector<16xf32>
      %eq3A_593 = vector.broadcast %sub3A_589 : i32 to vector<16xi32>
      %eq3A_594 = arith.cmpi eq, %iota3A, %eq3A_593 : vector<16xi32>
      %jit3A_595 = arith.constant 1.000000e+00 : f32
      %jit3A_596 = arith.constant 0.000000e+00 : f32
      %broadcast_in_dim3A_597 = vector.broadcast %jit3A_595 : f32 to vector<16xf32>
      %broadcast_in_dim3A_598 = vector.broadcast %jit3A_596 : f32 to vector<16xf32>
      %select_n3A_599 = arith.select %eq3A_594, %broadcast_in_dim3A_597, %broadcast_in_dim3A_598 : vector<16xi1>, vector<16xf32>
      %add3A_600 = arith.addf %get3A_592, %select_n3A_599 : vector<16xf32>
      %swap3A_601 = arith.index_cast %and3A_588 : i32 to index
      %swap3A_602 = tpu.vector_load %arg6[%swap3A_601] {strides = array<i32>} : memref<10112xf32, #tpu.memory_space<vmem>>, vector<16xf32>,
      %swap3A_603 = vector.shape_cast %swap3A_602 : vector<16xf32> to vector<16xf32>
      %swap3A_604 = vector.shape_cast %add3A_600 : vector<16xf32> to vector<16xf32>
      tpu.vector_store %arg6[%swap3A_601], %swap3A_604 {strides = array<i32>} : memref<10112xf32, #tpu.memory_space<vmem>>, vector<16xf32>,
      %slice3A_605 = vector.extract_strided_slice %get3A_324 {offsets = [14], sizes = [1], strides = [1]} : vector<16xi32> to vector<1xi32>
      %squeeze3A_606 = vector.extract %slice3A_605[0] : i32 from vector<1xi32>
      %and3A_607 = arith.constant -8 : i32
      %and3A_608 = arith.andi %squeeze3A_606, %and3A_607 : i32
      %sub3A_609 = arith.subi %squeeze3A_606, %and3A_608 : i32
      %get3A_610 = arith.index_cast %and3A_608 : i32 to index
      %get3A_611 = tpu.vector_load %arg6[%get3A_610] {strides = array<i32>} : memref<10112xf32, #tpu.memory_space<vmem>>, vector<16xf32>,
      %get3A_612 = vector.shape_cast %get3A_611 : vector<16xf32> to vector<16xf32>
      %eq3A_613 = vector.broadcast %sub3A_609 : i32 to vector<16xi32>
      %eq3A_614 = arith.cmpi eq, %iota3A, %eq3A_613 : vector<16xi32>
      %jit3A_615 = arith.constant 1.000000e+00 : f32
      %jit3A_616 = arith.constant 0.000000e+00 : f32
      %broadcast_in_dim3A_617 = vector.broadcast %jit3A_615 : f32 to vector<16xf32>
      %broadcast_in_dim3A_618 = vector.broadcast %jit3A_616 : f32 to vector<16xf32>
      %select_n3A_619 = arith.select %eq3A_614, %broadcast_in_dim3A_617, %broadcast_in_dim3A_618 : vector<16xi1>, vector<16xf32>
      %add3A_620 = arith.addf %get3A_612, %select_n3A_619 : vector<16xf32>
      %swap3A_621 = arith.index_cast %and3A_608 : i32 to index
      %swap3A_622 = tpu.vector_load %arg6[%swap3A_621] {strides = array<i32>} : memref<10112xf32, #tpu.memory_space<vmem>>, vector<16xf32>,
      %swap3A_623 = vector.shape_cast %swap3A_622 : vector<16xf32> to vector<16xf32>
      %swap3A_624 = vector.shape_cast %add3A_620 : vector<16xf32> to vector<16xf32>
      tpu.vector_store %arg6[%swap3A_621], %swap3A_624 {strides = array<i32>} : memref<10112xf32, #tpu.memory_space<vmem>>, vector<16xf32>,
      %slice3A_625 = vector.extract_strided_slice %get3A_324 {offsets = [15], sizes = [1], strides = [1]} : vector<16xi32> to vector<1xi32>
      %squeeze3A_626 = vector.extract %slice3A_625[0] : i32 from vector<1xi32>
      %and3A_627 = arith.constant -8 : i32
      %and3A_628 = arith.andi %squeeze3A_626, %and3A_627 : i32
      %sub3A_629 = arith.subi %squeeze3A_626, %and3A_628 : i32
      %get3A_630 = arith.index_cast %and3A_628 : i32 to index
      %get3A_631 = tpu.vector_load %arg6[%get3A_630] {strides = array<i32>} : memref<10112xf32, #tpu.memory_space<vmem>>, vector<16xf32>,
      %get3A_632 = vector.shape_cast %get3A_631 : vector<16xf32> to vector<16xf32>
      %eq3A_633 = vector.broadcast %sub3A_629 : i32 to vector<16xi32>
      %eq3A_634 = arith.cmpi eq, %iota3A, %eq3A_633 : vector<16xi32>
      %jit3A_635 = arith.constant 1.000000e+00 : f32
      %jit3A_636 = arith.constant 0.000000e+00 : f32
      %broadcast_in_dim3A_637 = vector.broadcast %jit3A_635 : f32 to vector<16xf32>
      %broadcast_in_dim3A_638 = vector.broadcast %jit3A_636 : f32 to vector<16xf32>
      %select_n3A_639 = arith.select %eq3A_634, %broadcast_in_dim3A_637, %broadcast_in_dim3A_638 : vector<16xi1>, vector<16xf32>
      %add3A_640 = arith.addf %get3A_632, %select_n3A_639 : vector<16xf32>
      %swap3A_641 = arith.index_cast %and3A_628 : i32 to index
      %swap3A_642 = tpu.vector_load %arg6[%swap3A_641] {strides = array<i32>} : memref<10112xf32, #tpu.memory_space<vmem>>, vector<16xf32>,
      %swap3A_643 = vector.shape_cast %swap3A_642 : vector<16xf32> to vector<16xf32>
      %swap3A_644 = vector.shape_cast %add3A_640 : vector<16xf32> to vector<16xf32>
      tpu.vector_store %arg6[%swap3A_641], %swap3A_644 {strides = array<i32>} : memref<10112xf32, #tpu.memory_space<vmem>>, vector<16xf32>,
      %get3A_645 = arith.index_cast %scan3A_6 : i32 to index
      %get3A_646 = arith.constant 32 : index
      %get3A_647 = tpu.vector_load %arg5[%get3A_645, %get3A_646] {strides = array<i32>} : memref<125x80xi32, #tpu.memory_space<vmem>>, vector<1x16xi32>,
      %get3A_648 = vector.shape_cast %get3A_647 : vector<1x16xi32> to vector<16xi32>
      %slice3A_649 = vector.extract_strided_slice %get3A_648 {offsets = [0], sizes = [1], strides = [1]} : vector<16xi32> to vector<1xi32>
      %squeeze3A_650 = vector.extract %slice3A_649[0] : i32 from vector<1xi32>
      %and3A_651 = arith.constant -8 : i32
      %and3A_652 = arith.andi %squeeze3A_650, %and3A_651 : i32
      %sub3A_653 = arith.subi %squeeze3A_650, %and3A_652 : i32
      %get3A_654 = arith.index_cast %and3A_652 : i32 to index
      %get3A_655 = tpu.vector_load %arg6[%get3A_654] {strides = array<i32>} : memref<10112xf32, #tpu.memory_space<vmem>>, vector<16xf32>,
      %get3A_656 = vector.shape_cast %get3A_655 : vector<16xf32> to vector<16xf32>
      %eq3A_657 = vector.broadcast %sub3A_653 : i32 to vector<16xi32>
      %eq3A_658 = arith.cmpi eq, %iota3A, %eq3A_657 : vector<16xi32>
      %jit3A_659 = arith.constant 1.000000e+00 : f32
      %jit3A_660 = arith.constant 0.000000e+00 : f32
      %broadcast_in_dim3A_661 = vector.broadcast %jit3A_659 : f32 to vector<16xf32>
      %broadcast_in_dim3A_662 = vector.broadcast %jit3A_660 : f32 to vector<16xf32>
      %select_n3A_663 = arith.select %eq3A_658, %broadcast_in_dim3A_661, %broadcast_in_dim3A_662 : vector<16xi1>, vector<16xf32>
      %add3A_664 = arith.addf %get3A_656, %select_n3A_663 : vector<16xf32>
      %swap3A_665 = arith.index_cast %and3A_652 : i32 to index
      %swap3A_666 = tpu.vector_load %arg6[%swap3A_665] {strides = array<i32>} : memref<10112xf32, #tpu.memory_space<vmem>>, vector<16xf32>,
      %swap3A_667 = vector.shape_cast %swap3A_666 : vector<16xf32> to vector<16xf32>
      %swap3A_668 = vector.shape_cast %add3A_664 : vector<16xf32> to vector<16xf32>
      tpu.vector_store %arg6[%swap3A_665], %swap3A_668 {strides = array<i32>} : memref<10112xf32, #tpu.memory_space<vmem>>, vector<16xf32>,
      %slice3A_669 = vector.extract_strided_slice %get3A_648 {offsets = [1], sizes = [1], strides = [1]} : vector<16xi32> to vector<1xi32>
      %squeeze3A_670 = vector.extract %slice3A_669[0] : i32 from vector<1xi32>
      %and3A_671 = arith.constant -8 : i32
      %and3A_672 = arith.andi %squeeze3A_670, %and3A_671 : i32
      %sub3A_673 = arith.subi %squeeze3A_670, %and3A_672 : i32
      %get3A_674 = arith.index_cast %and3A_672 : i32 to index
      %get3A_675 = tpu.vector_load %arg6[%get3A_674] {strides = array<i32>} : memref<10112xf32, #tpu.memory_space<vmem>>, vector<16xf32>,
      %get3A_676 = vector.shape_cast %get3A_675 : vector<16xf32> to vector<16xf32>
      %eq3A_677 = vector.broadcast %sub3A_673 : i32 to vector<16xi32>
      %eq3A_678 = arith.cmpi eq, %iota3A, %eq3A_677 : vector<16xi32>
      %jit3A_679 = arith.constant 1.000000e+00 : f32
      %jit3A_680 = arith.constant 0.000000e+00 : f32
      %broadcast_in_dim3A_681 = vector.broadcast %jit3A_679 : f32 to vector<16xf32>
      %broadcast_in_dim3A_682 = vector.broadcast %jit3A_680 : f32 to vector<16xf32>
      %select_n3A_683 = arith.select %eq3A_678, %broadcast_in_dim3A_681, %broadcast_in_dim3A_682 : vector<16xi1>, vector<16xf32>
      %add3A_684 = arith.addf %get3A_676, %select_n3A_683 : vector<16xf32>
      %swap3A_685 = arith.index_cast %and3A_672 : i32 to index
      %swap3A_686 = tpu.vector_load %arg6[%swap3A_685] {strides = array<i32>} : memref<10112xf32, #tpu.memory_space<vmem>>, vector<16xf32>,
      %swap3A_687 = vector.shape_cast %swap3A_686 : vector<16xf32> to vector<16xf32>
      %swap3A_688 = vector.shape_cast %add3A_684 : vector<16xf32> to vector<16xf32>
      tpu.vector_store %arg6[%swap3A_685], %swap3A_688 {strides = array<i32>} : memref<10112xf32, #tpu.memory_space<vmem>>, vector<16xf32>,
      %slice3A_689 = vector.extract_strided_slice %get3A_648 {offsets = [2], sizes = [1], strides = [1]} : vector<16xi32> to vector<1xi32>
      %squeeze3A_690 = vector.extract %slice3A_689[0] : i32 from vector<1xi32>
      %and3A_691 = arith.constant -8 : i32
      %and3A_692 = arith.andi %squeeze3A_690, %and3A_691 : i32
      %sub3A_693 = arith.subi %squeeze3A_690, %and3A_692 : i32
      %get3A_694 = arith.index_cast %and3A_692 : i32 to index
      %get3A_695 = tpu.vector_load %arg6[%get3A_694] {strides = array<i32>} : memref<10112xf32, #tpu.memory_space<vmem>>, vector<16xf32>,
      %get3A_696 = vector.shape_cast %get3A_695 : vector<16xf32> to vector<16xf32>
      %eq3A_697 = vector.broadcast %sub3A_693 : i32 to vector<16xi32>
      %eq3A_698 = arith.cmpi eq, %iota3A, %eq3A_697 : vector<16xi32>
      %jit3A_699 = arith.constant 1.000000e+00 : f32
      %jit3A_700 = arith.constant 0.000000e+00 : f32
      %broadcast_in_dim3A_701 = vector.broadcast %jit3A_699 : f32 to vector<16xf32>
      %broadcast_in_dim3A_702 = vector.broadcast %jit3A_700 : f32 to vector<16xf32>
      %select_n3A_703 = arith.select %eq3A_698, %broadcast_in_dim3A_701, %broadcast_in_dim3A_702 : vector<16xi1>, vector<16xf32>
      %add3A_704 = arith.addf %get3A_696, %select_n3A_703 : vector<16xf32>
      %swap3A_705 = arith.index_cast %and3A_692 : i32 to index
      %swap3A_706 = tpu.vector_load %arg6[%swap3A_705] {strides = array<i32>} : memref<10112xf32, #tpu.memory_space<vmem>>, vector<16xf32>,
      %swap3A_707 = vector.shape_cast %swap3A_706 : vector<16xf32> to vector<16xf32>
      %swap3A_708 = vector.shape_cast %add3A_704 : vector<16xf32> to vector<16xf32>
      tpu.vector_store %arg6[%swap3A_705], %swap3A_708 {strides = array<i32>} : memref<10112xf32, #tpu.memory_space<vmem>>, vector<16xf32>,
      %slice3A_709 = vector.extract_strided_slice %get3A_648 {offsets = [3], sizes = [1], strides = [1]} : vector<16xi32> to vector<1xi32>
      %squeeze3A_710 = vector.extract %slice3A_709[0] : i32 from vector<1xi32>
      %and3A_711 = arith.constant -8 : i32
      %and3A_712 = arith.andi %squeeze3A_710, %and3A_711 : i32
      %sub3A_713 = arith.subi %squeeze3A_710, %and3A_712 : i32
      %get3A_714 = arith.index_cast %and3A_712 : i32 to index
      %get3A_715 = tpu.vector_load %arg6[%get3A_714] {strides = array<i32>} : memref<10112xf32, #tpu.memory_space<vmem>>, vector<16xf32>,
      %get3A_716 = vector.shape_cast %get3A_715 : vector<16xf32> to vector<16xf32>
      %eq3A_717 = vector.broadcast %sub3A_713 : i32 to vector<16xi32>
      %eq3A_718 = arith.cmpi eq, %iota3A, %eq3A_717 : vector<16xi32>
      %jit3A_719 = arith.constant 1.000000e+00 : f32
      %jit3A_720 = arith.constant 0.000000e+00 : f32
      %broadcast_in_dim3A_721 = vector.broadcast %jit3A_719 : f32 to vector<16xf32>
      %broadcast_in_dim3A_722 = vector.broadcast %jit3A_720 : f32 to vector<16xf32>
      %select_n3A_723 = arith.select %eq3A_718, %broadcast_in_dim3A_721, %broadcast_in_dim3A_722 : vector<16xi1>, vector<16xf32>
      %add3A_724 = arith.addf %get3A_716, %select_n3A_723 : vector<16xf32>
      %swap3A_725 = arith.index_cast %and3A_712 : i32 to index
      %swap3A_726 = tpu.vector_load %arg6[%swap3A_725] {strides = array<i32>} : memref<10112xf32, #tpu.memory_space<vmem>>, vector<16xf32>,
      %swap3A_727 = vector.shape_cast %swap3A_726 : vector<16xf32> to vector<16xf32>
      %swap3A_728 = vector.shape_cast %add3A_724 : vector<16xf32> to vector<16xf32>
      tpu.vector_store %arg6[%swap3A_725], %swap3A_728 {strides = array<i32>} : memref<10112xf32, #tpu.memory_space<vmem>>, vector<16xf32>,
      %slice3A_729 = vector.extract_strided_slice %get3A_648 {offsets = [4], sizes = [1], strides = [1]} : vector<16xi32> to vector<1xi32>
      %squeeze3A_730 = vector.extract %slice3A_729[0] : i32 from vector<1xi32>
      %and3A_731 = arith.constant -8 : i32
      %and3A_732 = arith.andi %squeeze3A_730, %and3A_731 : i32
      %sub3A_733 = arith.subi %squeeze3A_730, %and3A_732 : i32
      %get3A_734 = arith.index_cast %and3A_732 : i32 to index
      %get3A_735 = tpu.vector_load %arg6[%get3A_734] {strides = array<i32>} : memref<10112xf32, #tpu.memory_space<vmem>>, vector<16xf32>,
      %get3A_736 = vector.shape_cast %get3A_735 : vector<16xf32> to vector<16xf32>
      %eq3A_737 = vector.broadcast %sub3A_733 : i32 to vector<16xi32>
      %eq3A_738 = arith.cmpi eq, %iota3A, %eq3A_737 : vector<16xi32>
      %jit3A_739 = arith.constant 1.000000e+00 : f32
      %jit3A_740 = arith.constant 0.000000e+00 : f32
      %broadcast_in_dim3A_741 = vector.broadcast %jit3A_739 : f32 to vector<16xf32>
      %broadcast_in_dim3A_742 = vector.broadcast %jit3A_740 : f32 to vector<16xf32>
      %select_n3A_743 = arith.select %eq3A_738, %broadcast_in_dim3A_741, %broadcast_in_dim3A_742 : vector<16xi1>, vector<16xf32>
      %add3A_744 = arith.addf %get3A_736, %select_n3A_743 : vector<16xf32>
      %swap3A_745 = arith.index_cast %and3A_732 : i32 to index
      %swap3A_746 = tpu.vector_load %arg6[%swap3A_745] {strides = array<i32>} : memref<10112xf32, #tpu.memory_space<vmem>>, vector<16xf32>,
      %swap3A_747 = vector.shape_cast %swap3A_746 : vector<16xf32> to vector<16xf32>
      %swap3A_748 = vector.shape_cast %add3A_744 : vector<16xf32> to vector<16xf32>
      tpu.vector_store %arg6[%swap3A_745], %swap3A_748 {strides = array<i32>} : memref<10112xf32, #tpu.memory_space<vmem>>, vector<16xf32>,
      %slice3A_749 = vector.extract_strided_slice %get3A_648 {offsets = [5], sizes = [1], strides = [1]} : vector<16xi32> to vector<1xi32>
      %squeeze3A_750 = vector.extract %slice3A_749[0] : i32 from vector<1xi32>
      %and3A_751 = arith.constant -8 : i32
      %and3A_752 = arith.andi %squeeze3A_750, %and3A_751 : i32
      %sub3A_753 = arith.subi %squeeze3A_750, %and3A_752 : i32
      %get3A_754 = arith.index_cast %and3A_752 : i32 to index
      %get3A_755 = tpu.vector_load %arg6[%get3A_754] {strides = array<i32>} : memref<10112xf32, #tpu.memory_space<vmem>>, vector<16xf32>,
      %get3A_756 = vector.shape_cast %get3A_755 : vector<16xf32> to vector<16xf32>
      %eq3A_757 = vector.broadcast %sub3A_753 : i32 to vector<16xi32>
      %eq3A_758 = arith.cmpi eq, %iota3A, %eq3A_757 : vector<16xi32>
      %jit3A_759 = arith.constant 1.000000e+00 : f32
      %jit3A_760 = arith.constant 0.000000e+00 : f32
      %broadcast_in_dim3A_761 = vector.broadcast %jit3A_759 : f32 to vector<16xf32>
      %broadcast_in_dim3A_762 = vector.broadcast %jit3A_760 : f32 to vector<16xf32>
      %select_n3A_763 = arith.select %eq3A_758, %broadcast_in_dim3A_761, %broadcast_in_dim3A_762 : vector<16xi1>, vector<16xf32>
      %add3A_764 = arith.addf %get3A_756, %select_n3A_763 : vector<16xf32>
      %swap3A_765 = arith.index_cast %and3A_752 : i32 to index
      %swap3A_766 = tpu.vector_load %arg6[%swap3A_765] {strides = array<i32>} : memref<10112xf32, #tpu.memory_space<vmem>>, vector<16xf32>,
      %swap3A_767 = vector.shape_cast %swap3A_766 : vector<16xf32> to vector<16xf32>
      %swap3A_768 = vector.shape_cast %add3A_764 : vector<16xf32> to vector<16xf32>
      tpu.vector_store %arg6[%swap3A_765], %swap3A_768 {strides = array<i32>} : memref<10112xf32, #tpu.memory_space<vmem>>, vector<16xf32>,
      %slice3A_769 = vector.extract_strided_slice %get3A_648 {offsets = [6], sizes = [1], strides = [1]} : vector<16xi32> to vector<1xi32>
      %squeeze3A_770 = vector.extract %slice3A_769[0] : i32 from vector<1xi32>
      %and3A_771 = arith.constant -8 : i32
      %and3A_772 = arith.andi %squeeze3A_770, %and3A_771 : i32
      %sub3A_773 = arith.subi %squeeze3A_770, %and3A_772 : i32
      %get3A_774 = arith.index_cast %and3A_772 : i32 to index
      %get3A_775 = tpu.vector_load %arg6[%get3A_774] {strides = array<i32>} : memref<10112xf32, #tpu.memory_space<vmem>>, vector<16xf32>,
      %get3A_776 = vector.shape_cast %get3A_775 : vector<16xf32> to vector<16xf32>
      %eq3A_777 = vector.broadcast %sub3A_773 : i32 to vector<16xi32>
      %eq3A_778 = arith.cmpi eq, %iota3A, %eq3A_777 : vector<16xi32>
      %jit3A_779 = arith.constant 1.000000e+00 : f32
      %jit3A_780 = arith.constant 0.000000e+00 : f32
      %broadcast_in_dim3A_781 = vector.broadcast %jit3A_779 : f32 to vector<16xf32>
      %broadcast_in_dim3A_782 = vector.broadcast %jit3A_780 : f32 to vector<16xf32>
      %select_n3A_783 = arith.select %eq3A_778, %broadcast_in_dim3A_781, %broadcast_in_dim3A_782 : vector<16xi1>, vector<16xf32>
      %add3A_784 = arith.addf %get3A_776, %select_n3A_783 : vector<16xf32>
      %swap3A_785 = arith.index_cast %and3A_772 : i32 to index
      %swap3A_786 = tpu.vector_load %arg6[%swap3A_785] {strides = array<i32>} : memref<10112xf32, #tpu.memory_space<vmem>>, vector<16xf32>,
      %swap3A_787 = vector.shape_cast %swap3A_786 : vector<16xf32> to vector<16xf32>
      %swap3A_788 = vector.shape_cast %add3A_784 : vector<16xf32> to vector<16xf32>
      tpu.vector_store %arg6[%swap3A_785], %swap3A_788 {strides = array<i32>} : memref<10112xf32, #tpu.memory_space<vmem>>, vector<16xf32>,
      %slice3A_789 = vector.extract_strided_slice %get3A_648 {offsets = [7], sizes = [1], strides = [1]} : vector<16xi32> to vector<1xi32>
      %squeeze3A_790 = vector.extract %slice3A_789[0] : i32 from vector<1xi32>
      %and3A_791 = arith.constant -8 : i32
      %and3A_792 = arith.andi %squeeze3A_790, %and3A_791 : i32
      %sub3A_793 = arith.subi %squeeze3A_790, %and3A_792 : i32
      %get3A_794 = arith.index_cast %and3A_792 : i32 to index
      %get3A_795 = tpu.vector_load %arg6[%get3A_794] {strides = array<i32>} : memref<10112xf32, #tpu.memory_space<vmem>>, vector<16xf32>,
      %get3A_796 = vector.shape_cast %get3A_795 : vector<16xf32> to vector<16xf32>
      %eq3A_797 = vector.broadcast %sub3A_793 : i32 to vector<16xi32>
      %eq3A_798 = arith.cmpi eq, %iota3A, %eq3A_797 : vector<16xi32>
      %jit3A_799 = arith.constant 1.000000e+00 : f32
      %jit3A_800 = arith.constant 0.000000e+00 : f32
      %broadcast_in_dim3A_801 = vector.broadcast %jit3A_799 : f32 to vector<16xf32>
      %broadcast_in_dim3A_802 = vector.broadcast %jit3A_800 : f32 to vector<16xf32>
      %select_n3A_803 = arith.select %eq3A_798, %broadcast_in_dim3A_801, %broadcast_in_dim3A_802 : vector<16xi1>, vector<16xf32>
      %add3A_804 = arith.addf %get3A_796, %select_n3A_803 : vector<16xf32>
      %swap3A_805 = arith.index_cast %and3A_792 : i32 to index
      %swap3A_806 = tpu.vector_load %arg6[%swap3A_805] {strides = array<i32>} : memref<10112xf32, #tpu.memory_space<vmem>>, vector<16xf32>,
      %swap3A_807 = vector.shape_cast %swap3A_806 : vector<16xf32> to vector<16xf32>
      %swap3A_808 = vector.shape_cast %add3A_804 : vector<16xf32> to vector<16xf32>
      tpu.vector_store %arg6[%swap3A_805], %swap3A_808 {strides = array<i32>} : memref<10112xf32, #tpu.memory_space<vmem>>, vector<16xf32>,
      %slice3A_809 = vector.extract_strided_slice %get3A_648 {offsets = [8], sizes = [1], strides = [1]} : vector<16xi32> to vector<1xi32>
      %squeeze3A_810 = vector.extract %slice3A_809[0] : i32 from vector<1xi32>
      %and3A_811 = arith.constant -8 : i32
      %and3A_812 = arith.andi %squeeze3A_810, %and3A_811 : i32
      %sub3A_813 = arith.subi %squeeze3A_810, %and3A_812 : i32
      %get3A_814 = arith.index_cast %and3A_812 : i32 to index
      %get3A_815 = tpu.vector_load %arg6[%get3A_814] {strides = array<i32>} : memref<10112xf32, #tpu.memory_space<vmem>>, vector<16xf32>,
      %get3A_816 = vector.shape_cast %get3A_815 : vector<16xf32> to vector<16xf32>
      %eq3A_817 = vector.broadcast %sub3A_813 : i32 to vector<16xi32>
      %eq3A_818 = arith.cmpi eq, %iota3A, %eq3A_817 : vector<16xi32>
      %jit3A_819 = arith.constant 1.000000e+00 : f32
      %jit3A_820 = arith.constant 0.000000e+00 : f32
      %broadcast_in_dim3A_821 = vector.broadcast %jit3A_819 : f32 to vector<16xf32>
      %broadcast_in_dim3A_822 = vector.broadcast %jit3A_820 : f32 to vector<16xf32>
      %select_n3A_823 = arith.select %eq3A_818, %broadcast_in_dim3A_821, %broadcast_in_dim3A_822 : vector<16xi1>, vector<16xf32>
      %add3A_824 = arith.addf %get3A_816, %select_n3A_823 : vector<16xf32>
      %swap3A_825 = arith.index_cast %and3A_812 : i32 to index
      %swap3A_826 = tpu.vector_load %arg6[%swap3A_825] {strides = array<i32>} : memref<10112xf32, #tpu.memory_space<vmem>>, vector<16xf32>,
      %swap3A_827 = vector.shape_cast %swap3A_826 : vector<16xf32> to vector<16xf32>
      %swap3A_828 = vector.shape_cast %add3A_824 : vector<16xf32> to vector<16xf32>
      tpu.vector_store %arg6[%swap3A_825], %swap3A_828 {strides = array<i32>} : memref<10112xf32, #tpu.memory_space<vmem>>, vector<16xf32>,
      %slice3A_829 = vector.extract_strided_slice %get3A_648 {offsets = [9], sizes = [1], strides = [1]} : vector<16xi32> to vector<1xi32>
      %squeeze3A_830 = vector.extract %slice3A_829[0] : i32 from vector<1xi32>
      %and3A_831 = arith.constant -8 : i32
      %and3A_832 = arith.andi %squeeze3A_830, %and3A_831 : i32
      %sub3A_833 = arith.subi %squeeze3A_830, %and3A_832 : i32
      %get3A_834 = arith.index_cast %and3A_832 : i32 to index
      %get3A_835 = tpu.vector_load %arg6[%get3A_834] {strides = array<i32>} : memref<10112xf32, #tpu.memory_space<vmem>>, vector<16xf32>,
      %get3A_836 = vector.shape_cast %get3A_835 : vector<16xf32> to vector<16xf32>
      %eq3A_837 = vector.broadcast %sub3A_833 : i32 to vector<16xi32>
      %eq3A_838 = arith.cmpi eq, %iota3A, %eq3A_837 : vector<16xi32>
      %jit3A_839 = arith.constant 1.000000e+00 : f32
      %jit3A_840 = arith.constant 0.000000e+00 : f32
      %broadcast_in_dim3A_841 = vector.broadcast %jit3A_839 : f32 to vector<16xf32>
      %broadcast_in_dim3A_842 = vector.broadcast %jit3A_840 : f32 to vector<16xf32>
      %select_n3A_843 = arith.select %eq3A_838, %broadcast_in_dim3A_841, %broadcast_in_dim3A_842 : vector<16xi1>, vector<16xf32>
      %add3A_844 = arith.addf %get3A_836, %select_n3A_843 : vector<16xf32>
      %swap3A_845 = arith.index_cast %and3A_832 : i32 to index
      %swap3A_846 = tpu.vector_load %arg6[%swap3A_845] {strides = array<i32>} : memref<10112xf32, #tpu.memory_space<vmem>>, vector<16xf32>,
      %swap3A_847 = vector.shape_cast %swap3A_846 : vector<16xf32> to vector<16xf32>
      %swap3A_848 = vector.shape_cast %add3A_844 : vector<16xf32> to vector<16xf32>
      tpu.vector_store %arg6[%swap3A_845], %swap3A_848 {strides = array<i32>} : memref<10112xf32, #tpu.memory_space<vmem>>, vector<16xf32>,
      %slice3A_849 = vector.extract_strided_slice %get3A_648 {offsets = [10], sizes = [1], strides = [1]} : vector<16xi32> to vector<1xi32>
      %squeeze3A_850 = vector.extract %slice3A_849[0] : i32 from vector<1xi32>
      %and3A_851 = arith.constant -8 : i32
      %and3A_852 = arith.andi %squeeze3A_850, %and3A_851 : i32
      %sub3A_853 = arith.subi %squeeze3A_850, %and3A_852 : i32
      %get3A_854 = arith.index_cast %and3A_852 : i32 to index
      %get3A_855 = tpu.vector_load %arg6[%get3A_854] {strides = array<i32>} : memref<10112xf32, #tpu.memory_space<vmem>>, vector<16xf32>,
      %get3A_856 = vector.shape_cast %get3A_855 : vector<16xf32> to vector<16xf32>
      %eq3A_857 = vector.broadcast %sub3A_853 : i32 to vector<16xi32>
      %eq3A_858 = arith.cmpi eq, %iota3A, %eq3A_857 : vector<16xi32>
      %jit3A_859 = arith.constant 1.000000e+00 : f32
      %jit3A_860 = arith.constant 0.000000e+00 : f32
      %broadcast_in_dim3A_861 = vector.broadcast %jit3A_859 : f32 to vector<16xf32>
      %broadcast_in_dim3A_862 = vector.broadcast %jit3A_860 : f32 to vector<16xf32>
      %select_n3A_863 = arith.select %eq3A_858, %broadcast_in_dim3A_861, %broadcast_in_dim3A_862 : vector<16xi1>, vector<16xf32>
      %add3A_864 = arith.addf %get3A_856, %select_n3A_863 : vector<16xf32>
      %swap3A_865 = arith.index_cast %and3A_852 : i32 to index
      %swap3A_866 = tpu.vector_load %arg6[%swap3A_865] {strides = array<i32>} : memref<10112xf32, #tpu.memory_space<vmem>>, vector<16xf32>,
      %swap3A_867 = vector.shape_cast %swap3A_866 : vector<16xf32> to vector<16xf32>
      %swap3A_868 = vector.shape_cast %add3A_864 : vector<16xf32> to vector<16xf32>
      tpu.vector_store %arg6[%swap3A_865], %swap3A_868 {strides = array<i32>} : memref<10112xf32, #tpu.memory_space<vmem>>, vector<16xf32>,
      %slice3A_869 = vector.extract_strided_slice %get3A_648 {offsets = [11], sizes = [1], strides = [1]} : vector<16xi32> to vector<1xi32>
      %squeeze3A_870 = vector.extract %slice3A_869[0] : i32 from vector<1xi32>
      %and3A_871 = arith.constant -8 : i32
      %and3A_872 = arith.andi %squeeze3A_870, %and3A_871 : i32
      %sub3A_873 = arith.subi %squeeze3A_870, %and3A_872 : i32
      %get3A_874 = arith.index_cast %and3A_872 : i32 to index
      %get3A_875 = tpu.vector_load %arg6[%get3A_874] {strides = array<i32>} : memref<10112xf32, #tpu.memory_space<vmem>>, vector<16xf32>,
      %get3A_876 = vector.shape_cast %get3A_875 : vector<16xf32> to vector<16xf32>
      %eq3A_877 = vector.broadcast %sub3A_873 : i32 to vector<16xi32>
      %eq3A_878 = arith.cmpi eq, %iota3A, %eq3A_877 : vector<16xi32>
      %jit3A_879 = arith.constant 1.000000e+00 : f32
      %jit3A_880 = arith.constant 0.000000e+00 : f32
      %broadcast_in_dim3A_881 = vector.broadcast %jit3A_879 : f32 to vector<16xf32>
      %broadcast_in_dim3A_882 = vector.broadcast %jit3A_880 : f32 to vector<16xf32>
      %select_n3A_883 = arith.select %eq3A_878, %broadcast_in_dim3A_881, %broadcast_in_dim3A_882 : vector<16xi1>, vector<16xf32>
      %add3A_884 = arith.addf %get3A_876, %select_n3A_883 : vector<16xf32>
      %swap3A_885 = arith.index_cast %and3A_872 : i32 to index
      %swap3A_886 = tpu.vector_load %arg6[%swap3A_885] {strides = array<i32>} : memref<10112xf32, #tpu.memory_space<vmem>>, vector<16xf32>,
      %swap3A_887 = vector.shape_cast %swap3A_886 : vector<16xf32> to vector<16xf32>
      %swap3A_888 = vector.shape_cast %add3A_884 : vector<16xf32> to vector<16xf32>
      tpu.vector_store %arg6[%swap3A_885], %swap3A_888 {strides = array<i32>} : memref<10112xf32, #tpu.memory_space<vmem>>, vector<16xf32>,
      %slice3A_889 = vector.extract_strided_slice %get3A_648 {offsets = [12], sizes = [1], strides = [1]} : vector<16xi32> to vector<1xi32>
      %squeeze3A_890 = vector.extract %slice3A_889[0] : i32 from vector<1xi32>
      %and3A_891 = arith.constant -8 : i32
      %and3A_892 = arith.andi %squeeze3A_890, %and3A_891 : i32
      %sub3A_893 = arith.subi %squeeze3A_890, %and3A_892 : i32
      %get3A_894 = arith.index_cast %and3A_892 : i32 to index
      %get3A_895 = tpu.vector_load %arg6[%get3A_894] {strides = array<i32>} : memref<10112xf32, #tpu.memory_space<vmem>>, vector<16xf32>,
      %get3A_896 = vector.shape_cast %get3A_895 : vector<16xf32> to vector<16xf32>
      %eq3A_897 = vector.broadcast %sub3A_893 : i32 to vector<16xi32>
      %eq3A_898 = arith.cmpi eq, %iota3A, %eq3A_897 : vector<16xi32>
      %jit3A_899 = arith.constant 1.000000e+00 : f32
      %jit3A_900 = arith.constant 0.000000e+00 : f32
      %broadcast_in_dim3A_901 = vector.broadcast %jit3A_899 : f32 to vector<16xf32>
      %broadcast_in_dim3A_902 = vector.broadcast %jit3A_900 : f32 to vector<16xf32>
      %select_n3A_903 = arith.select %eq3A_898, %broadcast_in_dim3A_901, %broadcast_in_dim3A_902 : vector<16xi1>, vector<16xf32>
      %add3A_904 = arith.addf %get3A_896, %select_n3A_903 : vector<16xf32>
      %swap3A_905 = arith.index_cast %and3A_892 : i32 to index
      %swap3A_906 = tpu.vector_load %arg6[%swap3A_905] {strides = array<i32>} : memref<10112xf32, #tpu.memory_space<vmem>>, vector<16xf32>,
      %swap3A_907 = vector.shape_cast %swap3A_906 : vector<16xf32> to vector<16xf32>
      %swap3A_908 = vector.shape_cast %add3A_904 : vector<16xf32> to vector<16xf32>
      tpu.vector_store %arg6[%swap3A_905], %swap3A_908 {strides = array<i32>} : memref<10112xf32, #tpu.memory_space<vmem>>, vector<16xf32>,
      %slice3A_909 = vector.extract_strided_slice %get3A_648 {offsets = [13], sizes = [1], strides = [1]} : vector<16xi32> to vector<1xi32>
      %squeeze3A_910 = vector.extract %slice3A_909[0] : i32 from vector<1xi32>
      %and3A_911 = arith.constant -8 : i32
      %and3A_912 = arith.andi %squeeze3A_910, %and3A_911 : i32
      %sub3A_913 = arith.subi %squeeze3A_910, %and3A_912 : i32
      %get3A_914 = arith.index_cast %and3A_912 : i32 to index
      %get3A_915 = tpu.vector_load %arg6[%get3A_914] {strides = array<i32>} : memref<10112xf32, #tpu.memory_space<vmem>>, vector<16xf32>,
      %get3A_916 = vector.shape_cast %get3A_915 : vector<16xf32> to vector<16xf32>
      %eq3A_917 = vector.broadcast %sub3A_913 : i32 to vector<16xi32>
      %eq3A_918 = arith.cmpi eq, %iota3A, %eq3A_917 : vector<16xi32>
      %jit3A_919 = arith.constant 1.000000e+00 : f32
      %jit3A_920 = arith.constant 0.000000e+00 : f32
      %broadcast_in_dim3A_921 = vector.broadcast %jit3A_919 : f32 to vector<16xf32>
      %broadcast_in_dim3A_922 = vector.broadcast %jit3A_920 : f32 to vector<16xf32>
      %select_n3A_923 = arith.select %eq3A_918, %broadcast_in_dim3A_921, %broadcast_in_dim3A_922 : vector<16xi1>, vector<16xf32>
      %add3A_924 = arith.addf %get3A_916, %select_n3A_923 : vector<16xf32>
      %swap3A_925 = arith.index_cast %and3A_912 : i32 to index
      %swap3A_926 = tpu.vector_load %arg6[%swap3A_925] {strides = array<i32>} : memref<10112xf32, #tpu.memory_space<vmem>>, vector<16xf32>,
      %swap3A_927 = vector.shape_cast %swap3A_926 : vector<16xf32> to vector<16xf32>
      %swap3A_928 = vector.shape_cast %add3A_924 : vector<16xf32> to vector<16xf32>
      tpu.vector_store %arg6[%swap3A_925], %swap3A_928 {strides = array<i32>} : memref<10112xf32, #tpu.memory_space<vmem>>, vector<16xf32>,
      %slice3A_929 = vector.extract_strided_slice %get3A_648 {offsets = [14], sizes = [1], strides = [1]} : vector<16xi32> to vector<1xi32>
      %squeeze3A_930 = vector.extract %slice3A_929[0] : i32 from vector<1xi32>
      %and3A_931 = arith.constant -8 : i32
      %and3A_932 = arith.andi %squeeze3A_930, %and3A_931 : i32
      %sub3A_933 = arith.subi %squeeze3A_930, %and3A_932 : i32
      %get3A_934 = arith.index_cast %and3A_932 : i32 to index
      %get3A_935 = tpu.vector_load %arg6[%get3A_934] {strides = array<i32>} : memref<10112xf32, #tpu.memory_space<vmem>>, vector<16xf32>,
      %get3A_936 = vector.shape_cast %get3A_935 : vector<16xf32> to vector<16xf32>
      %eq3A_937 = vector.broadcast %sub3A_933 : i32 to vector<16xi32>
      %eq3A_938 = arith.cmpi eq, %iota3A, %eq3A_937 : vector<16xi32>
      %jit3A_939 = arith.constant 1.000000e+00 : f32
      %jit3A_940 = arith.constant 0.000000e+00 : f32
      %broadcast_in_dim3A_941 = vector.broadcast %jit3A_939 : f32 to vector<16xf32>
      %broadcast_in_dim3A_942 = vector.broadcast %jit3A_940 : f32 to vector<16xf32>
      %select_n3A_943 = arith.select %eq3A_938, %broadcast_in_dim3A_941, %broadcast_in_dim3A_942 : vector<16xi1>, vector<16xf32>
      %add3A_944 = arith.addf %get3A_936, %select_n3A_943 : vector<16xf32>
      %swap3A_945 = arith.index_cast %and3A_932 : i32 to index
      %swap3A_946 = tpu.vector_load %arg6[%swap3A_945] {strides = array<i32>} : memref<10112xf32, #tpu.memory_space<vmem>>, vector<16xf32>,
      %swap3A_947 = vector.shape_cast %swap3A_946 : vector<16xf32> to vector<16xf32>
      %swap3A_948 = vector.shape_cast %add3A_944 : vector<16xf32> to vector<16xf32>
      tpu.vector_store %arg6[%swap3A_945], %swap3A_948 {strides = array<i32>} : memref<10112xf32, #tpu.memory_space<vmem>>, vector<16xf32>,
      %slice3A_949 = vector.extract_strided_slice %get3A_648 {offsets = [15], sizes = [1], strides = [1]} : vector<16xi32> to vector<1xi32>
      %squeeze3A_950 = vector.extract %slice3A_949[0] : i32 from vector<1xi32>
      %and3A_951 = arith.constant -8 : i32
      %and3A_952 = arith.andi %squeeze3A_950, %and3A_951 : i32
      %sub3A_953 = arith.subi %squeeze3A_950, %and3A_952 : i32
      %get3A_954 = arith.index_cast %and3A_952 : i32 to index
      %get3A_955 = tpu.vector_load %arg6[%get3A_954] {strides = array<i32>} : memref<10112xf32, #tpu.memory_space<vmem>>, vector<16xf32>,
      %get3A_956 = vector.shape_cast %get3A_955 : vector<16xf32> to vector<16xf32>
      %eq3A_957 = vector.broadcast %sub3A_953 : i32 to vector<16xi32>
      %eq3A_958 = arith.cmpi eq, %iota3A, %eq3A_957 : vector<16xi32>
      %jit3A_959 = arith.constant 1.000000e+00 : f32
      %jit3A_960 = arith.constant 0.000000e+00 : f32
      %broadcast_in_dim3A_961 = vector.broadcast %jit3A_959 : f32 to vector<16xf32>
      %broadcast_in_dim3A_962 = vector.broadcast %jit3A_960 : f32 to vector<16xf32>
      %select_n3A_963 = arith.select %eq3A_958, %broadcast_in_dim3A_961, %broadcast_in_dim3A_962 : vector<16xi1>, vector<16xf32>
      %add3A_964 = arith.addf %get3A_956, %select_n3A_963 : vector<16xf32>
      %swap3A_965 = arith.index_cast %and3A_952 : i32 to index
      %swap3A_966 = tpu.vector_load %arg6[%swap3A_965] {strides = array<i32>} : memref<10112xf32, #tpu.memory_space<vmem>>, vector<16xf32>,
      %swap3A_967 = vector.shape_cast %swap3A_966 : vector<16xf32> to vector<16xf32>
      %swap3A_968 = vector.shape_cast %add3A_964 : vector<16xf32> to vector<16xf32>
      tpu.vector_store %arg6[%swap3A_965], %swap3A_968 {strides = array<i32>} : memref<10112xf32, #tpu.memory_space<vmem>>, vector<16xf32>,
      %get3A_969 = arith.index_cast %scan3A_6 : i32 to index
      %get3A_970 = arith.constant 48 : index
      %get3A_971 = tpu.vector_load %arg5[%get3A_969, %get3A_970] {strides = array<i32>} : memref<125x80xi32, #tpu.memory_space<vmem>>, vector<1x16xi32>,
      %get3A_972 = vector.shape_cast %get3A_971 : vector<1x16xi32> to vector<16xi32>
      %slice3A_973 = vector.extract_strided_slice %get3A_972 {offsets = [0], sizes = [1], strides = [1]} : vector<16xi32> to vector<1xi32>
      %squeeze3A_974 = vector.extract %slice3A_973[0] : i32 from vector<1xi32>
      %and3A_975 = arith.constant -8 : i32
      %and3A_976 = arith.andi %squeeze3A_974, %and3A_975 : i32
      %sub3A_977 = arith.subi %squeeze3A_974, %and3A_976 : i32
      %get3A_978 = arith.index_cast %and3A_976 : i32 to index
      %get3A_979 = tpu.vector_load %arg6[%get3A_978] {strides = array<i32>} : memref<10112xf32, #tpu.memory_space<vmem>>, vector<16xf32>,
      %get3A_980 = vector.shape_cast %get3A_979 : vector<16xf32> to vector<16xf32>
      %eq3A_981 = vector.broadcast %sub3A_977 : i32 to vector<16xi32>
      %eq3A_982 = arith.cmpi eq, %iota3A, %eq3A_981 : vector<16xi32>
      %jit3A_983 = arith.constant 1.000000e+00 : f32
      %jit3A_984 = arith.constant 0.000000e+00 : f32
      %broadcast_in_dim3A_985 = vector.broadcast %jit3A_983 : f32 to vector<16xf32>
      %broadcast_in_dim3A_986 = vector.broadcast %jit3A_984 : f32 to vector<16xf32>
      %select_n3A_987 = arith.select %eq3A_982, %broadcast_in_dim3A_985, %broadcast_in_dim3A_986 : vector<16xi1>, vector<16xf32>
      %add3A_988 = arith.addf %get3A_980, %select_n3A_987 : vector<16xf32>
      %swap3A_989 = arith.index_cast %and3A_976 : i32 to index
      %swap3A_990 = tpu.vector_load %arg6[%swap3A_989] {strides = array<i32>} : memref<10112xf32, #tpu.memory_space<vmem>>, vector<16xf32>,
      %swap3A_991 = vector.shape_cast %swap3A_990 : vector<16xf32> to vector<16xf32>
      %swap3A_992 = vector.shape_cast %add3A_988 : vector<16xf32> to vector<16xf32>
      tpu.vector_store %arg6[%swap3A_989], %swap3A_992 {strides = array<i32>} : memref<10112xf32, #tpu.memory_space<vmem>>, vector<16xf32>,
      %slice3A_993 = vector.extract_strided_slice %get3A_972 {offsets = [1], sizes = [1], strides = [1]} : vector<16xi32> to vector<1xi32>
      %squeeze3A_994 = vector.extract %slice3A_993[0] : i32 from vector<1xi32>
      %and3A_995 = arith.constant -8 : i32
      %and3A_996 = arith.andi %squeeze3A_994, %and3A_995 : i32
      %sub3A_997 = arith.subi %squeeze3A_994, %and3A_996 : i32
      %get3A_998 = arith.index_cast %and3A_996 : i32 to index
      %get3A_999 = tpu.vector_load %arg6[%get3A_998] {strides = array<i32>} : memref<10112xf32, #tpu.memory_space<vmem>>, vector<16xf32>,
      %get3A_1000 = vector.shape_cast %get3A_999 : vector<16xf32> to vector<16xf32>
      %eq3A_1001 = vector.broadcast %sub3A_997 : i32 to vector<16xi32>
      %eq3A_1002 = arith.cmpi eq, %iota3A, %eq3A_1001 : vector<16xi32>
      %jit3A_1003 = arith.constant 1.000000e+00 : f32
      %jit3A_1004 = arith.constant 0.000000e+00 : f32
      %broadcast_in_dim3A_1005 = vector.broadcast %jit3A_1003 : f32 to vector<16xf32>
      %broadcast_in_dim3A_1006 = vector.broadcast %jit3A_1004 : f32 to vector<16xf32>
      %select_n3A_1007 = arith.select %eq3A_1002, %broadcast_in_dim3A_1005, %broadcast_in_dim3A_1006 : vector<16xi1>, vector<16xf32>
      %add3A_1008 = arith.addf %get3A_1000, %select_n3A_1007 : vector<16xf32>
      %swap3A_1009 = arith.index_cast %and3A_996 : i32 to index
      %swap3A_1010 = tpu.vector_load %arg6[%swap3A_1009] {strides = array<i32>} : memref<10112xf32, #tpu.memory_space<vmem>>, vector<16xf32>,
      %swap3A_1011 = vector.shape_cast %swap3A_1010 : vector<16xf32> to vector<16xf32>
      %swap3A_1012 = vector.shape_cast %add3A_1008 : vector<16xf32> to vector<16xf32>
      tpu.vector_store %arg6[%swap3A_1009], %swap3A_1012 {strides = array<i32>} : memref<10112xf32, #tpu.memory_space<vmem>>, vector<16xf32>,
      %slice3A_1013 = vector.extract_strided_slice %get3A_972 {offsets = [2], sizes = [1], strides = [1]} : vector<16xi32> to vector<1xi32>
      %squeeze3A_1014 = vector.extract %slice3A_1013[0] : i32 from vector<1xi32>
      %and3A_1015 = arith.constant -8 : i32
      %and3A_1016 = arith.andi %squeeze3A_1014, %and3A_1015 : i32
      %sub3A_1017 = arith.subi %squeeze3A_1014, %and3A_1016 : i32
      %get3A_1018 = arith.index_cast %and3A_1016 : i32 to index
      %get3A_1019 = tpu.vector_load %arg6[%get3A_1018] {strides = array<i32>} : memref<10112xf32, #tpu.memory_space<vmem>>, vector<16xf32>,
      %get3A_1020 = vector.shape_cast %get3A_1019 : vector<16xf32> to vector<16xf32>
      %eq3A_1021 = vector.broadcast %sub3A_1017 : i32 to vector<16xi32>
      %eq3A_1022 = arith.cmpi eq, %iota3A, %eq3A_1021 : vector<16xi32>
      %jit3A_1023 = arith.constant 1.000000e+00 : f32
      %jit3A_1024 = arith.constant 0.000000e+00 : f32
      %broadcast_in_dim3A_1025 = vector.broadcast %jit3A_1023 : f32 to vector<16xf32>
      %broadcast_in_dim3A_1026 = vector.broadcast %jit3A_1024 : f32 to vector<16xf32>
      %select_n3A_1027 = arith.select %eq3A_1022, %broadcast_in_dim3A_1025, %broadcast_in_dim3A_1026 : vector<16xi1>, vector<16xf32>
      %add3A_1028 = arith.addf %get3A_1020, %select_n3A_1027 : vector<16xf32>
      %swap3A_1029 = arith.index_cast %and3A_1016 : i32 to index
      %swap3A_1030 = tpu.vector_load %arg6[%swap3A_1029] {strides = array<i32>} : memref<10112xf32, #tpu.memory_space<vmem>>, vector<16xf32>,
      %swap3A_1031 = vector.shape_cast %swap3A_1030 : vector<16xf32> to vector<16xf32>
      %swap3A_1032 = vector.shape_cast %add3A_1028 : vector<16xf32> to vector<16xf32>
      tpu.vector_store %arg6[%swap3A_1029], %swap3A_1032 {strides = array<i32>} : memref<10112xf32, #tpu.memory_space<vmem>>, vector<16xf32>,
      %slice3A_1033 = vector.extract_strided_slice %get3A_972 {offsets = [3], sizes = [1], strides = [1]} : vector<16xi32> to vector<1xi32>
      %squeeze3A_1034 = vector.extract %slice3A_1033[0] : i32 from vector<1xi32>
      %and3A_1035 = arith.constant -8 : i32
      %and3A_1036 = arith.andi %squeeze3A_1034, %and3A_1035 : i32
      %sub3A_1037 = arith.subi %squeeze3A_1034, %and3A_1036 : i32
      %get3A_1038 = arith.index_cast %and3A_1036 : i32 to index
      %get3A_1039 = tpu.vector_load %arg6[%get3A_1038] {strides = array<i32>} : memref<10112xf32, #tpu.memory_space<vmem>>, vector<16xf32>,
      %get3A_1040 = vector.shape_cast %get3A_1039 : vector<16xf32> to vector<16xf32>
      %eq3A_1041 = vector.broadcast %sub3A_1037 : i32 to vector<16xi32>
      %eq3A_1042 = arith.cmpi eq, %iota3A, %eq3A_1041 : vector<16xi32>
      %jit3A_1043 = arith.constant 1.000000e+00 : f32
      %jit3A_1044 = arith.constant 0.000000e+00 : f32
      %broadcast_in_dim3A_1045 = vector.broadcast %jit3A_1043 : f32 to vector<16xf32>
      %broadcast_in_dim3A_1046 = vector.broadcast %jit3A_1044 : f32 to vector<16xf32>
      %select_n3A_1047 = arith.select %eq3A_1042, %broadcast_in_dim3A_1045, %broadcast_in_dim3A_1046 : vector<16xi1>, vector<16xf32>
      %add3A_1048 = arith.addf %get3A_1040, %select_n3A_1047 : vector<16xf32>
      %swap3A_1049 = arith.index_cast %and3A_1036 : i32 to index
      %swap3A_1050 = tpu.vector_load %arg6[%swap3A_1049] {strides = array<i32>} : memref<10112xf32, #tpu.memory_space<vmem>>, vector<16xf32>,
      %swap3A_1051 = vector.shape_cast %swap3A_1050 : vector<16xf32> to vector<16xf32>
      %swap3A_1052 = vector.shape_cast %add3A_1048 : vector<16xf32> to vector<16xf32>
      tpu.vector_store %arg6[%swap3A_1049], %swap3A_1052 {strides = array<i32>} : memref<10112xf32, #tpu.memory_space<vmem>>, vector<16xf32>,
      %slice3A_1053 = vector.extract_strided_slice %get3A_972 {offsets = [4], sizes = [1], strides = [1]} : vector<16xi32> to vector<1xi32>
      %squeeze3A_1054 = vector.extract %slice3A_1053[0] : i32 from vector<1xi32>
      %and3A_1055 = arith.constant -8 : i32
      %and3A_1056 = arith.andi %squeeze3A_1054, %and3A_1055 : i32
      %sub3A_1057 = arith.subi %squeeze3A_1054, %and3A_1056 : i32
      %get3A_1058 = arith.index_cast %and3A_1056 : i32 to index
      %get3A_1059 = tpu.vector_load %arg6[%get3A_1058] {strides = array<i32>} : memref<10112xf32, #tpu.memory_space<vmem>>, vector<16xf32>,
      %get3A_1060 = vector.shape_cast %get3A_1059 : vector<16xf32> to vector<16xf32>
      %eq3A_1061 = vector.broadcast %sub3A_1057 : i32 to vector<16xi32>
      %eq3A_1062 = arith.cmpi eq, %iota3A, %eq3A_1061 : vector<16xi32>
      %jit3A_1063 = arith.constant 1.000000e+00 : f32
      %jit3A_1064 = arith.constant 0.000000e+00 : f32
      %broadcast_in_dim3A_1065 = vector.broadcast %jit3A_1063 : f32 to vector<16xf32>
      %broadcast_in_dim3A_1066 = vector.broadcast %jit3A_1064 : f32 to vector<16xf32>
      %select_n3A_1067 = arith.select %eq3A_1062, %broadcast_in_dim3A_1065, %broadcast_in_dim3A_1066 : vector<16xi1>, vector<16xf32>
      %add3A_1068 = arith.addf %get3A_1060, %select_n3A_1067 : vector<16xf32>
      %swap3A_1069 = arith.index_cast %and3A_1056 : i32 to index
      %swap3A_1070 = tpu.vector_load %arg6[%swap3A_1069] {strides = array<i32>} : memref<10112xf32, #tpu.memory_space<vmem>>, vector<16xf32>,
      %swap3A_1071 = vector.shape_cast %swap3A_1070 : vector<16xf32> to vector<16xf32>
      %swap3A_1072 = vector.shape_cast %add3A_1068 : vector<16xf32> to vector<16xf32>
      tpu.vector_store %arg6[%swap3A_1069], %swap3A_1072 {strides = array<i32>} : memref<10112xf32, #tpu.memory_space<vmem>>, vector<16xf32>,
      %slice3A_1073 = vector.extract_strided_slice %get3A_972 {offsets = [5], sizes = [1], strides = [1]} : vector<16xi32> to vector<1xi32>
      %squeeze3A_1074 = vector.extract %slice3A_1073[0] : i32 from vector<1xi32>
      %and3A_1075 = arith.constant -8 : i32
      %and3A_1076 = arith.andi %squeeze3A_1074, %and3A_1075 : i32
      %sub3A_1077 = arith.subi %squeeze3A_1074, %and3A_1076 : i32
      %get3A_1078 = arith.index_cast %and3A_1076 : i32 to index
      %get3A_1079 = tpu.vector_load %arg6[%get3A_1078] {strides = array<i32>} : memref<10112xf32, #tpu.memory_space<vmem>>, vector<16xf32>,
      %get3A_1080 = vector.shape_cast %get3A_1079 : vector<16xf32> to vector<16xf32>
      %eq3A_1081 = vector.broadcast %sub3A_1077 : i32 to vector<16xi32>
      %eq3A_1082 = arith.cmpi eq, %iota3A, %eq3A_1081 : vector<16xi32>
      %jit3A_1083 = arith.constant 1.000000e+00 : f32
      %jit3A_1084 = arith.constant 0.000000e+00 : f32
      %broadcast_in_dim3A_1085 = vector.broadcast %jit3A_1083 : f32 to vector<16xf32>
      %broadcast_in_dim3A_1086 = vector.broadcast %jit3A_1084 : f32 to vector<16xf32>
      %select_n3A_1087 = arith.select %eq3A_1082, %broadcast_in_dim3A_1085, %broadcast_in_dim3A_1086 : vector<16xi1>, vector<16xf32>
      %add3A_1088 = arith.addf %get3A_1080, %select_n3A_1087 : vector<16xf32>
      %swap3A_1089 = arith.index_cast %and3A_1076 : i32 to index
      %swap3A_1090 = tpu.vector_load %arg6[%swap3A_1089] {strides = array<i32>} : memref<10112xf32, #tpu.memory_space<vmem>>, vector<16xf32>,
      %swap3A_1091 = vector.shape_cast %swap3A_1090 : vector<16xf32> to vector<16xf32>
      %swap3A_1092 = vector.shape_cast %add3A_1088 : vector<16xf32> to vector<16xf32>
      tpu.vector_store %arg6[%swap3A_1089], %swap3A_1092 {strides = array<i32>} : memref<10112xf32, #tpu.memory_space<vmem>>, vector<16xf32>,
      %slice3A_1093 = vector.extract_strided_slice %get3A_972 {offsets = [6], sizes = [1], strides = [1]} : vector<16xi32> to vector<1xi32>
      %squeeze3A_1094 = vector.extract %slice3A_1093[0] : i32 from vector<1xi32>
      %and3A_1095 = arith.constant -8 : i32
      %and3A_1096 = arith.andi %squeeze3A_1094, %and3A_1095 : i32
      %sub3A_1097 = arith.subi %squeeze3A_1094, %and3A_1096 : i32
      %get3A_1098 = arith.index_cast %and3A_1096 : i32 to index
      %get3A_1099 = tpu.vector_load %arg6[%get3A_1098] {strides = array<i32>} : memref<10112xf32, #tpu.memory_space<vmem>>, vector<16xf32>,
      %get3A_1100 = vector.shape_cast %get3A_1099 : vector<16xf32> to vector<16xf32>
      %eq3A_1101 = vector.broadcast %sub3A_1097 : i32 to vector<16xi32>
      %eq3A_1102 = arith.cmpi eq, %iota3A, %eq3A_1101 : vector<16xi32>
      %jit3A_1103 = arith.constant 1.000000e+00 : f32
      %jit3A_1104 = arith.constant 0.000000e+00 : f32
      %broadcast_in_dim3A_1105 = vector.broadcast %jit3A_1103 : f32 to vector<16xf32>
      %broadcast_in_dim3A_1106 = vector.broadcast %jit3A_1104 : f32 to vector<16xf32>
      %select_n3A_1107 = arith.select %eq3A_1102, %broadcast_in_dim3A_1105, %broadcast_in_dim3A_1106 : vector<16xi1>, vector<16xf32>
      %add3A_1108 = arith.addf %get3A_1100, %select_n3A_1107 : vector<16xf32>
      %swap3A_1109 = arith.index_cast %and3A_1096 : i32 to index
      %swap3A_1110 = tpu.vector_load %arg6[%swap3A_1109] {strides = array<i32>} : memref<10112xf32, #tpu.memory_space<vmem>>, vector<16xf32>,
      %swap3A_1111 = vector.shape_cast %swap3A_1110 : vector<16xf32> to vector<16xf32>
      %swap3A_1112 = vector.shape_cast %add3A_1108 : vector<16xf32> to vector<16xf32>
      tpu.vector_store %arg6[%swap3A_1109], %swap3A_1112 {strides = array<i32>} : memref<10112xf32, #tpu.memory_space<vmem>>, vector<16xf32>,
      %slice3A_1113 = vector.extract_strided_slice %get3A_972 {offsets = [7], sizes = [1], strides = [1]} : vector<16xi32> to vector<1xi32>
      %squeeze3A_1114 = vector.extract %slice3A_1113[0] : i32 from vector<1xi32>
      %and3A_1115 = arith.constant -8 : i32
      %and3A_1116 = arith.andi %squeeze3A_1114, %and3A_1115 : i32
      %sub3A_1117 = arith.subi %squeeze3A_1114, %and3A_1116 : i32
      %get3A_1118 = arith.index_cast %and3A_1116 : i32 to index
      %get3A_1119 = tpu.vector_load %arg6[%get3A_1118] {strides = array<i32>} : memref<10112xf32, #tpu.memory_space<vmem>>, vector<16xf32>,
      %get3A_1120 = vector.shape_cast %get3A_1119 : vector<16xf32> to vector<16xf32>
      %eq3A_1121 = vector.broadcast %sub3A_1117 : i32 to vector<16xi32>
      %eq3A_1122 = arith.cmpi eq, %iota3A, %eq3A_1121 : vector<16xi32>
      %jit3A_1123 = arith.constant 1.000000e+00 : f32
      %jit3A_1124 = arith.constant 0.000000e+00 : f32
      %broadcast_in_dim3A_1125 = vector.broadcast %jit3A_1123 : f32 to vector<16xf32>
      %broadcast_in_dim3A_1126 = vector.broadcast %jit3A_1124 : f32 to vector<16xf32>
      %select_n3A_1127 = arith.select %eq3A_1122, %broadcast_in_dim3A_1125, %broadcast_in_dim3A_1126 : vector<16xi1>, vector<16xf32>
      %add3A_1128 = arith.addf %get3A_1120, %select_n3A_1127 : vector<16xf32>
      %swap3A_1129 = arith.index_cast %and3A_1116 : i32 to index
      %swap3A_1130 = tpu.vector_load %arg6[%swap3A_1129] {strides = array<i32>} : memref<10112xf32, #tpu.memory_space<vmem>>, vector<16xf32>,
      %swap3A_1131 = vector.shape_cast %swap3A_1130 : vector<16xf32> to vector<16xf32>
      %swap3A_1132 = vector.shape_cast %add3A_1128 : vector<16xf32> to vector<16xf32>
      tpu.vector_store %arg6[%swap3A_1129], %swap3A_1132 {strides = array<i32>} : memref<10112xf32, #tpu.memory_space<vmem>>, vector<16xf32>,
      %slice3A_1133 = vector.extract_strided_slice %get3A_972 {offsets = [8], sizes = [1], strides = [1]} : vector<16xi32> to vector<1xi32>
      %squeeze3A_1134 = vector.extract %slice3A_1133[0] : i32 from vector<1xi32>
      %and3A_1135 = arith.constant -8 : i32
      %and3A_1136 = arith.andi %squeeze3A_1134, %and3A_1135 : i32
      %sub3A_1137 = arith.subi %squeeze3A_1134, %and3A_1136 : i32
      %get3A_1138 = arith.index_cast %and3A_1136 : i32 to index
      %get3A_1139 = tpu.vector_load %arg6[%get3A_1138] {strides = array<i32>} : memref<10112xf32, #tpu.memory_space<vmem>>, vector<16xf32>,
      %get3A_1140 = vector.shape_cast %get3A_1139 : vector<16xf32> to vector<16xf32>
      %eq3A_1141 = vector.broadcast %sub3A_1137 : i32 to vector<16xi32>
      %eq3A_1142 = arith.cmpi eq, %iota3A, %eq3A_1141 : vector<16xi32>
      %jit3A_1143 = arith.constant 1.000000e+00 : f32
      %jit3A_1144 = arith.constant 0.000000e+00 : f32
      %broadcast_in_dim3A_1145 = vector.broadcast %jit3A_1143 : f32 to vector<16xf32>
      %broadcast_in_dim3A_1146 = vector.broadcast %jit3A_1144 : f32 to vector<16xf32>
      %select_n3A_1147 = arith.select %eq3A_1142, %broadcast_in_dim3A_1145, %broadcast_in_dim3A_1146 : vector<16xi1>, vector<16xf32>
      %add3A_1148 = arith.addf %get3A_1140, %select_n3A_1147 : vector<16xf32>
      %swap3A_1149 = arith.index_cast %and3A_1136 : i32 to index
      %swap3A_1150 = tpu.vector_load %arg6[%swap3A_1149] {strides = array<i32>} : memref<10112xf32, #tpu.memory_space<vmem>>, vector<16xf32>,
      %swap3A_1151 = vector.shape_cast %swap3A_1150 : vector<16xf32> to vector<16xf32>
      %swap3A_1152 = vector.shape_cast %add3A_1148 : vector<16xf32> to vector<16xf32>
      tpu.vector_store %arg6[%swap3A_1149], %swap3A_1152 {strides = array<i32>} : memref<10112xf32, #tpu.memory_space<vmem>>, vector<16xf32>,
      %slice3A_1153 = vector.extract_strided_slice %get3A_972 {offsets = [9], sizes = [1], strides = [1]} : vector<16xi32> to vector<1xi32>
      %squeeze3A_1154 = vector.extract %slice3A_1153[0] : i32 from vector<1xi32>
      %and3A_1155 = arith.constant -8 : i32
      %and3A_1156 = arith.andi %squeeze3A_1154, %and3A_1155 : i32
      %sub3A_1157 = arith.subi %squeeze3A_1154, %and3A_1156 : i32
      %get3A_1158 = arith.index_cast %and3A_1156 : i32 to index
      %get3A_1159 = tpu.vector_load %arg6[%get3A_1158] {strides = array<i32>} : memref<10112xf32, #tpu.memory_space<vmem>>, vector<16xf32>,
      %get3A_1160 = vector.shape_cast %get3A_1159 : vector<16xf32> to vector<16xf32>
      %eq3A_1161 = vector.broadcast %sub3A_1157 : i32 to vector<16xi32>
      %eq3A_1162 = arith.cmpi eq, %iota3A, %eq3A_1161 : vector<16xi32>
      %jit3A_1163 = arith.constant 1.000000e+00 : f32
      %jit3A_1164 = arith.constant 0.000000e+00 : f32
      %broadcast_in_dim3A_1165 = vector.broadcast %jit3A_1163 : f32 to vector<16xf32>
      %broadcast_in_dim3A_1166 = vector.broadcast %jit3A_1164 : f32 to vector<16xf32>
      %select_n3A_1167 = arith.select %eq3A_1162, %broadcast_in_dim3A_1165, %broadcast_in_dim3A_1166 : vector<16xi1>, vector<16xf32>
      %add3A_1168 = arith.addf %get3A_1160, %select_n3A_1167 : vector<16xf32>
      %swap3A_1169 = arith.index_cast %and3A_1156 : i32 to index
      %swap3A_1170 = tpu.vector_load %arg6[%swap3A_1169] {strides = array<i32>} : memref<10112xf32, #tpu.memory_space<vmem>>, vector<16xf32>,
      %swap3A_1171 = vector.shape_cast %swap3A_1170 : vector<16xf32> to vector<16xf32>
      %swap3A_1172 = vector.shape_cast %add3A_1168 : vector<16xf32> to vector<16xf32>
      tpu.vector_store %arg6[%swap3A_1169], %swap3A_1172 {strides = array<i32>} : memref<10112xf32, #tpu.memory_space<vmem>>, vector<16xf32>,
      %slice3A_1173 = vector.extract_strided_slice %get3A_972 {offsets = [10], sizes = [1], strides = [1]} : vector<16xi32> to vector<1xi32>
      %squeeze3A_1174 = vector.extract %slice3A_1173[0] : i32 from vector<1xi32>
      %and3A_1175 = arith.constant -8 : i32
      %and3A_1176 = arith.andi %squeeze3A_1174, %and3A_1175 : i32
      %sub3A_1177 = arith.subi %squeeze3A_1174, %and3A_1176 : i32
      %get3A_1178 = arith.index_cast %and3A_1176 : i32 to index
      %get3A_1179 = tpu.vector_load %arg6[%get3A_1178] {strides = array<i32>} : memref<10112xf32, #tpu.memory_space<vmem>>, vector<16xf32>,
      %get3A_1180 = vector.shape_cast %get3A_1179 : vector<16xf32> to vector<16xf32>
      %eq3A_1181 = vector.broadcast %sub3A_1177 : i32 to vector<16xi32>
      %eq3A_1182 = arith.cmpi eq, %iota3A, %eq3A_1181 : vector<16xi32>
      %jit3A_1183 = arith.constant 1.000000e+00 : f32
      %jit3A_1184 = arith.constant 0.000000e+00 : f32
      %broadcast_in_dim3A_1185 = vector.broadcast %jit3A_1183 : f32 to vector<16xf32>
      %broadcast_in_dim3A_1186 = vector.broadcast %jit3A_1184 : f32 to vector<16xf32>
      %select_n3A_1187 = arith.select %eq3A_1182, %broadcast_in_dim3A_1185, %broadcast_in_dim3A_1186 : vector<16xi1>, vector<16xf32>
      %add3A_1188 = arith.addf %get3A_1180, %select_n3A_1187 : vector<16xf32>
      %swap3A_1189 = arith.index_cast %and3A_1176 : i32 to index
      %swap3A_1190 = tpu.vector_load %arg6[%swap3A_1189] {strides = array<i32>} : memref<10112xf32, #tpu.memory_space<vmem>>, vector<16xf32>,
      %swap3A_1191 = vector.shape_cast %swap3A_1190 : vector<16xf32> to vector<16xf32>
      %swap3A_1192 = vector.shape_cast %add3A_1188 : vector<16xf32> to vector<16xf32>
      tpu.vector_store %arg6[%swap3A_1189], %swap3A_1192 {strides = array<i32>} : memref<10112xf32, #tpu.memory_space<vmem>>, vector<16xf32>,
      %slice3A_1193 = vector.extract_strided_slice %get3A_972 {offsets = [11], sizes = [1], strides = [1]} : vector<16xi32> to vector<1xi32>
      %squeeze3A_1194 = vector.extract %slice3A_1193[0] : i32 from vector<1xi32>
      %and3A_1195 = arith.constant -8 : i32
      %and3A_1196 = arith.andi %squeeze3A_1194, %and3A_1195 : i32
      %sub3A_1197 = arith.subi %squeeze3A_1194, %and3A_1196 : i32
      %get3A_1198 = arith.index_cast %and3A_1196 : i32 to index
      %get3A_1199 = tpu.vector_load %arg6[%get3A_1198] {strides = array<i32>} : memref<10112xf32, #tpu.memory_space<vmem>>, vector<16xf32>,
      %get3A_1200 = vector.shape_cast %get3A_1199 : vector<16xf32> to vector<16xf32>
      %eq3A_1201 = vector.broadcast %sub3A_1197 : i32 to vector<16xi32>
      %eq3A_1202 = arith.cmpi eq, %iota3A, %eq3A_1201 : vector<16xi32>
      %jit3A_1203 = arith.constant 1.000000e+00 : f32
      %jit3A_1204 = arith.constant 0.000000e+00 : f32
      %broadcast_in_dim3A_1205 = vector.broadcast %jit3A_1203 : f32 to vector<16xf32>
      %broadcast_in_dim3A_1206 = vector.broadcast %jit3A_1204 : f32 to vector<16xf32>
      %select_n3A_1207 = arith.select %eq3A_1202, %broadcast_in_dim3A_1205, %broadcast_in_dim3A_1206 : vector<16xi1>, vector<16xf32>
      %add3A_1208 = arith.addf %get3A_1200, %select_n3A_1207 : vector<16xf32>
      %swap3A_1209 = arith.index_cast %and3A_1196 : i32 to index
      %swap3A_1210 = tpu.vector_load %arg6[%swap3A_1209] {strides = array<i32>} : memref<10112xf32, #tpu.memory_space<vmem>>, vector<16xf32>,
      %swap3A_1211 = vector.shape_cast %swap3A_1210 : vector<16xf32> to vector<16xf32>
      %swap3A_1212 = vector.shape_cast %add3A_1208 : vector<16xf32> to vector<16xf32>
      tpu.vector_store %arg6[%swap3A_1209], %swap3A_1212 {strides = array<i32>} : memref<10112xf32, #tpu.memory_space<vmem>>, vector<16xf32>,
      %slice3A_1213 = vector.extract_strided_slice %get3A_972 {offsets = [12], sizes = [1], strides = [1]} : vector<16xi32> to vector<1xi32>
      %squeeze3A_1214 = vector.extract %slice3A_1213[0] : i32 from vector<1xi32>
      %and3A_1215 = arith.constant -8 : i32
      %and3A_1216 = arith.andi %squeeze3A_1214, %and3A_1215 : i32
      %sub3A_1217 = arith.subi %squeeze3A_1214, %and3A_1216 : i32
      %get3A_1218 = arith.index_cast %and3A_1216 : i32 to index
      %get3A_1219 = tpu.vector_load %arg6[%get3A_1218] {strides = array<i32>} : memref<10112xf32, #tpu.memory_space<vmem>>, vector<16xf32>,
      %get3A_1220 = vector.shape_cast %get3A_1219 : vector<16xf32> to vector<16xf32>
      %eq3A_1221 = vector.broadcast %sub3A_1217 : i32 to vector<16xi32>
      %eq3A_1222 = arith.cmpi eq, %iota3A, %eq3A_1221 : vector<16xi32>
      %jit3A_1223 = arith.constant 1.000000e+00 : f32
      %jit3A_1224 = arith.constant 0.000000e+00 : f32
      %broadcast_in_dim3A_1225 = vector.broadcast %jit3A_1223 : f32 to vector<16xf32>
      %broadcast_in_dim3A_1226 = vector.broadcast %jit3A_1224 : f32 to vector<16xf32>
      %select_n3A_1227 = arith.select %eq3A_1222, %broadcast_in_dim3A_1225, %broadcast_in_dim3A_1226 : vector<16xi1>, vector<16xf32>
      %add3A_1228 = arith.addf %get3A_1220, %select_n3A_1227 : vector<16xf32>
      %swap3A_1229 = arith.index_cast %and3A_1216 : i32 to index
      %swap3A_1230 = tpu.vector_load %arg6[%swap3A_1229] {strides = array<i32>} : memref<10112xf32, #tpu.memory_space<vmem>>, vector<16xf32>,
      %swap3A_1231 = vector.shape_cast %swap3A_1230 : vector<16xf32> to vector<16xf32>
      %swap3A_1232 = vector.shape_cast %add3A_1228 : vector<16xf32> to vector<16xf32>
      tpu.vector_store %arg6[%swap3A_1229], %swap3A_1232 {strides = array<i32>} : memref<10112xf32, #tpu.memory_space<vmem>>, vector<16xf32>,
      %slice3A_1233 = vector.extract_strided_slice %get3A_972 {offsets = [13], sizes = [1], strides = [1]} : vector<16xi32> to vector<1xi32>
      %squeeze3A_1234 = vector.extract %slice3A_1233[0] : i32 from vector<1xi32>
      %and3A_1235 = arith.constant -8 : i32
      %and3A_1236 = arith.andi %squeeze3A_1234, %and3A_1235 : i32
      %sub3A_1237 = arith.subi %squeeze3A_1234, %and3A_1236 : i32
      %get3A_1238 = arith.index_cast %and3A_1236 : i32 to index
      %get3A_1239 = tpu.vector_load %arg6[%get3A_1238] {strides = array<i32>} : memref<10112xf32, #tpu.memory_space<vmem>>, vector<16xf32>,
      %get3A_1240 = vector.shape_cast %get3A_1239 : vector<16xf32> to vector<16xf32>
      %eq3A_1241 = vector.broadcast %sub3A_1237 : i32 to vector<16xi32>
      %eq3A_1242 = arith.cmpi eq, %iota3A, %eq3A_1241 : vector<16xi32>
      %jit3A_1243 = arith.constant 1.000000e+00 : f32
      %jit3A_1244 = arith.constant 0.000000e+00 : f32
      %broadcast_in_dim3A_1245 = vector.broadcast %jit3A_1243 : f32 to vector<16xf32>
      %broadcast_in_dim3A_1246 = vector.broadcast %jit3A_1244 : f32 to vector<16xf32>
      %select_n3A_1247 = arith.select %eq3A_1242, %broadcast_in_dim3A_1245, %broadcast_in_dim3A_1246 : vector<16xi1>, vector<16xf32>
      %add3A_1248 = arith.addf %get3A_1240, %select_n3A_1247 : vector<16xf32>
      %swap3A_1249 = arith.index_cast %and3A_1236 : i32 to index
      %swap3A_1250 = tpu.vector_load %arg6[%swap3A_1249] {strides = array<i32>} : memref<10112xf32, #tpu.memory_space<vmem>>, vector<16xf32>,
      %swap3A_1251 = vector.shape_cast %swap3A_1250 : vector<16xf32> to vector<16xf32>
      %swap3A_1252 = vector.shape_cast %add3A_1248 : vector<16xf32> to vector<16xf32>
      tpu.vector_store %arg6[%swap3A_1249], %swap3A_1252 {strides = array<i32>} : memref<10112xf32, #tpu.memory_space<vmem>>, vector<16xf32>,
      %slice3A_1253 = vector.extract_strided_slice %get3A_972 {offsets = [14], sizes = [1], strides = [1]} : vector<16xi32> to vector<1xi32>
      %squeeze3A_1254 = vector.extract %slice3A_1253[0] : i32 from vector<1xi32>
      %and3A_1255 = arith.constant -8 : i32
      %and3A_1256 = arith.andi %squeeze3A_1254, %and3A_1255 : i32
      %sub3A_1257 = arith.subi %squeeze3A_1254, %and3A_1256 : i32
      %get3A_1258 = arith.index_cast %and3A_1256 : i32 to index
      %get3A_1259 = tpu.vector_load %arg6[%get3A_1258] {strides = array<i32>} : memref<10112xf32, #tpu.memory_space<vmem>>, vector<16xf32>,
      %get3A_1260 = vector.shape_cast %get3A_1259 : vector<16xf32> to vector<16xf32>
      %eq3A_1261 = vector.broadcast %sub3A_1257 : i32 to vector<16xi32>
      %eq3A_1262 = arith.cmpi eq, %iota3A, %eq3A_1261 : vector<16xi32>
      %jit3A_1263 = arith.constant 1.000000e+00 : f32
      %jit3A_1264 = arith.constant 0.000000e+00 : f32
      %broadcast_in_dim3A_1265 = vector.broadcast %jit3A_1263 : f32 to vector<16xf32>
      %broadcast_in_dim3A_1266 = vector.broadcast %jit3A_1264 : f32 to vector<16xf32>
      %select_n3A_1267 = arith.select %eq3A_1262, %broadcast_in_dim3A_1265, %broadcast_in_dim3A_1266 : vector<16xi1>, vector<16xf32>
      %add3A_1268 = arith.addf %get3A_1260, %select_n3A_1267 : vector<16xf32>
      %swap3A_1269 = arith.index_cast %and3A_1256 : i32 to index
      %swap3A_1270 = tpu.vector_load %arg6[%swap3A_1269] {strides = array<i32>} : memref<10112xf32, #tpu.memory_space<vmem>>, vector<16xf32>,
      %swap3A_1271 = vector.shape_cast %swap3A_1270 : vector<16xf32> to vector<16xf32>
      %swap3A_1272 = vector.shape_cast %add3A_1268 : vector<16xf32> to vector<16xf32>
      tpu.vector_store %arg6[%swap3A_1269], %swap3A_1272 {strides = array<i32>} : memref<10112xf32, #tpu.memory_space<vmem>>, vector<16xf32>,
      %slice3A_1273 = vector.extract_strided_slice %get3A_972 {offsets = [15], sizes = [1], strides = [1]} : vector<16xi32> to vector<1xi32>
      %squeeze3A_1274 = vector.extract %slice3A_1273[0] : i32 from vector<1xi32>
      %and3A_1275 = arith.constant -8 : i32
      %and3A_1276 = arith.andi %squeeze3A_1274, %and3A_1275 : i32
      %sub3A_1277 = arith.subi %squeeze3A_1274, %and3A_1276 : i32
      %get3A_1278 = arith.index_cast %and3A_1276 : i32 to index
      %get3A_1279 = tpu.vector_load %arg6[%get3A_1278] {strides = array<i32>} : memref<10112xf32, #tpu.memory_space<vmem>>, vector<16xf32>,
      %get3A_1280 = vector.shape_cast %get3A_1279 : vector<16xf32> to vector<16xf32>
      %eq3A_1281 = vector.broadcast %sub3A_1277 : i32 to vector<16xi32>
      %eq3A_1282 = arith.cmpi eq, %iota3A, %eq3A_1281 : vector<16xi32>
      %jit3A_1283 = arith.constant 1.000000e+00 : f32
      %jit3A_1284 = arith.constant 0.000000e+00 : f32
      %broadcast_in_dim3A_1285 = vector.broadcast %jit3A_1283 : f32 to vector<16xf32>
      %broadcast_in_dim3A_1286 = vector.broadcast %jit3A_1284 : f32 to vector<16xf32>
      %select_n3A_1287 = arith.select %eq3A_1282, %broadcast_in_dim3A_1285, %broadcast_in_dim3A_1286 : vector<16xi1>, vector<16xf32>
      %add3A_1288 = arith.addf %get3A_1280, %select_n3A_1287 : vector<16xf32>
      %swap3A_1289 = arith.index_cast %and3A_1276 : i32 to index
      %swap3A_1290 = tpu.vector_load %arg6[%swap3A_1289] {strides = array<i32>} : memref<10112xf32, #tpu.memory_space<vmem>>, vector<16xf32>,
      %swap3A_1291 = vector.shape_cast %swap3A_1290 : vector<16xf32> to vector<16xf32>
      %swap3A_1292 = vector.shape_cast %add3A_1288 : vector<16xf32> to vector<16xf32>
      tpu.vector_store %arg6[%swap3A_1289], %swap3A_1292 {strides = array<i32>} : memref<10112xf32, #tpu.memory_space<vmem>>, vector<16xf32>,
      %get3A_1293 = arith.index_cast %scan3A_6 : i32 to index
      %get3A_1294 = arith.constant 64 : index
      %get3A_1295 = tpu.vector_load %arg5[%get3A_1293, %get3A_1294] {strides = array<i32>} : memref<125x80xi32, #tpu.memory_space<vmem>>, vector<1x16xi32>,
      %get3A_1296 = vector.shape_cast %get3A_1295 : vector<1x16xi32> to vector<16xi32>
      %slice3A_1297 = vector.extract_strided_slice %get3A_1296 {offsets = [0], sizes = [1], strides = [1]} : vector<16xi32> to vector<1xi32>
      %squeeze3A_1298 = vector.extract %slice3A_1297[0] : i32 from vector<1xi32>
      %and3A_1299 = arith.constant -8 : i32
      %and3A_1300 = arith.andi %squeeze3A_1298, %and3A_1299 : i32
      %sub3A_1301 = arith.subi %squeeze3A_1298, %and3A_1300 : i32
      %get3A_1302 = arith.index_cast %and3A_1300 : i32 to index
      %get3A_1303 = tpu.vector_load %arg6[%get3A_1302] {strides = array<i32>} : memref<10112xf32, #tpu.memory_space<vmem>>, vector<16xf32>,
      %get3A_1304 = vector.shape_cast %get3A_1303 : vector<16xf32> to vector<16xf32>
      %eq3A_1305 = vector.broadcast %sub3A_1301 : i32 to vector<16xi32>
      %eq3A_1306 = arith.cmpi eq, %iota3A, %eq3A_1305 : vector<16xi32>
      %jit3A_1307 = arith.constant 1.000000e+00 : f32
      %jit3A_1308 = arith.constant 0.000000e+00 : f32
      %broadcast_in_dim3A_1309 = vector.broadcast %jit3A_1307 : f32 to vector<16xf32>
      %broadcast_in_dim3A_1310 = vector.broadcast %jit3A_1308 : f32 to vector<16xf32>
      %select_n3A_1311 = arith.select %eq3A_1306, %broadcast_in_dim3A_1309, %broadcast_in_dim3A_1310 : vector<16xi1>, vector<16xf32>
      %add3A_1312 = arith.addf %get3A_1304, %select_n3A_1311 : vector<16xf32>
      %swap3A_1313 = arith.index_cast %and3A_1300 : i32 to index
      %swap3A_1314 = tpu.vector_load %arg6[%swap3A_1313] {strides = array<i32>} : memref<10112xf32, #tpu.memory_space<vmem>>, vector<16xf32>,
      %swap3A_1315 = vector.shape_cast %swap3A_1314 : vector<16xf32> to vector<16xf32>
      %swap3A_1316 = vector.shape_cast %add3A_1312 : vector<16xf32> to vector<16xf32>
      tpu.vector_store %arg6[%swap3A_1313], %swap3A_1316 {strides = array<i32>} : memref<10112xf32, #tpu.memory_space<vmem>>, vector<16xf32>,
      %slice3A_1317 = vector.extract_strided_slice %get3A_1296 {offsets = [1], sizes = [1], strides = [1]} : vector<16xi32> to vector<1xi32>
      %squeeze3A_1318 = vector.extract %slice3A_1317[0] : i32 from vector<1xi32>
      %and3A_1319 = arith.constant -8 : i32
      %and3A_1320 = arith.andi %squeeze3A_1318, %and3A_1319 : i32
      %sub3A_1321 = arith.subi %squeeze3A_1318, %and3A_1320 : i32
      %get3A_1322 = arith.index_cast %and3A_1320 : i32 to index
      %get3A_1323 = tpu.vector_load %arg6[%get3A_1322] {strides = array<i32>} : memref<10112xf32, #tpu.memory_space<vmem>>, vector<16xf32>,
      %get3A_1324 = vector.shape_cast %get3A_1323 : vector<16xf32> to vector<16xf32>
      %eq3A_1325 = vector.broadcast %sub3A_1321 : i32 to vector<16xi32>
      %eq3A_1326 = arith.cmpi eq, %iota3A, %eq3A_1325 : vector<16xi32>
      %jit3A_1327 = arith.constant 1.000000e+00 : f32
      %jit3A_1328 = arith.constant 0.000000e+00 : f32
      %broadcast_in_dim3A_1329 = vector.broadcast %jit3A_1327 : f32 to vector<16xf32>
      %broadcast_in_dim3A_1330 = vector.broadcast %jit3A_1328 : f32 to vector<16xf32>
      %select_n3A_1331 = arith.select %eq3A_1326, %broadcast_in_dim3A_1329, %broadcast_in_dim3A_1330 : vector<16xi1>, vector<16xf32>
      %add3A_1332 = arith.addf %get3A_1324, %select_n3A_1331 : vector<16xf32>
      %swap3A_1333 = arith.index_cast %and3A_1320 : i32 to index
      %swap3A_1334 = tpu.vector_load %arg6[%swap3A_1333] {strides = array<i32>} : memref<10112xf32, #tpu.memory_space<vmem>>, vector<16xf32>,
      %swap3A_1335 = vector.shape_cast %swap3A_1334 : vector<16xf32> to vector<16xf32>
      %swap3A_1336 = vector.shape_cast %add3A_1332 : vector<16xf32> to vector<16xf32>
      tpu.vector_store %arg6[%swap3A_1333], %swap3A_1336 {strides = array<i32>} : memref<10112xf32, #tpu.memory_space<vmem>>, vector<16xf32>,
      %slice3A_1337 = vector.extract_strided_slice %get3A_1296 {offsets = [2], sizes = [1], strides = [1]} : vector<16xi32> to vector<1xi32>
      %squeeze3A_1338 = vector.extract %slice3A_1337[0] : i32 from vector<1xi32>
      %and3A_1339 = arith.constant -8 : i32
      %and3A_1340 = arith.andi %squeeze3A_1338, %and3A_1339 : i32
      %sub3A_1341 = arith.subi %squeeze3A_1338, %and3A_1340 : i32
      %get3A_1342 = arith.index_cast %and3A_1340 : i32 to index
      %get3A_1343 = tpu.vector_load %arg6[%get3A_1342] {strides = array<i32>} : memref<10112xf32, #tpu.memory_space<vmem>>, vector<16xf32>,
      %get3A_1344 = vector.shape_cast %get3A_1343 : vector<16xf32> to vector<16xf32>
      %eq3A_1345 = vector.broadcast %sub3A_1341 : i32 to vector<16xi32>
      %eq3A_1346 = arith.cmpi eq, %iota3A, %eq3A_1345 : vector<16xi32>
      %jit3A_1347 = arith.constant 1.000000e+00 : f32
      %jit3A_1348 = arith.constant 0.000000e+00 : f32
      %broadcast_in_dim3A_1349 = vector.broadcast %jit3A_1347 : f32 to vector<16xf32>
      %broadcast_in_dim3A_1350 = vector.broadcast %jit3A_1348 : f32 to vector<16xf32>
      %select_n3A_1351 = arith.select %eq3A_1346, %broadcast_in_dim3A_1349, %broadcast_in_dim3A_1350 : vector<16xi1>, vector<16xf32>
      %add3A_1352 = arith.addf %get3A_1344, %select_n3A_1351 : vector<16xf32>
      %swap3A_1353 = arith.index_cast %and3A_1340 : i32 to index
      %swap3A_1354 = tpu.vector_load %arg6[%swap3A_1353] {strides = array<i32>} : memref<10112xf32, #tpu.memory_space<vmem>>, vector<16xf32>,
      %swap3A_1355 = vector.shape_cast %swap3A_1354 : vector<16xf32> to vector<16xf32>
      %swap3A_1356 = vector.shape_cast %add3A_1352 : vector<16xf32> to vector<16xf32>
      tpu.vector_store %arg6[%swap3A_1353], %swap3A_1356 {strides = array<i32>} : memref<10112xf32, #tpu.memory_space<vmem>>, vector<16xf32>,
      %slice3A_1357 = vector.extract_strided_slice %get3A_1296 {offsets = [3], sizes = [1], strides = [1]} : vector<16xi32> to vector<1xi32>
      %squeeze3A_1358 = vector.extract %slice3A_1357[0] : i32 from vector<1xi32>
      %and3A_1359 = arith.constant -8 : i32
      %and3A_1360 = arith.andi %squeeze3A_1358, %and3A_1359 : i32
      %sub3A_1361 = arith.subi %squeeze3A_1358, %and3A_1360 : i32
      %get3A_1362 = arith.index_cast %and3A_1360 : i32 to index
      %get3A_1363 = tpu.vector_load %arg6[%get3A_1362] {strides = array<i32>} : memref<10112xf32, #tpu.memory_space<vmem>>, vector<16xf32>,
      %get3A_1364 = vector.shape_cast %get3A_1363 : vector<16xf32> to vector<16xf32>
      %eq3A_1365 = vector.broadcast %sub3A_1361 : i32 to vector<16xi32>
      %eq3A_1366 = arith.cmpi eq, %iota3A, %eq3A_1365 : vector<16xi32>
      %jit3A_1367 = arith.constant 1.000000e+00 : f32
      %jit3A_1368 = arith.constant 0.000000e+00 : f32
      %broadcast_in_dim3A_1369 = vector.broadcast %jit3A_1367 : f32 to vector<16xf32>
      %broadcast_in_dim3A_1370 = vector.broadcast %jit3A_1368 : f32 to vector<16xf32>
      %select_n3A_1371 = arith.select %eq3A_1366, %broadcast_in_dim3A_1369, %broadcast_in_dim3A_1370 : vector<16xi1>, vector<16xf32>
      %add3A_1372 = arith.addf %get3A_1364, %select_n3A_1371 : vector<16xf32>
      %swap3A_1373 = arith.index_cast %and3A_1360 : i32 to index
      %swap3A_1374 = tpu.vector_load %arg6[%swap3A_1373] {strides = array<i32>} : memref<10112xf32, #tpu.memory_space<vmem>>, vector<16xf32>,
      %swap3A_1375 = vector.shape_cast %swap3A_1374 : vector<16xf32> to vector<16xf32>
      %swap3A_1376 = vector.shape_cast %add3A_1372 : vector<16xf32> to vector<16xf32>
      tpu.vector_store %arg6[%swap3A_1373], %swap3A_1376 {strides = array<i32>} : memref<10112xf32, #tpu.memory_space<vmem>>, vector<16xf32>,
      %slice3A_1377 = vector.extract_strided_slice %get3A_1296 {offsets = [4], sizes = [1], strides = [1]} : vector<16xi32> to vector<1xi32>
      %squeeze3A_1378 = vector.extract %slice3A_1377[0] : i32 from vector<1xi32>
      %and3A_1379 = arith.constant -8 : i32
      %and3A_1380 = arith.andi %squeeze3A_1378, %and3A_1379 : i32
      %sub3A_1381 = arith.subi %squeeze3A_1378, %and3A_1380 : i32
      %get3A_1382 = arith.index_cast %and3A_1380 : i32 to index
      %get3A_1383 = tpu.vector_load %arg6[%get3A_1382] {strides = array<i32>} : memref<10112xf32, #tpu.memory_space<vmem>>, vector<16xf32>,
      %get3A_1384 = vector.shape_cast %get3A_1383 : vector<16xf32> to vector<16xf32>
      %eq3A_1385 = vector.broadcast %sub3A_1381 : i32 to vector<16xi32>
      %eq3A_1386 = arith.cmpi eq, %iota3A, %eq3A_1385 : vector<16xi32>
      %jit3A_1387 = arith.constant 1.000000e+00 : f32
      %jit3A_1388 = arith.constant 0.000000e+00 : f32
      %broadcast_in_dim3A_1389 = vector.broadcast %jit3A_1387 : f32 to vector<16xf32>
      %broadcast_in_dim3A_1390 = vector.broadcast %jit3A_1388 : f32 to vector<16xf32>
      %select_n3A_1391 = arith.select %eq3A_1386, %broadcast_in_dim3A_1389, %broadcast_in_dim3A_1390 : vector<16xi1>, vector<16xf32>
      %add3A_1392 = arith.addf %get3A_1384, %select_n3A_1391 : vector<16xf32>
      %swap3A_1393 = arith.index_cast %and3A_1380 : i32 to index
      %swap3A_1394 = tpu.vector_load %arg6[%swap3A_1393] {strides = array<i32>} : memref<10112xf32, #tpu.memory_space<vmem>>, vector<16xf32>,
      %swap3A_1395 = vector.shape_cast %swap3A_1394 : vector<16xf32> to vector<16xf32>
      %swap3A_1396 = vector.shape_cast %add3A_1392 : vector<16xf32> to vector<16xf32>
      tpu.vector_store %arg6[%swap3A_1393], %swap3A_1396 {strides = array<i32>} : memref<10112xf32, #tpu.memory_space<vmem>>, vector<16xf32>,
      %slice3A_1397 = vector.extract_strided_slice %get3A_1296 {offsets = [5], sizes = [1], strides = [1]} : vector<16xi32> to vector<1xi32>
      %squeeze3A_1398 = vector.extract %slice3A_1397[0] : i32 from vector<1xi32>
      %and3A_1399 = arith.constant -8 : i32
      %and3A_1400 = arith.andi %squeeze3A_1398, %and3A_1399 : i32
      %sub3A_1401 = arith.subi %squeeze3A_1398, %and3A_1400 : i32
      %get3A_1402 = arith.index_cast %and3A_1400 : i32 to index
      %get3A_1403 = tpu.vector_load %arg6[%get3A_1402] {strides = array<i32>} : memref<10112xf32, #tpu.memory_space<vmem>>, vector<16xf32>,
      %get3A_1404 = vector.shape_cast %get3A_1403 : vector<16xf32> to vector<16xf32>
      %eq3A_1405 = vector.broadcast %sub3A_1401 : i32 to vector<16xi32>
      %eq3A_1406 = arith.cmpi eq, %iota3A, %eq3A_1405 : vector<16xi32>
      %jit3A_1407 = arith.constant 1.000000e+00 : f32
      %jit3A_1408 = arith.constant 0.000000e+00 : f32
      %broadcast_in_dim3A_1409 = vector.broadcast %jit3A_1407 : f32 to vector<16xf32>
      %broadcast_in_dim3A_1410 = vector.broadcast %jit3A_1408 : f32 to vector<16xf32>
      %select_n3A_1411 = arith.select %eq3A_1406, %broadcast_in_dim3A_1409, %broadcast_in_dim3A_1410 : vector<16xi1>, vector<16xf32>
      %add3A_1412 = arith.addf %get3A_1404, %select_n3A_1411 : vector<16xf32>
      %swap3A_1413 = arith.index_cast %and3A_1400 : i32 to index
      %swap3A_1414 = tpu.vector_load %arg6[%swap3A_1413] {strides = array<i32>} : memref<10112xf32, #tpu.memory_space<vmem>>, vector<16xf32>,
      %swap3A_1415 = vector.shape_cast %swap3A_1414 : vector<16xf32> to vector<16xf32>
      %swap3A_1416 = vector.shape_cast %add3A_1412 : vector<16xf32> to vector<16xf32>
      tpu.vector_store %arg6[%swap3A_1413], %swap3A_1416 {strides = array<i32>} : memref<10112xf32, #tpu.memory_space<vmem>>, vector<16xf32>,
      %slice3A_1417 = vector.extract_strided_slice %get3A_1296 {offsets = [6], sizes = [1], strides = [1]} : vector<16xi32> to vector<1xi32>
      %squeeze3A_1418 = vector.extract %slice3A_1417[0] : i32 from vector<1xi32>
      %and3A_1419 = arith.constant -8 : i32
      %and3A_1420 = arith.andi %squeeze3A_1418, %and3A_1419 : i32
      %sub3A_1421 = arith.subi %squeeze3A_1418, %and3A_1420 : i32
      %get3A_1422 = arith.index_cast %and3A_1420 : i32 to index
      %get3A_1423 = tpu.vector_load %arg6[%get3A_1422] {strides = array<i32>} : memref<10112xf32, #tpu.memory_space<vmem>>, vector<16xf32>,
      %get3A_1424 = vector.shape_cast %get3A_1423 : vector<16xf32> to vector<16xf32>
      %eq3A_1425 = vector.broadcast %sub3A_1421 : i32 to vector<16xi32>
      %eq3A_1426 = arith.cmpi eq, %iota3A, %eq3A_1425 : vector<16xi32>
      %jit3A_1427 = arith.constant 1.000000e+00 : f32
      %jit3A_1428 = arith.constant 0.000000e+00 : f32
      %broadcast_in_dim3A_1429 = vector.broadcast %jit3A_1427 : f32 to vector<16xf32>
      %broadcast_in_dim3A_1430 = vector.broadcast %jit3A_1428 : f32 to vector<16xf32>
      %select_n3A_1431 = arith.select %eq3A_1426, %broadcast_in_dim3A_1429, %broadcast_in_dim3A_1430 : vector<16xi1>, vector<16xf32>
      %add3A_1432 = arith.addf %get3A_1424, %select_n3A_1431 : vector<16xf32>
      %swap3A_1433 = arith.index_cast %and3A_1420 : i32 to index
      %swap3A_1434 = tpu.vector_load %arg6[%swap3A_1433] {strides = array<i32>} : memref<10112xf32, #tpu.memory_space<vmem>>, vector<16xf32>,
      %swap3A_1435 = vector.shape_cast %swap3A_1434 : vector<16xf32> to vector<16xf32>
      %swap3A_1436 = vector.shape_cast %add3A_1432 : vector<16xf32> to vector<16xf32>
      tpu.vector_store %arg6[%swap3A_1433], %swap3A_1436 {strides = array<i32>} : memref<10112xf32, #tpu.memory_space<vmem>>, vector<16xf32>,
      %slice3A_1437 = vector.extract_strided_slice %get3A_1296 {offsets = [7], sizes = [1], strides = [1]} : vector<16xi32> to vector<1xi32>
      %squeeze3A_1438 = vector.extract %slice3A_1437[0] : i32 from vector<1xi32>
      %and3A_1439 = arith.constant -8 : i32
      %and3A_1440 = arith.andi %squeeze3A_1438, %and3A_1439 : i32
      %sub3A_1441 = arith.subi %squeeze3A_1438, %and3A_1440 : i32
      %get3A_1442 = arith.index_cast %and3A_1440 : i32 to index
      %get3A_1443 = tpu.vector_load %arg6[%get3A_1442] {strides = array<i32>} : memref<10112xf32, #tpu.memory_space<vmem>>, vector<16xf32>,
      %get3A_1444 = vector.shape_cast %get3A_1443 : vector<16xf32> to vector<16xf32>
      %eq3A_1445 = vector.broadcast %sub3A_1441 : i32 to vector<16xi32>
      %eq3A_1446 = arith.cmpi eq, %iota3A, %eq3A_1445 : vector<16xi32>
      %jit3A_1447 = arith.constant 1.000000e+00 : f32
      %jit3A_1448 = arith.constant 0.000000e+00 : f32
      %broadcast_in_dim3A_1449 = vector.broadcast %jit3A_1447 : f32 to vector<16xf32>
      %broadcast_in_dim3A_1450 = vector.broadcast %jit3A_1448 : f32 to vector<16xf32>
      %select_n3A_1451 = arith.select %eq3A_1446, %broadcast_in_dim3A_1449, %broadcast_in_dim3A_1450 : vector<16xi1>, vector<16xf32>
      %add3A_1452 = arith.addf %get3A_1444, %select_n3A_1451 : vector<16xf32>
      %swap3A_1453 = arith.index_cast %and3A_1440 : i32 to index
      %swap3A_1454 = tpu.vector_load %arg6[%swap3A_1453] {strides = array<i32>} : memref<10112xf32, #tpu.memory_space<vmem>>, vector<16xf32>,
      %swap3A_1455 = vector.shape_cast %swap3A_1454 : vector<16xf32> to vector<16xf32>
      %swap3A_1456 = vector.shape_cast %add3A_1452 : vector<16xf32> to vector<16xf32>
      tpu.vector_store %arg6[%swap3A_1453], %swap3A_1456 {strides = array<i32>} : memref<10112xf32, #tpu.memory_space<vmem>>, vector<16xf32>,
      %slice3A_1457 = vector.extract_strided_slice %get3A_1296 {offsets = [8], sizes = [1], strides = [1]} : vector<16xi32> to vector<1xi32>
      %squeeze3A_1458 = vector.extract %slice3A_1457[0] : i32 from vector<1xi32>
      %and3A_1459 = arith.constant -8 : i32
      %and3A_1460 = arith.andi %squeeze3A_1458, %and3A_1459 : i32
      %sub3A_1461 = arith.subi %squeeze3A_1458, %and3A_1460 : i32
      %get3A_1462 = arith.index_cast %and3A_1460 : i32 to index
      %get3A_1463 = tpu.vector_load %arg6[%get3A_1462] {strides = array<i32>} : memref<10112xf32, #tpu.memory_space<vmem>>, vector<16xf32>,
      %get3A_1464 = vector.shape_cast %get3A_1463 : vector<16xf32> to vector<16xf32>
      %eq3A_1465 = vector.broadcast %sub3A_1461 : i32 to vector<16xi32>
      %eq3A_1466 = arith.cmpi eq, %iota3A, %eq3A_1465 : vector<16xi32>
      %jit3A_1467 = arith.constant 1.000000e+00 : f32
      %jit3A_1468 = arith.constant 0.000000e+00 : f32
      %broadcast_in_dim3A_1469 = vector.broadcast %jit3A_1467 : f32 to vector<16xf32>
      %broadcast_in_dim3A_1470 = vector.broadcast %jit3A_1468 : f32 to vector<16xf32>
      %select_n3A_1471 = arith.select %eq3A_1466, %broadcast_in_dim3A_1469, %broadcast_in_dim3A_1470 : vector<16xi1>, vector<16xf32>
      %add3A_1472 = arith.addf %get3A_1464, %select_n3A_1471 : vector<16xf32>
      %swap3A_1473 = arith.index_cast %and3A_1460 : i32 to index
      %swap3A_1474 = tpu.vector_load %arg6[%swap3A_1473] {strides = array<i32>} : memref<10112xf32, #tpu.memory_space<vmem>>, vector<16xf32>,
      %swap3A_1475 = vector.shape_cast %swap3A_1474 : vector<16xf32> to vector<16xf32>
      %swap3A_1476 = vector.shape_cast %add3A_1472 : vector<16xf32> to vector<16xf32>
      tpu.vector_store %arg6[%swap3A_1473], %swap3A_1476 {strides = array<i32>} : memref<10112xf32, #tpu.memory_space<vmem>>, vector<16xf32>,
      %slice3A_1477 = vector.extract_strided_slice %get3A_1296 {offsets = [9], sizes = [1], strides = [1]} : vector<16xi32> to vector<1xi32>
      %squeeze3A_1478 = vector.extract %slice3A_1477[0] : i32 from vector<1xi32>
      %and3A_1479 = arith.constant -8 : i32
      %and3A_1480 = arith.andi %squeeze3A_1478, %and3A_1479 : i32
      %sub3A_1481 = arith.subi %squeeze3A_1478, %and3A_1480 : i32
      %get3A_1482 = arith.index_cast %and3A_1480 : i32 to index
      %get3A_1483 = tpu.vector_load %arg6[%get3A_1482] {strides = array<i32>} : memref<10112xf32, #tpu.memory_space<vmem>>, vector<16xf32>,
      %get3A_1484 = vector.shape_cast %get3A_1483 : vector<16xf32> to vector<16xf32>
      %eq3A_1485 = vector.broadcast %sub3A_1481 : i32 to vector<16xi32>
      %eq3A_1486 = arith.cmpi eq, %iota3A, %eq3A_1485 : vector<16xi32>
      %jit3A_1487 = arith.constant 1.000000e+00 : f32
      %jit3A_1488 = arith.constant 0.000000e+00 : f32
      %broadcast_in_dim3A_1489 = vector.broadcast %jit3A_1487 : f32 to vector<16xf32>
      %broadcast_in_dim3A_1490 = vector.broadcast %jit3A_1488 : f32 to vector<16xf32>
      %select_n3A_1491 = arith.select %eq3A_1486, %broadcast_in_dim3A_1489, %broadcast_in_dim3A_1490 : vector<16xi1>, vector<16xf32>
      %add3A_1492 = arith.addf %get3A_1484, %select_n3A_1491 : vector<16xf32>
      %swap3A_1493 = arith.index_cast %and3A_1480 : i32 to index
      %swap3A_1494 = tpu.vector_load %arg6[%swap3A_1493] {strides = array<i32>} : memref<10112xf32, #tpu.memory_space<vmem>>, vector<16xf32>,
      %swap3A_1495 = vector.shape_cast %swap3A_1494 : vector<16xf32> to vector<16xf32>
      %swap3A_1496 = vector.shape_cast %add3A_1492 : vector<16xf32> to vector<16xf32>
      tpu.vector_store %arg6[%swap3A_1493], %swap3A_1496 {strides = array<i32>} : memref<10112xf32, #tpu.memory_space<vmem>>, vector<16xf32>,
      %slice3A_1497 = vector.extract_strided_slice %get3A_1296 {offsets = [10], sizes = [1], strides = [1]} : vector<16xi32> to vector<1xi32>
      %squeeze3A_1498 = vector.extract %slice3A_1497[0] : i32 from vector<1xi32>
      %and3A_1499 = arith.constant -8 : i32
      %and3A_1500 = arith.andi %squeeze3A_1498, %and3A_1499 : i32
      %sub3A_1501 = arith.subi %squeeze3A_1498, %and3A_1500 : i32
      %get3A_1502 = arith.index_cast %and3A_1500 : i32 to index
      %get3A_1503 = tpu.vector_load %arg6[%get3A_1502] {strides = array<i32>} : memref<10112xf32, #tpu.memory_space<vmem>>, vector<16xf32>,
      %get3A_1504 = vector.shape_cast %get3A_1503 : vector<16xf32> to vector<16xf32>
      %eq3A_1505 = vector.broadcast %sub3A_1501 : i32 to vector<16xi32>
      %eq3A_1506 = arith.cmpi eq, %iota3A, %eq3A_1505 : vector<16xi32>
      %jit3A_1507 = arith.constant 1.000000e+00 : f32
      %jit3A_1508 = arith.constant 0.000000e+00 : f32
      %broadcast_in_dim3A_1509 = vector.broadcast %jit3A_1507 : f32 to vector<16xf32>
      %broadcast_in_dim3A_1510 = vector.broadcast %jit3A_1508 : f32 to vector<16xf32>
      %select_n3A_1511 = arith.select %eq3A_1506, %broadcast_in_dim3A_1509, %broadcast_in_dim3A_1510 : vector<16xi1>, vector<16xf32>
      %add3A_1512 = arith.addf %get3A_1504, %select_n3A_1511 : vector<16xf32>
      %swap3A_1513 = arith.index_cast %and3A_1500 : i32 to index
      %swap3A_1514 = tpu.vector_load %arg6[%swap3A_1513] {strides = array<i32>} : memref<10112xf32, #tpu.memory_space<vmem>>, vector<16xf32>,
      %swap3A_1515 = vector.shape_cast %swap3A_1514 : vector<16xf32> to vector<16xf32>
      %swap3A_1516 = vector.shape_cast %add3A_1512 : vector<16xf32> to vector<16xf32>
      tpu.vector_store %arg6[%swap3A_1513], %swap3A_1516 {strides = array<i32>} : memref<10112xf32, #tpu.memory_space<vmem>>, vector<16xf32>,
      %slice3A_1517 = vector.extract_strided_slice %get3A_1296 {offsets = [11], sizes = [1], strides = [1]} : vector<16xi32> to vector<1xi32>
      %squeeze3A_1518 = vector.extract %slice3A_1517[0] : i32 from vector<1xi32>
      %and3A_1519 = arith.constant -8 : i32
      %and3A_1520 = arith.andi %squeeze3A_1518, %and3A_1519 : i32
      %sub3A_1521 = arith.subi %squeeze3A_1518, %and3A_1520 : i32
      %get3A_1522 = arith.index_cast %and3A_1520 : i32 to index
      %get3A_1523 = tpu.vector_load %arg6[%get3A_1522] {strides = array<i32>} : memref<10112xf32, #tpu.memory_space<vmem>>, vector<16xf32>,
      %get3A_1524 = vector.shape_cast %get3A_1523 : vector<16xf32> to vector<16xf32>
      %eq3A_1525 = vector.broadcast %sub3A_1521 : i32 to vector<16xi32>
      %eq3A_1526 = arith.cmpi eq, %iota3A, %eq3A_1525 : vector<16xi32>
      %jit3A_1527 = arith.constant 1.000000e+00 : f32
      %jit3A_1528 = arith.constant 0.000000e+00 : f32
      %broadcast_in_dim3A_1529 = vector.broadcast %jit3A_1527 : f32 to vector<16xf32>
      %broadcast_in_dim3A_1530 = vector.broadcast %jit3A_1528 : f32 to vector<16xf32>
      %select_n3A_1531 = arith.select %eq3A_1526, %broadcast_in_dim3A_1529, %broadcast_in_dim3A_1530 : vector<16xi1>, vector<16xf32>
      %add3A_1532 = arith.addf %get3A_1524, %select_n3A_1531 : vector<16xf32>
      %swap3A_1533 = arith.index_cast %and3A_1520 : i32 to index
      %swap3A_1534 = tpu.vector_load %arg6[%swap3A_1533] {strides = array<i32>} : memref<10112xf32, #tpu.memory_space<vmem>>, vector<16xf32>,
      %swap3A_1535 = vector.shape_cast %swap3A_1534 : vector<16xf32> to vector<16xf32>
      %swap3A_1536 = vector.shape_cast %add3A_1532 : vector<16xf32> to vector<16xf32>
      tpu.vector_store %arg6[%swap3A_1533], %swap3A_1536 {strides = array<i32>} : memref<10112xf32, #tpu.memory_space<vmem>>, vector<16xf32>,
      %slice3A_1537 = vector.extract_strided_slice %get3A_1296 {offsets = [12], sizes = [1], strides = [1]} : vector<16xi32> to vector<1xi32>
      %squeeze3A_1538 = vector.extract %slice3A_1537[0] : i32 from vector<1xi32>
      %and3A_1539 = arith.constant -8 : i32
      %and3A_1540 = arith.andi %squeeze3A_1538, %and3A_1539 : i32
      %sub3A_1541 = arith.subi %squeeze3A_1538, %and3A_1540 : i32
      %get3A_1542 = arith.index_cast %and3A_1540 : i32 to index
      %get3A_1543 = tpu.vector_load %arg6[%get3A_1542] {strides = array<i32>} : memref<10112xf32, #tpu.memory_space<vmem>>, vector<16xf32>,
      %get3A_1544 = vector.shape_cast %get3A_1543 : vector<16xf32> to vector<16xf32>
      %eq3A_1545 = vector.broadcast %sub3A_1541 : i32 to vector<16xi32>
      %eq3A_1546 = arith.cmpi eq, %iota3A, %eq3A_1545 : vector<16xi32>
      %jit3A_1547 = arith.constant 1.000000e+00 : f32
      %jit3A_1548 = arith.constant 0.000000e+00 : f32
      %broadcast_in_dim3A_1549 = vector.broadcast %jit3A_1547 : f32 to vector<16xf32>
      %broadcast_in_dim3A_1550 = vector.broadcast %jit3A_1548 : f32 to vector<16xf32>
      %select_n3A_1551 = arith.select %eq3A_1546, %broadcast_in_dim3A_1549, %broadcast_in_dim3A_1550 : vector<16xi1>, vector<16xf32>
      %add3A_1552 = arith.addf %get3A_1544, %select_n3A_1551 : vector<16xf32>
      %swap3A_1553 = arith.index_cast %and3A_1540 : i32 to index
      %swap3A_1554 = tpu.vector_load %arg6[%swap3A_1553] {strides = array<i32>} : memref<10112xf32, #tpu.memory_space<vmem>>, vector<16xf32>,
      %swap3A_1555 = vector.shape_cast %swap3A_1554 : vector<16xf32> to vector<16xf32>
      %swap3A_1556 = vector.shape_cast %add3A_1552 : vector<16xf32> to vector<16xf32>
      tpu.vector_store %arg6[%swap3A_1553], %swap3A_1556 {strides = array<i32>} : memref<10112xf32, #tpu.memory_space<vmem>>, vector<16xf32>,
      %slice3A_1557 = vector.extract_strided_slice %get3A_1296 {offsets = [13], sizes = [1], strides = [1]} : vector<16xi32> to vector<1xi32>
      %squeeze3A_1558 = vector.extract %slice3A_1557[0] : i32 from vector<1xi32>
      %and3A_1559 = arith.constant -8 : i32
      %and3A_1560 = arith.andi %squeeze3A_1558, %and3A_1559 : i32
      %sub3A_1561 = arith.subi %squeeze3A_1558, %and3A_1560 : i32
      %get3A_1562 = arith.index_cast %and3A_1560 : i32 to index
      %get3A_1563 = tpu.vector_load %arg6[%get3A_1562] {strides = array<i32>} : memref<10112xf32, #tpu.memory_space<vmem>>, vector<16xf32>,
      %get3A_1564 = vector.shape_cast %get3A_1563 : vector<16xf32> to vector<16xf32>
      %eq3A_1565 = vector.broadcast %sub3A_1561 : i32 to vector<16xi32>
      %eq3A_1566 = arith.cmpi eq, %iota3A, %eq3A_1565 : vector<16xi32>
      %jit3A_1567 = arith.constant 1.000000e+00 : f32
      %jit3A_1568 = arith.constant 0.000000e+00 : f32
      %broadcast_in_dim3A_1569 = vector.broadcast %jit3A_1567 : f32 to vector<16xf32>
      %broadcast_in_dim3A_1570 = vector.broadcast %jit3A_1568 : f32 to vector<16xf32>
      %select_n3A_1571 = arith.select %eq3A_1566, %broadcast_in_dim3A_1569, %broadcast_in_dim3A_1570 : vector<16xi1>, vector<16xf32>
      %add3A_1572 = arith.addf %get3A_1564, %select_n3A_1571 : vector<16xf32>
      %swap3A_1573 = arith.index_cast %and3A_1560 : i32 to index
      %swap3A_1574 = tpu.vector_load %arg6[%swap3A_1573] {strides = array<i32>} : memref<10112xf32, #tpu.memory_space<vmem>>, vector<16xf32>,
      %swap3A_1575 = vector.shape_cast %swap3A_1574 : vector<16xf32> to vector<16xf32>
      %swap3A_1576 = vector.shape_cast %add3A_1572 : vector<16xf32> to vector<16xf32>
      tpu.vector_store %arg6[%swap3A_1573], %swap3A_1576 {strides = array<i32>} : memref<10112xf32, #tpu.memory_space<vmem>>, vector<16xf32>,
      %slice3A_1577 = vector.extract_strided_slice %get3A_1296 {offsets = [14], sizes = [1], strides = [1]} : vector<16xi32> to vector<1xi32>
      %squeeze3A_1578 = vector.extract %slice3A_1577[0] : i32 from vector<1xi32>
      %and3A_1579 = arith.constant -8 : i32
      %and3A_1580 = arith.andi %squeeze3A_1578, %and3A_1579 : i32
      %sub3A_1581 = arith.subi %squeeze3A_1578, %and3A_1580 : i32
      %get3A_1582 = arith.index_cast %and3A_1580 : i32 to index
      %get3A_1583 = tpu.vector_load %arg6[%get3A_1582] {strides = array<i32>} : memref<10112xf32, #tpu.memory_space<vmem>>, vector<16xf32>,
      %get3A_1584 = vector.shape_cast %get3A_1583 : vector<16xf32> to vector<16xf32>
      %eq3A_1585 = vector.broadcast %sub3A_1581 : i32 to vector<16xi32>
      %eq3A_1586 = arith.cmpi eq, %iota3A, %eq3A_1585 : vector<16xi32>
      %jit3A_1587 = arith.constant 1.000000e+00 : f32
      %jit3A_1588 = arith.constant 0.000000e+00 : f32
      %broadcast_in_dim3A_1589 = vector.broadcast %jit3A_1587 : f32 to vector<16xf32>
      %broadcast_in_dim3A_1590 = vector.broadcast %jit3A_1588 : f32 to vector<16xf32>
      %select_n3A_1591 = arith.select %eq3A_1586, %broadcast_in_dim3A_1589, %broadcast_in_dim3A_1590 : vector<16xi1>, vector<16xf32>
      %add3A_1592 = arith.addf %get3A_1584, %select_n3A_1591 : vector<16xf32>
      %swap3A_1593 = arith.index_cast %and3A_1580 : i32 to index
      %swap3A_1594 = tpu.vector_load %arg6[%swap3A_1593] {strides = array<i32>} : memref<10112xf32, #tpu.memory_space<vmem>>, vector<16xf32>,
      %swap3A_1595 = vector.shape_cast %swap3A_1594 : vector<16xf32> to vector<16xf32>
      %swap3A_1596 = vector.shape_cast %add3A_1592 : vector<16xf32> to vector<16xf32>
      tpu.vector_store %arg6[%swap3A_1593], %swap3A_1596 {strides = array<i32>} : memref<10112xf32, #tpu.memory_space<vmem>>, vector<16xf32>,
      %slice3A_1597 = vector.extract_strided_slice %get3A_1296 {offsets = [15], sizes = [1], strides = [1]} : vector<16xi32> to vector<1xi32>
      %squeeze3A_1598 = vector.extract %slice3A_1597[0] : i32 from vector<1xi32>
      %and3A_1599 = arith.constant -8 : i32
      %and3A_1600 = arith.andi %squeeze3A_1598, %and3A_1599 : i32
      %sub3A_1601 = arith.subi %squeeze3A_1598, %and3A_1600 : i32
      %get3A_1602 = arith.index_cast %and3A_1600 : i32 to index
      %get3A_1603 = tpu.vector_load %arg6[%get3A_1602] {strides = array<i32>} : memref<10112xf32, #tpu.memory_space<vmem>>, vector<16xf32>,
      %get3A_1604 = vector.shape_cast %get3A_1603 : vector<16xf32> to vector<16xf32>
      %eq3A_1605 = vector.broadcast %sub3A_1601 : i32 to vector<16xi32>
      %eq3A_1606 = arith.cmpi eq, %iota3A, %eq3A_1605 : vector<16xi32>
      %jit3A_1607 = arith.constant 1.000000e+00 : f32
      %jit3A_1608 = arith.constant 0.000000e+00 : f32
      %broadcast_in_dim3A_1609 = vector.broadcast %jit3A_1607 : f32 to vector<16xf32>
      %broadcast_in_dim3A_1610 = vector.broadcast %jit3A_1608 : f32 to vector<16xf32>
      %select_n3A_1611 = arith.select %eq3A_1606, %broadcast_in_dim3A_1609, %broadcast_in_dim3A_1610 : vector<16xi1>, vector<16xf32>
      %add3A_1612 = arith.addf %get3A_1604, %select_n3A_1611 : vector<16xf32>
      %swap3A_1613 = arith.index_cast %and3A_1600 : i32 to index
      %swap3A_1614 = tpu.vector_load %arg6[%swap3A_1613] {strides = array<i32>} : memref<10112xf32, #tpu.memory_space<vmem>>, vector<16xf32>,
      %swap3A_1615 = vector.shape_cast %swap3A_1614 : vector<16xf32> to vector<16xf32>
      %swap3A_1616 = vector.shape_cast %add3A_1612 : vector<16xf32> to vector<16xf32>
      tpu.vector_store %arg6[%swap3A_1613], %swap3A_1616 {strides = array<i32>} : memref<10112xf32, #tpu.memory_space<vmem>>, vector<16xf32>,
    }
    %scan3A_5 = arith.constant 125 : i32
    "tpu.region"() ({
      %run_scoped3A = tpu.sem_alloc : memref<!tpu.dma_semaphore, #tpu.memory_space<semaphore_mem>>
      %dma_start3A = arith.constant 0 : i32
      %dma_start3A_6 = tpu.memref_slice %arg4[%add3A, %dma_start3A] : memref<32x10112xf32, #tpu.memory_space<hbm>> -> memref<1x10112xf32, #tpu.memory_space<hbm>>
      %dma_start3A_7 = tpu.memref_squeeze %dma_start3A_6 : memref<1x10112xf32, #tpu.memory_space<hbm>> -> memref<10112xf32, #tpu.memory_space<hbm>>
      %dma_start3A_8 = arith.constant 0 : i32
      %dma_start3A_9 = tpu.memref_slice %arg4[%add3A, %dma_start3A_8] : memref<32x10112xf32, #tpu.memory_space<hbm>> -> memref<1x10112xf32, #tpu.memory_space<hbm>>
      %dma_start3A_10 = tpu.memref_squeeze %dma_start3A_9 : memref<1x10112xf32, #tpu.memory_space<hbm>> -> memref<10112xf32, #tpu.memory_space<hbm>>
      tpu.enqueue_dma source(%arg6 : memref<10112xf32, #tpu.memory_space<vmem>>) target(%dma_start3A_10 : memref<10112xf32, #tpu.memory_space<hbm>>) target_semaphore(%run_scoped3A : memref<!tpu.dma_semaphore, #tpu.memory_space<semaphore_mem>>)
      %dma_wait3A = arith.constant 0 : i32
      %dma_wait3A_11 = tpu.memref_slice %arg4[%add3A, %dma_wait3A] : memref<32x10112xf32, #tpu.memory_space<hbm>> -> memref<1x10112xf32, #tpu.memory_space<hbm>>
      %dma_wait3A_12 = tpu.memref_squeeze %dma_wait3A_11 : memref<1x10112xf32, #tpu.memory_space<hbm>> -> memref<10112xf32, #tpu.memory_space<hbm>>
      %dma_wait3A_13 = arith.constant 0 : i32
      %dma_wait3A_14 = tpu.memref_slice %arg4[%add3A, %dma_wait3A_13] : memref<32x10112xf32, #tpu.memory_space<hbm>> -> memref<1x10112xf32, #tpu.memory_space<hbm>>
      %dma_wait3A_15 = tpu.memref_squeeze %dma_wait3A_14 : memref<1x10112xf32, #tpu.memory_space<hbm>> -> memref<10112xf32, #tpu.memory_space<hbm>>
      tpu.wait_dma2 semaphore(%run_scoped3A : memref<!tpu.dma_semaphore, #tpu.memory_space<semaphore_mem>>) src(%arg6 : memref<10112xf32, #tpu.memory_space<vmem>>) dst(%dma_wait3A_15 : memref<10112xf32, #tpu.memory_space<hbm>>)
      tpu.yield
    }) : () -> ()
    return
  }
}

#map = affine_map<(d0, d1) -> (0, 0)>
#map1 = affine_map<(d0, d1) -> (0, 0, 0)>
module attributes {stable_mosaic.version = 14 : i64} {
  func.func @agg(%arg0: i32, %arg1: i32, %arg2: memref<10000x128xf32, #tpu.memory_space<hbm>>, %arg3: memref<16x250x80xi32, #tpu.memory_space<hbm>>, %arg4: memref<16x250x80xi32, #tpu.memory_space<hbm>>, %arg5: memref<5120x128xf32, #tpu.memory_space<hbm>>, %arg6: memref<2x5120x128xf32, #tpu.memory_space<hbm>>, %arg7: memref<250x80xi32, #tpu.memory_space<vmem>>, %arg8: memref<250x80xi32, #tpu.memory_space<vmem>>, %arg9: memref<2x80x128xf32, #tpu.memory_space<vmem>>, %arg10: memref<5120x128xf32, #tpu.memory_space<vmem_shared>>, %arg11: memref<!tpu.dma_semaphore, #tpu.memory_space<semaphore_mem>>) attributes {dimension_semantics = [#tpu.dimension_semantics<core_parallel>, #tpu.dimension_semantics<subcore_parallel>], iteration_bounds = array<i64: 2, 16>, scalar_prefetch = 0 : i64, scratch_operands = 5 : i64, tpu.core_type = #tpu.core_type<sc_vector_subcore>, window_params = [{transform_indices = #map}, {transform_indices = #map1}, {transform_indices = #map1}, {transform_indices = #map}, {transform_indices = #map1}]} {
    %mul3A = arith.constant 320 : i32
    %mul3A_0 = arith.muli %arg1, %mul3A : i32
    %mul3A_1 = arith.constant 320 : i32
    %mul3A_2 = arith.muli %arg1, %mul3A_1 : i32
    "tpu.region"() ({
      %run_scoped3A = tpu.sem_alloc : memref<!tpu.dma_semaphore, #tpu.memory_space<semaphore_mem>>
      %dma_start3A_32 = arith.constant 0 : i32
      %dma_start3A_33 = tpu.memref_slice %arg10[%mul3A_2, %dma_start3A_32] : memref<5120x128xf32, #tpu.memory_space<vmem_shared>> -> memref<320x128xf32, #tpu.memory_space<vmem_shared>>
      %dma_start3A_34 = arith.constant 0 : i32
      %dma_start3A_35 = tpu.memref_slice %arg5[%mul3A_0, %dma_start3A_34] : memref<5120x128xf32, #tpu.memory_space<hbm>> -> memref<320x128xf32, #tpu.memory_space<hbm>>
      tpu.enqueue_dma source(%dma_start3A_35 : memref<320x128xf32, #tpu.memory_space<hbm>>) target(%dma_start3A_33 : memref<320x128xf32, #tpu.memory_space<vmem_shared>>) target_semaphore(%run_scoped3A : memref<!tpu.dma_semaphore, #tpu.memory_space<semaphore_mem>>)
      %dma_wait3A = arith.constant 0 : i32
      %dma_wait3A_36 = tpu.memref_slice %arg10[%mul3A_2, %dma_wait3A] : memref<5120x128xf32, #tpu.memory_space<vmem_shared>> -> memref<320x128xf32, #tpu.memory_space<vmem_shared>>
      %dma_wait3A_37 = arith.constant 0 : i32
      %dma_wait3A_38 = tpu.memref_slice %arg5[%mul3A_0, %dma_wait3A_37] : memref<5120x128xf32, #tpu.memory_space<hbm>> -> memref<320x128xf32, #tpu.memory_space<hbm>>
      tpu.wait_dma2 semaphore(%run_scoped3A : memref<!tpu.dma_semaphore, #tpu.memory_space<semaphore_mem>>) src(%dma_wait3A_38 : memref<320x128xf32, #tpu.memory_space<hbm>>) dst(%dma_wait3A_36 : memref<320x128xf32, #tpu.memory_space<vmem_shared>>)
      tpu.yield
    }) : () -> ()
    "tpu.region"() ({
      %run_scoped3A = tpu.sem_alloc : memref<!tpu.dma_semaphore, #tpu.memory_space<semaphore_mem>>
      %dma_start3A_32 = arith.constant 0 : i32
      %dma_start3A_33 = arith.constant 0 : i32
      %dma_start3A_34 = tpu.memref_slice %arg3[%arg1, %dma_start3A_32, %dma_start3A_33] : memref<16x250x80xi32, #tpu.memory_space<hbm>> -> memref<1x250x80xi32, #tpu.memory_space<hbm>>
      %dma_start3A_35 = tpu.memref_squeeze %dma_start3A_34 : memref<1x250x80xi32, #tpu.memory_space<hbm>> -> memref<250x80xi32, #tpu.memory_space<hbm>>
      %dma_start3A_36 = arith.constant 0 : i32
      %dma_start3A_37 = arith.constant 0 : i32
      %dma_start3A_38 = tpu.memref_slice %arg3[%arg1, %dma_start3A_36, %dma_start3A_37] : memref<16x250x80xi32, #tpu.memory_space<hbm>> -> memref<1x250x80xi32, #tpu.memory_space<hbm>>
      %dma_start3A_39 = tpu.memref_squeeze %dma_start3A_38 : memref<1x250x80xi32, #tpu.memory_space<hbm>> -> memref<250x80xi32, #tpu.memory_space<hbm>>
      tpu.enqueue_dma source(%dma_start3A_39 : memref<250x80xi32, #tpu.memory_space<hbm>>) target(%arg7 : memref<250x80xi32, #tpu.memory_space<vmem>>) target_semaphore(%run_scoped3A : memref<!tpu.dma_semaphore, #tpu.memory_space<semaphore_mem>>)
      %dma_wait3A = arith.constant 0 : i32
      %dma_wait3A_40 = arith.constant 0 : i32
      %dma_wait3A_41 = tpu.memref_slice %arg3[%arg1, %dma_wait3A, %dma_wait3A_40] : memref<16x250x80xi32, #tpu.memory_space<hbm>> -> memref<1x250x80xi32, #tpu.memory_space<hbm>>
      %dma_wait3A_42 = tpu.memref_squeeze %dma_wait3A_41 : memref<1x250x80xi32, #tpu.memory_space<hbm>> -> memref<250x80xi32, #tpu.memory_space<hbm>>
      %dma_wait3A_43 = arith.constant 0 : i32
      %dma_wait3A_44 = arith.constant 0 : i32
      %dma_wait3A_45 = tpu.memref_slice %arg3[%arg1, %dma_wait3A_43, %dma_wait3A_44] : memref<16x250x80xi32, #tpu.memory_space<hbm>> -> memref<1x250x80xi32, #tpu.memory_space<hbm>>
      %dma_wait3A_46 = tpu.memref_squeeze %dma_wait3A_45 : memref<1x250x80xi32, #tpu.memory_space<hbm>> -> memref<250x80xi32, #tpu.memory_space<hbm>>
      tpu.wait_dma2 semaphore(%run_scoped3A : memref<!tpu.dma_semaphore, #tpu.memory_space<semaphore_mem>>) src(%dma_wait3A_46 : memref<250x80xi32, #tpu.memory_space<hbm>>) dst(%arg7 : memref<250x80xi32, #tpu.memory_space<vmem>>)
      tpu.yield
    }) : () -> ()
    "tpu.region"() ({
      %run_scoped3A = tpu.sem_alloc : memref<!tpu.dma_semaphore, #tpu.memory_space<semaphore_mem>>
      %dma_start3A_32 = arith.constant 0 : i32
      %dma_start3A_33 = arith.constant 0 : i32
      %dma_start3A_34 = tpu.memref_slice %arg4[%arg1, %dma_start3A_32, %dma_start3A_33] : memref<16x250x80xi32, #tpu.memory_space<hbm>> -> memref<1x250x80xi32, #tpu.memory_space<hbm>>
      %dma_start3A_35 = tpu.memref_squeeze %dma_start3A_34 : memref<1x250x80xi32, #tpu.memory_space<hbm>> -> memref<250x80xi32, #tpu.memory_space<hbm>>
      %dma_start3A_36 = arith.constant 0 : i32
      %dma_start3A_37 = arith.constant 0 : i32
      %dma_start3A_38 = tpu.memref_slice %arg4[%arg1, %dma_start3A_36, %dma_start3A_37] : memref<16x250x80xi32, #tpu.memory_space<hbm>> -> memref<1x250x80xi32, #tpu.memory_space<hbm>>
      %dma_start3A_39 = tpu.memref_squeeze %dma_start3A_38 : memref<1x250x80xi32, #tpu.memory_space<hbm>> -> memref<250x80xi32, #tpu.memory_space<hbm>>
      tpu.enqueue_dma source(%dma_start3A_39 : memref<250x80xi32, #tpu.memory_space<hbm>>) target(%arg8 : memref<250x80xi32, #tpu.memory_space<vmem>>) target_semaphore(%run_scoped3A : memref<!tpu.dma_semaphore, #tpu.memory_space<semaphore_mem>>)
      %dma_wait3A = arith.constant 0 : i32
      %dma_wait3A_40 = arith.constant 0 : i32
      %dma_wait3A_41 = tpu.memref_slice %arg4[%arg1, %dma_wait3A, %dma_wait3A_40] : memref<16x250x80xi32, #tpu.memory_space<hbm>> -> memref<1x250x80xi32, #tpu.memory_space<hbm>>
      %dma_wait3A_42 = tpu.memref_squeeze %dma_wait3A_41 : memref<1x250x80xi32, #tpu.memory_space<hbm>> -> memref<250x80xi32, #tpu.memory_space<hbm>>
      %dma_wait3A_43 = arith.constant 0 : i32
      %dma_wait3A_44 = arith.constant 0 : i32
      %dma_wait3A_45 = tpu.memref_slice %arg4[%arg1, %dma_wait3A_43, %dma_wait3A_44] : memref<16x250x80xi32, #tpu.memory_space<hbm>> -> memref<1x250x80xi32, #tpu.memory_space<hbm>>
      %dma_wait3A_46 = tpu.memref_squeeze %dma_wait3A_45 : memref<1x250x80xi32, #tpu.memory_space<hbm>> -> memref<250x80xi32, #tpu.memory_space<hbm>>
      tpu.wait_dma2 semaphore(%run_scoped3A : memref<!tpu.dma_semaphore, #tpu.memory_space<semaphore_mem>>) src(%dma_wait3A_46 : memref<250x80xi32, #tpu.memory_space<hbm>>) dst(%arg8 : memref<250x80xi32, #tpu.memory_space<vmem>>)
      tpu.yield
    }) : () -> ()
    %mul3A_3 = arith.constant 5000 : i32
    %mul3A_4 = arith.muli %arg0, %mul3A_3 : i32
    %scan3A = arith.constant 0 : i32
    %scan3A_5 = arith.constant 0 : i32
    %scan3A_6 = arith.constant 250 : i32
    %scan3A_7 = arith.addi %scan3A_5, %scan3A_6 : i32
    %scan3A_8 = arith.constant 1 : i32
    scf.for %scan3A_32 = %scan3A_5 to %scan3A_7 step %scan3A_8  : i32 {
      %get3A = arith.index_cast %scan3A_32 : i32 to index
      %get3A_33 = arith.constant 0 : index
      %get3A_34 = tpu.vector_load %arg8[%get3A, %get3A_33] {strides = array<i32>} : memref<250x80xi32, #tpu.memory_space<vmem>>, vector<1x16xi32>,
      %get3A_35 = vector.shape_cast %get3A_34 : vector<1x16xi32> to vector<16xi32>
      %sub3A = vector.broadcast %mul3A_4 : i32 to vector<16xi32>
      %sub3A_36 = arith.subi %get3A_35, %sub3A : vector<16xi32>
      %ge3A = arith.constant 0 : i32
      %ge3A_37 = vector.broadcast %ge3A : i32 to vector<16xi32>
      %ge3A_38 = arith.cmpi sge, %sub3A_36, %ge3A_37 : vector<16xi32>
      %lt3A = arith.constant 5000 : i32
      %lt3A_39 = vector.broadcast %lt3A : i32 to vector<16xi32>
      %lt3A_40 = arith.cmpi slt, %sub3A_36, %lt3A_39 : vector<16xi32>
      %and3A = arith.andi %ge3A_38, %lt3A_40 : vector<16xi1>
      %and3A_41 = arith.constant 63 : i32
      %and3A_42 = vector.broadcast %and3A_41 : i32 to vector<16xi32>
      %and3A_43 = arith.andi %get3A_35, %and3A_42 : vector<16xi32>
      %add3A = arith.constant 5000 : i32
      %add3A_44 = vector.broadcast %add3A : i32 to vector<16xi32>
      %add3A_45 = arith.addi %add3A_44, %and3A_43 : vector<16xi32>
      %select_n3A = arith.select %and3A, %sub3A_36, %add3A_45 : vector<16xi1>, vector<16xi32>
      %swap3A = arith.index_cast %scan3A_32 : i32 to index
      %swap3A_46 = arith.constant 0 : index
      %swap3A_47 = tpu.vector_load %arg8[%swap3A, %swap3A_46] {strides = array<i32>} : memref<250x80xi32, #tpu.memory_space<vmem>>, vector<1x16xi32>,
      %swap3A_48 = vector.shape_cast %swap3A_47 : vector<1x16xi32> to vector<16xi32>
      %swap3A_49 = vector.shape_cast %select_n3A : vector<16xi32> to vector<1x16xi32>
      tpu.vector_store %arg8[%swap3A, %swap3A_46], %swap3A_49 {strides = array<i32>} : memref<250x80xi32, #tpu.memory_space<vmem>>, vector<1x16xi32>,
      %get3A_50 = arith.index_cast %scan3A_32 : i32 to index
      %get3A_51 = arith.constant 16 : index
      %get3A_52 = tpu.vector_load %arg8[%get3A_50, %get3A_51] {strides = array<i32>} : memref<250x80xi32, #tpu.memory_space<vmem>>, vector<1x16xi32>,
      %get3A_53 = vector.shape_cast %get3A_52 : vector<1x16xi32> to vector<16xi32>
      %sub3A_54 = vector.broadcast %mul3A_4 : i32 to vector<16xi32>
      %sub3A_55 = arith.subi %get3A_53, %sub3A_54 : vector<16xi32>
      %ge3A_56 = arith.constant 0 : i32
      %ge3A_57 = vector.broadcast %ge3A_56 : i32 to vector<16xi32>
      %ge3A_58 = arith.cmpi sge, %sub3A_55, %ge3A_57 : vector<16xi32>
      %lt3A_59 = arith.constant 5000 : i32
      %lt3A_60 = vector.broadcast %lt3A_59 : i32 to vector<16xi32>
      %lt3A_61 = arith.cmpi slt, %sub3A_55, %lt3A_60 : vector<16xi32>
      %and3A_62 = arith.andi %ge3A_58, %lt3A_61 : vector<16xi1>
      %and3A_63 = arith.constant 63 : i32
      %and3A_64 = vector.broadcast %and3A_63 : i32 to vector<16xi32>
      %and3A_65 = arith.andi %get3A_53, %and3A_64 : vector<16xi32>
      %add3A_66 = arith.constant 5000 : i32
      %add3A_67 = vector.broadcast %add3A_66 : i32 to vector<16xi32>
      %add3A_68 = arith.addi %add3A_67, %and3A_65 : vector<16xi32>
      %select_n3A_69 = arith.select %and3A_62, %sub3A_55, %add3A_68 : vector<16xi1>, vector<16xi32>
      %swap3A_70 = arith.index_cast %scan3A_32 : i32 to index
      %swap3A_71 = arith.constant 16 : index
      %swap3A_72 = tpu.vector_load %arg8[%swap3A_70, %swap3A_71] {strides = array<i32>} : memref<250x80xi32, #tpu.memory_space<vmem>>, vector<1x16xi32>,
      %swap3A_73 = vector.shape_cast %swap3A_72 : vector<1x16xi32> to vector<16xi32>
      %swap3A_74 = vector.shape_cast %select_n3A_69 : vector<16xi32> to vector<1x16xi32>
      tpu.vector_store %arg8[%swap3A_70, %swap3A_71], %swap3A_74 {strides = array<i32>} : memref<250x80xi32, #tpu.memory_space<vmem>>, vector<1x16xi32>,
      %get3A_75 = arith.index_cast %scan3A_32 : i32 to index
      %get3A_76 = arith.constant 32 : index
      %get3A_77 = tpu.vector_load %arg8[%get3A_75, %get3A_76] {strides = array<i32>} : memref<250x80xi32, #tpu.memory_space<vmem>>, vector<1x16xi32>,
      %get3A_78 = vector.shape_cast %get3A_77 : vector<1x16xi32> to vector<16xi32>
      %sub3A_79 = vector.broadcast %mul3A_4 : i32 to vector<16xi32>
      %sub3A_80 = arith.subi %get3A_78, %sub3A_79 : vector<16xi32>
      %ge3A_81 = arith.constant 0 : i32
      %ge3A_82 = vector.broadcast %ge3A_81 : i32 to vector<16xi32>
      %ge3A_83 = arith.cmpi sge, %sub3A_80, %ge3A_82 : vector<16xi32>
      %lt3A_84 = arith.constant 5000 : i32
      %lt3A_85 = vector.broadcast %lt3A_84 : i32 to vector<16xi32>
      %lt3A_86 = arith.cmpi slt, %sub3A_80, %lt3A_85 : vector<16xi32>
      %and3A_87 = arith.andi %ge3A_83, %lt3A_86 : vector<16xi1>
      %and3A_88 = arith.constant 63 : i32
      %and3A_89 = vector.broadcast %and3A_88 : i32 to vector<16xi32>
      %and3A_90 = arith.andi %get3A_78, %and3A_89 : vector<16xi32>
      %add3A_91 = arith.constant 5000 : i32
      %add3A_92 = vector.broadcast %add3A_91 : i32 to vector<16xi32>
      %add3A_93 = arith.addi %add3A_92, %and3A_90 : vector<16xi32>
      %select_n3A_94 = arith.select %and3A_87, %sub3A_80, %add3A_93 : vector<16xi1>, vector<16xi32>
      %swap3A_95 = arith.index_cast %scan3A_32 : i32 to index
      %swap3A_96 = arith.constant 32 : index
      %swap3A_97 = tpu.vector_load %arg8[%swap3A_95, %swap3A_96] {strides = array<i32>} : memref<250x80xi32, #tpu.memory_space<vmem>>, vector<1x16xi32>,
      %swap3A_98 = vector.shape_cast %swap3A_97 : vector<1x16xi32> to vector<16xi32>
      %swap3A_99 = vector.shape_cast %select_n3A_94 : vector<16xi32> to vector<1x16xi32>
      tpu.vector_store %arg8[%swap3A_95, %swap3A_96], %swap3A_99 {strides = array<i32>} : memref<250x80xi32, #tpu.memory_space<vmem>>, vector<1x16xi32>,
      %get3A_100 = arith.index_cast %scan3A_32 : i32 to index
      %get3A_101 = arith.constant 48 : index
      %get3A_102 = tpu.vector_load %arg8[%get3A_100, %get3A_101] {strides = array<i32>} : memref<250x80xi32, #tpu.memory_space<vmem>>, vector<1x16xi32>,
      %get3A_103 = vector.shape_cast %get3A_102 : vector<1x16xi32> to vector<16xi32>
      %sub3A_104 = vector.broadcast %mul3A_4 : i32 to vector<16xi32>
      %sub3A_105 = arith.subi %get3A_103, %sub3A_104 : vector<16xi32>
      %ge3A_106 = arith.constant 0 : i32
      %ge3A_107 = vector.broadcast %ge3A_106 : i32 to vector<16xi32>
      %ge3A_108 = arith.cmpi sge, %sub3A_105, %ge3A_107 : vector<16xi32>
      %lt3A_109 = arith.constant 5000 : i32
      %lt3A_110 = vector.broadcast %lt3A_109 : i32 to vector<16xi32>
      %lt3A_111 = arith.cmpi slt, %sub3A_105, %lt3A_110 : vector<16xi32>
      %and3A_112 = arith.andi %ge3A_108, %lt3A_111 : vector<16xi1>
      %and3A_113 = arith.constant 63 : i32
      %and3A_114 = vector.broadcast %and3A_113 : i32 to vector<16xi32>
      %and3A_115 = arith.andi %get3A_103, %and3A_114 : vector<16xi32>
      %add3A_116 = arith.constant 5000 : i32
      %add3A_117 = vector.broadcast %add3A_116 : i32 to vector<16xi32>
      %add3A_118 = arith.addi %add3A_117, %and3A_115 : vector<16xi32>
      %select_n3A_119 = arith.select %and3A_112, %sub3A_105, %add3A_118 : vector<16xi1>, vector<16xi32>
      %swap3A_120 = arith.index_cast %scan3A_32 : i32 to index
      %swap3A_121 = arith.constant 48 : index
      %swap3A_122 = tpu.vector_load %arg8[%swap3A_120, %swap3A_121] {strides = array<i32>} : memref<250x80xi32, #tpu.memory_space<vmem>>, vector<1x16xi32>,
      %swap3A_123 = vector.shape_cast %swap3A_122 : vector<1x16xi32> to vector<16xi32>
      %swap3A_124 = vector.shape_cast %select_n3A_119 : vector<16xi32> to vector<1x16xi32>
      tpu.vector_store %arg8[%swap3A_120, %swap3A_121], %swap3A_124 {strides = array<i32>} : memref<250x80xi32, #tpu.memory_space<vmem>>, vector<1x16xi32>,
      %get3A_125 = arith.index_cast %scan3A_32 : i32 to index
      %get3A_126 = arith.constant 64 : index
      %get3A_127 = tpu.vector_load %arg8[%get3A_125, %get3A_126] {strides = array<i32>} : memref<250x80xi32, #tpu.memory_space<vmem>>, vector<1x16xi32>,
      %get3A_128 = vector.shape_cast %get3A_127 : vector<1x16xi32> to vector<16xi32>
      %sub3A_129 = vector.broadcast %mul3A_4 : i32 to vector<16xi32>
      %sub3A_130 = arith.subi %get3A_128, %sub3A_129 : vector<16xi32>
      %ge3A_131 = arith.constant 0 : i32
      %ge3A_132 = vector.broadcast %ge3A_131 : i32 to vector<16xi32>
      %ge3A_133 = arith.cmpi sge, %sub3A_130, %ge3A_132 : vector<16xi32>
      %lt3A_134 = arith.constant 5000 : i32
      %lt3A_135 = vector.broadcast %lt3A_134 : i32 to vector<16xi32>
      %lt3A_136 = arith.cmpi slt, %sub3A_130, %lt3A_135 : vector<16xi32>
      %and3A_137 = arith.andi %ge3A_133, %lt3A_136 : vector<16xi1>
      %and3A_138 = arith.constant 63 : i32
      %and3A_139 = vector.broadcast %and3A_138 : i32 to vector<16xi32>
      %and3A_140 = arith.andi %get3A_128, %and3A_139 : vector<16xi32>
      %add3A_141 = arith.constant 5000 : i32
      %add3A_142 = vector.broadcast %add3A_141 : i32 to vector<16xi32>
      %add3A_143 = arith.addi %add3A_142, %and3A_140 : vector<16xi32>
      %select_n3A_144 = arith.select %and3A_137, %sub3A_130, %add3A_143 : vector<16xi1>, vector<16xi32>
      %swap3A_145 = arith.index_cast %scan3A_32 : i32 to index
      %swap3A_146 = arith.constant 64 : index
      %swap3A_147 = tpu.vector_load %arg8[%swap3A_145, %swap3A_146] {strides = array<i32>} : memref<250x80xi32, #tpu.memory_space<vmem>>, vector<1x16xi32>,
      %swap3A_148 = vector.shape_cast %swap3A_147 : vector<1x16xi32> to vector<16xi32>
      %swap3A_149 = vector.shape_cast %select_n3A_144 : vector<16xi32> to vector<1x16xi32>
      tpu.vector_store %arg8[%swap3A_145, %swap3A_146], %swap3A_149 {strides = array<i32>} : memref<250x80xi32, #tpu.memory_space<vmem>>, vector<1x16xi32>,
    }
    %scan3A_9 = arith.constant 250 : i32
    %barrier3A = arith.constant 0 : index
    tpu.barrier barrier_id(%barrier3A)
    %dma_start3A = arith.constant 0 : i32
    %dma_start3A_10 = arith.constant 0 : i32
    %dma_start3A_11 = arith.constant 0 : i32
    %dma_start3A_12 = arith.constant 0 : i32
    %dma_start3A_13 = tpu.memref_slice %arg9[%dma_start3A_10, %dma_start3A_11, %dma_start3A_12] : memref<2x80x128xf32, #tpu.memory_space<vmem>> -> memref<1x80x128xf32, #tpu.memory_space<vmem>>
    %dma_start3A_14 = tpu.memref_squeeze %dma_start3A_13 : memref<1x80x128xf32, #tpu.memory_space<vmem>> -> memref<80x128xf32, #tpu.memory_space<vmem>>
    %dma_start3A_15 = arith.constant 0 : i32
    %dma_start3A_16 = tpu.memref_slice %arg7[%dma_start3A, %dma_start3A_15] : memref<250x80xi32, #tpu.memory_space<vmem>> -> memref<1x80xi32, #tpu.memory_space<vmem>>
    %dma_start3A_17 = tpu.memref_squeeze %dma_start3A_16 : memref<1x80xi32, #tpu.memory_space<vmem>> -> memref<80xi32, #tpu.memory_space<vmem>>
    %dma_start3A_18 = arith.constant 0 : i32
    %dma_start3A_19 = arith.constant 0 : i32
    %dma_start3A_20 = tpu.memref_slice %arg2[%dma_start3A_18, %dma_start3A_19] : memref<10000x128xf32, #tpu.memory_space<hbm>> -> memref<10000x128xf32, #tpu.memory_space<hbm>>
    tpu.enqueue_indirect_dma source(%dma_start3A_20 : memref<10000x128xf32, #tpu.memory_space<hbm>>) target(%dma_start3A_14 : memref<80x128xf32, #tpu.memory_space<vmem>>) offsets(%dma_start3A_17 : memref<80xi32, #tpu.memory_space<vmem>>) semaphore(%arg11 : memref<!tpu.dma_semaphore, #tpu.memory_space<semaphore_mem>>)
    %scan3A_21 = arith.constant 0 : i32
    %scan3A_22 = arith.constant 0 : i32
    %scan3A_23 = arith.constant 125 : i32
    %scan3A_24 = arith.addi %scan3A_22, %scan3A_23 : i32
    %scan3A_25 = arith.constant 1 : i32
    scf.for %scan3A_32 = %scan3A_22 to %scan3A_24 step %scan3A_25  : i32 {
      %mul3A_33 = arith.constant 2 : i32
      %mul3A_34 = arith.muli %scan3A_32, %mul3A_33 : i32
      %dma_wait3A = arith.constant 0 : i32
      %dma_wait3A_35 = arith.constant 0 : i32
      %dma_wait3A_36 = arith.constant 0 : i32
      %dma_wait3A_37 = tpu.memref_slice %arg9[%dma_wait3A, %dma_wait3A_35, %dma_wait3A_36] : memref<2x80x128xf32, #tpu.memory_space<vmem>> -> memref<1x80x128xf32, #tpu.memory_space<vmem>>
      %dma_wait3A_38 = tpu.memref_squeeze %dma_wait3A_37 : memref<1x80x128xf32, #tpu.memory_space<vmem>> -> memref<80x128xf32, #tpu.memory_space<vmem>>
      %dma_wait3A_39 = arith.constant 0 : i32
      %dma_wait3A_40 = tpu.memref_slice %arg7[%mul3A_34, %dma_wait3A_39] : memref<250x80xi32, #tpu.memory_space<vmem>> -> memref<1x80xi32, #tpu.memory_space<vmem>>
      %dma_wait3A_41 = tpu.memref_squeeze %dma_wait3A_40 : memref<1x80xi32, #tpu.memory_space<vmem>> -> memref<80xi32, #tpu.memory_space<vmem>>
      %dma_wait3A_42 = arith.constant 0 : i32
      %dma_wait3A_43 = arith.constant 0 : i32
      %dma_wait3A_44 = tpu.memref_slice %arg2[%dma_wait3A_42, %dma_wait3A_43] : memref<10000x128xf32, #tpu.memory_space<hbm>> -> memref<10000x128xf32, #tpu.memory_space<hbm>>
      tpu.wait_indirect_dma semaphore(%arg11 : memref<!tpu.dma_semaphore, #tpu.memory_space<semaphore_mem>>) src(%dma_wait3A_44 : memref<10000x128xf32, #tpu.memory_space<hbm>>) dst(%dma_wait3A_38 : memref<80x128xf32, #tpu.memory_space<vmem>>)
      %add3A = arith.constant 1 : i32
      %add3A_45 = arith.addi %mul3A_34, %add3A : i32
      %lt3A = arith.constant 250 : i32
      %lt3A_46 = arith.cmpi slt, %add3A_45, %lt3A : i32
      %convert_element_type3A = arith.extui %lt3A_46 : i1 to i32
      %cond3A = arith.constant 0 : i32
      %cond3A_47 = arith.cmpi ne, %convert_element_type3A, %cond3A : i32
      scf.if %cond3A_47 {
        %add3A_71 = arith.constant 1 : i32
        %add3A_72 = arith.addi %mul3A_34, %add3A_71 : i32
        %dma_start3A_73 = arith.constant 1 : i32
        %dma_start3A_74 = arith.constant 0 : i32
        %dma_start3A_75 = arith.constant 0 : i32
        %dma_start3A_76 = tpu.memref_slice %arg9[%dma_start3A_73, %dma_start3A_74, %dma_start3A_75] : memref<2x80x128xf32, #tpu.memory_space<vmem>> -> memref<1x80x128xf32, #tpu.memory_space<vmem>>
        %dma_start3A_77 = tpu.memref_squeeze %dma_start3A_76 : memref<1x80x128xf32, #tpu.memory_space<vmem>> -> memref<80x128xf32, #tpu.memory_space<vmem>>
        %dma_start3A_78 = arith.constant 0 : i32
        %dma_start3A_79 = tpu.memref_slice %arg7[%add3A_72, %dma_start3A_78] : memref<250x80xi32, #tpu.memory_space<vmem>> -> memref<1x80xi32, #tpu.memory_space<vmem>>
        %dma_start3A_80 = tpu.memref_squeeze %dma_start3A_79 : memref<1x80xi32, #tpu.memory_space<vmem>> -> memref<80xi32, #tpu.memory_space<vmem>>
        %dma_start3A_81 = arith.constant 0 : i32
        %dma_start3A_82 = arith.constant 0 : i32
        %dma_start3A_83 = tpu.memref_slice %arg2[%dma_start3A_81, %dma_start3A_82] : memref<10000x128xf32, #tpu.memory_space<hbm>> -> memref<10000x128xf32, #tpu.memory_space<hbm>>
        tpu.enqueue_indirect_dma source(%dma_start3A_83 : memref<10000x128xf32, #tpu.memory_space<hbm>>) target(%dma_start3A_77 : memref<80x128xf32, #tpu.memory_space<vmem>>) offsets(%dma_start3A_80 : memref<80xi32, #tpu.memory_space<vmem>>) semaphore(%arg11 : memref<!tpu.dma_semaphore, #tpu.memory_space<semaphore_mem>>)
      } else {
      }
      %run_scoped3A = arith.constant 0 : i32
      "tpu.region"() ({
        %run_scoped3A_71 = tpu.sem_alloc : memref<!tpu.dma_semaphore, #tpu.memory_space<semaphore_mem>>
        %dma_start3A_72 = arith.constant 0 : i32
        %dma_start3A_73 = arith.constant 0 : i32
        %dma_start3A_74 = tpu.memref_slice %arg9[%run_scoped3A, %dma_start3A_72, %dma_start3A_73] : memref<2x80x128xf32, #tpu.memory_space<vmem>> -> memref<1x80x128xf32, #tpu.memory_space<vmem>>
        %dma_start3A_75 = tpu.memref_squeeze %dma_start3A_74 : memref<1x80x128xf32, #tpu.memory_space<vmem>> -> memref<80x128xf32, #tpu.memory_space<vmem>>
        %dma_start3A_76 = arith.constant 0 : i32
        %dma_start3A_77 = tpu.memref_slice %arg8[%mul3A_34, %dma_start3A_76] : memref<250x80xi32, #tpu.memory_space<vmem>> -> memref<1x80xi32, #tpu.memory_space<vmem>>
        %dma_start3A_78 = tpu.memref_squeeze %dma_start3A_77 : memref<1x80xi32, #tpu.memory_space<vmem>> -> memref<80xi32, #tpu.memory_space<vmem>>
        %dma_start3A_79 = arith.constant 0 : i32
        %dma_start3A_80 = arith.constant 0 : i32
        %dma_start3A_81 = tpu.memref_slice %arg10[%dma_start3A_79, %dma_start3A_80] : memref<5120x128xf32, #tpu.memory_space<vmem_shared>> -> memref<5120x128xf32, #tpu.memory_space<vmem_shared>>
        tpu.enqueue_indirect_dma source(%dma_start3A_75 : memref<80x128xf32, #tpu.memory_space<vmem>>) target(%dma_start3A_81 : memref<5120x128xf32, #tpu.memory_space<vmem_shared>>) offsets(%dma_start3A_78 : memref<80xi32, #tpu.memory_space<vmem>>) semaphore(%run_scoped3A_71 : memref<!tpu.dma_semaphore, #tpu.memory_space<semaphore_mem>>) {add = true}
        %dma_wait3A_82 = arith.constant 0 : i32
        %dma_wait3A_83 = arith.constant 0 : i32
        %dma_wait3A_84 = tpu.memref_slice %arg9[%run_scoped3A, %dma_wait3A_82, %dma_wait3A_83] : memref<2x80x128xf32, #tpu.memory_space<vmem>> -> memref<1x80x128xf32, #tpu.memory_space<vmem>>
        %dma_wait3A_85 = tpu.memref_squeeze %dma_wait3A_84 : memref<1x80x128xf32, #tpu.memory_space<vmem>> -> memref<80x128xf32, #tpu.memory_space<vmem>>
        %dma_wait3A_86 = arith.constant 0 : i32
        %dma_wait3A_87 = tpu.memref_slice %arg8[%mul3A_34, %dma_wait3A_86] : memref<250x80xi32, #tpu.memory_space<vmem>> -> memref<1x80xi32, #tpu.memory_space<vmem>>
        %dma_wait3A_88 = tpu.memref_squeeze %dma_wait3A_87 : memref<1x80xi32, #tpu.memory_space<vmem>> -> memref<80xi32, #tpu.memory_space<vmem>>
        %dma_wait3A_89 = arith.constant 0 : i32
        %dma_wait3A_90 = arith.constant 0 : i32
        %dma_wait3A_91 = tpu.memref_slice %arg10[%dma_wait3A_89, %dma_wait3A_90] : memref<5120x128xf32, #tpu.memory_space<vmem_shared>> -> memref<5120x128xf32, #tpu.memory_space<vmem_shared>>
        tpu.wait_indirect_dma semaphore(%run_scoped3A_71 : memref<!tpu.dma_semaphore, #tpu.memory_space<semaphore_mem>>) src(%dma_wait3A_85 : memref<80x128xf32, #tpu.memory_space<vmem>>) dst(%dma_wait3A_91 : memref<5120x128xf32, #tpu.memory_space<vmem_shared>>)
        tpu.yield
      }) : () -> ()
      %mul3A_48 = arith.constant 2 : i32
      %mul3A_49 = arith.muli %scan3A_32, %mul3A_48 : i32
      %add3A_50 = arith.constant 1 : i32
      %add3A_51 = arith.addi %mul3A_49, %add3A_50 : i32
      %dma_wait3A_52 = arith.constant 1 : i32
      %dma_wait3A_53 = arith.constant 0 : i32
      %dma_wait3A_54 = arith.constant 0 : i32
      %dma_wait3A_55 = tpu.memref_slice %arg9[%dma_wait3A_52, %dma_wait3A_53, %dma_wait3A_54] : memref<2x80x128xf32, #tpu.memory_space<vmem>> -> memref<1x80x128xf32, #tpu.memory_space<vmem>>
      %dma_wait3A_56 = tpu.memref_squeeze %dma_wait3A_55 : memref<1x80x128xf32, #tpu.memory_space<vmem>> -> memref<80x128xf32, #tpu.memory_space<vmem>>
      %dma_wait3A_57 = arith.constant 0 : i32
      %dma_wait3A_58 = tpu.memref_slice %arg7[%add3A_51, %dma_wait3A_57] : memref<250x80xi32, #tpu.memory_space<vmem>> -> memref<1x80xi32, #tpu.memory_space<vmem>>
      %dma_wait3A_59 = tpu.memref_squeeze %dma_wait3A_58 : memref<1x80xi32, #tpu.memory_space<vmem>> -> memref<80xi32, #tpu.memory_space<vmem>>
      %dma_wait3A_60 = arith.constant 0 : i32
      %dma_wait3A_61 = arith.constant 0 : i32
      %dma_wait3A_62 = tpu.memref_slice %arg2[%dma_wait3A_60, %dma_wait3A_61] : memref<10000x128xf32, #tpu.memory_space<hbm>> -> memref<10000x128xf32, #tpu.memory_space<hbm>>
      tpu.wait_indirect_dma semaphore(%arg11 : memref<!tpu.dma_semaphore, #tpu.memory_space<semaphore_mem>>) src(%dma_wait3A_62 : memref<10000x128xf32, #tpu.memory_space<hbm>>) dst(%dma_wait3A_56 : memref<80x128xf32, #tpu.memory_space<vmem>>)
      %add3A_63 = arith.constant 1 : i32
      %add3A_64 = arith.addi %add3A_51, %add3A_63 : i32
      %lt3A_65 = arith.constant 250 : i32
      %lt3A_66 = arith.cmpi slt, %add3A_64, %lt3A_65 : i32
      %convert_element_type3A_67 = arith.extui %lt3A_66 : i1 to i32
      %cond3A_68 = arith.constant 0 : i32
      %cond3A_69 = arith.cmpi ne, %convert_element_type3A_67, %cond3A_68 : i32
      scf.if %cond3A_69 {
        %add3A_71 = arith.constant 1 : i32
        %add3A_72 = arith.addi %add3A_51, %add3A_71 : i32
        %dma_start3A_73 = arith.constant 0 : i32
        %dma_start3A_74 = arith.constant 0 : i32
        %dma_start3A_75 = arith.constant 0 : i32
        %dma_start3A_76 = tpu.memref_slice %arg9[%dma_start3A_73, %dma_start3A_74, %dma_start3A_75] : memref<2x80x128xf32, #tpu.memory_space<vmem>> -> memref<1x80x128xf32, #tpu.memory_space<vmem>>
        %dma_start3A_77 = tpu.memref_squeeze %dma_start3A_76 : memref<1x80x128xf32, #tpu.memory_space<vmem>> -> memref<80x128xf32, #tpu.memory_space<vmem>>
        %dma_start3A_78 = arith.constant 0 : i32
        %dma_start3A_79 = tpu.memref_slice %arg7[%add3A_72, %dma_start3A_78] : memref<250x80xi32, #tpu.memory_space<vmem>> -> memref<1x80xi32, #tpu.memory_space<vmem>>
        %dma_start3A_80 = tpu.memref_squeeze %dma_start3A_79 : memref<1x80xi32, #tpu.memory_space<vmem>> -> memref<80xi32, #tpu.memory_space<vmem>>
        %dma_start3A_81 = arith.constant 0 : i32
        %dma_start3A_82 = arith.constant 0 : i32
        %dma_start3A_83 = tpu.memref_slice %arg2[%dma_start3A_81, %dma_start3A_82] : memref<10000x128xf32, #tpu.memory_space<hbm>> -> memref<10000x128xf32, #tpu.memory_space<hbm>>
        tpu.enqueue_indirect_dma source(%dma_start3A_83 : memref<10000x128xf32, #tpu.memory_space<hbm>>) target(%dma_start3A_77 : memref<80x128xf32, #tpu.memory_space<vmem>>) offsets(%dma_start3A_80 : memref<80xi32, #tpu.memory_space<vmem>>) semaphore(%arg11 : memref<!tpu.dma_semaphore, #tpu.memory_space<semaphore_mem>>)
      } else {
      }
      %run_scoped3A_70 = arith.constant 1 : i32
      "tpu.region"() ({
        %run_scoped3A_71 = tpu.sem_alloc : memref<!tpu.dma_semaphore, #tpu.memory_space<semaphore_mem>>
        %dma_start3A_72 = arith.constant 0 : i32
        %dma_start3A_73 = arith.constant 0 : i32
        %dma_start3A_74 = tpu.memref_slice %arg9[%run_scoped3A_70, %dma_start3A_72, %dma_start3A_73] : memref<2x80x128xf32, #tpu.memory_space<vmem>> -> memref<1x80x128xf32, #tpu.memory_space<vmem>>
        %dma_start3A_75 = tpu.memref_squeeze %dma_start3A_74 : memref<1x80x128xf32, #tpu.memory_space<vmem>> -> memref<80x128xf32, #tpu.memory_space<vmem>>
        %dma_start3A_76 = arith.constant 0 : i32
        %dma_start3A_77 = tpu.memref_slice %arg8[%add3A_51, %dma_start3A_76] : memref<250x80xi32, #tpu.memory_space<vmem>> -> memref<1x80xi32, #tpu.memory_space<vmem>>
        %dma_start3A_78 = tpu.memref_squeeze %dma_start3A_77 : memref<1x80xi32, #tpu.memory_space<vmem>> -> memref<80xi32, #tpu.memory_space<vmem>>
        %dma_start3A_79 = arith.constant 0 : i32
        %dma_start3A_80 = arith.constant 0 : i32
        %dma_start3A_81 = tpu.memref_slice %arg10[%dma_start3A_79, %dma_start3A_80] : memref<5120x128xf32, #tpu.memory_space<vmem_shared>> -> memref<5120x128xf32, #tpu.memory_space<vmem_shared>>
        tpu.enqueue_indirect_dma source(%dma_start3A_75 : memref<80x128xf32, #tpu.memory_space<vmem>>) target(%dma_start3A_81 : memref<5120x128xf32, #tpu.memory_space<vmem_shared>>) offsets(%dma_start3A_78 : memref<80xi32, #tpu.memory_space<vmem>>) semaphore(%run_scoped3A_71 : memref<!tpu.dma_semaphore, #tpu.memory_space<semaphore_mem>>) {add = true}
        %dma_wait3A_82 = arith.constant 0 : i32
        %dma_wait3A_83 = arith.constant 0 : i32
        %dma_wait3A_84 = tpu.memref_slice %arg9[%run_scoped3A_70, %dma_wait3A_82, %dma_wait3A_83] : memref<2x80x128xf32, #tpu.memory_space<vmem>> -> memref<1x80x128xf32, #tpu.memory_space<vmem>>
        %dma_wait3A_85 = tpu.memref_squeeze %dma_wait3A_84 : memref<1x80x128xf32, #tpu.memory_space<vmem>> -> memref<80x128xf32, #tpu.memory_space<vmem>>
        %dma_wait3A_86 = arith.constant 0 : i32
        %dma_wait3A_87 = tpu.memref_slice %arg8[%add3A_51, %dma_wait3A_86] : memref<250x80xi32, #tpu.memory_space<vmem>> -> memref<1x80xi32, #tpu.memory_space<vmem>>
        %dma_wait3A_88 = tpu.memref_squeeze %dma_wait3A_87 : memref<1x80xi32, #tpu.memory_space<vmem>> -> memref<80xi32, #tpu.memory_space<vmem>>
        %dma_wait3A_89 = arith.constant 0 : i32
        %dma_wait3A_90 = arith.constant 0 : i32
        %dma_wait3A_91 = tpu.memref_slice %arg10[%dma_wait3A_89, %dma_wait3A_90] : memref<5120x128xf32, #tpu.memory_space<vmem_shared>> -> memref<5120x128xf32, #tpu.memory_space<vmem_shared>>
        tpu.wait_indirect_dma semaphore(%run_scoped3A_71 : memref<!tpu.dma_semaphore, #tpu.memory_space<semaphore_mem>>) src(%dma_wait3A_85 : memref<80x128xf32, #tpu.memory_space<vmem>>) dst(%dma_wait3A_91 : memref<5120x128xf32, #tpu.memory_space<vmem_shared>>)
        tpu.yield
      }) : () -> ()
    }
    %scan3A_26 = arith.constant 125 : i32
    %barrier3A_27 = arith.constant 0 : index
    tpu.barrier barrier_id(%barrier3A_27)
    %mul3A_28 = arith.constant 320 : i32
    %mul3A_29 = arith.muli %arg1, %mul3A_28 : i32
    %mul3A_30 = arith.constant 320 : i32
    %mul3A_31 = arith.muli %arg1, %mul3A_30 : i32
    "tpu.region"() ({
      %run_scoped3A = tpu.sem_alloc : memref<!tpu.dma_semaphore, #tpu.memory_space<semaphore_mem>>
      %dma_start3A_32 = arith.constant 0 : i32
      %dma_start3A_33 = tpu.memref_slice %arg6[%arg0, %mul3A_31, %dma_start3A_32] : memref<2x5120x128xf32, #tpu.memory_space<hbm>> -> memref<1x320x128xf32, #tpu.memory_space<hbm>>
      %dma_start3A_34 = tpu.memref_squeeze %dma_start3A_33 : memref<1x320x128xf32, #tpu.memory_space<hbm>> -> memref<320x128xf32, #tpu.memory_space<hbm>>
      %dma_start3A_35 = arith.constant 0 : i32
      %dma_start3A_36 = tpu.memref_slice %arg10[%mul3A_29, %dma_start3A_35] : memref<5120x128xf32, #tpu.memory_space<vmem_shared>> -> memref<320x128xf32, #tpu.memory_space<vmem_shared>>
      tpu.enqueue_dma source(%dma_start3A_36 : memref<320x128xf32, #tpu.memory_space<vmem_shared>>) target(%dma_start3A_34 : memref<320x128xf32, #tpu.memory_space<hbm>>) target_semaphore(%run_scoped3A : memref<!tpu.dma_semaphore, #tpu.memory_space<semaphore_mem>>)
      %dma_wait3A = arith.constant 0 : i32
      %dma_wait3A_37 = tpu.memref_slice %arg6[%arg0, %mul3A_31, %dma_wait3A] : memref<2x5120x128xf32, #tpu.memory_space<hbm>> -> memref<1x320x128xf32, #tpu.memory_space<hbm>>
      %dma_wait3A_38 = tpu.memref_squeeze %dma_wait3A_37 : memref<1x320x128xf32, #tpu.memory_space<hbm>> -> memref<320x128xf32, #tpu.memory_space<hbm>>
      %dma_wait3A_39 = arith.constant 0 : i32
      %dma_wait3A_40 = tpu.memref_slice %arg10[%mul3A_29, %dma_wait3A_39] : memref<5120x128xf32, #tpu.memory_space<vmem_shared>> -> memref<320x128xf32, #tpu.memory_space<vmem_shared>>
      tpu.wait_dma2 semaphore(%run_scoped3A : memref<!tpu.dma_semaphore, #tpu.memory_space<semaphore_mem>>) src(%dma_wait3A_40 : memref<320x128xf32, #tpu.memory_space<vmem_shared>>) dst(%dma_wait3A_38 : memref<320x128xf32, #tpu.memory_space<hbm>>)
      tpu.yield
    }) : () -> ()
    return
  }
}

module attributes {stable_mosaic.version = 14 : i64} {
  func.func @_tc_degcol_fn(%arg0: i32, %arg1: memref<32x10112xf32, #tpu.memory_space<vmem>>, %arg2: memref<32x128xf32, #tpu.memory_space<vmem>>, %arg3: memref<10112x128xf32, #tpu.memory_space<vmem>>) attributes {dimension_semantics = [#tpu.dimension_semantics<arbitrary>], iteration_bounds = array<i64: 1>, scalar_prefetch = 0 : i64, scratch_operands = 0 : i64, tpu.core_type = #tpu.core_type<tc>, window_params = [{pipeline_mode = #tpu.pipeline_mode<synchronous>, transform_indices = @transform_0, window_bounds = array<i64: 32, 10112>}, {pipeline_mode = #tpu.pipeline_mode<synchronous>, transform_indices = @transform_1, window_bounds = array<i64: 32, 128>}, {pipeline_mode = #tpu.pipeline_mode<synchronous>, transform_indices = @transform_2, window_bounds = array<i64: 10112, 128>}]} {
    %get3A = arith.constant 0 : index
    %get3A_0 = arith.constant 0 : index
    %get3A_1 = vector.load %arg1[%get3A, %get3A_0] : memref<32x10112xf32, #tpu.memory_space<vmem>>, vector<32x10112xf32>
    %get3A_2 = arith.constant 0 : index
    %get3A_3 = arith.constant 0 : index
    %get3A_4 = vector.load %arg2[%get3A_2, %get3A_3] : memref<32x128xf32, #tpu.memory_space<vmem>>, vector<32x128xf32>
    %dot_general3A = arith.constant dense<0.000000e+00> : vector<10112x128xf32>
    %dot_general3A_5 = tpu.matmul %get3A_1, %get3A_4, %dot_general3A {dimension_numbers = #tpu.dot_dimension_numbers<[0], [0], [1], [1], [0, 1, 1, 1], [], []>, transpose_lhs_hint = false} : vector<32x10112xf32>, vector<32x128xf32>, vector<10112x128xf32> -> vector<10112x128xf32>
    %swap3A = arith.constant 0 : index
    %swap3A_6 = arith.constant 0 : index
    %swap3A_7 = vector.load %arg3[%swap3A, %swap3A_6] : memref<10112x128xf32, #tpu.memory_space<vmem>>, vector<10112x128xf32>
    tpu.vector_store %arg3[%swap3A, %swap3A_6], %dot_general3A_5 {strides = array<i32>} : memref<10112x128xf32, #tpu.memory_space<vmem>>, vector<10112x128xf32>,
    return
  }
  func.func @transform_0(%arg0: i32) -> (i32, i32) {
    %c0_i32 = arith.constant 0 : i32
    %c0_i32_0 = arith.constant 0 : i32
    %c0_i32_1 = arith.constant 0 : i32
    return %c0_i32, %c0_i32_0 : i32, i32
  }
  func.func @transform_1(%arg0: i32) -> (i32, i32) {
    %c0_i32 = arith.constant 0 : i32
    %c0_i32_0 = arith.constant 0 : i32
    %c0_i32_1 = arith.constant 0 : i32
    return %c0_i32, %c0_i32_0 : i32, i32
  }
  func.func @transform_2(%arg0: i32) -> (i32, i32) {
    %c0_i32 = arith.constant 0 : i32
    %c0_i32_0 = arith.constant 0 : i32
    %c0_i32_1 = arith.constant 0 : i32
    return %c0_i32, %c0_i32_0 : i32, i32
  }
}

module attributes {stable_mosaic.version = 14 : i64} {
  func.func @_tc_scale_mm_fn(%arg0: i32, %arg1: memref<1000x128xf32, #tpu.memory_space<vmem>>, %arg2: memref<128x128xf32, #tpu.memory_space<vmem>>, %arg3: memref<1000x128xf32, #tpu.memory_space<vmem>>, %arg4: memref<1000x128xf32, #tpu.memory_space<vmem>>) attributes {dimension_semantics = [#tpu.dimension_semantics<arbitrary>], iteration_bounds = array<i64: 10>, scalar_prefetch = 0 : i64, scratch_operands = 0 : i64, tpu.core_type = #tpu.core_type<tc>, window_params = [{transform_indices = @transform_0, window_bounds = array<i64: 1000, 128>}, {pipeline_mode = #tpu.pipeline_mode<synchronous>, transform_indices = @transform_1, window_bounds = array<i64: 128, 128>}, {transform_indices = @transform_2, window_bounds = array<i64: 1000, 128>}, {transform_indices = @transform_3, window_bounds = array<i64: 1000, 128>}]} {
    %get3A = arith.constant 0 : index
    %get3A_0 = arith.constant 0 : index
    %get3A_1 = vector.load %arg1[%get3A, %get3A_0] : memref<1000x128xf32, #tpu.memory_space<vmem>>, vector<1000x128xf32>
    %get3A_2 = arith.constant 0 : index
    %get3A_3 = arith.constant 0 : index
    %get3A_4 = vector.load %arg2[%get3A_2, %get3A_3] : memref<128x128xf32, #tpu.memory_space<vmem>>, vector<128x128xf32>
    %dot_general3A = arith.constant dense<0.000000e+00> : vector<1000x128xf32>
    %dot_general3A_5 = tpu.matmul %get3A_1, %get3A_4, %dot_general3A {dimension_numbers = #tpu.dot_dimension_numbers<[1], [0], [0], [1], [0, 0, 1, 1], [], []>, transpose_lhs_hint = false} : vector<1000x128xf32>, vector<128x128xf32>, vector<1000x128xf32> -> vector<1000x128xf32>
    %get3A_6 = arith.constant 0 : index
    %get3A_7 = arith.constant 0 : index
    %get3A_8 = vector.load %arg3[%get3A_6, %get3A_7] : memref<1000x128xf32, #tpu.memory_space<vmem>>, vector<1000x1xf32>
    %add3A = arith.constant 1.000000e+00 : f32
    %add3A_9 = vector.broadcast %add3A : f32 to vector<1000x1xf32>
    %add3A_10 = arith.addf %get3A_8, %add3A_9 : vector<1000x1xf32>
    %rsqrt3A = math.rsqrt %add3A_10 : vector<1000x1xf32>
    %mul3A = vector.broadcast %rsqrt3A : vector<1000x1xf32> to vector<1000x128xf32>
    %mul3A_11 = arith.mulf %dot_general3A_5, %mul3A : vector<1000x128xf32>
    %swap3A = arith.constant 0 : index
    %swap3A_12 = arith.constant 0 : index
    %swap3A_13 = vector.load %arg4[%swap3A, %swap3A_12] : memref<1000x128xf32, #tpu.memory_space<vmem>>, vector<1000x128xf32>
    tpu.vector_store %arg4[%swap3A, %swap3A_12], %mul3A_11 {strides = array<i32>} : memref<1000x128xf32, #tpu.memory_space<vmem>>, vector<1000x128xf32>,
    return
  }
  func.func @transform_0(%arg0: i32) -> (i32, i32) {
    %c0_i32 = arith.constant 0 : i32
    %c0_i32_0 = arith.constant 0 : i32
    return %arg0, %c0_i32 : i32, i32
  }
  func.func @transform_1(%arg0: i32) -> (i32, i32) {
    %c0_i32 = arith.constant 0 : i32
    %c0_i32_0 = arith.constant 0 : i32
    %c0_i32_1 = arith.constant 0 : i32
    return %c0_i32, %c0_i32_0 : i32, i32
  }
  func.func @transform_2(%arg0: i32) -> (i32, i32) {
    %c0_i32 = arith.constant 0 : i32
    %c0_i32_0 = arith.constant 0 : i32
    return %arg0, %c0_i32 : i32, i32
  }
  func.func @transform_3(%arg0: i32) -> (i32, i32) {
    %c0_i32 = arith.constant 0 : i32
    %c0_i32_0 = arith.constant 0 : i32
    return %arg0, %c0_i32 : i32, i32
  }
}

module attributes {stable_mosaic.version = 14 : i64} {
  func.func @_tc_stats_fn(%arg0: i32, %arg1: memref<1x1000x128xf32, #tpu.memory_space<vmem>>, %arg2: memref<1000x128xf32, #tpu.memory_space<vmem>>, %arg3: memref<1x128xf32, #tpu.memory_space<vmem>>, %arg4: memref<1000x128xf32, #tpu.memory_space<vmem>>, %arg5: memref<1000x128xf32, #tpu.memory_space<vmem>>, %arg6: memref<1x128xf32, #tpu.memory_space<vmem>>, %arg7: memref<1x128xf32, #tpu.memory_space<vmem>>) attributes {dimension_semantics = [#tpu.dimension_semantics<arbitrary>], iteration_bounds = array<i64: 10>, scalar_prefetch = 0 : i64, scratch_operands = 0 : i64, tpu.core_type = #tpu.core_type<tc>, window_params = [{transform_indices = @transform_0, window_bounds = array<i64: 1, 1000, 128>}, {transform_indices = @transform_1, window_bounds = array<i64: 1000, 128>}, {pipeline_mode = #tpu.pipeline_mode<synchronous>, transform_indices = @transform_2, window_bounds = array<i64: 1, 128>}, {transform_indices = @transform_3, window_bounds = array<i64: 1000, 128>}, {transform_indices = @transform_4, window_bounds = array<i64: 1000, 128>}, {pipeline_mode = #tpu.pipeline_mode<synchronous>, transform_indices = @transform_5, window_bounds = array<i64: 1, 128>}, {pipeline_mode = #tpu.pipeline_mode<synchronous>, transform_indices = @transform_6, window_bounds = array<i64: 1, 128>}]} {
    %get3A = arith.constant 0 : index
    %get3A_0 = arith.constant 0 : index
    %get3A_1 = vector.load %arg4[%get3A, %get3A_0] : memref<1000x128xf32, #tpu.memory_space<vmem>>, vector<1000x1xf32>
    %add3A = arith.constant 1.000000e+00 : f32
    %add3A_2 = vector.broadcast %add3A : f32 to vector<1000x1xf32>
    %add3A_3 = arith.addf %get3A_1, %add3A_2 : vector<1000x1xf32>
    %rsqrt3A = math.rsqrt %add3A_3 : vector<1000x1xf32>
    %get3A_4 = arith.constant 0 : index
    %get3A_5 = arith.constant 0 : index
    %get3A_6 = arith.constant 0 : index
    %get3A_7 = vector.load %arg1[%get3A_4, %get3A_5, %get3A_6] : memref<1x1000x128xf32, #tpu.memory_space<vmem>>, vector<1x1000x128xf32>
    %get3A_8 = vector.shape_cast %get3A_7 : vector<1x1000x128xf32> to vector<1000x128xf32>
    %get3A_9 = arith.constant 0 : index
    %get3A_10 = arith.constant 0 : index
    %get3A_11 = vector.load %arg2[%get3A_9, %get3A_10] : memref<1000x128xf32, #tpu.memory_space<vmem>>, vector<1000x128xf32>
    %add3A_12 = arith.addf %get3A_8, %get3A_11 : vector<1000x128xf32>
    %mul3A = vector.broadcast %rsqrt3A : vector<1000x1xf32> to vector<1000x128xf32>
    %mul3A_13 = arith.mulf %mul3A, %add3A_12 : vector<1000x128xf32>
    %get3A_14 = arith.constant 0 : index
    %get3A_15 = arith.constant 0 : index
    %get3A_16 = vector.load %arg3[%get3A_14, %get3A_15] : memref<1x128xf32, #tpu.memory_space<vmem>>, vector<1x128xf32>
    %add3A_17 = vector.broadcast %get3A_16 : vector<1x128xf32> to vector<1000x128xf32>
    %add3A_18 = arith.addf %mul3A_13, %add3A_17 : vector<1000x128xf32>
    %swap3A = arith.constant 0 : index
    %swap3A_19 = arith.constant 0 : index
    %swap3A_20 = vector.load %arg5[%swap3A, %swap3A_19] : memref<1000x128xf32, #tpu.memory_space<vmem>>, vector<1000x128xf32>
    tpu.vector_store %arg5[%swap3A, %swap3A_19], %add3A_18 {strides = array<i32>} : memref<1000x128xf32, #tpu.memory_space<vmem>>, vector<1000x128xf32>,
    %eq3A = arith.constant 0 : i32
    %eq3A_21 = arith.cmpi eq, %arg0, %eq3A : i32
    %convert_element_type3A = arith.extui %eq3A_21 : i1 to i32
    %cond3A = arith.constant 0 : i32
    %cond3A_22 = arith.cmpi ne, %convert_element_type3A, %cond3A : i32
    scf.if %cond3A_22 {
      %broadcast_in_dim3A_42 = arith.constant 0.000000e+00 : f32
      %broadcast_in_dim3A_43 = vector.broadcast %broadcast_in_dim3A_42 : f32 to vector<1x128xf32>
      %swap3A_44 = arith.constant 0 : index
      %swap3A_45 = arith.constant 0 : index
      %swap3A_46 = vector.load %arg6[%swap3A_44, %swap3A_45] : memref<1x128xf32, #tpu.memory_space<vmem>>, vector<1x128xf32>
      tpu.vector_store %arg6[%swap3A_44, %swap3A_45], %broadcast_in_dim3A_43 {strides = array<i32>} : memref<1x128xf32, #tpu.memory_space<vmem>>, vector<1x128xf32>,
      %broadcast_in_dim3A_47 = arith.constant 0.000000e+00 : f32
      %broadcast_in_dim3A_48 = vector.broadcast %broadcast_in_dim3A_47 : f32 to vector<1x128xf32>
      %swap3A_49 = arith.constant 0 : index
      %swap3A_50 = arith.constant 0 : index
      %swap3A_51 = vector.load %arg7[%swap3A_49, %swap3A_50] : memref<1x128xf32, #tpu.memory_space<vmem>>, vector<1x128xf32>
      tpu.vector_store %arg7[%swap3A_49, %swap3A_50], %broadcast_in_dim3A_48 {strides = array<i32>} : memref<1x128xf32, #tpu.memory_space<vmem>>, vector<1x128xf32>,
    } else {
    }
    %get3A_23 = arith.constant 0 : index
    %get3A_24 = arith.constant 0 : index
    %get3A_25 = vector.load %arg6[%get3A_23, %get3A_24] : memref<1x128xf32, #tpu.memory_space<vmem>>, vector<1x128xf32>
    %reduce_sum3A = arith.constant dense<0.000000e+00> : vector<128xf32>
    %reduce_sum3A_26 = vector.multi_reduction <add>, %add3A_18, %reduce_sum3A [0] : vector<1000x128xf32> to vector<128xf32>
    %broadcast_in_dim3A = vector.shape_cast %reduce_sum3A_26 : vector<128xf32> to vector<1x128xf32>
    %add3A_27 = arith.addf %get3A_25, %broadcast_in_dim3A : vector<1x128xf32>
    %swap3A_28 = arith.constant 0 : index
    %swap3A_29 = arith.constant 0 : index
    %swap3A_30 = vector.load %arg6[%swap3A_28, %swap3A_29] : memref<1x128xf32, #tpu.memory_space<vmem>>, vector<1x128xf32>
    tpu.vector_store %arg6[%swap3A_28, %swap3A_29], %add3A_27 {strides = array<i32>} : memref<1x128xf32, #tpu.memory_space<vmem>>, vector<1x128xf32>,
    %get3A_31 = arith.constant 0 : index
    %get3A_32 = arith.constant 0 : index
    %get3A_33 = vector.load %arg7[%get3A_31, %get3A_32] : memref<1x128xf32, #tpu.memory_space<vmem>>, vector<1x128xf32>
    %mul3A_34 = arith.mulf %add3A_18, %add3A_18 : vector<1000x128xf32>
    %reduce_sum3A_35 = arith.constant dense<0.000000e+00> : vector<128xf32>
    %reduce_sum3A_36 = vector.multi_reduction <add>, %mul3A_34, %reduce_sum3A_35 [0] : vector<1000x128xf32> to vector<128xf32>
    %broadcast_in_dim3A_37 = vector.shape_cast %reduce_sum3A_36 : vector<128xf32> to vector<1x128xf32>
    %add3A_38 = arith.addf %get3A_33, %broadcast_in_dim3A_37 : vector<1x128xf32>
    %swap3A_39 = arith.constant 0 : index
    %swap3A_40 = arith.constant 0 : index
    %swap3A_41 = vector.load %arg7[%swap3A_39, %swap3A_40] : memref<1x128xf32, #tpu.memory_space<vmem>>, vector<1x128xf32>
    tpu.vector_store %arg7[%swap3A_39, %swap3A_40], %add3A_38 {strides = array<i32>} : memref<1x128xf32, #tpu.memory_space<vmem>>, vector<1x128xf32>,
    return
  }
  func.func @transform_0(%arg0: i32) -> (i32, i32, i32) {
    %jit3A = arith.constant 5 : i32
    %div3A = arith.divsi %arg0, %jit3A : i32
    %sign3A = arith.constant 0 : i32
    %sign3A_0 = arith.cmpi sgt, %arg0, %sign3A : i32
    %sign3A_1 = arith.extui %sign3A_0 : i1 to i32
    %sign3A_2 = arith.constant 0 : i32
    %sign3A_3 = arith.cmpi slt, %arg0, %sign3A_2 : i32
    %sign3A_4 = arith.extui %sign3A_3 : i1 to i32
    %sign3A_5 = arith.subi %sign3A_1, %sign3A_4 : i32
    %sign3A_6 = arith.constant 0 : i32
    %sign3A_7 = arith.cmpi sgt, %jit3A, %sign3A_6 : i32
    %sign3A_8 = arith.extui %sign3A_7 : i1 to i32
    %sign3A_9 = arith.constant 0 : i32
    %sign3A_10 = arith.cmpi slt, %jit3A, %sign3A_9 : i32
    %sign3A_11 = arith.extui %sign3A_10 : i1 to i32
    %sign3A_12 = arith.subi %sign3A_8, %sign3A_11 : i32
    %ne3A = arith.cmpi ne, %sign3A_5, %sign3A_12 : i32
    %rem3A = arith.remsi %arg0, %jit3A : i32
    %ne3A_13 = arith.constant 0 : i32
    %ne3A_14 = arith.cmpi ne, %rem3A, %ne3A_13 : i32
    %and3A = arith.andi %ne3A, %ne3A_14 : i1
    %sub3A = arith.constant 1 : i32
    %sub3A_15 = arith.subi %div3A, %sub3A : i32
    %select_n3A = arith.select %and3A, %sub3A_15, %div3A : i32
    %jit3A_16 = arith.constant 5 : i32
    %eq3A = arith.constant 0 : i32
    %eq3A_17 = arith.cmpi eq, %jit3A_16, %eq3A : i32
    %jit3A_18 = arith.constant 1 : i32
    %select_n3A_19 = arith.select %eq3A_17, %jit3A_18, %jit3A_16 : i32
    %rem3A_20 = arith.remsi %arg0, %select_n3A_19 : i32
    %ne3A_21 = arith.constant 0 : i32
    %ne3A_22 = arith.cmpi ne, %rem3A_20, %ne3A_21 : i32
    %lt3A = arith.constant 0 : i32
    %lt3A_23 = arith.cmpi slt, %rem3A_20, %lt3A : i32
    %lt3A_24 = arith.constant 0 : i32
    %lt3A_25 = arith.cmpi slt, %select_n3A_19, %lt3A_24 : i32
    %ne3A_26 = arith.xori %lt3A_23, %lt3A_25 : i1
    %and3A_27 = arith.andi %ne3A_26, %ne3A_22 : i1
    %add3A = arith.addi %rem3A_20, %select_n3A_19 : i32
    %select_n3A_28 = arith.select %and3A_27, %add3A, %rem3A_20 : i32
    %c0_i32 = arith.constant 0 : i32
    %c0_i32_29 = arith.constant 0 : i32
    return %select_n3A, %select_n3A_28, %c0_i32 : i32, i32, i32
  }
  func.func @transform_1(%arg0: i32) -> (i32, i32) {
    %c0_i32 = arith.constant 0 : i32
    %c0_i32_0 = arith.constant 0 : i32
    return %arg0, %c0_i32 : i32, i32
  }
  func.func @transform_2(%arg0: i32) -> (i32, i32) {
    %c0_i32 = arith.constant 0 : i32
    %c0_i32_0 = arith.constant 0 : i32
    %c0_i32_1 = arith.constant 0 : i32
    return %c0_i32, %c0_i32_0 : i32, i32
  }
  func.func @transform_3(%arg0: i32) -> (i32, i32) {
    %c0_i32 = arith.constant 0 : i32
    %c0_i32_0 = arith.constant 0 : i32
    return %arg0, %c0_i32 : i32, i32
  }
  func.func @transform_4(%arg0: i32) -> (i32, i32) {
    %c0_i32 = arith.constant 0 : i32
    %c0_i32_0 = arith.constant 0 : i32
    return %arg0, %c0_i32 : i32, i32
  }
  func.func @transform_5(%arg0: i32) -> (i32, i32) {
    %c0_i32 = arith.constant 0 : i32
    %c0_i32_0 = arith.constant 0 : i32
    %c0_i32_1 = arith.constant 0 : i32
    return %c0_i32, %c0_i32_0 : i32, i32
  }
  func.func @transform_6(%arg0: i32) -> (i32, i32) {
    %c0_i32 = arith.constant 0 : i32
    %c0_i32_0 = arith.constant 0 : i32
    %c0_i32_1 = arith.constant 0 : i32
    return %c0_i32, %c0_i32_0 : i32, i32
  }
}

module attributes {stable_mosaic.version = 14 : i64} {
  func.func @_tc_norm_mm_fn(%arg0: i32, %arg1: memref<1000x128xf32, #tpu.memory_space<vmem>>, %arg2: memref<1x128xf32, #tpu.memory_space<vmem>>, %arg3: memref<1x128xf32, #tpu.memory_space<vmem>>, %arg4: memref<1x128xf32, #tpu.memory_space<vmem>>, %arg5: memref<1x128xf32, #tpu.memory_space<vmem>>, %arg6: memref<128x128xf32, #tpu.memory_space<vmem>>, %arg7: memref<1000x128xf32, #tpu.memory_space<vmem>>, %arg8: memref<1000x128xf32, #tpu.memory_space<vmem>>) attributes {dimension_semantics = [#tpu.dimension_semantics<arbitrary>], iteration_bounds = array<i64: 10>, scalar_prefetch = 0 : i64, scratch_operands = 0 : i64, tpu.core_type = #tpu.core_type<tc>, window_params = [{transform_indices = @transform_0, window_bounds = array<i64: 1000, 128>}, {pipeline_mode = #tpu.pipeline_mode<synchronous>, transform_indices = @transform_1, window_bounds = array<i64: 1, 128>}, {pipeline_mode = #tpu.pipeline_mode<synchronous>, transform_indices = @transform_2, window_bounds = array<i64: 1, 128>}, {pipeline_mode = #tpu.pipeline_mode<synchronous>, transform_indices = @transform_3, window_bounds = array<i64: 1, 128>}, {pipeline_mode = #tpu.pipeline_mode<synchronous>, transform_indices = @transform_4, window_bounds = array<i64: 1, 128>}, {pipeline_mode = #tpu.pipeline_mode<synchronous>, transform_indices = @transform_5, window_bounds = array<i64: 128, 128>}, {transform_indices = @transform_6, window_bounds = array<i64: 1000, 128>}, {transform_indices = @transform_7, window_bounds = array<i64: 1000, 128>}]} {
    %get3A = arith.constant 0 : index
    %get3A_0 = arith.constant 0 : index
    %get3A_1 = vector.load %arg2[%get3A, %get3A_0] : memref<1x128xf32, #tpu.memory_space<vmem>>, vector<1x128xf32>
    %mul3A = arith.constant 9.99999974E-5 : f32
    %mul3A_2 = vector.broadcast %mul3A : f32 to vector<1x128xf32>
    %mul3A_3 = arith.mulf %get3A_1, %mul3A_2 : vector<1x128xf32>
    %get3A_4 = arith.constant 0 : index
    %get3A_5 = arith.constant 0 : index
    %get3A_6 = vector.load %arg3[%get3A_4, %get3A_5] : memref<1x128xf32, #tpu.memory_space<vmem>>, vector<1x128xf32>
    %mul3A_7 = arith.constant 9.99999974E-5 : f32
    %mul3A_8 = vector.broadcast %mul3A_7 : f32 to vector<1x128xf32>
    %mul3A_9 = arith.mulf %get3A_6, %mul3A_8 : vector<1x128xf32>
    %mul3A_10 = arith.mulf %mul3A_3, %mul3A_3 : vector<1x128xf32>
    %sub3A = arith.subf %mul3A_9, %mul3A_10 : vector<1x128xf32>
    %add3A = arith.constant 9.99999974E-6 : f32
    %add3A_11 = vector.broadcast %add3A : f32 to vector<1x128xf32>
    %add3A_12 = arith.addf %sub3A, %add3A_11 : vector<1x128xf32>
    %rsqrt3A = math.rsqrt %add3A_12 : vector<1x128xf32>
    %get3A_13 = arith.constant 0 : index
    %get3A_14 = arith.constant 0 : index
    %get3A_15 = vector.load %arg1[%get3A_13, %get3A_14] : memref<1000x128xf32, #tpu.memory_space<vmem>>, vector<1000x128xf32>
    %sub3A_16 = vector.broadcast %mul3A_3 : vector<1x128xf32> to vector<1000x128xf32>
    %sub3A_17 = arith.subf %get3A_15, %sub3A_16 : vector<1000x128xf32>
    %mul3A_18 = vector.broadcast %rsqrt3A : vector<1x128xf32> to vector<1000x128xf32>
    %mul3A_19 = arith.mulf %sub3A_17, %mul3A_18 : vector<1000x128xf32>
    %get3A_20 = arith.constant 0 : index
    %get3A_21 = arith.constant 0 : index
    %get3A_22 = vector.load %arg4[%get3A_20, %get3A_21] : memref<1x128xf32, #tpu.memory_space<vmem>>, vector<1x128xf32>
    %mul3A_23 = vector.broadcast %get3A_22 : vector<1x128xf32> to vector<1000x128xf32>
    %mul3A_24 = arith.mulf %mul3A_19, %mul3A_23 : vector<1000x128xf32>
    %get3A_25 = arith.constant 0 : index
    %get3A_26 = arith.constant 0 : index
    %get3A_27 = vector.load %arg5[%get3A_25, %get3A_26] : memref<1x128xf32, #tpu.memory_space<vmem>>, vector<1x128xf32>
    %add3A_28 = vector.broadcast %get3A_27 : vector<1x128xf32> to vector<1000x128xf32>
    %add3A_29 = arith.addf %mul3A_24, %add3A_28 : vector<1000x128xf32>
    %max3A = arith.constant 0.000000e+00 : f32
    %max3A_30 = vector.broadcast %max3A : f32 to vector<1000x128xf32>
    %max3A_31 = arith.maximumf %add3A_29, %max3A_30 : vector<1000x128xf32>
    %get3A_32 = arith.constant 0 : index
    %get3A_33 = arith.constant 0 : index
    %get3A_34 = vector.load %arg6[%get3A_32, %get3A_33] : memref<128x128xf32, #tpu.memory_space<vmem>>, vector<128x128xf32>
    %dot_general3A = arith.constant dense<0.000000e+00> : vector<1000x128xf32>
    %dot_general3A_35 = tpu.matmul %max3A_31, %get3A_34, %dot_general3A {dimension_numbers = #tpu.dot_dimension_numbers<[1], [0], [0], [1], [0, 0, 1, 1], [], []>, transpose_lhs_hint = false} : vector<1000x128xf32>, vector<128x128xf32>, vector<1000x128xf32> -> vector<1000x128xf32>
    %get3A_36 = arith.constant 0 : index
    %get3A_37 = arith.constant 0 : index
    %get3A_38 = vector.load %arg7[%get3A_36, %get3A_37] : memref<1000x128xf32, #tpu.memory_space<vmem>>, vector<1000x1xf32>
    %add3A_39 = arith.constant 1.000000e+00 : f32
    %add3A_40 = vector.broadcast %add3A_39 : f32 to vector<1000x1xf32>
    %add3A_41 = arith.addf %get3A_38, %add3A_40 : vector<1000x1xf32>
    %rsqrt3A_42 = math.rsqrt %add3A_41 : vector<1000x1xf32>
    %mul3A_43 = vector.broadcast %rsqrt3A_42 : vector<1000x1xf32> to vector<1000x128xf32>
    %mul3A_44 = arith.mulf %dot_general3A_35, %mul3A_43 : vector<1000x128xf32>
    %swap3A = arith.constant 0 : index
    %swap3A_45 = arith.constant 0 : index
    %swap3A_46 = vector.load %arg8[%swap3A, %swap3A_45] : memref<1000x128xf32, #tpu.memory_space<vmem>>, vector<1000x128xf32>
    tpu.vector_store %arg8[%swap3A, %swap3A_45], %mul3A_44 {strides = array<i32>} : memref<1000x128xf32, #tpu.memory_space<vmem>>, vector<1000x128xf32>,
    return
  }
  func.func @transform_0(%arg0: i32) -> (i32, i32) {
    %c0_i32 = arith.constant 0 : i32
    %c0_i32_0 = arith.constant 0 : i32
    return %arg0, %c0_i32 : i32, i32
  }
  func.func @transform_1(%arg0: i32) -> (i32, i32) {
    %c0_i32 = arith.constant 0 : i32
    %c0_i32_0 = arith.constant 0 : i32
    %c0_i32_1 = arith.constant 0 : i32
    return %c0_i32, %c0_i32_0 : i32, i32
  }
  func.func @transform_2(%arg0: i32) -> (i32, i32) {
    %c0_i32 = arith.constant 0 : i32
    %c0_i32_0 = arith.constant 0 : i32
    %c0_i32_1 = arith.constant 0 : i32
    return %c0_i32, %c0_i32_0 : i32, i32
  }
  func.func @transform_3(%arg0: i32) -> (i32, i32) {
    %c0_i32 = arith.constant 0 : i32
    %c0_i32_0 = arith.constant 0 : i32
    %c0_i32_1 = arith.constant 0 : i32
    return %c0_i32, %c0_i32_0 : i32, i32
  }
  func.func @transform_4(%arg0: i32) -> (i32, i32) {
    %c0_i32 = arith.constant 0 : i32
    %c0_i32_0 = arith.constant 0 : i32
    %c0_i32_1 = arith.constant 0 : i32
    return %c0_i32, %c0_i32_0 : i32, i32
  }
  func.func @transform_5(%arg0: i32) -> (i32, i32) {
    %c0_i32 = arith.constant 0 : i32
    %c0_i32_0 = arith.constant 0 : i32
    %c0_i32_1 = arith.constant 0 : i32
    return %c0_i32, %c0_i32_0 : i32, i32
  }
  func.func @transform_6(%arg0: i32) -> (i32, i32) {
    %c0_i32 = arith.constant 0 : i32
    %c0_i32_0 = arith.constant 0 : i32
    return %arg0, %c0_i32 : i32, i32
  }
  func.func @transform_7(%arg0: i32) -> (i32, i32) {
    %c0_i32 = arith.constant 0 : i32
    %c0_i32_0 = arith.constant 0 : i32
    return %arg0, %c0_i32 : i32, i32
  }
}

module attributes {stable_mosaic.version = 14 : i64} {
  func.func @_tc_final_fn(%arg0: i32, %arg1: memref<1x1000x128xf32, #tpu.memory_space<vmem>>, %arg2: memref<1000x128xf32, #tpu.memory_space<vmem>>, %arg3: memref<1x128xf32, #tpu.memory_space<vmem>>, %arg4: memref<1000x128xf32, #tpu.memory_space<vmem>>, %arg5: memref<1000x40xf32, #tpu.memory_space<vmem>>) attributes {dimension_semantics = [#tpu.dimension_semantics<arbitrary>], iteration_bounds = array<i64: 10>, scalar_prefetch = 0 : i64, scratch_operands = 0 : i64, tpu.core_type = #tpu.core_type<tc>, window_params = [{transform_indices = @transform_0, window_bounds = array<i64: 1, 1000, 128>}, {transform_indices = @transform_1, window_bounds = array<i64: 1000, 128>}, {pipeline_mode = #tpu.pipeline_mode<synchronous>, transform_indices = @transform_2, window_bounds = array<i64: 1, 128>}, {transform_indices = @transform_3, window_bounds = array<i64: 1000, 128>}, {transform_indices = @transform_4, window_bounds = array<i64: 1000, 40>}]} {
    %get3A = arith.constant 0 : index
    %get3A_0 = arith.constant 0 : index
    %get3A_1 = vector.load %arg4[%get3A, %get3A_0] : memref<1000x128xf32, #tpu.memory_space<vmem>>, vector<1000x1xf32>
    %add3A = arith.constant 1.000000e+00 : f32
    %add3A_2 = vector.broadcast %add3A : f32 to vector<1000x1xf32>
    %add3A_3 = arith.addf %get3A_1, %add3A_2 : vector<1000x1xf32>
    %rsqrt3A = math.rsqrt %add3A_3 : vector<1000x1xf32>
    %get3A_4 = arith.constant 0 : index
    %get3A_5 = arith.constant 0 : index
    %get3A_6 = arith.constant 0 : index
    %get3A_7 = vector.load %arg1[%get3A_4, %get3A_5, %get3A_6] : memref<1x1000x128xf32, #tpu.memory_space<vmem>>, vector<1x1000x128xf32>
    %get3A_8 = vector.shape_cast %get3A_7 : vector<1x1000x128xf32> to vector<1000x128xf32>
    %get3A_9 = arith.constant 0 : index
    %get3A_10 = arith.constant 0 : index
    %get3A_11 = vector.load %arg2[%get3A_9, %get3A_10] : memref<1000x128xf32, #tpu.memory_space<vmem>>, vector<1000x128xf32>
    %add3A_12 = arith.addf %get3A_8, %get3A_11 : vector<1000x128xf32>
    %mul3A = vector.broadcast %rsqrt3A : vector<1000x1xf32> to vector<1000x128xf32>
    %mul3A_13 = arith.mulf %mul3A, %add3A_12 : vector<1000x128xf32>
    %get3A_14 = arith.constant 0 : index
    %get3A_15 = arith.constant 0 : index
    %get3A_16 = vector.load %arg3[%get3A_14, %get3A_15] : memref<1x128xf32, #tpu.memory_space<vmem>>, vector<1x128xf32>
    %add3A_17 = vector.broadcast %get3A_16 : vector<1x128xf32> to vector<1000x128xf32>
    %add3A_18 = arith.addf %mul3A_13, %add3A_17 : vector<1000x128xf32>
    %iota3A = tpu.iota {dimensions = array<i32: 1>} : vector<1000x128xi32>
    %lt3A = arith.constant 40 : i32
    %lt3A_19 = vector.broadcast %lt3A : i32 to vector<1000x128xi32>
    %lt3A_20 = arith.cmpi slt, %iota3A, %lt3A_19 : vector<1000x128xi32>
    %jit3A = arith.constant -1.000000e+30 : f32
    %broadcast_in_dim3A = vector.broadcast %jit3A : f32 to vector<1000x128xf32>
    %select_n3A = arith.select %lt3A_20, %add3A_18, %broadcast_in_dim3A : vector<1000x128xi1>, vector<1000x128xf32>
    %reduce_max3A = arith.constant dense<0xFF800000> : vector<1000xf32>
    %reduce_max3A_21 = vector.multi_reduction <maximumf>, %select_n3A, %reduce_max3A [1] : vector<1000x128xf32> to vector<1000xf32>
    %broadcast_in_dim3A_22 = vector.shape_cast %reduce_max3A_21 : vector<1000xf32> to vector<1000x1xf32>
    %sub3A = vector.broadcast %broadcast_in_dim3A_22 : vector<1000x1xf32> to vector<1000x128xf32>
    %sub3A_23 = arith.subf %select_n3A, %sub3A : vector<1000x128xf32>
    %exp3A = math.exp %sub3A_23 : vector<1000x128xf32>
    %reduce_sum3A = arith.constant dense<0.000000e+00> : vector<1000xf32>
    %reduce_sum3A_24 = vector.multi_reduction <add>, %exp3A, %reduce_sum3A [1] : vector<1000x128xf32> to vector<1000xf32>
    %broadcast_in_dim3A_25 = vector.shape_cast %reduce_sum3A_24 : vector<1000xf32> to vector<1000x1xf32>
    %log3A = math.log %broadcast_in_dim3A_25 : vector<1000x1xf32>
    %add3A_26 = arith.addf %log3A, %broadcast_in_dim3A_22 : vector<1000x1xf32>
    %sub3A_27 = vector.broadcast %add3A_26 : vector<1000x1xf32> to vector<1000x128xf32>
    %sub3A_28 = arith.subf %select_n3A, %sub3A_27 : vector<1000x128xf32>
    %slice3A = vector.extract_strided_slice %sub3A_28 {offsets = [0, 0], sizes = [1000, 40], strides = [1, 1]} : vector<1000x128xf32> to vector<1000x40xf32>
    %swap3A = arith.constant 0 : index
    %swap3A_29 = arith.constant 0 : index
    %swap3A_30 = vector.load %arg5[%swap3A, %swap3A_29] : memref<1000x40xf32, #tpu.memory_space<vmem>>, vector<1000x40xf32>
    tpu.vector_store %arg5[%swap3A, %swap3A_29], %slice3A {strides = array<i32>} : memref<1000x40xf32, #tpu.memory_space<vmem>>, vector<1000x40xf32>,
    return
  }
  func.func @transform_0(%arg0: i32) -> (i32, i32, i32) {
    %jit3A = arith.constant 5 : i32
    %div3A = arith.divsi %arg0, %jit3A : i32
    %sign3A = arith.constant 0 : i32
    %sign3A_0 = arith.cmpi sgt, %arg0, %sign3A : i32
    %sign3A_1 = arith.extui %sign3A_0 : i1 to i32
    %sign3A_2 = arith.constant 0 : i32
    %sign3A_3 = arith.cmpi slt, %arg0, %sign3A_2 : i32
    %sign3A_4 = arith.extui %sign3A_3 : i1 to i32
    %sign3A_5 = arith.subi %sign3A_1, %sign3A_4 : i32
    %sign3A_6 = arith.constant 0 : i32
    %sign3A_7 = arith.cmpi sgt, %jit3A, %sign3A_6 : i32
    %sign3A_8 = arith.extui %sign3A_7 : i1 to i32
    %sign3A_9 = arith.constant 0 : i32
    %sign3A_10 = arith.cmpi slt, %jit3A, %sign3A_9 : i32
    %sign3A_11 = arith.extui %sign3A_10 : i1 to i32
    %sign3A_12 = arith.subi %sign3A_8, %sign3A_11 : i32
    %ne3A = arith.cmpi ne, %sign3A_5, %sign3A_12 : i32
    %rem3A = arith.remsi %arg0, %jit3A : i32
    %ne3A_13 = arith.constant 0 : i32
    %ne3A_14 = arith.cmpi ne, %rem3A, %ne3A_13 : i32
    %and3A = arith.andi %ne3A, %ne3A_14 : i1
    %sub3A = arith.constant 1 : i32
    %sub3A_15 = arith.subi %div3A, %sub3A : i32
    %select_n3A = arith.select %and3A, %sub3A_15, %div3A : i32
    %jit3A_16 = arith.constant 5 : i32
    %eq3A = arith.constant 0 : i32
    %eq3A_17 = arith.cmpi eq, %jit3A_16, %eq3A : i32
    %jit3A_18 = arith.constant 1 : i32
    %select_n3A_19 = arith.select %eq3A_17, %jit3A_18, %jit3A_16 : i32
    %rem3A_20 = arith.remsi %arg0, %select_n3A_19 : i32
    %ne3A_21 = arith.constant 0 : i32
    %ne3A_22 = arith.cmpi ne, %rem3A_20, %ne3A_21 : i32
    %lt3A = arith.constant 0 : i32
    %lt3A_23 = arith.cmpi slt, %rem3A_20, %lt3A : i32
    %lt3A_24 = arith.constant 0 : i32
    %lt3A_25 = arith.cmpi slt, %select_n3A_19, %lt3A_24 : i32
    %ne3A_26 = arith.xori %lt3A_23, %lt3A_25 : i1
    %and3A_27 = arith.andi %ne3A_26, %ne3A_22 : i1
    %add3A = arith.addi %rem3A_20, %select_n3A_19 : i32
    %select_n3A_28 = arith.select %and3A_27, %add3A, %rem3A_20 : i32
    %c0_i32 = arith.constant 0 : i32
    %c0_i32_29 = arith.constant 0 : i32
    return %select_n3A, %select_n3A_28, %c0_i32 : i32, i32, i32
  }
  func.func @transform_1(%arg0: i32) -> (i32, i32) {
    %c0_i32 = arith.constant 0 : i32
    %c0_i32_0 = arith.constant 0 : i32
    return %arg0, %c0_i32 : i32, i32
  }
  func.func @transform_2(%arg0: i32) -> (i32, i32) {
    %c0_i32 = arith.constant 0 : i32
    %c0_i32_0 = arith.constant 0 : i32
    %c0_i32_1 = arith.constant 0 : i32
    return %c0_i32, %c0_i32_0 : i32, i32
  }
  func.func @transform_3(%arg0: i32) -> (i32, i32) {
    %c0_i32 = arith.constant 0 : i32
    %c0_i32_0 = arith.constant 0 : i32
    return %arg0, %c0_i32 : i32, i32
  }
  func.func @transform_4(%arg0: i32) -> (i32, i32) {
    %c0_i32 = arith.constant 0 : i32
    %c0_i32_0 = arith.constant 0 : i32
    return %arg0, %c0_i32 : i32, i32
  }
}

</mosaic_0001>

<sc_bundles>
// kernel: kernel.13.cloned.1.call-start
scs
__scs_entry_jumppad:
0x0: {  	(pc) =	sbr.rel $0x88, $3  }
0x1: {  	(tag) =	ssettag $0x0;
	lr =	simm.s32 $0x1  }
0x2: {  	[smem:$0x3F95] =	sst lr;
	_ =	strace $0xD0000000  }
0x3: {  	_ = 	snop  }
0x4: {  	_ = 	snop  }
0x5: {  	_ = 	snop  }
0x6: {  	_ = 	snop  }
0x7: {  	_ = 	snop  }
__scs_overlays_trampoline_lowered:
0x8: {  	[smem:$0x3FA4] =	sst s0  }
0x9: {  	[smem:$0x3FA5] =	sst s1  }
0xa: {  	[smem:$0x3FA6] =	sst s2  }
0xb: {  	[smem:$0x3FA7] =	sst s3  }
0xc: {  	[smem:$0x3FA8] =	sst s4  }
0xd: {  	[smem:$0x3FA9] =	sst s5  }
0xe: {  	[smem:$0x3FAA] =	sst s6  }
0xf: {  	[smem:$0x3FAB] =	sst s7  }
0x10: {  	[smem:$0x3FAC] =	sst s8  }
0x11: {  	[smem:$0x3FAD] =	sst s9;
	s0 =	simm.s32 @!p0 $0x0  }
0x12: {  	s1 =	sld [smem:$0x3F93];
	s0 =	simm.s32 @p0 $0x1  }
0x13: {  	[smem:$0x3FAE] =	sst s0;
	s0 =	simm.s32 @!p1 $0x0  }
0x14: {  	s2 =	sld [smem:$0x3F92];
	s0 =	simm.s32 @p1 $0x1  }
0x15: {  	[smem:$0x3FAF] =	sst s0;
	s0 =	simm.s32 @!p2 $0x0  }
0x16: {  	s3 =	sld [smem:$0x3FDB];
	s0 =	simm.s32 @p2 $0x1  }
0x17: {  	s4 =	simm.s32 $0x1BF5;
	[smem:$0x3FB1] =	sst s0  }
0x18: {  	s0 =	sld [smem:$0x3F94];
	_ =	swait.ge [sflag:s4], $0x0  }
0x19: {  	s7 =	sld [smem:$0x3F95]  }
0x1a: {  	s8 =	sadd.s32 $0xFFFFE003, lr  }
0x1b: {  	s9 =	sadd.s32 $0xFFFFFEF7, lr;
	s5 =	simm.s32 $0xFFFFFFFF;
	p2 =	slt.u32 s8, $0xFFFFF086  }
0x1c: {  	p1 =	slt.u32 s9, $0xF7A;
	s5 =	simm.s32 @!p2 $0x0  }
0x1d: {  	s5 =	simm.s32 @p1 $0x1;
	p0 =	seq.s32 s7, s2  }
0x1e: {  	s7 =	smul.u32 @!p0 $0xF7A, s2;
	p2 =	seq.s32 @!p0 s5, $0x0  }
0x1f: {  	s9 =	smul.u32 $0xF7A, s1;
	s8 =	simm.s32 @!p0 $0x1BF5;
	p2 =	por !p2, p0  }
0x20: {  	[sflag:s8] =	ssyncset.s32 @!p0 $0xFFFFF086;
	s6 =	sadd.s32 @!p0 s3, s7;
	s7 =	simm.s32 @!p0 $0x108  }
0x21: {  	s3 =	sadd.s32 s3, s9;
	s6 =	sadd.s32 @!p0 $0x88, s6;
	s7 =	simm.s32 @p2 $0x1082  }
0x22: {  	[simem:s7], [sflag:s8] =	dma.local @!p0 [hbm:s6], $0xF7A  }
0x23: {  	s9 =	sor.u32 $0xD0000000, s2;
	s6 =	simm.s32 $0x108;
	_ =	swait.ge @!p0 [sflag:s8], $0x0  }
0x24: {  	s3 =	sadd.s32 $0x88, s3;
	s6 =	simm.s32 @!p1 $0x1082;
	[sflag:s4] =	ssyncset.s32 $0xFFFFF086  }
0x25: {  	[simem:s6], [sflag:s4] =	dma.local [hbm:s3], $0xF7A  }
0x26: {  	[smem:$0x3F95] =	sst s1;
	(tag) =	ssettag s2;
	_ =	strace s9  }
0x27: {  	s1 =	sld [smem:$0x3FA5]  }
0x28: {  	s2 =	sld [smem:$0x3FA6]  }
0x29: {  	s4 =	sld [smem:$0x3FA8]  }
0x2a: {  	p0 =	seq.s32 s5, $0x0;
	s5 =	sld [smem:$0x3FA9]  }
0x2b: {  	s6 =	sld [smem:$0x3FAA]  }
0x2c: {  	s7 =	sld [smem:$0x3FAB]  }
0x2d: {  	s3 =	simm.s32 $0x108;
	s8 =	sld [smem:$0x3FAC]  }
0x2e: {  	s3 =	simm.s32 @!p0 $0x1082;
	s9 =	sld [smem:$0x3FAD]  }
0x2f: {  	lr =	sadd.s32 s0, s3;
	s0 =	sld [smem:$0x3FA4]  }
0x30: {  	s3 =	sld [smem:$0x3FA7]  }
0x31: {  	[smem:$0x3FB0] =	sst s10  }
0x32: {  	s10 =	sld [smem:$0x3FAE];
	_ =	sdelay $0x3  }
0x33: {  	p0 =	seq.s32 s10, $0x1;
	s10 =	sld [smem:$0x3FB0];
	_ =	sdelay $0x3  }
0x34: {  	[smem:$0x3FB0] =	sst s10  }
0x35: {  	s10 =	sld [smem:$0x3FAF];
	_ =	sdelay $0x3  }
0x36: {  	p1 =	seq.s32 s10, $0x1;
	s10 =	sld [smem:$0x3FB0];
	_ =	sdelay $0x3  }
0x37: {  	[smem:$0x3FB0] =	sst s10  }
0x38: {  	s10 =	sld [smem:$0x3FB1]  }
0x39: {  	_ = 	snop;
	(pc) =	sbr.ind lr, $3  }
0x3a: {  	_ = 	snop  }
0x3b: {  	_ = 	snop  }
0x3c: {  	p2 =	seq.s32 s10, $0x1;
	s10 =	sld [smem:$0x3FB0]  }
0x3d: {  	_ =	shalt  }
0x3e: {  	_ =	shalt  }
0x3f: {  	_ =	shalt  }
0x40: {  	_ =	shalt  }
0x41: {  	_ =	shalt  }
0x42: {  	_ =	shalt  }
0x43: {  	_ =	shalt  }
0x44: {  	_ =	shalt  }
0x45: {  	_ =	shalt  }
0x46: {  	_ =	shalt  }
0x47: {  	_ =	shalt  }
0x48: {  	_ =	shalt  }
0x49: {  	_ =	shalt  }
0x4a: {  	_ =	shalt  }
0x4b: {  	_ =	shalt  }
0x4c: {  	_ =	shalt  }
0x4d: {  	_ =	shalt  }
0x4e: {  	_ =	shalt  }
0x4f: {  	_ =	shalt  }
0x50: {  	_ =	shalt  }
0x51: {  	_ =	shalt  }
0x52: {  	_ =	shalt  }
0x53: {  	_ =	shalt  }
0x54: {  	_ =	shalt  }
0x55: {  	_ =	shalt  }
0x56: {  	_ =	shalt  }
0x57: {  	_ =	shalt  }
0x58: {  	_ =	shalt  }
0x59: {  	_ =	shalt  }
0x5a: {  	_ =	shalt  }
0x5b: {  	_ =	shalt  }
0x5c: {  	_ =	shalt  }
0x5d: {  	_ =	shalt  }
0x5e: {  	_ =	shalt  }
0x5f: {  	_ =	shalt  }
0x60: {  	_ =	shalt  }
0x61: {  	_ =	shalt  }
0x62: {  	_ =	shalt  }
0x63: {  	_ =	shalt  }
0x64: {  	_ =	shalt  }
0x65: {  	_ =	shalt  }
0x66: {  	_ =	shalt  }
0x67: {  	_ =	shalt  }
0x68: {  	_ =	shalt  }
0x69: {  	_ =	shalt  }
0x6a: {  	_ =	shalt  }
0x6b: {  	_ =	shalt  }
0x6c: {  	_ =	shalt  }
0x6d: {  	_ =	shalt  }
0x6e: {  	_ =	shalt  }
0x6f: {  	_ =	shalt  }
0x70: {  	_ =	shalt  }
0x71: {  	_ =	shalt  }
0x72: {  	_ =	shalt  }
0x73: {  	_ =	shalt  }
0x74: {  	_ =	shalt  }
0x75: {  	_ =	shalt  }
0x76: {  	_ =	shalt  }
0x77: {  	_ =	shalt  }
0x78: {  	_ =	shalt  }
0x79: {  	_ =	shalt  }
0x7a: {  	_ =	shalt  }
0x7b: {  	_ =	shalt  }
0x7c: {  	_ =	shalt  }
0x7d: {  	_ =	shalt  }
0x7e: {  	_ =	shalt  }
0x7f: {  	_ =	shalt  }
0x80: {  	_ =	shalt  }
0x81: {  	_ =	shalt  }
0x82: {  	_ =	shalt  }
0x83: {  	_ =	shalt  }
0x84: {  	_ =	shalt  }
0x85: {  	_ =	shalt  }
0x86: {  	_ =	shalt  }
0x87: {  	_ =	shalt  }
.Lfunc_end0:
.L_simem_size_0:
called_computation_lowered:
.L_overlay_start_0:
0x88: {  	s2 =	sld [smem:$0x3FD9]  }
0x89: {  	s3 =	sld [smem:$0x3FFE];
	_ =	sdelay $0x1  }
0x8a: {  	s1 =	srdreg.scid  }
0x8b: {  	s0 =	sand.u32 $0x1, s1  }
0x8c: {  	s17 =	sshll.u32 s0, $0xA;
	s2 =	sadd.s32 s3, s2  }
0x8d: {  	s2 =	sadd.s32 s2, s17  }
0x8e: {  	[smem:$0x3FBC] =	sst s2  }
0x8f: {  	_ = 	snop  }
0x90: {  	s2 =	sld [smem:$0x3FD0];
	(tm) =	ssettm $0x1  }
0x91: {  	s18 =	sld [smem:$0x3FFB];
	_ =	sdelay $0x3  }
0x92: {  	_ =	strace s18  }
0x93: {  	s3 =	sld [smem:$0x3FFC];
	_ =	sdelay $0x3  }
0x94: {  	_ =	strace s3  }
0x95: {  	s3 =	sld [smem:$0x3FFD];
	_ =	sdelay $0x3  }
0x96: {  	_ =	strace s3  }
0x97: {  	_ =	strace $0x8FFFFFFF  }
0x98: {  	s19 =	sld [smem:$0x3FDB];
	_ =	sdelay $0x1  }
0x99: {  	s4 =	simm.s32 $_scs_section_size  }
0x9a: {  	s5 =	simm.s32 $_size__tile_overlayer_lowered;
	s6 =	simm.s32 $_tile_overlayer_lowered  }
0x9b: {  	s22 =	simm.s32 $0x1BFF;
	s21 =	sshll.u32 s6, $0x1;
	s3 =	sadd.s32 s4, s19  }
0x9c: {  	s7 =	simm.s32 $0x0;
	s20 =	sshll.u32 s5, $0x1;
	s5 =	sadd.s32 s21, s3  }
0x9d: {  	[timem:s7], [sflag:s22] =	dma.local [hbm:s5], s20  }
0x9e: {  	_ =	swait.ge [sflag:s22], s20  }
0x9f: {  	s4 =	ssub.s32 $0x0, s20;
	[sflag:s22] =	ssyncset.done $0x0  }
0xa0: {  	[sflag:s22] =	ssyncadd.s32 s4;
	_ =	sdelay $0x1  }
0xa1: {  	s23 =	simm.s32 $0x1B8B  }
0xa2: {  	_ =	swait.ge [sflag:s23], $0x1  }
0xa3: {  	[sflag:s23] =	ssyncset.done $0x0  }
0xa4: {  	s25 =	simm.s32 $0x1B8E;
	s24 =	sld [smem:$0x3FFE];
	[sflag:s23] =	ssyncadd.s32 $0xFFFFFFFF  }
0xa5: {  	s26 =	simm.s32 $execute0_lowered;
	[smem:$0x3FD2] =	sst s25  }
0xa6: {  	s5 =	sshll.u32 s26, $0x1;
	_ =	strace $0x80000046;
	[dreg:$0x1] =	wrdreg $0xFFFFFFFF  }
0xa7: {  	s28 =	simm.s32 $_size_execute0_lowered;
	s3 =	sadd.s32 s3, s5;
	[dreg:$0x0] =	wrdreg $0x0  }
0xa8: {  	s5 =	sshll.u32 s28, $0x1;
	[dreg:$0x2] =	wrdreg s3  }
0xa9: {  	[dreg:$0x3] =	wrdreg s5  }
0xaa: {  	[dreg:$0x4] =	wrdreg $0xC0  }
0xab: {  	_ =	task [dreg:s7], $0x5FFFF  }
0xac: {  	[dreg:$0x1] =	wrdreg $0xFFFFFFFF  }
0xad: {  	[dreg:$0x0] =	wrdreg $0x60  }
0xae: {  	[dreg:$0x2] =	wrdreg s24  }
0xaf: {  	[dreg:$0x3] =	wrdreg s2  }
0xb0: {  	[dreg:$0x4] =	wrdreg $0x9  }
0xb1: {  	_ =	task.clear_ibuf [dreg:s7], $0x5FFFF;
	_ =	strace $0x90000046  }
0xb2: {  	s29 =	simm.s32 $0x9;
	_ =	strace $0x80000048  }
0xb3: {  	_ =	swait.ge [sflag:s29], $0x1  }
0xb4: {  	[sflag:s29] =	ssyncadd.s32 $0xFFFFFFFF  }
0xb5: {  	_ =	strace $0x90000048  }
0xb6: {  	_ =	sfence  }
0xb7: {  	s30 =	sld [smem:$0x0];
	_ =	sdelay $0x2  }
0xb8: {  	s31 =	sshll.u32 s1, $0xD;
	s1 =	sshrl.u32 s1, $0x2  }
0xb9: {  	s3 =	sand.u32 $0x4000, s31;
	s1 =	sadd.s32 s1, s30  }
0xba: {  	s0 =	sor.u32 s3, s0;
	s1 =	sshll.u32 s1, $0x11  }
0xbb: {  	s0 =	sor.u32 s1, s0  }
0xbc: {  	s0 =	sadd.s32 $0x8F2B, s0  }
0xbd: {  	[sflag:s0] =	ssyncadd.remote.s32 $0x1  }
0xbe: {  	_ =	sfence.sel $0xFFFF  }
0xbf: {  	[dreg:$0x0] =	wrdreg $0xFFFFFFFF;
	(pc) =	sbr.abs _section_cstart, $3  }
0xc0: {  	[dreg:$0x1] =	wrdreg $0xFFFFFFFF  }
0xc1: {  	_ =	task.clear_ibuf [dreg:s7], $0x2FFFF;
	_ =	strace $0x9FFFFFFF  }
0xc2: {  	(tm) =	ssettm $0x7FFFFFFF  }
0xc3: {  	_ =	shalt  }
tec
execute0_lowered:
.L_overlay_start_1:
0x0: {  	(tag) =	ssettag $0x1  }
0x1: {  	s4 =	rddreg [dreg:$0x0]  }
0x2: {  	s0 =	srdreg.scid;
	s5 =	rddreg [dreg:$0x1];
	s2 =	simm.s32 $0x0  }
0x3: {  	s10 =	simm.s32 $0x400;
	s11 =	simm.s32 $0x0;
	s3 =	sand.u32 $0x1, s0  }
0x4: {  	s0 =	stileid.u32;
	[smem:$0x7FF] =	sst s2;
	s1 =	sshll.u32 s3, $0x4  }
0x5: {  	s8 =	sshll.u32 s0, $0x7;
	s9 =	ssub.s32 $0x2, s3;
	s6 =	sor.u32 s0, s1  }
0x6: {  	s3 =	sadd.s32 $0x14200, s4;
	s1 =	rddreg [dreg:$0x2];
	s7 =	sshrl.u32 s6, $0x3  }
0x7: {  	_ =	strace $0x80000047;
	s30 =	sshrl.u32 s9, $0x1;
	s7 =	smul.u32 $0x13C00, s7  }
0x8: {  	s8 =	sand.u32 $0x380, s8;
	s6 =	sshll.u32 s6, $0xB;
	s31 =	ssub.s32 s9, s30  }
0x9: {  	s9 =	simm.s32 $0x80;
	s6 =	sadd.s32 s6, s4;
	s7 =	sor.u32 s8, s7  }
0xa: {  	s4 =	sadd.s32 $0x4200, s6;
	s6 =	smax.u32 s31, $0x1;
	s7 =	sshrl.u32 s7, $0x3  }
0xb: {  	v0 =	vlaneseq.u32;
	v1 =	vimm.f32 $0.0e+00;
	s8 =	simm.s32 $0x1;
	s5 =	sadd.s32 s5, s7;
	s7 =	simm.s32 $0x4000  }
.LBB2_1:
0xc: {  	[tilespmem:s7], [sflag:$0x1] =	stream.linear.gather [hbm4b:s3+s2], $0x2780, $0x38;
	[tilespmem:$0x6780] =	vst v63  }
0xd: {  	_ =	swait.ge [sflag:s8], $0x2780  }
0xe: {  	[sflag:s8] =	ssyncset.done $0x0  }
0xf: {  	[sflag:s8] =	ssyncadd.s32 $0xFFFFD880  }
0x10: {  	[tilespmem:s2], [sflag:$0x1] =	stream.linear.gather [hbm4b:s4+s2], $0x3E80, $0x38;
	[tilespmem:$0x6780] =	vst v63  }
0x11: {  	_ =	swait.ge [sflag:s8], $0x3E80  }
0x12: {  	[sflag:s8] =	ssyncset.done $0x0  }
0x13: {  	s12 =	simm.s32 $0x0;
	[sflag:s8] =	ssyncadd.s32 $0xFFFFC180  }
.LBB2_2:
0x14: {  	s13 =	sshra.s32 s12, $0x2  }
0x15: {  	v2 =	vld [tilespmem:s13+$0x0];
	_ =	sdelay $0x4  }
0x16: {  	(v2sf) =	vpush v2, $0x0;
	_ =	sdelay $0x7  }
0x17: {  	(v2sf) =	vpush v2, $0x1;
	_ =	sdelay $0x6  }
0x18: {  	s14 =	spop (v2sf)  }
0x19: {  	(v2sf) =	vpush v2, $0x2;
	s15 =	sand.u32 $0xFFFFFFF8, s14  }
0x1a: {  	v3 =	vld [tilespmem:s15+$0x4000]  }
0x1b: {  	s14 =	sand.u32 $0x7, s14  }
0x1c: {  	v4 =	vmov s14  }
0x1d: {  	vm0 =	veq.s32 v4, v0  }
0x1e: {  	v4 =	vsel vm0, $0x3F800000, v1  }
0x1f: {  	v3 =	vadd.f32 v4, v3  }
0x20: {  	s25 =	spop (v2sf)  }
0x21: {  	(v2sf) =	vpush v2, $0x3;
	s26 =	sand.u32 $0xFFFFFFF8, s25;
	[tilespmem:s15+$0x4000] =	vst v3  }
0x22: {  	v3 =	vld [tilespmem:s26+$0x4000]  }
0x23: {  	s14 =	sand.u32 $0x7, s25  }
0x24: {  	v56 =	vmov s14  }
0x25: {  	vm9 =	veq.s32 v56, v0  }
0x26: {  	v4 =	vsel vm9, $0x3F800000, v1  }
0x27: {  	v3 =	vadd.f32 v4, v3  }
0x28: {  	s28 =	spop (v2sf)  }
0x29: {  	(v2sf) =	vpush v2, $0x4;
	s29 =	sand.u32 $0xFFFFFFF8, s28;
	[tilespmem:s26+$0x4000] =	vst v3  }
0x2a: {  	v3 =	vld [tilespmem:s29+$0x4000]  }
0x2b: {  	s14 =	sand.u32 $0x7, s28  }
0x2c: {  	v57 =	vmov s14  }
0x2d: {  	vm10 =	veq.s32 v57, v0  }
0x2e: {  	v4 =	vsel vm10, $0x3F800000, v1  }
0x2f: {  	v3 =	vadd.f32 v4, v3  }
0x30: {  	s30 =	spop (v2sf)  }
0x31: {  	(v2sf) =	vpush v2, $0x5;
	s31 =	sand.u32 $0xFFFFFFF8, s30;
	[tilespmem:s29+$0x4000] =	vst v3  }
0x32: {  	v3 =	vld [tilespmem:s31+$0x4000]  }
0x33: {  	s14 =	sand.u32 $0x7, s30  }
0x34: {  	v58 =	vmov s14  }
0x35: {  	vm11 =	veq.s32 v58, v0  }
0x36: {  	v4 =	vsel vm11, $0x3F800000, v1  }
0x37: {  	v3 =	vadd.f32 v3, v4  }
0x38: {  	s16 =	spop (v2sf)  }
0x39: {  	(v2sf) =	vpush v2, $0x6;
	s17 =	sand.u32 $0xFFFFFFF8, s16;
	[tilespmem:s31+$0x4000] =	vst v3  }
0x3a: {  	v3 =	vld [tilespmem:s17+$0x4000]  }
0x3b: {  	s14 =	sand.u32 $0x7, s16  }
0x3c: {  	v59 =	vmov s14  }
0x3d: {  	vm12 =	veq.s32 v59, v0  }
0x3e: {  	v4 =	vsel vm12, $0x3F800000, v1  }
0x3f: {  	v3 =	vadd.f32 v3, v4  }
0x40: {  	s18 =	spop (v2sf)  }
0x41: {  	(v2sf) =	vpush v2, $0x7;
	s19 =	sand.u32 $0xFFFFFFF8, s18;
	[tilespmem:s17+$0x4000] =	vst v3  }
0x42: {  	v3 =	vld [tilespmem:s19+$0x4000]  }
0x43: {  	s14 =	sand.u32 $0x7, s18  }
0x44: {  	v60 =	vmov s14  }
0x45: {  	vm13 =	veq.s32 v60, v0  }
0x46: {  	v4 =	vsel vm13, $0x3F800000, v1  }
0x47: {  	v3 =	vadd.f32 v3, v4  }
0x48: {  	s20 =	spop (v2sf)  }
0x49: {  	(v2sf) =	vpush v2, $0x8;
	s21 =	sand.u32 $0xFFFFFFF8, s20;
	[tilespmem:s19+$0x4000] =	vst v3  }
0x4a: {  	v3 =	vld [tilespmem:s21+$0x4000]  }
0x4b: {  	s14 =	sand.u32 $0x7, s20  }
0x4c: {  	v61 =	vmov s14  }
0x4d: {  	vm14 =	veq.s32 v61, v0  }
0x4e: {  	v4 =	vsel vm14, $0x3F800000, v1  }
0x4f: {  	v3 =	vadd.f32 v3, v4  }
0x50: {  	s22 =	spop (v2sf)  }
0x51: {  	(v2sf) =	vpush v2, $0x9;
	s23 =	sand.u32 $0xFFFFFFF8, s22;
	[tilespmem:s21+$0x4000] =	vst v3  }
0x52: {  	v3 =	vld [tilespmem:s23+$0x4000]  }
0x53: {  	s14 =	sand.u32 $0x7, s22  }
0x54: {  	v62 =	vmov s14  }
0x55: {  	vm15 =	veq.s32 v62, v0  }
0x56: {  	v4 =	vsel vm15, $0x3F800000, v1  }
0x57: {  	v3 =	vadd.f32 v3, v4  }
0x58: {  	s24 =	spop (v2sf)  }
0x59: {  	(v2sf) =	vpush v2, $0xA;
	s25 =	sand.u32 $0xFFFFFFF8, s24;
	[tilespmem:s23+$0x4000] =	vst v3  }
0x5a: {  	v3 =	vld [tilespmem:s25+$0x4000]  }
0x5b: {  	s14 =	sand.u32 $0x7, s24  }
0x5c: {  	v63 =	vmov s14  }
0x5d: {  	vm4 =	veq.s32 v63, v0  }
0x5e: {  	v4 =	vsel vm4, $0x3F800000, v1  }
0x5f: {  	v3 =	vadd.f32 v3, v4  }
0x60: {  	s26 =	spop (v2sf)  }
0x61: {  	(v2sf) =	vpush v2, $0xB;
	s28 =	sand.u32 $0xFFFFFFF8, s26;
	[tilespmem:s25+$0x4000] =	vst v3  }
0x62: {  	v3 =	vld [tilespmem:s28+$0x4000]  }
0x63: {  	s14 =	sand.u32 $0x7, s26  }
0x64: {  	v8 =	vmov s14  }
0x65: {  	vm5 =	veq.s32 v8, v0  }
0x66: {  	v4 =	vsel vm5, $0x3F800000, v1  }
0x67: {  	v3 =	vadd.f32 v3, v4  }
0x68: {  	s29 =	spop (v2sf)  }
0x69: {  	(v2sf) =	vpush v2, $0xC;
	s30 =	sand.u32 $0xFFFFFFF8, s29;
	[tilespmem:s28+$0x4000] =	vst v3  }
0x6a: {  	v3 =	vld [tilespmem:s30+$0x4000]  }
0x6b: {  	s14 =	sand.u32 $0x7, s29  }
0x6c: {  	v9 =	vmov s14  }
0x6d: {  	vm6 =	veq.s32 v9, v0  }
0x6e: {  	v4 =	vsel vm6, $0x3F800000, v1  }
0x6f: {  	v3 =	vadd.f32 v3, v4  }
0x70: {  	s31 =	spop (v2sf)  }
0x71: {  	(v2sf) =	vpush v2, $0xD;
	s16 =	sand.u32 $0xFFFFFFF8, s31;
	[tilespmem:s30+$0x4000] =	vst v3  }
0x72: {  	v3 =	vld [tilespmem:s16+$0x4000]  }
0x73: {  	s14 =	sand.u32 $0x7, s31  }
0x74: {  	v10 =	vmov s14  }
0x75: {  	vm7 =	veq.s32 v10, v0  }
0x76: {  	v4 =	vsel vm7, $0x3F800000, v1  }
0x77: {  	v3 =	vadd.f32 v3, v4  }
0x78: {  	s17 =	spop (v2sf)  }
0x79: {  	(v2sf) =	vpush v2, $0xE;
	s18 =	sand.u32 $0xFFFFFFF8, s17;
	[tilespmem:s16+$0x4000] =	vst v3  }
0x7a: {  	v3 =	vld [tilespmem:s18+$0x4000]  }
0x7b: {  	s14 =	sand.u32 $0x7, s17  }
0x7c: {  	v11 =	vmov s14  }
0x7d: {  	vm8 =	veq.s32 v11, v0  }
0x7e: {  	v4 =	vsel vm8, $0x3F800000, v1  }
0x7f: {  	v3 =	vadd.f32 v3, v4  }
0x80: {  	s19 =	spop (v2sf)  }
0x81: {  	(v2sf) =	vpush v2, $0xF;
	s20 =	sand.u32 $0xFFFFFFF8, s19;
	[tilespmem:s18+$0x4000] =	vst v3  }
0x82: {  	v2 =	vld [tilespmem:s20+$0x4000]  }
0x83: {  	s14 =	sand.u32 $0x7, s19  }
0x84: {  	v3 =	vmov s14  }
0x85: {  	vm9 =	veq.s32 v3, v0  }
0x86: {  	v3 =	vsel vm9, $0x3F800000, v1  }
0x87: {  	v2 =	vadd.f32 v2, v3  }
0x88: {  	s21 =	spop (v2sf)  }
0x89: {  	s22 =	sand.u32 $0xFFFFFFF8, s21;
	[tilespmem:s20+$0x4000] =	vst v2  }
0x8a: {  	v2 =	vld [tilespmem:s22+$0x4000]  }
0x8b: {  	s14 =	sand.u32 $0x7, s21  }
0x8c: {  	v3 =	vmov s14  }
0x8d: {  	vm10 =	veq.s32 v3, v0  }
0x8e: {  	v3 =	vsel vm10, $0x3F800000, v1  }
0x8f: {  	v2 =	vadd.f32 v2, v3  }
0x90: {  	s23 =	spop (v2sf)  }
0x91: {  	s24 =	sand.u32 $0xFFFFFFF8, s23;
	[tilespmem:s22+$0x4000] =	vst v2  }
0x92: {  	v2 =	vld [tilespmem:s24+$0x4000]  }
0x93: {  	s14 =	sand.u32 $0x7, s23  }
0x94: {  	v3 =	vmov s14  }
0x95: {  	vm11 =	veq.s32 v3, v0  }
0x96: {  	v3 =	vsel vm11, $0x3F800000, v1  }
0x97: {  	v2 =	vadd.f32 v2, v3;
	_ =	sdelay $0x1  }
0x98: {  	[tilespmem:s24+$0x4000] =	vst v2  }
0x99: {  	v2 =	vld [tilespmem:s13+$0x10];
	_ =	sdelay $0x4  }
0x9a: {  	(v2sf) =	vpush v2, $0x0;
	_ =	sdelay $0x7  }
0x9b: {  	(v2sf) =	vpush v2, $0x1;
	_ =	sdelay $0x6  }
0x9c: {  	s25 =	spop (v2sf)  }
0x9d: {  	(v2sf) =	vpush v2, $0x2;
	s26 =	sand.u32 $0xFFFFFFF8, s25  }
0x9e: {  	v3 =	vld [tilespmem:s26+$0x4000]  }
0x9f: {  	s14 =	sand.u32 $0x7, s25  }
0xa0: {  	v12 =	vmov s14  }
0xa1: {  	vm12 =	veq.s32 v12, v0  }
0xa2: {  	v4 =	vsel vm12, $0x3F800000, v1  }
0xa3: {  	v3 =	vadd.f32 v4, v3  }
0xa4: {  	s28 =	spop (v2sf)  }
0xa5: {  	(v2sf) =	vpush v2, $0x3;
	s29 =	sand.u32 $0xFFFFFFF8, s28;
	[tilespmem:s26+$0x4000] =	vst v3  }
0xa6: {  	v3 =	vld [tilespmem:s29+$0x4000]  }
0xa7: {  	s14 =	sand.u32 $0x7, s28  }
0xa8: {  	v13 =	vmov s14  }
0xa9: {  	vm13 =	veq.s32 v13, v0  }
0xaa: {  	v4 =	vsel vm13, $0x3F800000, v1  }
0xab: {  	v3 =	vadd.f32 v4, v3  }
0xac: {  	s30 =	spop (v2sf)  }
0xad: {  	(v2sf) =	vpush v2, $0x4;
	s31 =	sand.u32 $0xFFFFFFF8, s30;
	[tilespmem:s29+$0x4000] =	vst v3  }
0xae: {  	v3 =	vld [tilespmem:s31+$0x4000]  }
0xaf: {  	s14 =	sand.u32 $0x7, s30  }
0xb0: {  	v14 =	vmov s14  }
0xb1: {  	vm14 =	veq.s32 v14, v0  }
0xb2: {  	v4 =	vsel vm14, $0x3F800000, v1  }
0xb3: {  	v3 =	vadd.f32 v4, v3  }
0xb4: {  	s16 =	spop (v2sf)  }
0xb5: {  	(v2sf) =	vpush v2, $0x5;
	s17 =	sand.u32 $0xFFFFFFF8, s16;
	[tilespmem:s31+$0x4000] =	vst v3  }
0xb6: {  	v3 =	vld [tilespmem:s17+$0x4000]  }
0xb7: {  	s14 =	sand.u32 $0x7, s16  }
0xb8: {  	v15 =	vmov s14  }
0xb9: {  	vm15 =	veq.s32 v15, v0  }
0xba: {  	v4 =	vsel vm15, $0x3F800000, v1  }
0xbb: {  	v3 =	vadd.f32 v3, v4  }
0xbc: {  	s18 =	spop (v2sf)  }
0xbd: {  	(v2sf) =	vpush v2, $0x6;
	s19 =	sand.u32 $0xFFFFFFF8, s18;
	[tilespmem:s17+$0x4000] =	vst v3  }
0xbe: {  	v3 =	vld [tilespmem:s19+$0x4000]  }
0xbf: {  	s14 =	sand.u32 $0x7, s18  }
0xc0: {  	v16 =	vmov s14  }
0xc1: {  	vm4 =	veq.s32 v16, v0  }
0xc2: {  	v4 =	vsel vm4, $0x3F800000, v1  }
0xc3: {  	v3 =	vadd.f32 v3, v4  }
0xc4: {  	s20 =	spop (v2sf)  }
0xc5: {  	(v2sf) =	vpush v2, $0x7;
	s21 =	sand.u32 $0xFFFFFFF8, s20;
	[tilespmem:s19+$0x4000] =	vst v3  }
0xc6: {  	v3 =	vld [tilespmem:s21+$0x4000]  }
0xc7: {  	s14 =	sand.u32 $0x7, s20  }
0xc8: {  	v17 =	vmov s14  }
0xc9: {  	vm5 =	veq.s32 v17, v0  }
0xca: {  	v4 =	vsel vm5, $0x3F800000, v1  }
0xcb: {  	v3 =	vadd.f32 v3, v4  }
0xcc: {  	s22 =	spop (v2sf)  }
0xcd: {  	(v2sf) =	vpush v2, $0x8;
	s23 =	sand.u32 $0xFFFFFFF8, s22;
	[tilespmem:s21+$0x4000] =	vst v3  }
0xce: {  	v3 =	vld [tilespmem:s23+$0x4000]  }
0xcf: {  	s14 =	sand.u32 $0x7, s22  }
0xd0: {  	v18 =	vmov s14  }
0xd1: {  	vm6 =	veq.s32 v18, v0  }
0xd2: {  	v4 =	vsel vm6, $0x3F800000, v1  }
0xd3: {  	v3 =	vadd.f32 v3, v4  }
0xd4: {  	s24 =	spop (v2sf)  }
0xd5: {  	(v2sf) =	vpush v2, $0x9;
	s25 =	sand.u32 $0xFFFFFFF8, s24;
	[tilespmem:s23+$0x4000] =	vst v3  }
0xd6: {  	v3 =	vld [tilespmem:s25+$0x4000]  }
0xd7: {  	s14 =	sand.u32 $0x7, s24  }
0xd8: {  	v19 =	vmov s14  }
0xd9: {  	vm7 =	veq.s32 v19, v0  }
0xda: {  	v4 =	vsel vm7, $0x3F800000, v1  }
0xdb: {  	v3 =	vadd.f32 v3, v4  }
0xdc: {  	s26 =	spop (v2sf)  }
0xdd: {  	(v2sf) =	vpush v2, $0xA;
	s28 =	sand.u32 $0xFFFFFFF8, s26;
	[tilespmem:s25+$0x4000] =	vst v3  }
0xde: {  	v3 =	vld [tilespmem:s28+$0x4000]  }
0xdf: {  	s14 =	sand.u32 $0x7, s26  }
0xe0: {  	v20 =	vmov s14  }
0xe1: {  	vm8 =	veq.s32 v20, v0  }
0xe2: {  	v4 =	vsel vm8, $0x3F800000, v1  }
0xe3: {  	v3 =	vadd.f32 v3, v4  }
0xe4: {  	s29 =	spop (v2sf)  }
0xe5: {  	(v2sf) =	vpush v2, $0xB;
	s30 =	sand.u32 $0xFFFFFFF8, s29;
	[tilespmem:s28+$0x4000] =	vst v3  }
0xe6: {  	v3 =	vld [tilespmem:s30+$0x4000]  }
0xe7: {  	s14 =	sand.u32 $0x7, s29  }
0xe8: {  	v21 =	vmov s14  }
0xe9: {  	vm9 =	veq.s32 v21, v0  }
0xea: {  	v4 =	vsel vm9, $0x3F800000, v1  }
0xeb: {  	v3 =	vadd.f32 v3, v4  }
0xec: {  	s31 =	spop (v2sf)  }
0xed: {  	(v2sf) =	vpush v2, $0xC;
	s16 =	sand.u32 $0xFFFFFFF8, s31;
	[tilespmem:s30+$0x4000] =	vst v3  }
0xee: {  	v3 =	vld [tilespmem:s16+$0x4000]  }
0xef: {  	s14 =	sand.u32 $0x7, s31  }
0xf0: {  	v22 =	vmov s14  }
0xf1: {  	vm10 =	veq.s32 v22, v0  }
0xf2: {  	v4 =	vsel vm10, $0x3F800000, v1  }
0xf3: {  	v3 =	vadd.f32 v3, v4  }
0xf4: {  	s17 =	spop (v2sf)  }
0xf5: {  	(v2sf) =	vpush v2, $0xD;
	s18 =	sand.u32 $0xFFFFFFF8, s17;
	[tilespmem:s16+$0x4000] =	vst v3  }
0xf6: {  	v3 =	vld [tilespmem:s18+$0x4000]  }
0xf7: {  	s14 =	sand.u32 $0x7, s17  }
0xf8: {  	v23 =	vmov s14  }
0xf9: {  	vm11 =	veq.s32 v23, v0  }
0xfa: {  	v4 =	vsel vm11, $0x3F800000, v1  }
0xfb: {  	v3 =	vadd.f32 v3, v4  }
0xfc: {  	s19 =	spop (v2sf)  }
0xfd: {  	(v2sf) =	vpush v2, $0xE;
	s20 =	sand.u32 $0xFFFFFFF8, s19;
	[tilespmem:s18+$0x4000] =	vst v3  }
0xfe: {  	v3 =	vld [tilespmem:s20+$0x4000]  }
0xff: {  	s14 =	sand.u32 $0x7, s19  }
0x100: {  	v24 =	vmov s14  }
0x101: {  	vm12 =	veq.s32 v24, v0  }
0x102: {  	v4 =	vsel vm12, $0x3F800000, v1  }
0x103: {  	v3 =	vadd.f32 v3, v4  }
0x104: {  	s21 =	spop (v2sf)  }
0x105: {  	(v2sf) =	vpush v2, $0xF;
	s22 =	sand.u32 $0xFFFFFFF8, s21;
	[tilespmem:s20+$0x4000] =	vst v3  }
0x106: {  	v2 =	vld [tilespmem:s22+$0x4000]  }
0x107: {  	s14 =	sand.u32 $0x7, s21  }
0x108: {  	v3 =	vmov s14  }
0x109: {  	vm13 =	veq.s32 v3, v0  }
0x10a: {  	v3 =	vsel vm13, $0x3F800000, v1  }
0x10b: {  	v2 =	vadd.f32 v2, v3  }
0x10c: {  	s23 =	spop (v2sf)  }
0x10d: {  	s24 =	sand.u32 $0xFFFFFFF8, s23;
	[tilespmem:s22+$0x4000] =	vst v2  }
0x10e: {  	v2 =	vld [tilespmem:s24+$0x4000]  }
0x10f: {  	s14 =	sand.u32 $0x7, s23  }
0x110: {  	v3 =	vmov s14  }
0x111: {  	vm14 =	veq.s32 v3, v0  }
0x112: {  	v3 =	vsel vm14, $0x3F800000, v1  }
0x113: {  	v2 =	vadd.f32 v2, v3  }
0x114: {  	s25 =	spop (v2sf)  }
0x115: {  	s26 =	sand.u32 $0xFFFFFFF8, s25;
	[tilespmem:s24+$0x4000] =	vst v2  }
0x116: {  	v2 =	vld [tilespmem:s26+$0x4000]  }
0x117: {  	s14 =	sand.u32 $0x7, s25  }
0x118: {  	v3 =	vmov s14  }
0x119: {  	vm15 =	veq.s32 v3, v0  }
0x11a: {  	v3 =	vsel vm15, $0x3F800000, v1  }
0x11b: {  	v2 =	vadd.f32 v2, v3;
	_ =	sdelay $0x1  }
0x11c: {  	[tilespmem:s26+$0x4000] =	vst v2  }
0x11d: {  	v2 =	vld [tilespmem:s13+$0x20];
	_ =	sdelay $0x4  }
0x11e: {  	(v2sf) =	vpush v2, $0x0;
	_ =	sdelay $0x7  }
0x11f: {  	(v2sf) =	vpush v2, $0x1;
	_ =	sdelay $0x6  }
0x120: {  	s28 =	spop (v2sf)  }
0x121: {  	(v2sf) =	vpush v2, $0x2;
	s29 =	sand.u32 $0xFFFFFFF8, s28  }
0x122: {  	v3 =	vld [tilespmem:s29+$0x4000]  }
0x123: {  	s14 =	sand.u32 $0x7, s28  }
0x124: {  	v25 =	vmov s14  }
0x125: {  	vm4 =	veq.s32 v25, v0  }
0x126: {  	v4 =	vsel vm4, $0x3F800000, v1  }
0x127: {  	v3 =	vadd.f32 v4, v3  }
0x128: {  	s30 =	spop (v2sf)  }
0x129: {  	(v2sf) =	vpush v2, $0x3;
	s31 =	sand.u32 $0xFFFFFFF8, s30;
	[tilespmem:s29+$0x4000] =	vst v3  }
0x12a: {  	v3 =	vld [tilespmem:s31+$0x4000]  }
0x12b: {  	s14 =	sand.u32 $0x7, s30  }
0x12c: {  	v26 =	vmov s14  }
0x12d: {  	vm5 =	veq.s32 v26, v0  }
0x12e: {  	v4 =	vsel vm5, $0x3F800000, v1  }
0x12f: {  	v3 =	vadd.f32 v4, v3  }
0x130: {  	s16 =	spop (v2sf)  }
0x131: {  	(v2sf) =	vpush v2, $0x4;
	s17 =	sand.u32 $0xFFFFFFF8, s16;
	[tilespmem:s31+$0x4000] =	vst v3  }
0x132: {  	v3 =	vld [tilespmem:s17+$0x4000]  }
0x133: {  	s14 =	sand.u32 $0x7, s16  }
0x134: {  	v27 =	vmov s14  }
0x135: {  	vm6 =	veq.s32 v27, v0  }
0x136: {  	v4 =	vsel vm6, $0x3F800000, v1  }
0x137: {  	v3 =	vadd.f32 v4, v3  }
0x138: {  	s18 =	spop (v2sf)  }
0x139: {  	(v2sf) =	vpush v2, $0x5;
	s19 =	sand.u32 $0xFFFFFFF8, s18;
	[tilespmem:s17+$0x4000] =	vst v3  }
0x13a: {  	v3 =	vld [tilespmem:s19+$0x4000]  }
0x13b: {  	s14 =	sand.u32 $0x7, s18  }
0x13c: {  	v28 =	vmov s14  }
0x13d: {  	vm7 =	veq.s32 v28, v0  }
0x13e: {  	v4 =	vsel vm7, $0x3F800000, v1  }
0x13f: {  	v3 =	vadd.f32 v3, v4  }
0x140: {  	s20 =	spop (v2sf)  }
0x141: {  	(v2sf) =	vpush v2, $0x6;
	s21 =	sand.u32 $0xFFFFFFF8, s20;
	[tilespmem:s19+$0x4000] =	vst v3  }
0x142: {  	v3 =	vld [tilespmem:s21+$0x4000]  }
0x143: {  	s14 =	sand.u32 $0x7, s20  }
0x144: {  	v29 =	vmov s14  }
0x145: {  	vm8 =	veq.s32 v29, v0  }
0x146: {  	v4 =	vsel vm8, $0x3F800000, v1  }
0x147: {  	v3 =	vadd.f32 v3, v4  }
0x148: {  	s22 =	spop (v2sf)  }
0x149: {  	(v2sf) =	vpush v2, $0x7;
	s23 =	sand.u32 $0xFFFFFFF8, s22;
	[tilespmem:s21+$0x4000] =	vst v3  }
0x14a: {  	v3 =	vld [tilespmem:s23+$0x4000]  }
0x14b: {  	s14 =	sand.u32 $0x7, s22  }
0x14c: {  	v30 =	vmov s14  }
0x14d: {  	vm9 =	veq.s32 v30, v0  }
0x14e: {  	v4 =	vsel vm9, $0x3F800000, v1  }
0x14f: {  	v3 =	vadd.f32 v3, v4  }
0x150: {  	s24 =	spop (v2sf)  }
0x151: {  	(v2sf) =	vpush v2, $0x8;
	s25 =	sand.u32 $0xFFFFFFF8, s24;
	[tilespmem:s23+$0x4000] =	vst v3  }
0x152: {  	v3 =	vld [tilespmem:s25+$0x4000]  }
0x153: {  	s14 =	sand.u32 $0x7, s24  }
0x154: {  	v31 =	vmov s14  }
0x155: {  	vm10 =	veq.s32 v31, v0  }
0x156: {  	v4 =	vsel vm10, $0x3F800000, v1  }
0x157: {  	v3 =	vadd.f32 v3, v4  }
0x158: {  	s26 =	spop (v2sf)  }
0x159: {  	(v2sf) =	vpush v2, $0x9;
	s28 =	sand.u32 $0xFFFFFFF8, s26;
	[tilespmem:s25+$0x4000] =	vst v3  }
0x15a: {  	v3 =	vld [tilespmem:s28+$0x4000]  }
0x15b: {  	s14 =	sand.u32 $0x7, s26  }
0x15c: {  	v32 =	vmov s14  }
0x15d: {  	vm11 =	veq.s32 v32, v0  }
0x15e: {  	v4 =	vsel vm11, $0x3F800000, v1  }
0x15f: {  	v3 =	vadd.f32 v3, v4  }
0x160: {  	s29 =	spop (v2sf)  }
0x161: {  	(v2sf) =	vpush v2, $0xA;
	s30 =	sand.u32 $0xFFFFFFF8, s29;
	[tilespmem:s28+$0x4000] =	vst v3  }
0x162: {  	v3 =	vld [tilespmem:s30+$0x4000]  }
0x163: {  	s14 =	sand.u32 $0x7, s29  }
0x164: {  	v33 =	vmov s14  }
0x165: {  	vm12 =	veq.s32 v33, v0  }
0x166: {  	v4 =	vsel vm12, $0x3F800000, v1  }
0x167: {  	v3 =	vadd.f32 v3, v4  }
0x168: {  	s31 =	spop (v2sf)  }
0x169: {  	(v2sf) =	vpush v2, $0xB;
	s16 =	sand.u32 $0xFFFFFFF8, s31;
	[tilespmem:s30+$0x4000] =	vst v3  }
0x16a: {  	v3 =	vld [tilespmem:s16+$0x4000]  }
0x16b: {  	s14 =	sand.u32 $0x7, s31  }
0x16c: {  	v34 =	vmov s14  }
0x16d: {  	vm13 =	veq.s32 v34, v0  }
0x16e: {  	v4 =	vsel vm13, $0x3F800000, v1  }
0x16f: {  	v3 =	vadd.f32 v3, v4  }
0x170: {  	s17 =	spop (v2sf)  }
0x171: {  	(v2sf) =	vpush v2, $0xC;
	s18 =	sand.u32 $0xFFFFFFF8, s17;
	[tilespmem:s16+$0x4000] =	vst v3  }
0x172: {  	v3 =	vld [tilespmem:s18+$0x4000]  }
0x173: {  	s14 =	sand.u32 $0x7, s17  }
0x174: {  	v35 =	vmov s14  }
0x175: {  	vm14 =	veq.s32 v35, v0  }
0x176: {  	v4 =	vsel vm14, $0x3F800000, v1  }
0x177: {  	v3 =	vadd.f32 v3, v4  }
0x178: {  	s19 =	spop (v2sf)  }
0x179: {  	(v2sf) =	vpush v2, $0xD;
	s20 =	sand.u32 $0xFFFFFFF8, s19;
	[tilespmem:s18+$0x4000] =	vst v3  }
0x17a: {  	v3 =	vld [tilespmem:s20+$0x4000]  }
0x17b: {  	s14 =	sand.u32 $0x7, s19  }
0x17c: {  	v36 =	vmov s14  }
0x17d: {  	vm15 =	veq.s32 v36, v0  }
0x17e: {  	v4 =	vsel vm15, $0x3F800000, v1  }
0x17f: {  	v3 =	vadd.f32 v3, v4  }
0x180: {  	s21 =	spop (v2sf)  }
0x181: {  	(v2sf) =	vpush v2, $0xE;
	s22 =	sand.u32 $0xFFFFFFF8, s21;
	[tilespmem:s20+$0x4000] =	vst v3  }
0x182: {  	v3 =	vld [tilespmem:s22+$0x4000]  }
0x183: {  	s14 =	sand.u32 $0x7, s21  }
0x184: {  	v37 =	vmov s14  }
0x185: {  	vm4 =	veq.s32 v37, v0  }
0x186: {  	v4 =	vsel vm4, $0x3F800000, v1  }
0x187: {  	v3 =	vadd.f32 v3, v4  }
0x188: {  	s23 =	spop (v2sf)  }
0x189: {  	(v2sf) =	vpush v2, $0xF;
	s24 =	sand.u32 $0xFFFFFFF8, s23;
	[tilespmem:s22+$0x4000] =	vst v3  }
0x18a: {  	v2 =	vld [tilespmem:s24+$0x4000]  }
0x18b: {  	s14 =	sand.u32 $0x7, s23  }
0x18c: {  	v3 =	vmov s14  }
0x18d: {  	vm5 =	veq.s32 v3, v0  }
0x18e: {  	v3 =	vsel vm5, $0x3F800000, v1  }
0x18f: {  	v2 =	vadd.f32 v2, v3  }
0x190: {  	s25 =	spop (v2sf)  }
0x191: {  	s26 =	sand.u32 $0xFFFFFFF8, s25;
	[tilespmem:s24+$0x4000] =	vst v2  }
0x192: {  	v2 =	vld [tilespmem:s26+$0x4000]  }
0x193: {  	s14 =	sand.u32 $0x7, s25  }
0x194: {  	v3 =	vmov s14  }
0x195: {  	vm6 =	veq.s32 v3, v0  }
0x196: {  	v3 =	vsel vm6, $0x3F800000, v1  }
0x197: {  	v2 =	vadd.f32 v2, v3  }
0x198: {  	s28 =	spop (v2sf)  }
0x199: {  	s29 =	sand.u32 $0xFFFFFFF8, s28;
	[tilespmem:s26+$0x4000] =	vst v2  }
0x19a: {  	v2 =	vld [tilespmem:s29+$0x4000]  }
0x19b: {  	s14 =	sand.u32 $0x7, s28  }
0x19c: {  	v3 =	vmov s14  }
0x19d: {  	vm7 =	veq.s32 v3, v0  }
0x19e: {  	v3 =	vsel vm7, $0x3F800000, v1  }
0x19f: {  	v2 =	vadd.f32 v2, v3;
	_ =	sdelay $0x1  }
0x1a0: {  	[tilespmem:s29+$0x4000] =	vst v2  }
0x1a1: {  	v2 =	vld [tilespmem:s13+$0x30];
	_ =	sdelay $0x4  }
0x1a2: {  	(v2sf) =	vpush v2, $0x0;
	_ =	sdelay $0x7  }
0x1a3: {  	(v2sf) =	vpush v2, $0x1;
	_ =	sdelay $0x6  }
0x1a4: {  	s30 =	spop (v2sf)  }
0x1a5: {  	(v2sf) =	vpush v2, $0x2;
	s31 =	sand.u32 $0xFFFFFFF8, s30  }
0x1a6: {  	v3 =	vld [tilespmem:s31+$0x4000]  }
0x1a7: {  	s14 =	sand.u32 $0x7, s30  }
0x1a8: {  	v38 =	vmov s14  }
0x1a9: {  	vm8 =	veq.s32 v38, v0  }
0x1aa: {  	v4 =	vsel vm8, $0x3F800000, v1  }
0x1ab: {  	v3 =	vadd.f32 v4, v3  }
0x1ac: {  	s16 =	spop (v2sf)  }
0x1ad: {  	(v2sf) =	vpush v2, $0x3;
	s17 =	sand.u32 $0xFFFFFFF8, s16;
	[tilespmem:s31+$0x4000] =	vst v3  }
0x1ae: {  	v3 =	vld [tilespmem:s17+$0x4000]  }
0x1af: {  	s14 =	sand.u32 $0x7, s16  }
0x1b0: {  	v39 =	vmov s14  }
0x1b1: {  	vm9 =	veq.s32 v39, v0  }
0x1b2: {  	v4 =	vsel vm9, $0x3F800000, v1  }
0x1b3: {  	v3 =	vadd.f32 v4, v3  }
0x1b4: {  	s18 =	spop (v2sf)  }
0x1b5: {  	(v2sf) =	vpush v2, $0x4;
	s19 =	sand.u32 $0xFFFFFFF8, s18;
	[tilespmem:s17+$0x4000] =	vst v3  }
0x1b6: {  	v3 =	vld [tilespmem:s19+$0x4000]  }
0x1b7: {  	s14 =	sand.u32 $0x7, s18  }
0x1b8: {  	v40 =	vmov s14  }
0x1b9: {  	vm10 =	veq.s32 v40, v0  }
0x1ba: {  	v4 =	vsel vm10, $0x3F800000, v1  }
0x1bb: {  	v3 =	vadd.f32 v4, v3  }
0x1bc: {  	s20 =	spop (v2sf)  }
0x1bd: {  	(v2sf) =	vpush v2, $0x5;
	s21 =	sand.u32 $0xFFFFFFF8, s20;
	[tilespmem:s19+$0x4000] =	vst v3  }
0x1be: {  	v3 =	vld [tilespmem:s21+$0x4000]  }
0x1bf: {  	s14 =	sand.u32 $0x7, s20  }
0x1c0: {  	v41 =	vmov s14  }
0x1c1: {  	vm11 =	veq.s32 v41, v0  }
0x1c2: {  	v4 =	vsel vm11, $0x3F800000, v1  }
0x1c3: {  	v3 =	vadd.f32 v3, v4  }
0x1c4: {  	s22 =	spop (v2sf)  }
0x1c5: {  	(v2sf) =	vpush v2, $0x6;
	s23 =	sand.u32 $0xFFFFFFF8, s22;
	[tilespmem:s21+$0x4000] =	vst v3  }
0x1c6: {  	v3 =	vld [tilespmem:s23+$0x4000]  }
0x1c7: {  	s14 =	sand.u32 $0x7, s22  }
0x1c8: {  	v42 =	vmov s14  }
0x1c9: {  	vm12 =	veq.s32 v42, v0  }
0x1ca: {  	v4 =	vsel vm12, $0x3F800000, v1  }
0x1cb: {  	v3 =	vadd.f32 v3, v4  }
0x1cc: {  	s24 =	spop (v2sf)  }
0x1cd: {  	(v2sf) =	vpush v2, $0x7;
	s25 =	sand.u32 $0xFFFFFFF8, s24;
	[tilespmem:s23+$0x4000] =	vst v3  }
0x1ce: {  	v3 =	vld [tilespmem:s25+$0x4000]  }
0x1cf: {  	s14 =	sand.u32 $0x7, s24  }
0x1d0: {  	v43 =	vmov s14  }
0x1d1: {  	vm13 =	veq.s32 v43, v0  }
0x1d2: {  	v4 =	vsel vm13, $0x3F800000, v1  }
0x1d3: {  	v3 =	vadd.f32 v3, v4  }
0x1d4: {  	s26 =	spop (v2sf)  }
0x1d5: {  	(v2sf) =	vpush v2, $0x8;
	s28 =	sand.u32 $0xFFFFFFF8, s26;
	[tilespmem:s25+$0x4000] =	vst v3  }
0x1d6: {  	v3 =	vld [tilespmem:s28+$0x4000]  }
0x1d7: {  	s14 =	sand.u32 $0x7, s26  }
0x1d8: {  	v44 =	vmov s14  }
0x1d9: {  	vm14 =	veq.s32 v44, v0  }
0x1da: {  	v4 =	vsel vm14, $0x3F800000, v1  }
0x1db: {  	v3 =	vadd.f32 v3, v4  }
0x1dc: {  	s29 =	spop (v2sf)  }
0x1dd: {  	(v2sf) =	vpush v2, $0x9;
	s30 =	sand.u32 $0xFFFFFFF8, s29;
	[tilespmem:s28+$0x4000] =	vst v3  }
0x1de: {  	v3 =	vld [tilespmem:s30+$0x4000]  }
0x1df: {  	s14 =	sand.u32 $0x7, s29  }
0x1e0: {  	v45 =	vmov s14  }
0x1e1: {  	vm15 =	veq.s32 v45, v0  }
0x1e2: {  	v4 =	vsel vm15, $0x3F800000, v1  }
0x1e3: {  	v3 =	vadd.f32 v3, v4  }
0x1e4: {  	s31 =	spop (v2sf)  }
0x1e5: {  	(v2sf) =	vpush v2, $0xA;
	s16 =	sand.u32 $0xFFFFFFF8, s31;
	[tilespmem:s30+$0x4000] =	vst v3  }
0x1e6: {  	v3 =	vld [tilespmem:s16+$0x4000]  }
0x1e7: {  	s14 =	sand.u32 $0x7, s31  }
0x1e8: {  	v46 =	vmov s14  }
0x1e9: {  	vm4 =	veq.s32 v46, v0  }
0x1ea: {  	v4 =	vsel vm4, $0x3F800000, v1  }
0x1eb: {  	v3 =	vadd.f32 v3, v4  }
0x1ec: {  	s17 =	spop (v2sf)  }
0x1ed: {  	(v2sf) =	vpush v2, $0xB;
	s18 =	sand.u32 $0xFFFFFFF8, s17;
	[tilespmem:s16+$0x4000] =	vst v3  }
0x1ee: {  	v3 =	vld [tilespmem:s18+$0x4000]  }
0x1ef: {  	s14 =	sand.u32 $0x7, s17  }
0x1f0: {  	v47 =	vmov s14  }
0x1f1: {  	vm5 =	veq.s32 v47, v0  }
0x1f2: {  	v4 =	vsel vm5, $0x3F800000, v1  }
0x1f3: {  	v3 =	vadd.f32 v3, v4  }
0x1f4: {  	s19 =	spop (v2sf)  }
0x1f5: {  	(v2sf) =	vpush v2, $0xC;
	s20 =	sand.u32 $0xFFFFFFF8, s19;
	[tilespmem:s18+$0x4000] =	vst v3  }
0x1f6: {  	v3 =	vld [tilespmem:s20+$0x4000]  }
0x1f7: {  	s14 =	sand.u32 $0x7, s19  }
0x1f8: {  	v48 =	vmov s14  }
0x1f9: {  	vm6 =	veq.s32 v48, v0  }
0x1fa: {  	v4 =	vsel vm6, $0x3F800000, v1  }
0x1fb: {  	v3 =	vadd.f32 v3, v4  }
0x1fc: {  	s21 =	spop (v2sf)  }
0x1fd: {  	(v2sf) =	vpush v2, $0xD;
	s22 =	sand.u32 $0xFFFFFFF8, s21;
	[tilespmem:s20+$0x4000] =	vst v3  }
0x1fe: {  	v3 =	vld [tilespmem:s22+$0x4000]  }
0x1ff: {  	s14 =	sand.u32 $0x7, s21  }
0x200: {  	v49 =	vmov s14  }
0x201: {  	vm7 =	veq.s32 v49, v0  }
0x202: {  	v4 =	vsel vm7, $0x3F800000, v1  }
0x203: {  	v3 =	vadd.f32 v3, v4  }
0x204: {  	s23 =	spop (v2sf)  }
0x205: {  	(v2sf) =	vpush v2, $0xE;
	s24 =	sand.u32 $0xFFFFFFF8, s23;
	[tilespmem:s22+$0x4000] =	vst v3  }
0x206: {  	v3 =	vld [tilespmem:s24+$0x4000]  }
0x207: {  	s14 =	sand.u32 $0x7, s23  }
0x208: {  	v50 =	vmov s14  }
0x209: {  	vm8 =	veq.s32 v50, v0  }
0x20a: {  	v4 =	vsel vm8, $0x3F800000, v1  }
0x20b: {  	v3 =	vadd.f32 v3, v4  }
0x20c: {  	s25 =	spop (v2sf)  }
0x20d: {  	(v2sf) =	vpush v2, $0xF;
	s26 =	sand.u32 $0xFFFFFFF8, s25;
	[tilespmem:s24+$0x4000] =	vst v3  }
0x20e: {  	v2 =	vld [tilespmem:s26+$0x4000]  }
0x20f: {  	s14 =	sand.u32 $0x7, s25  }
0x210: {  	v3 =	vmov s14  }
0x211: {  	vm9 =	veq.s32 v3, v0  }
0x212: {  	v3 =	vsel vm9, $0x3F800000, v1  }
0x213: {  	v2 =	vadd.f32 v2, v3  }
0x214: {  	s28 =	spop (v2sf)  }
0x215: {  	s29 =	sand.u32 $0xFFFFFFF8, s28;
	[tilespmem:s26+$0x4000] =	vst v2  }
0x216: {  	v2 =	vld [tilespmem:s29+$0x4000]  }
0x217: {  	s14 =	sand.u32 $0x7, s28  }
0x218: {  	v3 =	vmov s14  }
0x219: {  	vm10 =	veq.s32 v3, v0  }
0x21a: {  	v3 =	vsel vm10, $0x3F800000, v1  }
0x21b: {  	v2 =	vadd.f32 v2, v3  }
0x21c: {  	s30 =	spop (v2sf)  }
0x21d: {  	s31 =	sand.u32 $0xFFFFFFF8, s30;
	[tilespmem:s29+$0x4000] =	vst v2  }
0x21e: {  	v2 =	vld [tilespmem:s31+$0x4000]  }
0x21f: {  	s14 =	sand.u32 $0x7, s30  }
0x220: {  	v3 =	vmov s14  }
0x221: {  	vm11 =	veq.s32 v3, v0  }
0x222: {  	v3 =	vsel vm11, $0x3F800000, v1  }
0x223: {  	v2 =	vadd.f32 v2, v3;
	_ =	sdelay $0x1  }
0x224: {  	[tilespmem:s31+$0x4000] =	vst v2  }
0x225: {  	v2 =	vld [tilespmem:s13+$0x40];
	_ =	sdelay $0x4  }
0x226: {  	(v2sf) =	vpush v2, $0x0;
	_ =	sdelay $0x7  }
0x227: {  	(v2sf) =	vpush v2, $0x1;
	_ =	sdelay $0x6  }
0x228: {  	s15 =	spop (v2sf)  }
0x229: {  	(v2sf) =	vpush v2, $0x2;
	s16 =	sand.u32 $0xFFFFFFF8, s15  }
0x22a: {  	v3 =	vld [tilespmem:s16+$0x4000]  }
0x22b: {  	s13 =	sand.u32 $0x7, s15  }
0x22c: {  	v51 =	vmov s13  }
0x22d: {  	vm12 =	veq.s32 v51, v0  }
0x22e: {  	v4 =	vsel vm12, $0x3F800000, v1  }
0x22f: {  	v3 =	vadd.f32 v4, v3  }
0x230: {  	s17 =	spop (v2sf)  }
0x231: {  	(v2sf) =	vpush v2, $0x3;
	s18 =	sand.u32 $0xFFFFFFF8, s17;
	[tilespmem:s16+$0x4000] =	vst v3  }
0x232: {  	v3 =	vld [tilespmem:s18+$0x4000]  }
0x233: {  	s13 =	sand.u32 $0x7, s17  }
0x234: {  	v52 =	vmov s13  }
0x235: {  	vm13 =	veq.s32 v52, v0  }
0x236: {  	v4 =	vsel vm13, $0x3F800000, v1  }
0x237: {  	v3 =	vadd.f32 v4, v3  }
0x238: {  	s19 =	spop (v2sf)  }
0x239: {  	(v2sf) =	vpush v2, $0x4;
	s20 =	sand.u32 $0xFFFFFFF8, s19;
	[tilespmem:s18+$0x4000] =	vst v3  }
0x23a: {  	v3 =	vld [tilespmem:s20+$0x4000]  }
0x23b: {  	s13 =	sand.u32 $0x7, s19  }
0x23c: {  	v53 =	vmov s13  }
0x23d: {  	vm14 =	veq.s32 v53, v0  }
0x23e: {  	v4 =	vsel vm14, $0x3F800000, v1  }
0x23f: {  	v3 =	vadd.f32 v4, v3  }
0x240: {  	s21 =	spop (v2sf)  }
0x241: {  	(v2sf) =	vpush v2, $0x5;
	s22 =	sand.u32 $0xFFFFFFF8, s21;
	[tilespmem:s20+$0x4000] =	vst v3  }
0x242: {  	v3 =	vld [tilespmem:s22+$0x4000]  }
0x243: {  	s13 =	sand.u32 $0x7, s21  }
0x244: {  	v54 =	vmov s13  }
0x245: {  	vm15 =	veq.s32 v54, v0  }
0x246: {  	v4 =	vsel vm15, $0x3F800000, v1  }
0x247: {  	v3 =	vadd.f32 v3, v4  }
0x248: {  	s23 =	spop (v2sf)  }
0x249: {  	(v2sf) =	vpush v2, $0x6;
	s24 =	sand.u32 $0xFFFFFFF8, s23;
	[tilespmem:s22+$0x4000] =	vst v3  }
0x24a: {  	v3 =	vld [tilespmem:s24+$0x4000]  }
0x24b: {  	s13 =	sand.u32 $0x7, s23  }
0x24c: {  	v55 =	vmov s13  }
0x24d: {  	vm4 =	veq.s32 v55, v0  }
0x24e: {  	v4 =	vsel vm4, $0x3F800000, v1  }
0x24f: {  	v3 =	vadd.f32 v3, v4  }
0x250: {  	s25 =	spop (v2sf)  }
0x251: {  	(v2sf) =	vpush v2, $0x7;
	s26 =	sand.u32 $0xFFFFFFF8, s25;
	[tilespmem:s24+$0x4000] =	vst v3  }
0x252: {  	v3 =	vld [tilespmem:s26+$0x4000]  }
0x253: {  	s13 =	sand.u32 $0x7, s25  }
0x254: {  	v56 =	vmov s13  }
0x255: {  	vm5 =	veq.s32 v56, v0  }
0x256: {  	v4 =	vsel vm5, $0x3F800000, v1  }
0x257: {  	v3 =	vadd.f32 v3, v4  }
0x258: {  	s28 =	spop (v2sf)  }
0x259: {  	(v2sf) =	vpush v2, $0x8;
	s29 =	sand.u32 $0xFFFFFFF8, s28;
	[tilespmem:s26+$0x4000] =	vst v3  }
0x25a: {  	v3 =	vld [tilespmem:s29+$0x4000]  }
0x25b: {  	s13 =	sand.u32 $0x7, s28  }
0x25c: {  	v57 =	vmov s13  }
0x25d: {  	vm6 =	veq.s32 v57, v0  }
0x25e: {  	v4 =	vsel vm6, $0x3F800000, v1  }
0x25f: {  	v3 =	vadd.f32 v3, v4  }
0x260: {  	s30 =	spop (v2sf)  }
0x261: {  	(v2sf) =	vpush v2, $0x9;
	s31 =	sand.u32 $0xFFFFFFF8, s30;
	[tilespmem:s29+$0x4000] =	vst v3  }
0x262: {  	v3 =	vld [tilespmem:s31+$0x4000]  }
0x263: {  	s13 =	sand.u32 $0x7, s30  }
0x264: {  	v58 =	vmov s13  }
0x265: {  	vm7 =	veq.s32 v58, v0  }
0x266: {  	v4 =	vsel vm7, $0x3F800000, v1  }
0x267: {  	v3 =	vadd.f32 v3, v4  }
0x268: {  	s15 =	spop (v2sf)  }
0x269: {  	(v2sf) =	vpush v2, $0xA;
	s16 =	sand.u32 $0xFFFFFFF8, s15;
	[tilespmem:s31+$0x4000] =	vst v3  }
0x26a: {  	v3 =	vld [tilespmem:s16+$0x4000]  }
0x26b: {  	s13 =	sand.u32 $0x7, s15  }
0x26c: {  	v59 =	vmov s13  }
0x26d: {  	vm8 =	veq.s32 v59, v0  }
0x26e: {  	v4 =	vsel vm8, $0x3F800000, v1  }
0x26f: {  	v3 =	vadd.f32 v3, v4  }
0x270: {  	s17 =	spop (v2sf)  }
0x271: {  	(v2sf) =	vpush v2, $0xB;
	s18 =	sand.u32 $0xFFFFFFF8, s17;
	[tilespmem:s16+$0x4000] =	vst v3  }
0x272: {  	v3 =	vld [tilespmem:s18+$0x4000]  }
0x273: {  	s13 =	sand.u32 $0x7, s17  }
0x274: {  	v60 =	vmov s13  }
0x275: {  	vm9 =	veq.s32 v60, v0  }
0x276: {  	v4 =	vsel vm9, $0x3F800000, v1  }
0x277: {  	v3 =	vadd.f32 v3, v4  }
0x278: {  	s19 =	spop (v2sf)  }
0x279: {  	(v2sf) =	vpush v2, $0xC;
	s20 =	sand.u32 $0xFFFFFFF8, s19;
	[tilespmem:s18+$0x4000] =	vst v3  }
0x27a: {  	v3 =	vld [tilespmem:s20+$0x4000]  }
0x27b: {  	s13 =	sand.u32 $0x7, s19  }
0x27c: {  	v61 =	vmov s13  }
0x27d: {  	vm10 =	veq.s32 v61, v0  }
0x27e: {  	v4 =	vsel vm10, $0x3F800000, v1  }
0x27f: {  	v3 =	vadd.f32 v3, v4  }
0x280: {  	s21 =	spop (v2sf)  }
0x281: {  	(v2sf) =	vpush v2, $0xD;
	s22 =	sand.u32 $0xFFFFFFF8, s21;
	[tilespmem:s20+$0x4000] =	vst v3  }
0x282: {  	v3 =	vld [tilespmem:s22+$0x4000]  }
0x283: {  	s13 =	sand.u32 $0x7, s21  }
0x284: {  	v62 =	vmov s13  }
0x285: {  	vm11 =	veq.s32 v62, v0  }
0x286: {  	v4 =	vsel vm11, $0x3F800000, v1  }
0x287: {  	v3 =	vadd.f32 v3, v4  }
0x288: {  	s23 =	spop (v2sf)  }
0x289: {  	(v2sf) =	vpush v2, $0xE;
	s24 =	sand.u32 $0xFFFFFFF8, s23;
	[tilespmem:s22+$0x4000] =	vst v3  }
0x28a: {  	v3 =	vld [tilespmem:s24+$0x4000]  }
0x28b: {  	s13 =	sand.u32 $0x7, s23  }
0x28c: {  	v63 =	vmov s13  }
0x28d: {  	vm12 =	veq.s32 v63, v0  }
0x28e: {  	v4 =	vsel vm12, $0x3F800000, v1  }
0x28f: {  	v3 =	vadd.f32 v3, v4  }
0x290: {  	s25 =	spop (v2sf)  }
0x291: {  	(v2sf) =	vpush v2, $0xF;
	s26 =	sand.u32 $0xFFFFFFF8, s25;
	[tilespmem:s24+$0x4000] =	vst v3  }
0x292: {  	v2 =	vld [tilespmem:s26+$0x4000]  }
0x293: {  	s13 =	sand.u32 $0x7, s25  }
0x294: {  	v3 =	vmov s13  }
0x295: {  	vm13 =	veq.s32 v3, v0  }
0x296: {  	v3 =	vsel vm13, $0x3F800000, v1  }
0x297: {  	v2 =	vadd.f32 v2, v3  }
0x298: {  	s28 =	spop (v2sf)  }
0x299: {  	s29 =	sand.u32 $0xFFFFFFF8, s28;
	[tilespmem:s26+$0x4000] =	vst v2  }
0x29a: {  	v2 =	vld [tilespmem:s29+$0x4000]  }
0x29b: {  	s13 =	sand.u32 $0x7, s28  }
0x29c: {  	v3 =	vmov s13  }
0x29d: {  	vm14 =	veq.s32 v3, v0  }
0x29e: {  	v3 =	vsel vm14, $0x3F800000, v1  }
0x29f: {  	v2 =	vadd.f32 v2, v3  }
0x2a0: {  	s30 =	spop (v2sf)  }
0x2a1: {  	s31 =	sand.u32 $0xFFFFFFF8, s30;
	[tilespmem:s29+$0x4000] =	vst v2  }
0x2a2: {  	v2 =	vld [tilespmem:s31+$0x4000]  }
0x2a3: {  	s13 =	sand.u32 $0x7, s30  }
0x2a4: {  	p0 =	sne.s32 s12, $0xF800;
	v3 =	vmov s13  }
.Ltmp0:
0x2a5: {  	vm15 =	veq.s32 v3, v0;
	(pc) =	sbr.rel @p0 .LBB2_2-.Ltmp0, $3  }
0x2a6: {  	v3 =	vsel vm15, $0x3F800000, v1  }
0x2a7: {  	v2 =	vadd.f32 v2, v3;
	_ =	sdelay $0x1  }
0x2a8: {  	s12 =	sadd.s32 $0x200, s12;
	[tilespmem:s31+$0x4000] =	vst v2  }
0x2a9: {  	s11 =	sadd.s32 $0x1, s11  }
0x2aa: {  	p0 =	sne.s32 s11, s6  }
.Ltmp1:
0x2ab: {  	_ = 	snop;
	(pc) =	sbr.rel @p0 .LBB2_1-.Ltmp1, $4  }
0x2ac: {  	[hbm4b:s5+s9] =	stream.strided.scatter [tilespmem:s7], [sflag:$0x1], $0x2780, s10, s9, $0x38;
	[tilespmem:$0x6780] =	vst v63  }
0x2ad: {  	_ =	swait.ge [sflag:s8], $0x2780  }
0x2ae: {  	[sflag:s8] =	ssyncset.done $0x0  }
0x2af: {  	[sflag:s8] =	ssyncadd.s32 $0xFFFFD880  }
0x2b0: {  	_ =	sfence.sel $0x180000  }
0x2b1: {  	[bflag:$0x0] =	sbarrier.arrive $0xFFFF  }
0x2b2: {  	p0 =	sne.s32 s0, $0x0;
	_ =	strace $0x90000047  }
0x2b3: {  	s0 =	sadd.s32 @!p0 $0x100000, s1;
	[bflag:$0x2] =	sbarrier.arrive $0xFFFF  }
0x2b4: {  	[sflag:s0] =	ssyncadd.tile.s32 @!p0 $0x1;
	_ =	shalt  }
.Lfunc_end2:
_tile_overlayer_lowered:
.L_overlay_start_2:
0x2b5: {  	(tag) =	ssettag $0x2  }
0x2b6: {  	s0 =	rddreg [dreg:$0x0];
	s2 =	stileid.u32  }
0x2b7: {  	s1 =	rddreg [dreg:$0x1];
	p0 =	sne.s32 s2, $0x0  }
0x2b8: {  	s3 =	rddreg [dreg:$0x2];
	[bflag:$0x3] =	sbarrier.arrive $0xFFFF;
	s2 =	simm.s32 @!p0 $0x1C01  }
0x2b9: {  	[timem:s3], [sflag:s2] =	dma.local @!p0 [hbm:s0], s1  }
0x2ba: {  	s0 =	simm.s32 @!p0 $0x1  }
0x2bb: {  	_ =	swait.ge @!p0 [sflag:s0], s1  }
0x2bc: {  	s1 =	ssub.s32 @!p0 $0x0, s1;
	[sflag:s0] =	ssyncset.done @!p0 $0x0  }
0x2bd: {  	[sflag:s0] =	ssyncadd.s32 @!p0 s1  }
0x2be: {  	[bflag:$0x3] =	sbarrier.arrive $0xFFFF  }
0x2bf: {  	_ =	shalt  }

// kernel: kernel.16.cloned.1.call-start
scs
__scs_entry_jumppad:
0x0: {  	(pc) =	sbr.rel $0x88, $3  }
0x1: {  	(tag) =	ssettag $0x0;
	lr =	simm.s32 $0x1  }
0x2: {  	[smem:$0x3F95] =	sst lr;
	_ =	strace $0xD0000000  }
0x3: {  	_ = 	snop  }
0x4: {  	_ = 	snop  }
0x5: {  	_ = 	snop  }
0x6: {  	_ = 	snop  }
0x7: {  	_ = 	snop  }
__scs_overlays_trampoline_lowered:
0x8: {  	[smem:$0x3FA4] =	sst s0  }
0x9: {  	[smem:$0x3FA5] =	sst s1  }
0xa: {  	[smem:$0x3FA6] =	sst s2  }
0xb: {  	[smem:$0x3FA7] =	sst s3  }
0xc: {  	[smem:$0x3FA8] =	sst s4  }
0xd: {  	[smem:$0x3FA9] =	sst s5  }
0xe: {  	[smem:$0x3FAA] =	sst s6  }
0xf: {  	[smem:$0x3FAB] =	sst s7  }
0x10: {  	[smem:$0x3FAC] =	sst s8  }
0x11: {  	[smem:$0x3FAD] =	sst s9;
	s0 =	simm.s32 @!p0 $0x0  }
0x12: {  	s1 =	sld [smem:$0x3F93];
	s0 =	simm.s32 @p0 $0x1  }
0x13: {  	[smem:$0x3FAE] =	sst s0;
	s0 =	simm.s32 @!p1 $0x0  }
0x14: {  	s2 =	sld [smem:$0x3F92];
	s0 =	simm.s32 @p1 $0x1  }
0x15: {  	[smem:$0x3FAF] =	sst s0;
	s0 =	simm.s32 @!p2 $0x0  }
0x16: {  	s3 =	sld [smem:$0x3FDB];
	s0 =	simm.s32 @p2 $0x1  }
0x17: {  	s4 =	simm.s32 $0x1BF5;
	[smem:$0x3FB1] =	sst s0  }
0x18: {  	s0 =	sld [smem:$0x3F94];
	_ =	swait.ge [sflag:s4], $0x0  }
0x19: {  	s7 =	sld [smem:$0x3F95]  }
0x1a: {  	s8 =	sadd.s32 $0xFFFFE003, lr  }
0x1b: {  	s9 =	sadd.s32 $0xFFFFFEF7, lr;
	s5 =	simm.s32 $0xFFFFFFFF;
	p2 =	slt.u32 s8, $0xFFFFF086  }
0x1c: {  	p1 =	slt.u32 s9, $0xF7A;
	s5 =	simm.s32 @!p2 $0x0  }
0x1d: {  	s5 =	simm.s32 @p1 $0x1;
	p0 =	seq.s32 s7, s2  }
0x1e: {  	s7 =	smul.u32 @!p0 $0xF7A, s2;
	p2 =	seq.s32 @!p0 s5, $0x0  }
0x1f: {  	s9 =	smul.u32 $0xF7A, s1;
	s8 =	simm.s32 @!p0 $0x1BF5;
	p2 =	por !p2, p0  }
0x20: {  	[sflag:s8] =	ssyncset.s32 @!p0 $0xFFFFF086;
	s6 =	sadd.s32 @!p0 s3, s7;
	s7 =	simm.s32 @!p0 $0x108  }
0x21: {  	s3 =	sadd.s32 s3, s9;
	s6 =	sadd.s32 @!p0 $0x88, s6;
	s7 =	simm.s32 @p2 $0x1082  }
0x22: {  	[simem:s7], [sflag:s8] =	dma.local @!p0 [hbm:s6], $0xF7A  }
0x23: {  	s9 =	sor.u32 $0xD0000000, s2;
	s6 =	simm.s32 $0x108;
	_ =	swait.ge @!p0 [sflag:s8], $0x0  }
0x24: {  	s3 =	sadd.s32 $0x88, s3;
	s6 =	simm.s32 @!p1 $0x1082;
	[sflag:s4] =	ssyncset.s32 $0xFFFFF086  }
0x25: {  	[simem:s6], [sflag:s4] =	dma.local [hbm:s3], $0xF7A  }
0x26: {  	[smem:$0x3F95] =	sst s1;
	(tag) =	ssettag s2;
	_ =	strace s9  }
0x27: {  	s1 =	sld [smem:$0x3FA5]  }
0x28: {  	s2 =	sld [smem:$0x3FA6]  }
0x29: {  	s4 =	sld [smem:$0x3FA8]  }
0x2a: {  	p0 =	seq.s32 s5, $0x0;
	s5 =	sld [smem:$0x3FA9]  }
0x2b: {  	s6 =	sld [smem:$0x3FAA]  }
0x2c: {  	s7 =	sld [smem:$0x3FAB]  }
0x2d: {  	s3 =	simm.s32 $0x108;
	s8 =	sld [smem:$0x3FAC]  }
0x2e: {  	s3 =	simm.s32 @!p0 $0x1082;
	s9 =	sld [smem:$0x3FAD]  }
0x2f: {  	lr =	sadd.s32 s0, s3;
	s0 =	sld [smem:$0x3FA4]  }
0x30: {  	s3 =	sld [smem:$0x3FA7]  }
0x31: {  	[smem:$0x3FB0] =	sst s10  }
0x32: {  	s10 =	sld [smem:$0x3FAE];
	_ =	sdelay $0x3  }
0x33: {  	p0 =	seq.s32 s10, $0x1;
	s10 =	sld [smem:$0x3FB0];
	_ =	sdelay $0x3  }
0x34: {  	[smem:$0x3FB0] =	sst s10  }
0x35: {  	s10 =	sld [smem:$0x3FAF];
	_ =	sdelay $0x3  }
0x36: {  	p1 =	seq.s32 s10, $0x1;
	s10 =	sld [smem:$0x3FB0];
	_ =	sdelay $0x3  }
0x37: {  	[smem:$0x3FB0] =	sst s10  }
0x38: {  	s10 =	sld [smem:$0x3FB1]  }
0x39: {  	_ = 	snop;
	(pc) =	sbr.ind lr, $3  }
0x3a: {  	_ = 	snop  }
0x3b: {  	_ = 	snop  }
0x3c: {  	p2 =	seq.s32 s10, $0x1;
	s10 =	sld [smem:$0x3FB0]  }
0x3d: {  	_ =	shalt  }
0x3e: {  	_ =	shalt  }
0x3f: {  	_ =	shalt  }
0x40: {  	_ =	shalt  }
0x41: {  	_ =	shalt  }
0x42: {  	_ =	shalt  }
0x43: {  	_ =	shalt  }
0x44: {  	_ =	shalt  }
0x45: {  	_ =	shalt  }
0x46: {  	_ =	shalt  }
0x47: {  	_ =	shalt  }
0x48: {  	_ =	shalt  }
0x49: {  	_ =	shalt  }
0x4a: {  	_ =	shalt  }
0x4b: {  	_ =	shalt  }
0x4c: {  	_ =	shalt  }
0x4d: {  	_ =	shalt  }
0x4e: {  	_ =	shalt  }
0x4f: {  	_ =	shalt  }
0x50: {  	_ =	shalt  }
0x51: {  	_ =	shalt  }
0x52: {  	_ =	shalt  }
0x53: {  	_ =	shalt  }
0x54: {  	_ =	shalt  }
0x55: {  	_ =	shalt  }
0x56: {  	_ =	shalt  }
0x57: {  	_ =	shalt  }
0x58: {  	_ =	shalt  }
0x59: {  	_ =	shalt  }
0x5a: {  	_ =	shalt  }
0x5b: {  	_ =	shalt  }
0x5c: {  	_ =	shalt  }
0x5d: {  	_ =	shalt  }
0x5e: {  	_ =	shalt  }
0x5f: {  	_ =	shalt  }
0x60: {  	_ =	shalt  }
0x61: {  	_ =	shalt  }
0x62: {  	_ =	shalt  }
0x63: {  	_ =	shalt  }
0x64: {  	_ =	shalt  }
0x65: {  	_ =	shalt  }
0x66: {  	_ =	shalt  }
0x67: {  	_ =	shalt  }
0x68: {  	_ =	shalt  }
0x69: {  	_ =	shalt  }
0x6a: {  	_ =	shalt  }
0x6b: {  	_ =	shalt  }
0x6c: {  	_ =	shalt  }
0x6d: {  	_ =	shalt  }
0x6e: {  	_ =	shalt  }
0x6f: {  	_ =	shalt  }
0x70: {  	_ =	shalt  }
0x71: {  	_ =	shalt  }
0x72: {  	_ =	shalt  }
0x73: {  	_ =	shalt  }
0x74: {  	_ =	shalt  }
0x75: {  	_ =	shalt  }
0x76: {  	_ =	shalt  }
0x77: {  	_ =	shalt  }
0x78: {  	_ =	shalt  }
0x79: {  	_ =	shalt  }
0x7a: {  	_ =	shalt  }
0x7b: {  	_ =	shalt  }
0x7c: {  	_ =	shalt  }
0x7d: {  	_ =	shalt  }
0x7e: {  	_ =	shalt  }
0x7f: {  	_ =	shalt  }
0x80: {  	_ =	shalt  }
0x81: {  	_ =	shalt  }
0x82: {  	_ =	shalt  }
0x83: {  	_ =	shalt  }
0x84: {  	_ =	shalt  }
0x85: {  	_ =	shalt  }
0x86: {  	_ =	shalt  }
0x87: {  	_ =	shalt  }
.Lfunc_end0:
.L_simem_size_0:
called_computation.1_lowered:
.L_overlay_start_0:
0x88: {  	s2 =	sld [smem:$0x3FD9]  }
0x89: {  	s3 =	sld [smem:$0x3FFE];
	_ =	sdelay $0x1  }
0x8a: {  	s1 =	srdreg.scid  }
0x8b: {  	s0 =	sand.u32 $0x1, s1  }
0x8c: {  	s16 =	sshll.u32 s0, $0xA;
	s2 =	sadd.s32 s3, s2  }
0x8d: {  	s2 =	sadd.s32 s2, s16  }
0x8e: {  	[smem:$0x3FBC] =	sst s2  }
0x8f: {  	_ = 	snop  }
0x90: {  	(tm) =	ssettm $0x1  }
0x91: {  	s17 =	sld [smem:$0x3FFB];
	_ =	sdelay $0x3  }
0x92: {  	_ =	strace s17  }
0x93: {  	s2 =	sld [smem:$0x3FFC];
	_ =	sdelay $0x3  }
0x94: {  	_ =	strace s2  }
0x95: {  	s2 =	sld [smem:$0x3FFD];
	_ =	sdelay $0x3  }
0x96: {  	_ =	strace s2  }
0x97: {  	_ =	strace $0x8FFFFFFF  }
0x98: {  	s18 =	sld [smem:$0x3FDB];
	_ =	sdelay $0x1  }
0x99: {  	s19 =	simm.s32 $_scs_section_size  }
0x9a: {  	s4 =	simm.s32 $_size__tile_overlayer_lowered;
	s5 =	simm.s32 $_tile_overlayer_lowered  }
0x9b: {  	s22 =	simm.s32 $0x1BFF;
	s21 =	sshll.u32 s5, $0x1;
	s2 =	sadd.s32 s19, s18  }
0x9c: {  	s6 =	simm.s32 $0x0;
	s20 =	sshll.u32 s4, $0x1;
	s4 =	sadd.s32 s21, s2  }
0x9d: {  	[timem:s6], [sflag:s22] =	dma.local [hbm:s4], s20  }
0x9e: {  	_ =	swait.ge [sflag:s22], s20  }
0x9f: {  	s3 =	ssub.s32 $0x0, s20;
	[sflag:s22] =	ssyncset.done $0x0  }
0xa0: {  	[sflag:s22] =	ssyncadd.s32 s3;
	_ =	sdelay $0x1  }
0xa1: {  	s23 =	simm.s32 $0x1B8B  }
0xa2: {  	_ =	swait.ge [sflag:s23], $0x1  }
0xa3: {  	[sflag:s23] =	ssyncset.done $0x0  }
0xa4: {  	s25 =	simm.s32 $0x1B8E;
	s24 =	sld [smem:$0x3FFE];
	[sflag:s23] =	ssyncadd.s32 $0xFFFFFFFF  }
0xa5: {  	s26 =	simm.s32 $execute0_lowered;
	[smem:$0x3FD2] =	sst s25  }
0xa6: {  	s4 =	sshll.u32 s26, $0x1;
	_ =	strace $0x80000049;
	[dreg:$0x1] =	wrdreg $0xFFFFFFFF  }
0xa7: {  	s28 =	simm.s32 $_size_execute0_lowered;
	s2 =	sadd.s32 s2, s4;
	[dreg:$0x0] =	wrdreg $0x0  }
0xa8: {  	s4 =	sshll.u32 s28, $0x1;
	[dreg:$0x2] =	wrdreg s2  }
0xa9: {  	[dreg:$0x3] =	wrdreg s4  }
0xaa: {  	[dreg:$0x4] =	wrdreg $0xC0  }
0xab: {  	_ =	task [dreg:s6], $0x5FFFF  }
0xac: {  	[dreg:$0x1] =	wrdreg $0xFFFFFFFF  }
0xad: {  	[dreg:$0x0] =	wrdreg $0x60  }
0xae: {  	[dreg:$0x2] =	wrdreg s24  }
0xaf: {  	[dreg:$0x3] =	wrdreg $0x150000  }
0xb0: {  	[dreg:$0x4] =	wrdreg $0x9  }
0xb1: {  	_ =	task.clear_ibuf [dreg:s6], $0x5FFFF;
	_ =	strace $0x90000049  }
0xb2: {  	s29 =	simm.s32 $0x9;
	_ =	strace $0x8000004B  }
0xb3: {  	_ =	swait.ge [sflag:s29], $0x1  }
0xb4: {  	[sflag:s29] =	ssyncadd.s32 $0xFFFFFFFF  }
0xb5: {  	_ =	strace $0x9000004B  }
0xb6: {  	_ =	sfence  }
0xb7: {  	s30 =	sld [smem:$0x0];
	_ =	sdelay $0x2  }
0xb8: {  	s31 =	sshll.u32 s1, $0xD;
	s1 =	sshrl.u32 s1, $0x2  }
0xb9: {  	s3 =	sand.u32 $0x4000, s31;
	s1 =	sadd.s32 s1, s30  }
0xba: {  	s0 =	sor.u32 s3, s0;
	s1 =	sshll.u32 s1, $0x11  }
0xbb: {  	s0 =	sor.u32 s1, s0  }
0xbc: {  	s0 =	sadd.s32 $0x8F2B, s0  }
0xbd: {  	[sflag:s0] =	ssyncadd.remote.s32 $0x1  }
0xbe: {  	_ =	sfence.sel $0xFFFF  }
0xbf: {  	[dreg:$0x0] =	wrdreg $0xFFFFFFFF;
	(pc) =	sbr.abs _section_cstart, $3  }
0xc0: {  	[dreg:$0x1] =	wrdreg $0xFFFFFFFF  }
0xc1: {  	_ =	task.clear_ibuf [dreg:s6], $0x2FFFF;
	_ =	strace $0x9FFFFFFF  }
0xc2: {  	(tm) =	ssettm $0x7FFFFFFF  }
0xc3: {  	_ =	shalt  }
tec
execute0_lowered:
.L_overlay_start_1:
0x0: {  	(tag) =	ssettag $0x1  }
0x1: {  	s5 =	rddreg [dreg:$0x0]  }
0x2: {  	s2 =	rddreg [dreg:$0x1]  }
0x3: {  	s0 =	rddreg [dreg:$0x2]  }
0x4: {  	s1 =	stileid.u32;
	s4 =	srdreg.scid  }
0x5: {  	s3 =	simm.s32 $0x0;
	s14 =	simm.s32 $0x50;
	s15 =	simm.s32 $0x10000  }
0x6: {  	s16 =	simm.s32 $0x1;
	s17 =	simm.s32 $0x12800;
	s18 =	simm.s32 $0x7C80  }
0x7: {  	s20 =	simm.s32 $0xFC80;
	s21 =	simm.s32 $0x0;
	s6 =	smul.u32 $0xA000, s1  }
0x8: {  	s9 =	sand.u32 $0x1, s4;
	[smem:$0x7FF] =	sst s3;
	s7 =	sshll.u32 s1, $0xC  }
0x9: {  	s4 =	sadd.s32 $0x34800, s5;
	s28 =	smul.u32 $0x28000, s1;
	s31 =	sshll.u32 s1, $0x6  }
0xa: {  	s8 =	smul.u32 $0xA0000, s9;
	_ =	strace $0x8000004A;
	s10 =	sadd.s32 s7, s5  }
0xb: {  	s11 =	ssub.s32 $0x2, s9;
	s19 =	smul.u32 $0x1388, s9;
	s26 =	sshrl.u32 s6, $0x3  }
0xc: {  	s29 =	sshrl.u32 s11, $0x1;
	s30 =	sshrl.u32 s28, $0x2;
	s6 =	sadd.s32 s6, s8  }
0xd: {  	s7 =	sadd.s32 s26, s5;
	s11 =	ssub.s32 s11, s29;
	s13 =	sadd.s32 s30, s2  }
0xe: {  	s8 =	sadd.s32 $0x14800, s10;
	v0 =	vmov s19;
	s19 =	simm.s32 $0xFC00;
	s6 =	sshrl.u32 s6, $0x3  }
0xf: {  	s12 =	sadd.s32 s6, s5;
	s5 =	sadd.s32 $0x5BA00, s7;
	s6 =	sor.u32 $0x1C02, s31  }
0x10: {  	s7 =	sadd.s32 $0x24800, s10;
	s10 =	smax.u32 s11, $0x1;
	s11 =	sshrl.u32 s13, $0x3  }
0x11: {  	s13 =	simm.s32 $0x8000;
	s9 =	sadd.s32 $0x6FA00, s12;
	s12 =	simm.s32 $0x2  }
.LBB2_1:
0x12: {  	[spmem:s11], [sflag:s6] =	dma.local [hbm:s5], $0x1400  }
0x13: {  	_ =	swait.ge [sflag:s12], $0x1400  }
0x14: {  	[sflag:s12] =	ssyncset.done $0x0  }
0x15: {  	[sflag:s12] =	ssyncadd.s32 $0xFFFFEC00  }
0x16: {  	[tilespmem:s3], [sflag:$0x2] =	stream.linear.gather [hbm4b:s7+s3], $0x7D00, $0x38;
	[tilespmem:$0x1F000] =	vst v63  }
0x17: {  	_ =	swait.ge [sflag:s12], $0x7D00  }
0x18: {  	[sflag:s12] =	ssyncset.done $0x0  }
0x19: {  	[sflag:s12] =	ssyncadd.s32 $0xFFFF8300  }
0x1a: {  	[tilespmem:s13], [sflag:$0x2] =	stream.linear.gather [hbm4b:s8+s3], $0x7D00, $0x38;
	[tilespmem:$0x1F000] =	vst v63  }
0x1b: {  	_ =	swait.ge [sflag:s12], $0x7D00  }
0x1c: {  	[sflag:s12] =	ssyncset.done $0x0  }
0x1d: {  	s23 =	simm.s32 $0x0;
	[sflag:s12] =	ssyncadd.s32 $0xFFFF8300  }
0x1e: {  	v1 =	vld [tilespmem:s23+$0x8030]  }
0x1f: {  	v3 =	vld [tilespmem:s23+$0x8020]  }
0x20: {  	v2 =	vld [tilespmem:s23+$0x8000];
	_ =	sdelay $0x2  }
0x21: {  	v5 =	vld [tilespmem:s23+$0x8010];
	v4 =	vsub.s32 v1, v0;
	v1 =	vand.u32 $0x3F, v1  }
0x22: {  	v7 =	vand.u32 $0x3F, v3;
	vm0 =	vlt.u32 v4, $0x1388;
	v1 =	vadd.s32 $0x1388, v1  }
0x23: {  	v1 =	vsel vm0, v4, v1;
	v4 =	vsub.s32 v2, v0;
	v2 =	vand.u32 $0x3F, v2  }
0x24: {  	s22 =	simm.s32 $0x80;
	v6 =	vld [tilespmem:s23+$0x8040];
	[tilespmem:s23+$0x8030] =	vst v1;
	vm13 =	vlt.u32 v4, $0x1388;
	v1 =	vadd.s32 $0x1388, v2;
	v2 =	vsub.s32 v3, v0  }
0x25: {  	v3 =	vld [tilespmem:s22+$0x8030];
	v1 =	vsel vm13, v4, v1;
	vm14 =	vlt.u32 v2, $0x1388;
	v4 =	vadd.s32 $0x1388, v7  }
0x26: {  	v7 =	vsub.s32 v5, v0;
	[tilespmem:s23+$0x8000] =	vst v1;
	v1 =	vand.u32 $0x3F, v5;
	v4 =	vsel vm14, v2, v4  }
0x27: {  	vm15 =	vlt.u32 v7, $0x1388;
	v2 =	vld [tilespmem:s22+$0x8000];
	v5 =	vadd.s32 $0x1388, v1;
	[tilespmem:s23+$0x8020] =	vst v4  }
0x28: {  	v1 =	vld [tilespmem:s22+$0x8020];
	v4 =	vsel vm15, v7, v5  }
0x29: {  	s24 =	simm.s32 $0x400;
	v5 =	vand.u32 $0x3F, v6;
	[tilespmem:s23+$0x8010] =	vst v4;
	v4 =	vsub.s32 v6, v0  }
.LBB2_2:
0x2a: {  	s25 =	sshra.s32 s24, $0x2;
	p0 =	sne.s32 s24, $0x1F200;
	s24 =	sadd.s32 $0x200, s24;
	v6 =	vsub.s32 v3, v0;
	v3 =	vand.u32 $0x3F, v3;
	v5 =	vadd.s32 $0x1388, v5  }
0x2b: {  	vm1 =	vlt.u32 v4, $0x1388;
	v7 =	vld [tilespmem:s22+$0x8010];
	vm0 =	vlt.u32 v6, $0x1388;
	v3 =	vadd.s32 $0x1388, v3  }
0x2c: {  	v4 =	vsel vm1, v4, v5;
	v8 =	vsub.s32 v2, v0;
	v3 =	vsel vm0, v6, v3  }
0x2d: {  	v2 =	vand.u32 $0x3F, v2;
	vm0 =	vlt.u32 v8, $0x1388;
	v5 =	vsub.s32 v1, v0;
	[tilespmem:s23+$0x8040] =	vst v4;
	s23 =	smov.u32 s22;
	s22 =	smov.u32 s25  }
0x2e: {  	v2 =	vadd.s32 $0x1388, v2;
	v1 =	vand.u32 $0x3F, v1;
	vm1 =	vlt.u32 v5, $0x1388;
	[tilespmem:s23+$0x8030] =	vst v3;
	v6 =	vld [tilespmem:s23+$0x8040]  }
.Ltmp0:
0x2f: {  	v2 =	vsel vm0, v8, v2;
	v1 =	vadd.s32 $0x1388, v1;
	v3 =	vld [tilespmem:s22+$0x8030];
	(pc) =	sbr.rel @p0 .LBB2_2-.Ltmp0, $4  }
0x30: {  	v1 =	vsel vm1, v5, v1;
	[tilespmem:s23+$0x8000] =	vst v2;
	v4 =	vsub.s32 v7, v0;
	v7 =	vand.u32 $0x3F, v7  }
0x31: {  	v2 =	vld [tilespmem:s22+$0x8000];
	vm0 =	vlt.u32 v4, $0x1388;
	v5 =	vadd.s32 $0x1388, v7;
	[tilespmem:s23+$0x8020] =	vst v1  }
0x32: {  	v1 =	vld [tilespmem:s22+$0x8020];
	v4 =	vsel vm0, v4, v5  }
0x33: {  	[tilespmem:s23+$0x8010] =	vst v4;
	v4 =	vsub.s32 v6, v0;
	v5 =	vand.u32 $0x3F, v6  }
0x34: {  	v6 =	vsub.s32 v3, v0  }
0x35: {  	v3 =	vand.u32 $0x3F, v3;
	v5 =	vadd.s32 $0x1388, v5;
	vm0 =	vlt.u32 v4, $0x1388  }
0x36: {  	v7 =	vld [tilespmem:s22+$0x8010];
	vm1 =	vlt.u32 v6, $0x1388;
	v3 =	vadd.s32 $0x1388, v3;
	v4 =	vsel vm0, v4, v5  }
0x37: {  	v3 =	vsel vm1, v6, v3;
	[tilespmem:s23+$0x8040] =	vst v4  }
0x38: {  	[tilespmem:s22+$0x8030] =	vst v3;
	v3 =	vsub.s32 v2, v0;
	v4 =	vld [tilespmem:s22+$0x8040]  }
0x39: {  	v2 =	vand.u32 $0x3F, v2;
	v61 =	vsub.s32 v1, v0;
	v1 =	vand.u32 $0x3F, v1  }
0x3a: {  	vm12 =	vlt.u32 v3, $0x1388;
	v2 =	vadd.s32 $0x1388, v2;
	vm13 =	vlt.u32 v61, $0x1388  }
0x3b: {  	v1 =	vadd.s32 $0x1388, v1;
	v2 =	vsel vm12, v3, v2;
	v3 =	vsub.s32 v7, v0  }
0x3c: {  	v62 =	vand.u32 $0x3F, v7;
	v1 =	vsel vm13, v61, v1;
	vm14 =	vlt.u32 v3, $0x1388  }
0x3d: {  	[tilespmem:s22+$0x8000] =	vst v2;
	v2 =	vadd.s32 $0x1388, v62;
	v63 =	vsub.s32 v4, v0;
	v4 =	vand.u32 $0x3F, v4  }
0x3e: {  	[tilespmem:s22+$0x8020] =	vst v1;
	v1 =	vsel vm14, v3, v2;
	v2 =	vadd.s32 $0x1388, v4;
	vm15 =	vlt.u32 v63, $0x1388  }
0x3f: {  	[tilespmem:s22+$0x8010] =	vst v1;
	v1 =	vsel vm15, v63, v2  }
0x40: {  	[tilespmem:s22+$0x8040] =	vst v1  }
0x41: {  	s26 =	simm.s32 $0x0;
	[bflag:$0x0] =	sbarrier.arrive $0xFFFF  }
0x42: {  	[tilespmem:s15], [sflag:$0x1] =	stream.indirect.gather [hbm4b:s4+s14], $0x80, s26, s14, $0xb8;
	[tilespmem:$0x1F000] =	vst v63  }
0x43: {  	_ =	swait.ge [sflag:s16], $0x2800  }
0x44: {  	[sflag:s16] =	ssyncset.done $0x0  }
0x45: {  	s28 =	simm.s32 $0x80;
	[sflag:s16] =	ssyncadd.s32 $0xFFFFD800  }
0x46: {  	[tilespmem:s17], [sflag:$0x1] =	stream.indirect.gather [hbm4b:s4+s14], $0x80, s28, s14, $0xb8;
	[tilespmem:$0x1F000] =	vst v63  }
0x47: {  	s29 =	simm.s32 $0x8000  }
0x48: {  	[spmem:s2] =	stream.indirect.scatter.add.f32 [tilespmem:s15], [sflag:$0x2], $0x80, s29, s14, $0xb8;
	[tilespmem:$0x1F000] =	vst v63  }
0x49: {  	_ =	swait.ge [sflag:s12], $0x2800  }
0x4a: {  	[sflag:s12] =	ssyncset.done $0x0  }
0x4b: {  	[sflag:s12] =	ssyncadd.s32 $0xFFFFD800  }
0x4c: {  	_ =	swait.ge [sflag:s16], $0x2800  }
0x4d: {  	[sflag:s16] =	ssyncset.done $0x0  }
0x4e: {  	s30 =	simm.s32 $0x100;
	[sflag:s16] =	ssyncadd.s32 $0xFFFFD800  }
0x4f: {  	[tilespmem:s15], [sflag:$0x1] =	stream.indirect.gather [hbm4b:s4+s14], $0x80, s30, s14, $0xb8;
	[tilespmem:$0x1F000] =	vst v63  }
0x50: {  	s31 =	simm.s32 $0x8080  }
0x51: {  	[spmem:s2] =	stream.indirect.scatter.add.f32 [tilespmem:s17], [sflag:$0x2], $0x80, s31, s14, $0xb8;
	[tilespmem:$0x1F000] =	vst v63  }
0x52: {  	_ =	swait.ge [sflag:s12], $0x2800  }
0x53: {  	s22 =	simm.s32 $0x400;
	[sflag:s12] =	ssyncset.done $0x0  }
.LBB2_4:
0x54: {  	p0 =	sne.s32 s22, $0x1EC00  }
0x55: {  	[sflag:s12] =	ssyncadd.s32 $0xFFFFD800;
	s23 =	smov.u32 s22;
	s22 =	sadd.s32 $0x400, s22  }
0x56: {  	_ = 	snop  }
0x57: {  	_ =	swait.ge [sflag:s16], $0x2800  }
0x58: {  	s23 =	sshra.s32 s23, $0x2;
	[sflag:s16] =	ssyncset.done $0x0  }
0x59: {  	s24 =	sadd.s32 $0x80, s23;
	[sflag:s16] =	ssyncadd.s32 $0xFFFFD800  }
0x5a: {  	[tilespmem:s17], [sflag:$0x1] =	stream.indirect.gather [hbm4b:s4+s14], $0x80, s24, s14, $0xb8;
	[tilespmem:$0x1F000] =	vst v63  }
0x5b: {  	s24 =	sadd.s32 $0x8000, s23  }
0x5c: {  	[spmem:s2] =	stream.indirect.scatter.add.f32 [tilespmem:s15], [sflag:$0x2], $0x80, s24, s14, $0xb8;
	[tilespmem:$0x1F000] =	vst v63  }
0x5d: {  	_ =	swait.ge [sflag:s12], $0x2800  }
0x5e: {  	[sflag:s12] =	ssyncset.done $0x0  }
0x5f: {  	[sflag:s12] =	ssyncadd.s32 $0xFFFFD800  }
0x60: {  	_ =	swait.ge [sflag:s16], $0x2800  }
0x61: {  	[sflag:s16] =	ssyncset.done $0x0  }
0x62: {  	s24 =	sadd.s32 $0x100, s23;
	[sflag:s16] =	ssyncadd.s32 $0xFFFFD800  }
0x63: {  	[tilespmem:s15], [sflag:$0x1] =	stream.indirect.gather [hbm4b:s4+s14], $0x80, s24, s14, $0xb8;
	[tilespmem:$0x1F000] =	vst v63  }
.Ltmp1:
0x64: {  	_ = 	snop;
	(pc) =	sbr.rel @p0 .LBB2_4-.Ltmp1, $4  }
0x65: {  	s23 =	sadd.s32 $0x8080, s23  }
0x66: {  	[spmem:s2] =	stream.indirect.scatter.add.f32 [tilespmem:s17], [sflag:$0x2], $0x80, s23, s14, $0xb8;
	[tilespmem:$0x1F000] =	vst v63  }
0x67: {  	_ =	swait.ge [sflag:s12], $0x2800  }
0x68: {  	[sflag:s12] =	ssyncset.done $0x0  }
0x69: {  	[sflag:s12] =	ssyncadd.s32 $0xFFFFD800  }
0x6a: {  	_ =	swait.ge [sflag:s16], $0x2800  }
0x6b: {  	[sflag:s16] =	ssyncset.done $0x0  }
0x6c: {  	[sflag:s16] =	ssyncadd.s32 $0xFFFFD800  }
0x6d: {  	[tilespmem:s17], [sflag:$0x1] =	stream.indirect.gather [hbm4b:s4+s14], $0x80, s18, s14, $0xb8;
	[tilespmem:$0x1F000] =	vst v63  }
0x6e: {  	_ = 	snop  }
0x6f: {  	[spmem:s2] =	stream.indirect.scatter.add.f32 [tilespmem:s15], [sflag:$0x2], $0x80, s19, s14, $0xb8;
	[tilespmem:$0x1F000] =	vst v63  }
0x70: {  	_ =	swait.ge [sflag:s12], $0x2800  }
0x71: {  	[sflag:s12] =	ssyncset.done $0x0  }
0x72: {  	[sflag:s12] =	ssyncadd.s32 $0xFFFFD800  }
0x73: {  	_ =	swait.ge [sflag:s16], $0x2800  }
0x74: {  	[sflag:s16] =	ssyncset.done $0x0  }
0x75: {  	[sflag:s16] =	ssyncadd.s32 $0xFFFFD800  }
0x76: {  	[spmem:s2] =	stream.indirect.scatter.add.f32 [tilespmem:s17], [sflag:$0x2], $0x80, s20, s14, $0xb8;
	[tilespmem:$0x1F000] =	vst v63  }
0x77: {  	_ =	swait.ge [sflag:s12], $0x2800  }
0x78: {  	s21 =	sadd.s32 $0x1, s21;
	[sflag:s12] =	ssyncset.done $0x0  }
0x79: {  	p0 =	sne.s32 s21, s10;
	[sflag:s12] =	ssyncadd.s32 $0xFFFFD800  }
.Ltmp2:
0x7a: {  	[bflag:$0x0] =	sbarrier.arrive $0xFFFF;
	(pc) =	sbr.rel @p0 .LBB2_1-.Ltmp2, $4  }
0x7b: {  	[hbm:s9], [sflag:s6] =	dma.local [spmem:s11], $0x1400  }
0x7c: {  	_ =	swait.ge [sflag:s12], $0x1400  }
0x7d: {  	[sflag:s12] =	ssyncset.done $0x0  }
0x7e: {  	[sflag:s12] =	ssyncadd.s32 $0xFFFFEC00  }
0x7f: {  	_ =	sfence.sel $0x180000  }
0x80: {  	[bflag:$0x0] =	sbarrier.arrive $0xFFFF  }
0x81: {  	p0 =	sne.s32 s1, $0x0;
	_ =	strace $0x9000004A  }
0x82: {  	s0 =	sadd.s32 @!p0 $0x100000, s0;
	[bflag:$0x2] =	sbarrier.arrive $0xFFFF  }
0x83: {  	[sflag:s0] =	ssyncadd.tile.s32 @!p0 $0x1;
	_ =	shalt  }
.Lfunc_end2:
_tile_overlayer_lowered:
.L_overlay_start_2:
0x84: {  	(tag) =	ssettag $0x2  }
0x85: {  	s0 =	rddreg [dreg:$0x0];
	s2 =	stileid.u32  }
0x86: {  	s1 =	rddreg [dreg:$0x1];
	p0 =	sne.s32 s2, $0x0  }
0x87: {  	s3 =	rddreg [dreg:$0x2];
	[bflag:$0x3] =	sbarrier.arrive $0xFFFF;
	s2 =	simm.s32 @!p0 $0x1C02  }
0x88: {  	[timem:s3], [sflag:s2] =	dma.local @!p0 [hbm:s0], s1  }
0x89: {  	s0 =	simm.s32 @!p0 $0x2  }
0x8a: {  	_ =	swait.ge @!p0 [sflag:s0], s1  }
0x8b: {  	s1 =	ssub.s32 @!p0 $0x0, s1;
	[sflag:s0] =	ssyncset.done @!p0 $0x0  }
0x8c: {  	[sflag:s0] =	ssyncadd.s32 @!p0 s1  }
0x8d: {  	[bflag:$0x3] =	sbarrier.arrive $0xFFFF  }
0x8e: {  	_ =	shalt  }

// kernel: kernel.19.cloned.1.call-start
scs
__scs_entry_jumppad:
0x0: {  	(pc) =	sbr.rel $0x88, $3  }
0x1: {  	(tag) =	ssettag $0x0;
	lr =	simm.s32 $0x1  }
0x2: {  	[smem:$0x3F95] =	sst lr;
	_ =	strace $0xD0000000  }
0x3: {  	_ = 	snop  }
0x4: {  	_ = 	snop  }
0x5: {  	_ = 	snop  }
0x6: {  	_ = 	snop  }
0x7: {  	_ = 	snop  }
__scs_overlays_trampoline_lowered:
0x8: {  	[smem:$0x3FA4] =	sst s0  }
0x9: {  	[smem:$0x3FA5] =	sst s1  }
0xa: {  	[smem:$0x3FA6] =	sst s2  }
0xb: {  	[smem:$0x3FA7] =	sst s3  }
0xc: {  	[smem:$0x3FA8] =	sst s4  }
0xd: {  	[smem:$0x3FA9] =	sst s5  }
0xe: {  	[smem:$0x3FAA] =	sst s6  }
0xf: {  	[smem:$0x3FAB] =	sst s7  }
0x10: {  	[smem:$0x3FAC] =	sst s8  }
0x11: {  	[smem:$0x3FAD] =	sst s9;
	s0 =	simm.s32 @!p0 $0x0  }
0x12: {  	s1 =	sld [smem:$0x3F93];
	s0 =	simm.s32 @p0 $0x1  }
0x13: {  	[smem:$0x3FAE] =	sst s0;
	s0 =	simm.s32 @!p1 $0x0  }
0x14: {  	s2 =	sld [smem:$0x3F92];
	s0 =	simm.s32 @p1 $0x1  }
0x15: {  	[smem:$0x3FAF] =	sst s0;
	s0 =	simm.s32 @!p2 $0x0  }
0x16: {  	s3 =	sld [smem:$0x3FDB];
	s0 =	simm.s32 @p2 $0x1  }
0x17: {  	s4 =	simm.s32 $0x1BF5;
	[smem:$0x3FB1] =	sst s0  }
0x18: {  	s0 =	sld [smem:$0x3F94];
	_ =	swait.ge [sflag:s4], $0x0  }
0x19: {  	s7 =	sld [smem:$0x3F95]  }
0x1a: {  	s8 =	sadd.s32 $0xFFFFE003, lr  }
0x1b: {  	s9 =	sadd.s32 $0xFFFFFEF7, lr;
	s5 =	simm.s32 $0xFFFFFFFF;
	p2 =	slt.u32 s8, $0xFFFFF086  }
0x1c: {  	p1 =	slt.u32 s9, $0xF7A;
	s5 =	simm.s32 @!p2 $0x0  }
0x1d: {  	s5 =	simm.s32 @p1 $0x1;
	p0 =	seq.s32 s7, s2  }
0x1e: {  	s7 =	smul.u32 @!p0 $0xF7A, s2;
	p2 =	seq.s32 @!p0 s5, $0x0  }
0x1f: {  	s9 =	smul.u32 $0xF7A, s1;
	s8 =	simm.s32 @!p0 $0x1BF5;
	p2 =	por !p2, p0  }
0x20: {  	[sflag:s8] =	ssyncset.s32 @!p0 $0xFFFFF086;
	s6 =	sadd.s32 @!p0 s3, s7;
	s7 =	simm.s32 @!p0 $0x108  }
0x21: {  	s3 =	sadd.s32 s3, s9;
	s6 =	sadd.s32 @!p0 $0x88, s6;
	s7 =	simm.s32 @p2 $0x1082  }
0x22: {  	[simem:s7], [sflag:s8] =	dma.local @!p0 [hbm:s6], $0xF7A  }
0x23: {  	s9 =	sor.u32 $0xD0000000, s2;
	s6 =	simm.s32 $0x108;
	_ =	swait.ge @!p0 [sflag:s8], $0x0  }
0x24: {  	s3 =	sadd.s32 $0x88, s3;
	s6 =	simm.s32 @!p1 $0x1082;
	[sflag:s4] =	ssyncset.s32 $0xFFFFF086  }
0x25: {  	[simem:s6], [sflag:s4] =	dma.local [hbm:s3], $0xF7A  }
0x26: {  	[smem:$0x3F95] =	sst s1;
	(tag) =	ssettag s2;
	_ =	strace s9  }
0x27: {  	s1 =	sld [smem:$0x3FA5]  }
0x28: {  	s2 =	sld [smem:$0x3FA6]  }
0x29: {  	s4 =	sld [smem:$0x3FA8]  }
0x2a: {  	p0 =	seq.s32 s5, $0x0;
	s5 =	sld [smem:$0x3FA9]  }
0x2b: {  	s6 =	sld [smem:$0x3FAA]  }
0x2c: {  	s7 =	sld [smem:$0x3FAB]  }
0x2d: {  	s3 =	simm.s32 $0x108;
	s8 =	sld [smem:$0x3FAC]  }
0x2e: {  	s3 =	simm.s32 @!p0 $0x1082;
	s9 =	sld [smem:$0x3FAD]  }
0x2f: {  	lr =	sadd.s32 s0, s3;
	s0 =	sld [smem:$0x3FA4]  }
0x30: {  	s3 =	sld [smem:$0x3FA7]  }
0x31: {  	[smem:$0x3FB0] =	sst s10  }
0x32: {  	s10 =	sld [smem:$0x3FAE];
	_ =	sdelay $0x3  }
0x33: {  	p0 =	seq.s32 s10, $0x1;
	s10 =	sld [smem:$0x3FB0];
	_ =	sdelay $0x3  }
0x34: {  	[smem:$0x3FB0] =	sst s10  }
0x35: {  	s10 =	sld [smem:$0x3FAF];
	_ =	sdelay $0x3  }
0x36: {  	p1 =	seq.s32 s10, $0x1;
	s10 =	sld [smem:$0x3FB0];
	_ =	sdelay $0x3  }
0x37: {  	[smem:$0x3FB0] =	sst s10  }
0x38: {  	s10 =	sld [smem:$0x3FB1]  }
0x39: {  	_ = 	snop;
	(pc) =	sbr.ind lr, $3  }
0x3a: {  	_ = 	snop  }
0x3b: {  	_ = 	snop  }
0x3c: {  	p2 =	seq.s32 s10, $0x1;
	s10 =	sld [smem:$0x3FB0]  }
0x3d: {  	_ =	shalt  }
0x3e: {  	_ =	shalt  }
0x3f: {  	_ =	shalt  }
0x40: {  	_ =	shalt  }
0x41: {  	_ =	shalt  }
0x42: {  	_ =	shalt  }
0x43: {  	_ =	shalt  }
0x44: {  	_ =	shalt  }
0x45: {  	_ =	shalt  }
0x46: {  	_ =	shalt  }
0x47: {  	_ =	shalt  }
0x48: {  	_ =	shalt  }
0x49: {  	_ =	shalt  }
0x4a: {  	_ =	shalt  }
0x4b: {  	_ =	shalt  }
0x4c: {  	_ =	shalt  }
0x4d: {  	_ =	shalt  }
0x4e: {  	_ =	shalt  }
0x4f: {  	_ =	shalt  }
0x50: {  	_ =	shalt  }
0x51: {  	_ =	shalt  }
0x52: {  	_ =	shalt  }
0x53: {  	_ =	shalt  }
0x54: {  	_ =	shalt  }
0x55: {  	_ =	shalt  }
0x56: {  	_ =	shalt  }
0x57: {  	_ =	shalt  }
0x58: {  	_ =	shalt  }
0x59: {  	_ =	shalt  }
0x5a: {  	_ =	shalt  }
0x5b: {  	_ =	shalt  }
0x5c: {  	_ =	shalt  }
0x5d: {  	_ =	shalt  }
0x5e: {  	_ =	shalt  }
0x5f: {  	_ =	shalt  }
0x60: {  	_ =	shalt  }
0x61: {  	_ =	shalt  }
0x62: {  	_ =	shalt  }
0x63: {  	_ =	shalt  }
0x64: {  	_ =	shalt  }
0x65: {  	_ =	shalt  }
0x66: {  	_ =	shalt  }
0x67: {  	_ =	shalt  }
0x68: {  	_ =	shalt  }
0x69: {  	_ =	shalt  }
0x6a: {  	_ =	shalt  }
0x6b: {  	_ =	shalt  }
0x6c: {  	_ =	shalt  }
0x6d: {  	_ =	shalt  }
0x6e: {  	_ =	shalt  }
0x6f: {  	_ =	shalt  }
0x70: {  	_ =	shalt  }
0x71: {  	_ =	shalt  }
0x72: {  	_ =	shalt  }
0x73: {  	_ =	shalt  }
0x74: {  	_ =	shalt  }
0x75: {  	_ =	shalt  }
0x76: {  	_ =	shalt  }
0x77: {  	_ =	shalt  }
0x78: {  	_ =	shalt  }
0x79: {  	_ =	shalt  }
0x7a: {  	_ =	shalt  }
0x7b: {  	_ =	shalt  }
0x7c: {  	_ =	shalt  }
0x7d: {  	_ =	shalt  }
0x7e: {  	_ =	shalt  }
0x7f: {  	_ =	shalt  }
0x80: {  	_ =	shalt  }
0x81: {  	_ =	shalt  }
0x82: {  	_ =	shalt  }
0x83: {  	_ =	shalt  }
0x84: {  	_ =	shalt  }
0x85: {  	_ =	shalt  }
0x86: {  	_ =	shalt  }
0x87: {  	_ =	shalt  }
.Lfunc_end0:
.L_simem_size_0:
called_computation.2_lowered:
.L_overlay_start_0:
0x88: {  	s2 =	sld [smem:$0x3FD9]  }
0x89: {  	s3 =	sld [smem:$0x3FFE];
	_ =	sdelay $0x1  }
0x8a: {  	s1 =	srdreg.scid  }
0x8b: {  	s0 =	sand.u32 $0x1, s1  }
0x8c: {  	s16 =	sshll.u32 s0, $0xA;
	s2 =	sadd.s32 s3, s2  }
0x8d: {  	s2 =	sadd.s32 s2, s16  }
0x8e: {  	[smem:$0x3FBC] =	sst s2  }
0x8f: {  	_ = 	snop  }
0x90: {  	(tm) =	ssettm $0x1  }
0x91: {  	s17 =	sld [smem:$0x3FFB];
	_ =	sdelay $0x3  }
0x92: {  	_ =	strace s17  }
0x93: {  	s2 =	sld [smem:$0x3FFC];
	_ =	sdelay $0x3  }
0x94: {  	_ =	strace s2  }
0x95: {  	s2 =	sld [smem:$0x3FFD];
	_ =	sdelay $0x3  }
0x96: {  	_ =	strace s2  }
0x97: {  	_ =	strace $0x8FFFFFFF  }
0x98: {  	s18 =	sld [smem:$0x3FDB];
	_ =	sdelay $0x1  }
0x99: {  	s19 =	simm.s32 $_scs_section_size  }
0x9a: {  	s4 =	simm.s32 $_size__tile_overlayer_lowered;
	s5 =	simm.s32 $_tile_overlayer_lowered  }
0x9b: {  	s22 =	simm.s32 $0x1BFF;
	s21 =	sshll.u32 s5, $0x1;
	s2 =	sadd.s32 s19, s18  }
0x9c: {  	s6 =	simm.s32 $0x0;
	s20 =	sshll.u32 s4, $0x1;
	s4 =	sadd.s32 s21, s2  }
0x9d: {  	[timem:s6], [sflag:s22] =	dma.local [hbm:s4], s20  }
0x9e: {  	_ =	swait.ge [sflag:s22], s20  }
0x9f: {  	s3 =	ssub.s32 $0x0, s20;
	[sflag:s22] =	ssyncset.done $0x0  }
0xa0: {  	[sflag:s22] =	ssyncadd.s32 s3;
	_ =	sdelay $0x1  }
0xa1: {  	s23 =	simm.s32 $0x1B8B  }
0xa2: {  	_ =	swait.ge [sflag:s23], $0x1  }
0xa3: {  	[sflag:s23] =	ssyncset.done $0x0  }
0xa4: {  	s25 =	simm.s32 $0x1B8E;
	s24 =	sld [smem:$0x3FFE];
	[sflag:s23] =	ssyncadd.s32 $0xFFFFFFFF  }
0xa5: {  	s26 =	simm.s32 $execute0_lowered;
	[smem:$0x3FD2] =	sst s25  }
0xa6: {  	s4 =	sshll.u32 s26, $0x1;
	_ =	strace $0x8000004C;
	[dreg:$0x1] =	wrdreg $0xFFFFFFFF  }
0xa7: {  	s28 =	simm.s32 $_size_execute0_lowered;
	s2 =	sadd.s32 s2, s4;
	[dreg:$0x0] =	wrdreg $0x0  }
0xa8: {  	s4 =	sshll.u32 s28, $0x1;
	[dreg:$0x2] =	wrdreg s2  }
0xa9: {  	[dreg:$0x3] =	wrdreg s4  }
0xaa: {  	[dreg:$0x4] =	wrdreg $0xC0  }
0xab: {  	_ =	task [dreg:s6], $0x5FFFF  }
0xac: {  	[dreg:$0x1] =	wrdreg $0xFFFFFFFF  }
0xad: {  	[dreg:$0x0] =	wrdreg $0x60  }
0xae: {  	[dreg:$0x2] =	wrdreg s24  }
0xaf: {  	[dreg:$0x3] =	wrdreg $0x150000  }
0xb0: {  	[dreg:$0x4] =	wrdreg $0x9  }
0xb1: {  	_ =	task.clear_ibuf [dreg:s6], $0x5FFFF;
	_ =	strace $0x9000004C  }
0xb2: {  	s29 =	simm.s32 $0x9;
	_ =	strace $0x8000004E  }
0xb3: {  	_ =	swait.ge [sflag:s29], $0x1  }
0xb4: {  	[sflag:s29] =	ssyncadd.s32 $0xFFFFFFFF  }
0xb5: {  	_ =	strace $0x9000004E  }
0xb6: {  	_ =	sfence  }
0xb7: {  	s30 =	sld [smem:$0x0];
	_ =	sdelay $0x2  }
0xb8: {  	s31 =	sshll.u32 s1, $0xD;
	s1 =	sshrl.u32 s1, $0x2  }
0xb9: {  	s3 =	sand.u32 $0x4000, s31;
	s1 =	sadd.s32 s1, s30  }
0xba: {  	s0 =	sor.u32 s3, s0;
	s1 =	sshll.u32 s1, $0x11  }
0xbb: {  	s0 =	sor.u32 s1, s0  }
0xbc: {  	s0 =	sadd.s32 $0x8F2B, s0  }
0xbd: {  	[sflag:s0] =	ssyncadd.remote.s32 $0x1  }
0xbe: {  	_ =	sfence.sel $0xFFFF  }
0xbf: {  	[dreg:$0x0] =	wrdreg $0xFFFFFFFF;
	(pc) =	sbr.abs _section_cstart, $3  }
0xc0: {  	[dreg:$0x1] =	wrdreg $0xFFFFFFFF  }
0xc1: {  	_ =	task.clear_ibuf [dreg:s6], $0x2FFFF;
	_ =	strace $0x9FFFFFFF  }
0xc2: {  	(tm) =	ssettm $0x7FFFFFFF  }
0xc3: {  	_ =	shalt  }
tec
execute0_lowered:
.L_overlay_start_1:
0x0: {  	(tag) =	ssettag $0x1  }
0x1: {  	s5 =	rddreg [dreg:$0x0]  }
0x2: {  	s2 =	rddreg [dreg:$0x1]  }
0x3: {  	s0 =	rddreg [dreg:$0x2]  }
0x4: {  	s1 =	stileid.u32;
	s4 =	srdreg.scid  }
0x5: {  	s3 =	simm.s32 $0x0;
	s14 =	simm.s32 $0x50;
	s15 =	simm.s32 $0x10000  }
0x6: {  	s16 =	simm.s32 $0x1;
	s17 =	simm.s32 $0x12800;
	s18 =	simm.s32 $0x7C80  }
0x7: {  	s20 =	simm.s32 $0xFC80;
	s21 =	simm.s32 $0x0;
	s6 =	smul.u32 $0xA000, s1  }
0x8: {  	s9 =	sand.u32 $0x1, s4;
	[smem:$0x7FF] =	sst s3;
	s7 =	sshll.u32 s1, $0xC  }
0x9: {  	s4 =	sadd.s32 $0x34800, s5;
	s28 =	smul.u32 $0x28000, s1;
	s31 =	sshll.u32 s1, $0x6  }
0xa: {  	s8 =	smul.u32 $0xA0000, s9;
	_ =	strace $0x8000004D;
	s10 =	sadd.s32 s7, s5  }
0xb: {  	s11 =	ssub.s32 $0x2, s9;
	s19 =	smul.u32 $0x1388, s9;
	s26 =	sshrl.u32 s6, $0x3  }
0xc: {  	s29 =	sshrl.u32 s11, $0x1;
	s30 =	sshrl.u32 s28, $0x2;
	s6 =	sadd.s32 s6, s8  }
0xd: {  	s7 =	sadd.s32 s26, s5;
	s11 =	ssub.s32 s11, s29;
	s13 =	sadd.s32 s30, s2  }
0xe: {  	s8 =	sadd.s32 $0x14800, s10;
	v0 =	vmov s19;
	s19 =	simm.s32 $0xFC00;
	s6 =	sshrl.u32 s6, $0x3  }
0xf: {  	s12 =	sadd.s32 s6, s5;
	s5 =	sadd.s32 $0x5BA00, s7;
	s6 =	sor.u32 $0x1C02, s31  }
0x10: {  	s7 =	sadd.s32 $0x24800, s10;
	s10 =	smax.u32 s11, $0x1;
	s11 =	sshrl.u32 s13, $0x3  }
0x11: {  	s13 =	simm.s32 $0x8000;
	s9 =	sadd.s32 $0x6FA00, s12;
	s12 =	simm.s32 $0x2  }
.LBB2_1:
0x12: {  	[spmem:s11], [sflag:s6] =	dma.local [hbm:s5], $0x1400  }
0x13: {  	_ =	swait.ge [sflag:s12], $0x1400  }
0x14: {  	[sflag:s12] =	ssyncset.done $0x0  }
0x15: {  	[sflag:s12] =	ssyncadd.s32 $0xFFFFEC00  }
0x16: {  	[tilespmem:s3], [sflag:$0x2] =	stream.linear.gather [hbm4b:s7+s3], $0x7D00, $0x38;
	[tilespmem:$0x1F000] =	vst v63  }
0x17: {  	_ =	swait.ge [sflag:s12], $0x7D00  }
0x18: {  	[sflag:s12] =	ssyncset.done $0x0  }
0x19: {  	[sflag:s12] =	ssyncadd.s32 $0xFFFF8300  }
0x1a: {  	[tilespmem:s13], [sflag:$0x2] =	stream.linear.gather [hbm4b:s8+s3], $0x7D00, $0x38;
	[tilespmem:$0x1F000] =	vst v63  }
0x1b: {  	_ =	swait.ge [sflag:s12], $0x7D00  }
0x1c: {  	[sflag:s12] =	ssyncset.done $0x0  }
0x1d: {  	s23 =	simm.s32 $0x0;
	[sflag:s12] =	ssyncadd.s32 $0xFFFF8300  }
0x1e: {  	v1 =	vld [tilespmem:s23+$0x8030]  }
0x1f: {  	v3 =	vld [tilespmem:s23+$0x8020]  }
0x20: {  	v2 =	vld [tilespmem:s23+$0x8000];
	_ =	sdelay $0x2  }
0x21: {  	v5 =	vld [tilespmem:s23+$0x8010];
	v4 =	vsub.s32 v1, v0;
	v1 =	vand.u32 $0x3F, v1  }
0x22: {  	v7 =	vand.u32 $0x3F, v3;
	vm0 =	vlt.u32 v4, $0x1388;
	v1 =	vadd.s32 $0x1388, v1  }
0x23: {  	v1 =	vsel vm0, v4, v1;
	v4 =	vsub.s32 v2, v0;
	v2 =	vand.u32 $0x3F, v2  }
0x24: {  	s22 =	simm.s32 $0x80;
	v6 =	vld [tilespmem:s23+$0x8040];
	[tilespmem:s23+$0x8030] =	vst v1;
	vm13 =	vlt.u32 v4, $0x1388;
	v1 =	vadd.s32 $0x1388, v2;
	v2 =	vsub.s32 v3, v0  }
0x25: {  	v3 =	vld [tilespmem:s22+$0x8030];
	v1 =	vsel vm13, v4, v1;
	vm14 =	vlt.u32 v2, $0x1388;
	v4 =	vadd.s32 $0x1388, v7  }
0x26: {  	v7 =	vsub.s32 v5, v0;
	[tilespmem:s23+$0x8000] =	vst v1;
	v1 =	vand.u32 $0x3F, v5;
	v4 =	vsel vm14, v2, v4  }
0x27: {  	vm15 =	vlt.u32 v7, $0x1388;
	v2 =	vld [tilespmem:s22+$0x8000];
	v5 =	vadd.s32 $0x1388, v1;
	[tilespmem:s23+$0x8020] =	vst v4  }
0x28: {  	v1 =	vld [tilespmem:s22+$0x8020];
	v4 =	vsel vm15, v7, v5  }
0x29: {  	s24 =	simm.s32 $0x400;
	v5 =	vand.u32 $0x3F, v6;
	[tilespmem:s23+$0x8010] =	vst v4;
	v4 =	vsub.s32 v6, v0  }
.LBB2_2:
0x2a: {  	s25 =	sshra.s32 s24, $0x2;
	p0 =	sne.s32 s24, $0x1F200;
	s24 =	sadd.s32 $0x200, s24;
	v6 =	vsub.s32 v3, v0;
	v3 =	vand.u32 $0x3F, v3;
	v5 =	vadd.s32 $0x1388, v5  }
0x2b: {  	vm1 =	vlt.u32 v4, $0x1388;
	v7 =	vld [tilespmem:s22+$0x8010];
	vm0 =	vlt.u32 v6, $0x1388;
	v3 =	vadd.s32 $0x1388, v3  }
0x2c: {  	v4 =	vsel vm1, v4, v5;
	v8 =	vsub.s32 v2, v0;
	v3 =	vsel vm0, v6, v3  }
0x2d: {  	v2 =	vand.u32 $0x3F, v2;
	vm0 =	vlt.u32 v8, $0x1388;
	v5 =	vsub.s32 v1, v0;
	[tilespmem:s23+$0x8040] =	vst v4;
	s23 =	smov.u32 s22;
	s22 =	smov.u32 s25  }
0x2e: {  	v2 =	vadd.s32 $0x1388, v2;
	v1 =	vand.u32 $0x3F, v1;
	vm1 =	vlt.u32 v5, $0x1388;
	[tilespmem:s23+$0x8030] =	vst v3;
	v6 =	vld [tilespmem:s23+$0x8040]  }
.Ltmp0:
0x2f: {  	v2 =	vsel vm0, v8, v2;
	v1 =	vadd.s32 $0x1388, v1;
	v3 =	vld [tilespmem:s22+$0x8030];
	(pc) =	sbr.rel @p0 .LBB2_2-.Ltmp0, $4  }
0x30: {  	v1 =	vsel vm1, v5, v1;
	[tilespmem:s23+$0x8000] =	vst v2;
	v4 =	vsub.s32 v7, v0;
	v7 =	vand.u32 $0x3F, v7  }
0x31: {  	v2 =	vld [tilespmem:s22+$0x8000];
	vm0 =	vlt.u32 v4, $0x1388;
	v5 =	vadd.s32 $0x1388, v7;
	[tilespmem:s23+$0x8020] =	vst v1  }
0x32: {  	v1 =	vld [tilespmem:s22+$0x8020];
	v4 =	vsel vm0, v4, v5  }
0x33: {  	[tilespmem:s23+$0x8010] =	vst v4;
	v4 =	vsub.s32 v6, v0;
	v5 =	vand.u32 $0x3F, v6  }
0x34: {  	v6 =	vsub.s32 v3, v0  }
0x35: {  	v3 =	vand.u32 $0x3F, v3;
	v5 =	vadd.s32 $0x1388, v5;
	vm0 =	vlt.u32 v4, $0x1388  }
0x36: {  	v7 =	vld [tilespmem:s22+$0x8010];
	vm1 =	vlt.u32 v6, $0x1388;
	v3 =	vadd.s32 $0x1388, v3;
	v4 =	vsel vm0, v4, v5  }
0x37: {  	v3 =	vsel vm1, v6, v3;
	[tilespmem:s23+$0x8040] =	vst v4  }
0x38: {  	[tilespmem:s22+$0x8030] =	vst v3;
	v3 =	vsub.s32 v2, v0;
	v4 =	vld [tilespmem:s22+$0x8040]  }
0x39: {  	v2 =	vand.u32 $0x3F, v2;
	v61 =	vsub.s32 v1, v0;
	v1 =	vand.u32 $0x3F, v1  }
0x3a: {  	vm12 =	vlt.u32 v3, $0x1388;
	v2 =	vadd.s32 $0x1388, v2;
	vm13 =	vlt.u32 v61, $0x1388  }
0x3b: {  	v1 =	vadd.s32 $0x1388, v1;
	v2 =	vsel vm12, v3, v2;
	v3 =	vsub.s32 v7, v0  }
0x3c: {  	v62 =	vand.u32 $0x3F, v7;
	v1 =	vsel vm13, v61, v1;
	vm14 =	vlt.u32 v3, $0x1388  }
0x3d: {  	[tilespmem:s22+$0x8000] =	vst v2;
	v2 =	vadd.s32 $0x1388, v62;
	v63 =	vsub.s32 v4, v0;
	v4 =	vand.u32 $0x3F, v4  }
0x3e: {  	[tilespmem:s22+$0x8020] =	vst v1;
	v1 =	vsel vm14, v3, v2;
	v2 =	vadd.s32 $0x1388, v4;
	vm15 =	vlt.u32 v63, $0x1388  }
0x3f: {  	[tilespmem:s22+$0x8010] =	vst v1;
	v1 =	vsel vm15, v63, v2  }
0x40: {  	[tilespmem:s22+$0x8040] =	vst v1  }
0x41: {  	s26 =	simm.s32 $0x0;
	[bflag:$0x0] =	sbarrier.arrive $0xFFFF  }
0x42: {  	[tilespmem:s15], [sflag:$0x1] =	stream.indirect.gather [hbm4b:s4+s14], $0x80, s26, s14, $0xb8;
	[tilespmem:$0x1F000] =	vst v63  }
0x43: {  	_ =	swait.ge [sflag:s16], $0x2800  }
0x44: {  	[sflag:s16] =	ssyncset.done $0x0  }
0x45: {  	s28 =	simm.s32 $0x80;
	[sflag:s16] =	ssyncadd.s32 $0xFFFFD800  }
0x46: {  	[tilespmem:s17], [sflag:$0x1] =	stream.indirect.gather [hbm4b:s4+s14], $0x80, s28, s14, $0xb8;
	[tilespmem:$0x1F000] =	vst v63  }
0x47: {  	s29 =	simm.s32 $0x8000  }
0x48: {  	[spmem:s2] =	stream.indirect.scatter.add.f32 [tilespmem:s15], [sflag:$0x2], $0x80, s29, s14, $0xb8;
	[tilespmem:$0x1F000] =	vst v63  }
0x49: {  	_ =	swait.ge [sflag:s12], $0x2800  }
0x4a: {  	[sflag:s12] =	ssyncset.done $0x0  }
0x4b: {  	[sflag:s12] =	ssyncadd.s32 $0xFFFFD800  }
0x4c: {  	_ =	swait.ge [sflag:s16], $0x2800  }
0x4d: {  	[sflag:s16] =	ssyncset.done $0x0  }
0x4e: {  	s30 =	simm.s32 $0x100;
	[sflag:s16] =	ssyncadd.s32 $0xFFFFD800  }
0x4f: {  	[tilespmem:s15], [sflag:$0x1] =	stream.indirect.gather [hbm4b:s4+s14], $0x80, s30, s14, $0xb8;
	[tilespmem:$0x1F000] =	vst v63  }
0x50: {  	s31 =	simm.s32 $0x8080  }
0x51: {  	[spmem:s2] =	stream.indirect.scatter.add.f32 [tilespmem:s17], [sflag:$0x2], $0x80, s31, s14, $0xb8;
	[tilespmem:$0x1F000] =	vst v63  }
0x52: {  	_ =	swait.ge [sflag:s12], $0x2800  }
0x53: {  	s22 =	simm.s32 $0x400;
	[sflag:s12] =	ssyncset.done $0x0  }
.LBB2_4:
0x54: {  	p0 =	sne.s32 s22, $0x1EC00  }
0x55: {  	[sflag:s12] =	ssyncadd.s32 $0xFFFFD800;
	s23 =	smov.u32 s22;
	s22 =	sadd.s32 $0x400, s22  }
0x56: {  	_ = 	snop  }
0x57: {  	_ =	swait.ge [sflag:s16], $0x2800  }
0x58: {  	s23 =	sshra.s32 s23, $0x2;
	[sflag:s16] =	ssyncset.done $0x0  }
0x59: {  	s24 =	sadd.s32 $0x80, s23;
	[sflag:s16] =	ssyncadd.s32 $0xFFFFD800  }
0x5a: {  	[tilespmem:s17], [sflag:$0x1] =	stream.indirect.gather [hbm4b:s4+s14], $0x80, s24, s14, $0xb8;
	[tilespmem:$0x1F000] =	vst v63  }
0x5b: {  	s24 =	sadd.s32 $0x8000, s23  }
0x5c: {  	[spmem:s2] =	stream.indirect.scatter.add.f32 [tilespmem:s15], [sflag:$0x2], $0x80, s24, s14, $0xb8;
	[tilespmem:$0x1F000] =	vst v63  }
0x5d: {  	_ =	swait.ge [sflag:s12], $0x2800  }
0x5e: {  	[sflag:s12] =	ssyncset.done $0x0  }
0x5f: {  	[sflag:s12] =	ssyncadd.s32 $0xFFFFD800  }
0x60: {  	_ =	swait.ge [sflag:s16], $0x2800  }
0x61: {  	[sflag:s16] =	ssyncset.done $0x0  }
0x62: {  	s24 =	sadd.s32 $0x100, s23;
	[sflag:s16] =	ssyncadd.s32 $0xFFFFD800  }
0x63: {  	[tilespmem:s15], [sflag:$0x1] =	stream.indirect.gather [hbm4b:s4+s14], $0x80, s24, s14, $0xb8;
	[tilespmem:$0x1F000] =	vst v63  }
.Ltmp1:
0x64: {  	_ = 	snop;
	(pc) =	sbr.rel @p0 .LBB2_4-.Ltmp1, $4  }
0x65: {  	s23 =	sadd.s32 $0x8080, s23  }
0x66: {  	[spmem:s2] =	stream.indirect.scatter.add.f32 [tilespmem:s17], [sflag:$0x2], $0x80, s23, s14, $0xb8;
	[tilespmem:$0x1F000] =	vst v63  }
0x67: {  	_ =	swait.ge [sflag:s12], $0x2800  }
0x68: {  	[sflag:s12] =	ssyncset.done $0x0  }
0x69: {  	[sflag:s12] =	ssyncadd.s32 $0xFFFFD800  }
0x6a: {  	_ =	swait.ge [sflag:s16], $0x2800  }
0x6b: {  	[sflag:s16] =	ssyncset.done $0x0  }
0x6c: {  	[sflag:s16] =	ssyncadd.s32 $0xFFFFD800  }
0x6d: {  	[tilespmem:s17], [sflag:$0x1] =	stream.indirect.gather [hbm4b:s4+s14], $0x80, s18, s14, $0xb8;
	[tilespmem:$0x1F000] =	vst v63  }
0x6e: {  	_ = 	snop  }
0x6f: {  	[spmem:s2] =	stream.indirect.scatter.add.f32 [tilespmem:s15], [sflag:$0x2], $0x80, s19, s14, $0xb8;
	[tilespmem:$0x1F000] =	vst v63  }
0x70: {  	_ =	swait.ge [sflag:s12], $0x2800  }
0x71: {  	[sflag:s12] =	ssyncset.done $0x0  }
0x72: {  	[sflag:s12] =	ssyncadd.s32 $0xFFFFD800  }
0x73: {  	_ =	swait.ge [sflag:s16], $0x2800  }
0x74: {  	[sflag:s16] =	ssyncset.done $0x0  }
0x75: {  	[sflag:s16] =	ssyncadd.s32 $0xFFFFD800  }
0x76: {  	[spmem:s2] =	stream.indirect.scatter.add.f32 [tilespmem:s17], [sflag:$0x2], $0x80, s20, s14, $0xb8;
	[tilespmem:$0x1F000] =	vst v63  }
0x77: {  	_ =	swait.ge [sflag:s12], $0x2800  }
0x78: {  	s21 =	sadd.s32 $0x1, s21;
	[sflag:s12] =	ssyncset.done $0x0  }
0x79: {  	p0 =	sne.s32 s21, s10;
	[sflag:s12] =	ssyncadd.s32 $0xFFFFD800  }
.Ltmp2:
0x7a: {  	[bflag:$0x0] =	sbarrier.arrive $0xFFFF;
	(pc) =	sbr.rel @p0 .LBB2_1-.Ltmp2, $4  }
0x7b: {  	[hbm:s9], [sflag:s6] =	dma.local [spmem:s11], $0x1400  }
0x7c: {  	_ =	swait.ge [sflag:s12], $0x1400  }
0x7d: {  	[sflag:s12] =	ssyncset.done $0x0  }
0x7e: {  	[sflag:s12] =	ssyncadd.s32 $0xFFFFEC00  }
0x7f: {  	_ =	sfence.sel $0x180000  }
0x80: {  	[bflag:$0x0] =	sbarrier.arrive $0xFFFF  }
0x81: {  	p0 =	sne.s32 s1, $0x0;
	_ =	strace $0x9000004D  }
0x82: {  	s0 =	sadd.s32 @!p0 $0x100000, s0;
	[bflag:$0x2] =	sbarrier.arrive $0xFFFF  }
0x83: {  	[sflag:s0] =	ssyncadd.tile.s32 @!p0 $0x1;
	_ =	shalt  }
.Lfunc_end2:
_tile_overlayer_lowered:
.L_overlay_start_2:
0x84: {  	(tag) =	ssettag $0x2  }
0x85: {  	s0 =	rddreg [dreg:$0x0];
	s2 =	stileid.u32  }
0x86: {  	s1 =	rddreg [dreg:$0x1];
	p0 =	sne.s32 s2, $0x0  }
0x87: {  	s3 =	rddreg [dreg:$0x2];
	[bflag:$0x3] =	sbarrier.arrive $0xFFFF;
	s2 =	simm.s32 @!p0 $0x1C02  }
0x88: {  	[timem:s3], [sflag:s2] =	dma.local @!p0 [hbm:s0], s1  }
0x89: {  	s0 =	simm.s32 @!p0 $0x2  }
0x8a: {  	_ =	swait.ge @!p0 [sflag:s0], s1  }
0x8b: {  	s1 =	ssub.s32 @!p0 $0x0, s1;
	[sflag:s0] =	ssyncset.done @!p0 $0x0  }
0x8c: {  	[sflag:s0] =	ssyncadd.s32 @!p0 s1  }
0x8d: {  	[bflag:$0x3] =	sbarrier.arrive $0xFFFF  }
0x8e: {  	_ =	shalt  }

// kernel: kernel.22.cloned.1.call-start
scs
__scs_entry_jumppad:
0x0: {  	(pc) =	sbr.rel $0x88, $3  }
0x1: {  	(tag) =	ssettag $0x0;
	lr =	simm.s32 $0x1  }
0x2: {  	[smem:$0x3F95] =	sst lr;
	_ =	strace $0xD0000000  }
0x3: {  	_ = 	snop  }
0x4: {  	_ = 	snop  }
0x5: {  	_ = 	snop  }
0x6: {  	_ = 	snop  }
0x7: {  	_ = 	snop  }
__scs_overlays_trampoline_lowered:
0x8: {  	[smem:$0x3FA4] =	sst s0  }
0x9: {  	[smem:$0x3FA5] =	sst s1  }
0xa: {  	[smem:$0x3FA6] =	sst s2  }
0xb: {  	[smem:$0x3FA7] =	sst s3  }
0xc: {  	[smem:$0x3FA8] =	sst s4  }
0xd: {  	[smem:$0x3FA9] =	sst s5  }
0xe: {  	[smem:$0x3FAA] =	sst s6  }
0xf: {  	[smem:$0x3FAB] =	sst s7  }
0x10: {  	[smem:$0x3FAC] =	sst s8  }
0x11: {  	[smem:$0x3FAD] =	sst s9;
	s0 =	simm.s32 @!p0 $0x0  }
0x12: {  	s1 =	sld [smem:$0x3F93];
	s0 =	simm.s32 @p0 $0x1  }
0x13: {  	[smem:$0x3FAE] =	sst s0;
	s0 =	simm.s32 @!p1 $0x0  }
0x14: {  	s2 =	sld [smem:$0x3F92];
	s0 =	simm.s32 @p1 $0x1  }
0x15: {  	[smem:$0x3FAF] =	sst s0;
	s0 =	simm.s32 @!p2 $0x0  }
0x16: {  	s3 =	sld [smem:$0x3FDB];
	s0 =	simm.s32 @p2 $0x1  }
0x17: {  	s4 =	simm.s32 $0x1BF5;
	[smem:$0x3FB1] =	sst s0  }
0x18: {  	s0 =	sld [smem:$0x3F94];
	_ =	swait.ge [sflag:s4], $0x0  }
0x19: {  	s7 =	sld [smem:$0x3F95]  }
0x1a: {  	s8 =	sadd.s32 $0xFFFFE003, lr  }
0x1b: {  	s9 =	sadd.s32 $0xFFFFFEF7, lr;
	s5 =	simm.s32 $0xFFFFFFFF;
	p2 =	slt.u32 s8, $0xFFFFF086  }
0x1c: {  	p1 =	slt.u32 s9, $0xF7A;
	s5 =	simm.s32 @!p2 $0x0  }
0x1d: {  	s5 =	simm.s32 @p1 $0x1;
	p0 =	seq.s32 s7, s2  }
0x1e: {  	s7 =	smul.u32 @!p0 $0xF7A, s2;
	p2 =	seq.s32 @!p0 s5, $0x0  }
0x1f: {  	s9 =	smul.u32 $0xF7A, s1;
	s8 =	simm.s32 @!p0 $0x1BF5;
	p2 =	por !p2, p0  }
0x20: {  	[sflag:s8] =	ssyncset.s32 @!p0 $0xFFFFF086;
	s6 =	sadd.s32 @!p0 s3, s7;
	s7 =	simm.s32 @!p0 $0x108  }
0x21: {  	s3 =	sadd.s32 s3, s9;
	s6 =	sadd.s32 @!p0 $0x88, s6;
	s7 =	simm.s32 @p2 $0x1082  }
0x22: {  	[simem:s7], [sflag:s8] =	dma.local @!p0 [hbm:s6], $0xF7A  }
0x23: {  	s9 =	sor.u32 $0xD0000000, s2;
	s6 =	simm.s32 $0x108;
	_ =	swait.ge @!p0 [sflag:s8], $0x0  }
0x24: {  	s3 =	sadd.s32 $0x88, s3;
	s6 =	simm.s32 @!p1 $0x1082;
	[sflag:s4] =	ssyncset.s32 $0xFFFFF086  }
0x25: {  	[simem:s6], [sflag:s4] =	dma.local [hbm:s3], $0xF7A  }
0x26: {  	[smem:$0x3F95] =	sst s1;
	(tag) =	ssettag s2;
	_ =	strace s9  }
0x27: {  	s1 =	sld [smem:$0x3FA5]  }
0x28: {  	s2 =	sld [smem:$0x3FA6]  }
0x29: {  	s4 =	sld [smem:$0x3FA8]  }
0x2a: {  	p0 =	seq.s32 s5, $0x0;
	s5 =	sld [smem:$0x3FA9]  }
0x2b: {  	s6 =	sld [smem:$0x3FAA]  }
0x2c: {  	s7 =	sld [smem:$0x3FAB]  }
0x2d: {  	s3 =	simm.s32 $0x108;
	s8 =	sld [smem:$0x3FAC]  }
0x2e: {  	s3 =	simm.s32 @!p0 $0x1082;
	s9 =	sld [smem:$0x3FAD]  }
0x2f: {  	lr =	sadd.s32 s0, s3;
	s0 =	sld [smem:$0x3FA4]  }
0x30: {  	s3 =	sld [smem:$0x3FA7]  }
0x31: {  	[smem:$0x3FB0] =	sst s10  }
0x32: {  	s10 =	sld [smem:$0x3FAE];
	_ =	sdelay $0x3  }
0x33: {  	p0 =	seq.s32 s10, $0x1;
	s10 =	sld [smem:$0x3FB0];
	_ =	sdelay $0x3  }
0x34: {  	[smem:$0x3FB0] =	sst s10  }
0x35: {  	s10 =	sld [smem:$0x3FAF];
	_ =	sdelay $0x3  }
0x36: {  	p1 =	seq.s32 s10, $0x1;
	s10 =	sld [smem:$0x3FB0];
	_ =	sdelay $0x3  }
0x37: {  	[smem:$0x3FB0] =	sst s10  }
0x38: {  	s10 =	sld [smem:$0x3FB1]  }
0x39: {  	_ = 	snop;
	(pc) =	sbr.ind lr, $3  }
0x3a: {  	_ = 	snop  }
0x3b: {  	_ = 	snop  }
0x3c: {  	p2 =	seq.s32 s10, $0x1;
	s10 =	sld [smem:$0x3FB0]  }
0x3d: {  	_ =	shalt  }
0x3e: {  	_ =	shalt  }
0x3f: {  	_ =	shalt  }
0x40: {  	_ =	shalt  }
0x41: {  	_ =	shalt  }
0x42: {  	_ =	shalt  }
0x43: {  	_ =	shalt  }
0x44: {  	_ =	shalt  }
0x45: {  	_ =	shalt  }
0x46: {  	_ =	shalt  }
0x47: {  	_ =	shalt  }
0x48: {  	_ =	shalt  }
0x49: {  	_ =	shalt  }
0x4a: {  	_ =	shalt  }
0x4b: {  	_ =	shalt  }
0x4c: {  	_ =	shalt  }
0x4d: {  	_ =	shalt  }
0x4e: {  	_ =	shalt  }
0x4f: {  	_ =	shalt  }
0x50: {  	_ =	shalt  }
0x51: {  	_ =	shalt  }
0x52: {  	_ =	shalt  }
0x53: {  	_ =	shalt  }
0x54: {  	_ =	shalt  }
0x55: {  	_ =	shalt  }
0x56: {  	_ =	shalt  }
0x57: {  	_ =	shalt  }
0x58: {  	_ =	shalt  }
0x59: {  	_ =	shalt  }
0x5a: {  	_ =	shalt  }
0x5b: {  	_ =	shalt  }
0x5c: {  	_ =	shalt  }
0x5d: {  	_ =	shalt  }
0x5e: {  	_ =	shalt  }
0x5f: {  	_ =	shalt  }
0x60: {  	_ =	shalt  }
0x61: {  	_ =	shalt  }
0x62: {  	_ =	shalt  }
0x63: {  	_ =	shalt  }
0x64: {  	_ =	shalt  }
0x65: {  	_ =	shalt  }
0x66: {  	_ =	shalt  }
0x67: {  	_ =	shalt  }
0x68: {  	_ =	shalt  }
0x69: {  	_ =	shalt  }
0x6a: {  	_ =	shalt  }
0x6b: {  	_ =	shalt  }
0x6c: {  	_ =	shalt  }
0x6d: {  	_ =	shalt  }
0x6e: {  	_ =	shalt  }
0x6f: {  	_ =	shalt  }
0x70: {  	_ =	shalt  }
0x71: {  	_ =	shalt  }
0x72: {  	_ =	shalt  }
0x73: {  	_ =	shalt  }
0x74: {  	_ =	shalt  }
0x75: {  	_ =	shalt  }
0x76: {  	_ =	shalt  }
0x77: {  	_ =	shalt  }
0x78: {  	_ =	shalt  }
0x79: {  	_ =	shalt  }
0x7a: {  	_ =	shalt  }
0x7b: {  	_ =	shalt  }
0x7c: {  	_ =	shalt  }
0x7d: {  	_ =	shalt  }
0x7e: {  	_ =	shalt  }
0x7f: {  	_ =	shalt  }
0x80: {  	_ =	shalt  }
0x81: {  	_ =	shalt  }
0x82: {  	_ =	shalt  }
0x83: {  	_ =	shalt  }
0x84: {  	_ =	shalt  }
0x85: {  	_ =	shalt  }
0x86: {  	_ =	shalt  }
0x87: {  	_ =	shalt  }
.Lfunc_end0:
.L_simem_size_0:
called_computation.3_lowered:
.L_overlay_start_0:
0x88: {  	s2 =	sld [smem:$0x3FD9]  }
0x89: {  	s3 =	sld [smem:$0x3FFE];
	_ =	sdelay $0x1  }
0x8a: {  	s1 =	srdreg.scid  }
0x8b: {  	s0 =	sand.u32 $0x1, s1  }
0x8c: {  	s16 =	sshll.u32 s0, $0xA;
	s2 =	sadd.s32 s3, s2  }
0x8d: {  	s2 =	sadd.s32 s2, s16  }
0x8e: {  	[smem:$0x3FBC] =	sst s2  }
0x8f: {  	_ = 	snop  }
0x90: {  	(tm) =	ssettm $0x1  }
0x91: {  	s17 =	sld [smem:$0x3FFB];
	_ =	sdelay $0x3  }
0x92: {  	_ =	strace s17  }
0x93: {  	s2 =	sld [smem:$0x3FFC];
	_ =	sdelay $0x3  }
0x94: {  	_ =	strace s2  }
0x95: {  	s2 =	sld [smem:$0x3FFD];
	_ =	sdelay $0x3  }
0x96: {  	_ =	strace s2  }
0x97: {  	_ =	strace $0x8FFFFFFF  }
0x98: {  	s18 =	sld [smem:$0x3FDB];
	_ =	sdelay $0x1  }
0x99: {  	s19 =	simm.s32 $_scs_section_size  }
0x9a: {  	s4 =	simm.s32 $_size__tile_overlayer_lowered;
	s5 =	simm.s32 $_tile_overlayer_lowered  }
0x9b: {  	s22 =	simm.s32 $0x1BFF;
	s21 =	sshll.u32 s5, $0x1;
	s2 =	sadd.s32 s19, s18  }
0x9c: {  	s6 =	simm.s32 $0x0;
	s20 =	sshll.u32 s4, $0x1;
	s4 =	sadd.s32 s21, s2  }
0x9d: {  	[timem:s6], [sflag:s22] =	dma.local [hbm:s4], s20  }
0x9e: {  	_ =	swait.ge [sflag:s22], s20  }
0x9f: {  	s3 =	ssub.s32 $0x0, s20;
	[sflag:s22] =	ssyncset.done $0x0  }
0xa0: {  	[sflag:s22] =	ssyncadd.s32 s3;
	_ =	sdelay $0x1  }
0xa1: {  	s23 =	simm.s32 $0x1B8B  }
0xa2: {  	_ =	swait.ge [sflag:s23], $0x1  }
0xa3: {  	[sflag:s23] =	ssyncset.done $0x0  }
0xa4: {  	s25 =	simm.s32 $0x1B8E;
	s24 =	sld [smem:$0x3FFE];
	[sflag:s23] =	ssyncadd.s32 $0xFFFFFFFF  }
0xa5: {  	s26 =	simm.s32 $execute0_lowered;
	[smem:$0x3FD2] =	sst s25  }
0xa6: {  	s4 =	sshll.u32 s26, $0x1;
	_ =	strace $0x8000004F;
	[dreg:$0x1] =	wrdreg $0xFFFFFFFF  }
0xa7: {  	s28 =	simm.s32 $_size_execute0_lowered;
	s2 =	sadd.s32 s2, s4;
	[dreg:$0x0] =	wrdreg $0x0  }
0xa8: {  	s4 =	sshll.u32 s28, $0x1;
	[dreg:$0x2] =	wrdreg s2  }
0xa9: {  	[dreg:$0x3] =	wrdreg s4  }
0xaa: {  	[dreg:$0x4] =	wrdreg $0xC0  }
0xab: {  	_ =	task [dreg:s6], $0x5FFFF  }
0xac: {  	[dreg:$0x1] =	wrdreg $0xFFFFFFFF  }
0xad: {  	[dreg:$0x0] =	wrdreg $0x60  }
0xae: {  	[dreg:$0x2] =	wrdreg s24  }
0xaf: {  	[dreg:$0x3] =	wrdreg $0x150000  }
0xb0: {  	[dreg:$0x4] =	wrdreg $0x9  }
0xb1: {  	_ =	task.clear_ibuf [dreg:s6], $0x5FFFF;
	_ =	strace $0x9000004F  }
0xb2: {  	s29 =	simm.s32 $0x9;
	_ =	strace $0x80000051  }
0xb3: {  	_ =	swait.ge [sflag:s29], $0x1  }
0xb4: {  	[sflag:s29] =	ssyncadd.s32 $0xFFFFFFFF  }
0xb5: {  	_ =	strace $0x90000051  }
0xb6: {  	_ =	sfence  }
0xb7: {  	s30 =	sld [smem:$0x0];
	_ =	sdelay $0x2  }
0xb8: {  	s31 =	sshll.u32 s1, $0xD;
	s1 =	sshrl.u32 s1, $0x2  }
0xb9: {  	s3 =	sand.u32 $0x4000, s31;
	s1 =	sadd.s32 s1, s30  }
0xba: {  	s0 =	sor.u32 s3, s0;
	s1 =	sshll.u32 s1, $0x11  }
0xbb: {  	s0 =	sor.u32 s1, s0  }
0xbc: {  	s0 =	sadd.s32 $0x8F2B, s0  }
0xbd: {  	[sflag:s0] =	ssyncadd.remote.s32 $0x1  }
0xbe: {  	_ =	sfence.sel $0xFFFF  }
0xbf: {  	[dreg:$0x0] =	wrdreg $0xFFFFFFFF;
	(pc) =	sbr.abs _section_cstart, $3  }
0xc0: {  	[dreg:$0x1] =	wrdreg $0xFFFFFFFF  }
0xc1: {  	_ =	task.clear_ibuf [dreg:s6], $0x2FFFF;
	_ =	strace $0x9FFFFFFF  }
0xc2: {  	(tm) =	ssettm $0x7FFFFFFF  }
0xc3: {  	_ =	shalt  }
tec
execute0_lowered:
.L_overlay_start_1:
0x0: {  	(tag) =	ssettag $0x1  }
0x1: {  	s5 =	rddreg [dreg:$0x0]  }
0x2: {  	s2 =	rddreg [dreg:$0x1]  }
0x3: {  	s0 =	rddreg [dreg:$0x2]  }
0x4: {  	s1 =	stileid.u32;
	s4 =	srdreg.scid  }
0x5: {  	s3 =	simm.s32 $0x0;
	s14 =	simm.s32 $0x50;
	s15 =	simm.s32 $0x10000  }
0x6: {  	s16 =	simm.s32 $0x1;
	s17 =	simm.s32 $0x12800;
	s18 =	simm.s32 $0x7C80  }
0x7: {  	s20 =	simm.s32 $0xFC80;
	s21 =	simm.s32 $0x0;
	s6 =	smul.u32 $0xA000, s1  }
0x8: {  	s9 =	sand.u32 $0x1, s4;
	[smem:$0x7FF] =	sst s3;
	s7 =	sshll.u32 s1, $0xC  }
0x9: {  	s4 =	sadd.s32 $0x34800, s5;
	s28 =	smul.u32 $0x28000, s1;
	s31 =	sshll.u32 s1, $0x6  }
0xa: {  	s8 =	smul.u32 $0xA0000, s9;
	_ =	strace $0x80000050;
	s10 =	sadd.s32 s7, s5  }
0xb: {  	s11 =	ssub.s32 $0x2, s9;
	s19 =	smul.u32 $0x1388, s9;
	s26 =	sshrl.u32 s6, $0x3  }
0xc: {  	s29 =	sshrl.u32 s11, $0x1;
	s30 =	sshrl.u32 s28, $0x2;
	s6 =	sadd.s32 s6, s8  }
0xd: {  	s7 =	sadd.s32 s26, s5;
	s11 =	ssub.s32 s11, s29;
	s13 =	sadd.s32 s30, s2  }
0xe: {  	s8 =	sadd.s32 $0x14800, s10;
	v0 =	vmov s19;
	s19 =	simm.s32 $0xFC00;
	s6 =	sshrl.u32 s6, $0x3  }
0xf: {  	s12 =	sadd.s32 s6, s5;
	s5 =	sadd.s32 $0x5BA00, s7;
	s6 =	sor.u32 $0x1C02, s31  }
0x10: {  	s7 =	sadd.s32 $0x24800, s10;
	s10 =	smax.u32 s11, $0x1;
	s11 =	sshrl.u32 s13, $0x3  }
0x11: {  	s13 =	simm.s32 $0x8000;
	s9 =	sadd.s32 $0x6FA00, s12;
	s12 =	simm.s32 $0x2  }
.LBB2_1:
0x12: {  	[spmem:s11], [sflag:s6] =	dma.local [hbm:s5], $0x1400  }
0x13: {  	_ =	swait.ge [sflag:s12], $0x1400  }
0x14: {  	[sflag:s12] =	ssyncset.done $0x0  }
0x15: {  	[sflag:s12] =	ssyncadd.s32 $0xFFFFEC00  }
0x16: {  	[tilespmem:s3], [sflag:$0x2] =	stream.linear.gather [hbm4b:s7+s3], $0x7D00, $0x38;
	[tilespmem:$0x1F000] =	vst v63  }
0x17: {  	_ =	swait.ge [sflag:s12], $0x7D00  }
0x18: {  	[sflag:s12] =	ssyncset.done $0x0  }
0x19: {  	[sflag:s12] =	ssyncadd.s32 $0xFFFF8300  }
0x1a: {  	[tilespmem:s13], [sflag:$0x2] =	stream.linear.gather [hbm4b:s8+s3], $0x7D00, $0x38;
	[tilespmem:$0x1F000] =	vst v63  }
0x1b: {  	_ =	swait.ge [sflag:s12], $0x7D00  }
0x1c: {  	[sflag:s12] =	ssyncset.done $0x0  }
0x1d: {  	s23 =	simm.s32 $0x0;
	[sflag:s12] =	ssyncadd.s32 $0xFFFF8300  }
0x1e: {  	v1 =	vld [tilespmem:s23+$0x8030]  }
0x1f: {  	v3 =	vld [tilespmem:s23+$0x8020]  }
0x20: {  	v2 =	vld [tilespmem:s23+$0x8000];
	_ =	sdelay $0x2  }
0x21: {  	v5 =	vld [tilespmem:s23+$0x8010];
	v4 =	vsub.s32 v1, v0;
	v1 =	vand.u32 $0x3F, v1  }
0x22: {  	v7 =	vand.u32 $0x3F, v3;
	vm0 =	vlt.u32 v4, $0x1388;
	v1 =	vadd.s32 $0x1388, v1  }
0x23: {  	v1 =	vsel vm0, v4, v1;
	v4 =	vsub.s32 v2, v0;
	v2 =	vand.u32 $0x3F, v2  }
0x24: {  	s22 =	simm.s32 $0x80;
	v6 =	vld [tilespmem:s23+$0x8040];
	[tilespmem:s23+$0x8030] =	vst v1;
	vm13 =	vlt.u32 v4, $0x1388;
	v1 =	vadd.s32 $0x1388, v2;
	v2 =	vsub.s32 v3, v0  }
0x25: {  	v3 =	vld [tilespmem:s22+$0x8030];
	v1 =	vsel vm13, v4, v1;
	vm14 =	vlt.u32 v2, $0x1388;
	v4 =	vadd.s32 $0x1388, v7  }
0x26: {  	v7 =	vsub.s32 v5, v0;
	[tilespmem:s23+$0x8000] =	vst v1;
	v1 =	vand.u32 $0x3F, v5;
	v4 =	vsel vm14, v2, v4  }
0x27: {  	vm15 =	vlt.u32 v7, $0x1388;
	v2 =	vld [tilespmem:s22+$0x8000];
	v5 =	vadd.s32 $0x1388, v1;
	[tilespmem:s23+$0x8020] =	vst v4  }
0x28: {  	v1 =	vld [tilespmem:s22+$0x8020];
	v4 =	vsel vm15, v7, v5  }
0x29: {  	s24 =	simm.s32 $0x400;
	v5 =	vand.u32 $0x3F, v6;
	[tilespmem:s23+$0x8010] =	vst v4;
	v4 =	vsub.s32 v6, v0  }
.LBB2_2:
0x2a: {  	s25 =	sshra.s32 s24, $0x2;
	p0 =	sne.s32 s24, $0x1F200;
	s24 =	sadd.s32 $0x200, s24;
	v6 =	vsub.s32 v3, v0;
	v3 =	vand.u32 $0x3F, v3;
	v5 =	vadd.s32 $0x1388, v5  }
0x2b: {  	vm1 =	vlt.u32 v4, $0x1388;
	v7 =	vld [tilespmem:s22+$0x8010];
	vm0 =	vlt.u32 v6, $0x1388;
	v3 =	vadd.s32 $0x1388, v3  }
0x2c: {  	v4 =	vsel vm1, v4, v5;
	v8 =	vsub.s32 v2, v0;
	v3 =	vsel vm0, v6, v3  }
0x2d: {  	v2 =	vand.u32 $0x3F, v2;
	vm0 =	vlt.u32 v8, $0x1388;
	v5 =	vsub.s32 v1, v0;
	[tilespmem:s23+$0x8040] =	vst v4;
	s23 =	smov.u32 s22;
	s22 =	smov.u32 s25  }
0x2e: {  	v2 =	vadd.s32 $0x1388, v2;
	v1 =	vand.u32 $0x3F, v1;
	vm1 =	vlt.u32 v5, $0x1388;
	[tilespmem:s23+$0x8030] =	vst v3;
	v6 =	vld [tilespmem:s23+$0x8040]  }
.Ltmp0:
0x2f: {  	v2 =	vsel vm0, v8, v2;
	v1 =	vadd.s32 $0x1388, v1;
	v3 =	vld [tilespmem:s22+$0x8030];
	(pc) =	sbr.rel @p0 .LBB2_2-.Ltmp0, $4  }
0x30: {  	v1 =	vsel vm1, v5, v1;
	[tilespmem:s23+$0x8000] =	vst v2;
	v4 =	vsub.s32 v7, v0;
	v7 =	vand.u32 $0x3F, v7  }
0x31: {  	v2 =	vld [tilespmem:s22+$0x8000];
	vm0 =	vlt.u32 v4, $0x1388;
	v5 =	vadd.s32 $0x1388, v7;
	[tilespmem:s23+$0x8020] =	vst v1  }
0x32: {  	v1 =	vld [tilespmem:s22+$0x8020];
	v4 =	vsel vm0, v4, v5  }
0x33: {  	[tilespmem:s23+$0x8010] =	vst v4;
	v4 =	vsub.s32 v6, v0;
	v5 =	vand.u32 $0x3F, v6  }
0x34: {  	v6 =	vsub.s32 v3, v0  }
0x35: {  	v3 =	vand.u32 $0x3F, v3;
	v5 =	vadd.s32 $0x1388, v5;
	vm0 =	vlt.u32 v4, $0x1388  }
0x36: {  	v7 =	vld [tilespmem:s22+$0x8010];
	vm1 =	vlt.u32 v6, $0x1388;
	v3 =	vadd.s32 $0x1388, v3;
	v4 =	vsel vm0, v4, v5  }
0x37: {  	v3 =	vsel vm1, v6, v3;
	[tilespmem:s23+$0x8040] =	vst v4  }
0x38: {  	[tilespmem:s22+$0x8030] =	vst v3;
	v3 =	vsub.s32 v2, v0;
	v4 =	vld [tilespmem:s22+$0x8040]  }
0x39: {  	v2 =	vand.u32 $0x3F, v2;
	v61 =	vsub.s32 v1, v0;
	v1 =	vand.u32 $0x3F, v1  }
0x3a: {  	vm12 =	vlt.u32 v3, $0x1388;
	v2 =	vadd.s32 $0x1388, v2;
	vm13 =	vlt.u32 v61, $0x1388  }
0x3b: {  	v1 =	vadd.s32 $0x1388, v1;
	v2 =	vsel vm12, v3, v2;
	v3 =	vsub.s32 v7, v0  }
0x3c: {  	v62 =	vand.u32 $0x3F, v7;
	v1 =	vsel vm13, v61, v1;
	vm14 =	vlt.u32 v3, $0x1388  }
0x3d: {  	[tilespmem:s22+$0x8000] =	vst v2;
	v2 =	vadd.s32 $0x1388, v62;
	v63 =	vsub.s32 v4, v0;
	v4 =	vand.u32 $0x3F, v4  }
0x3e: {  	[tilespmem:s22+$0x8020] =	vst v1;
	v1 =	vsel vm14, v3, v2;
	v2 =	vadd.s32 $0x1388, v4;
	vm15 =	vlt.u32 v63, $0x1388  }
0x3f: {  	[tilespmem:s22+$0x8010] =	vst v1;
	v1 =	vsel vm15, v63, v2  }
0x40: {  	[tilespmem:s22+$0x8040] =	vst v1  }
0x41: {  	s26 =	simm.s32 $0x0;
	[bflag:$0x0] =	sbarrier.arrive $0xFFFF  }
0x42: {  	[tilespmem:s15], [sflag:$0x1] =	stream.indirect.gather [hbm4b:s4+s14], $0x80, s26, s14, $0xb8;
	[tilespmem:$0x1F000] =	vst v63  }
0x43: {  	_ =	swait.ge [sflag:s16], $0x2800  }
0x44: {  	[sflag:s16] =	ssyncset.done $0x0  }
0x45: {  	s28 =	simm.s32 $0x80;
	[sflag:s16] =	ssyncadd.s32 $0xFFFFD800  }
0x46: {  	[tilespmem:s17], [sflag:$0x1] =	stream.indirect.gather [hbm4b:s4+s14], $0x80, s28, s14, $0xb8;
	[tilespmem:$0x1F000] =	vst v63  }
0x47: {  	s29 =	simm.s32 $0x8000  }
0x48: {  	[spmem:s2] =	stream.indirect.scatter.add.f32 [tilespmem:s15], [sflag:$0x2], $0x80, s29, s14, $0xb8;
	[tilespmem:$0x1F000] =	vst v63  }
0x49: {  	_ =	swait.ge [sflag:s12], $0x2800  }
0x4a: {  	[sflag:s12] =	ssyncset.done $0x0  }
0x4b: {  	[sflag:s12] =	ssyncadd.s32 $0xFFFFD800  }
0x4c: {  	_ =	swait.ge [sflag:s16], $0x2800  }
0x4d: {  	[sflag:s16] =	ssyncset.done $0x0  }
0x4e: {  	s30 =	simm.s32 $0x100;
	[sflag:s16] =	ssyncadd.s32 $0xFFFFD800  }
0x4f: {  	[tilespmem:s15], [sflag:$0x1] =	stream.indirect.gather [hbm4b:s4+s14], $0x80, s30, s14, $0xb8;
	[tilespmem:$0x1F000] =	vst v63  }
0x50: {  	s31 =	simm.s32 $0x8080  }
0x51: {  	[spmem:s2] =	stream.indirect.scatter.add.f32 [tilespmem:s17], [sflag:$0x2], $0x80, s31, s14, $0xb8;
	[tilespmem:$0x1F000] =	vst v63  }
0x52: {  	_ =	swait.ge [sflag:s12], $0x2800  }
0x53: {  	s22 =	simm.s32 $0x400;
	[sflag:s12] =	ssyncset.done $0x0  }
.LBB2_4:
0x54: {  	p0 =	sne.s32 s22, $0x1EC00  }
0x55: {  	[sflag:s12] =	ssyncadd.s32 $0xFFFFD800;
	s23 =	smov.u32 s22;
	s22 =	sadd.s32 $0x400, s22  }
0x56: {  	_ = 	snop  }
0x57: {  	_ =	swait.ge [sflag:s16], $0x2800  }
0x58: {  	s23 =	sshra.s32 s23, $0x2;
	[sflag:s16] =	ssyncset.done $0x0  }
0x59: {  	s24 =	sadd.s32 $0x80, s23;
	[sflag:s16] =	ssyncadd.s32 $0xFFFFD800  }
0x5a: {  	[tilespmem:s17], [sflag:$0x1] =	stream.indirect.gather [hbm4b:s4+s14], $0x80, s24, s14, $0xb8;
	[tilespmem:$0x1F000] =	vst v63  }
0x5b: {  	s24 =	sadd.s32 $0x8000, s23  }
0x5c: {  	[spmem:s2] =	stream.indirect.scatter.add.f32 [tilespmem:s15], [sflag:$0x2], $0x80, s24, s14, $0xb8;
	[tilespmem:$0x1F000] =	vst v63  }
0x5d: {  	_ =	swait.ge [sflag:s12], $0x2800  }
0x5e: {  	[sflag:s12] =	ssyncset.done $0x0  }
0x5f: {  	[sflag:s12] =	ssyncadd.s32 $0xFFFFD800  }
0x60: {  	_ =	swait.ge [sflag:s16], $0x2800  }
0x61: {  	[sflag:s16] =	ssyncset.done $0x0  }
0x62: {  	s24 =	sadd.s32 $0x100, s23;
	[sflag:s16] =	ssyncadd.s32 $0xFFFFD800  }
0x63: {  	[tilespmem:s15], [sflag:$0x1] =	stream.indirect.gather [hbm4b:s4+s14], $0x80, s24, s14, $0xb8;
	[tilespmem:$0x1F000] =	vst v63  }
.Ltmp1:
0x64: {  	_ = 	snop;
	(pc) =	sbr.rel @p0 .LBB2_4-.Ltmp1, $4  }
0x65: {  	s23 =	sadd.s32 $0x8080, s23  }
0x66: {  	[spmem:s2] =	stream.indirect.scatter.add.f32 [tilespmem:s17], [sflag:$0x2], $0x80, s23, s14, $0xb8;
	[tilespmem:$0x1F000] =	vst v63  }
0x67: {  	_ =	swait.ge [sflag:s12], $0x2800  }
0x68: {  	[sflag:s12] =	ssyncset.done $0x0  }
0x69: {  	[sflag:s12] =	ssyncadd.s32 $0xFFFFD800  }
0x6a: {  	_ =	swait.ge [sflag:s16], $0x2800  }
0x6b: {  	[sflag:s16] =	ssyncset.done $0x0  }
0x6c: {  	[sflag:s16] =	ssyncadd.s32 $0xFFFFD800  }
0x6d: {  	[tilespmem:s17], [sflag:$0x1] =	stream.indirect.gather [hbm4b:s4+s14], $0x80, s18, s14, $0xb8;
	[tilespmem:$0x1F000] =	vst v63  }
0x6e: {  	_ = 	snop  }
0x6f: {  	[spmem:s2] =	stream.indirect.scatter.add.f32 [tilespmem:s15], [sflag:$0x2], $0x80, s19, s14, $0xb8;
	[tilespmem:$0x1F000] =	vst v63  }
0x70: {  	_ =	swait.ge [sflag:s12], $0x2800  }
0x71: {  	[sflag:s12] =	ssyncset.done $0x0  }
0x72: {  	[sflag:s12] =	ssyncadd.s32 $0xFFFFD800  }
0x73: {  	_ =	swait.ge [sflag:s16], $0x2800  }
0x74: {  	[sflag:s16] =	ssyncset.done $0x0  }
0x75: {  	[sflag:s16] =	ssyncadd.s32 $0xFFFFD800  }
0x76: {  	[spmem:s2] =	stream.indirect.scatter.add.f32 [tilespmem:s17], [sflag:$0x2], $0x80, s20, s14, $0xb8;
	[tilespmem:$0x1F000] =	vst v63  }
0x77: {  	_ =	swait.ge [sflag:s12], $0x2800  }
0x78: {  	s21 =	sadd.s32 $0x1, s21;
	[sflag:s12] =	ssyncset.done $0x0  }
0x79: {  	p0 =	sne.s32 s21, s10;
	[sflag:s12] =	ssyncadd.s32 $0xFFFFD800  }
.Ltmp2:
0x7a: {  	[bflag:$0x0] =	sbarrier.arrive $0xFFFF;
	(pc) =	sbr.rel @p0 .LBB2_1-.Ltmp2, $4  }
0x7b: {  	[hbm:s9], [sflag:s6] =	dma.local [spmem:s11], $0x1400  }
0x7c: {  	_ =	swait.ge [sflag:s12], $0x1400  }
0x7d: {  	[sflag:s12] =	ssyncset.done $0x0  }
0x7e: {  	[sflag:s12] =	ssyncadd.s32 $0xFFFFEC00  }
0x7f: {  	_ =	sfence.sel $0x180000  }
0x80: {  	[bflag:$0x0] =	sbarrier.arrive $0xFFFF  }
0x81: {  	p0 =	sne.s32 s1, $0x0;
	_ =	strace $0x90000050  }
0x82: {  	s0 =	sadd.s32 @!p0 $0x100000, s0;
	[bflag:$0x2] =	sbarrier.arrive $0xFFFF  }
0x83: {  	[sflag:s0] =	ssyncadd.tile.s32 @!p0 $0x1;
	_ =	shalt  }
.Lfunc_end2:
_tile_overlayer_lowered:
.L_overlay_start_2:
0x84: {  	(tag) =	ssettag $0x2  }
0x85: {  	s0 =	rddreg [dreg:$0x0];
	s2 =	stileid.u32  }
0x86: {  	s1 =	rddreg [dreg:$0x1];
	p0 =	sne.s32 s2, $0x0  }
0x87: {  	s3 =	rddreg [dreg:$0x2];
	[bflag:$0x3] =	sbarrier.arrive $0xFFFF;
	s2 =	simm.s32 @!p0 $0x1C02  }
0x88: {  	[timem:s3], [sflag:s2] =	dma.local @!p0 [hbm:s0], s1  }
0x89: {  	s0 =	simm.s32 @!p0 $0x2  }
0x8a: {  	_ =	swait.ge @!p0 [sflag:s0], s1  }
0x8b: {  	s1 =	ssub.s32 @!p0 $0x0, s1;
	[sflag:s0] =	ssyncset.done @!p0 $0x0  }
0x8c: {  	[sflag:s0] =	ssyncadd.s32 @!p0 s1  }
0x8d: {  	[bflag:$0x3] =	sbarrier.arrive $0xFFFF  }
0x8e: {  	_ =	shalt  }

</sc_bundles>
